<compile_context>
chip_gen: v7x
topology: tpu7x:2x2x1
jax: 0.10.2.dev20260603
libtpu: 0.0.44.dev20260713+nightly
codegen_flags: <defaults>
</compile_context>

<pallas_src>
import jax
import jax.numpy as jnp
from jax import lax
from jax.experimental import pallas as pl
from jax.experimental.pallas import tpu as pltpu
from jax.experimental.pallas import tpu_sc as plsc

N_VOCAB = 1000000
K = 16
BATCH = 16384
FIELDS = 26

NC = 2
NS = 16
NW = NC * NS
SAMPLES_PER_W = BATCH // NW
CHUNK = 128
N_CHUNKS = SAMPLES_PER_W // CHUNK

TCOLS = 512
N_TCHUNKS = N_VOCAB // TCOLS
TAIL = N_VOCAB - N_TCHUNKS * TCOLS


def _transpose_body(embt_hbm, tail_hbm, out_hbm,
                    in0, in1, ou0, ou1, is0, is1, os0, os1):
    wid = lax.axis_index("s") * NC + lax.axis_index("c")
    iota16k = lax.iota(jnp.int32, 16) * K
    ins, outs, iss, oss = (in0, in1), (ou0, ou1), (is0, is1), (os0, os1)

    n_mine = (N_TCHUNKS - wid + NW - 1) // NW

    def col_off(j):
        return pl.multiple_of((wid + j * NW) * TCOLS, TCOLS)

    for b in range(2):
        pltpu.async_copy(embt_hbm.at[:, pl.ds(col_off(b), TCOLS)],
                         ins[b], iss[b])

    def half_body(i, _):
        for b in range(2):
            j = 2 * i + b

            @pl.when(j < n_mine)
            def _(b=b, j=j):
                co = col_off(j)
                pltpu.make_async_copy(
                    embt_hbm.at[:, pl.ds(co, TCOLS)], ins[b], iss[b]).wait()

                @pl.when(j >= 2)
                def _():
                    pltpu.make_async_copy(
                        outs[b], out_hbm.at[pl.ds(0, TCOLS * K)],
                        oss[b]).wait()

                def grp(g, _):
                    c = g * 16
                    cbase = c * K
                    for k in range(K):
                        vec = ins[b][k, pl.ds(c, 16)]
                        plsc.store_scatter(outs[b], [iota16k + (cbase + k)],
                                           vec)
                    return 0

                lax.fori_loop(0, TCOLS // 16, grp, 0)
                pltpu.async_copy(
                    outs[b], out_hbm.at[pl.ds(co * K, TCOLS * K)], oss[b])

                @pl.when(j + 2 < n_mine)
                def _():
                    co2 = col_off(j + 2)
                    pltpu.async_copy(embt_hbm.at[:, pl.ds(co2, TCOLS)],
                                     ins[b], iss[b])
        return 0

    lax.fori_loop(0, (N_TCHUNKS // NW + 2) // 2, half_body, 0)

    for b in range(2):
        pltpu.make_async_copy(
            outs[b], out_hbm.at[pl.ds(0, TCOLS * K)], oss[b]).wait()

    @pl.when(wid == NW - 1)
    def _():
        pltpu.sync_copy(tail_hbm, out_hbm.at[pl.ds(N_TCHUNKS * TCOLS * K,
                                                   TAIL * K)])


def _fm_body(x_hbm, emb_hbm, bias_hbm, w0_hbm, out_hbm,
             idx0, idx1, emb0, emb1, bia0, bia1, ou0, ou1, w0_v,
             es0, es1, bs0, bs1, os0, os1):
    wid = lax.axis_index("s") * NC + lax.axis_index("c")

    pltpu.sync_copy(w0_hbm, w0_v)
    w0vec = w0_v[...]

    idxs, embs, bias_b = (idx0, idx1), (emb0, emb1), (bia0, bia1)
    outs, ess, bss, oss = (ou0, ou1), (es0, es1), (bs0, bs1), (os0, os1)

    iota26 = lax.iota(jnp.int32, 16) * FIELDS
    zerof = jnp.zeros((16,), jnp.float32)
    CF = CHUNK * FIELDS

    def fire(c, b):
        off = (wid * N_CHUNKS + c) * CF
        pltpu.sync_copy(x_hbm.at[pl.ds(off, CF)], idxs[b])
        pltpu.async_copy(emb_hbm.at[idxs[b]], embs[b], ess[b])
        pltpu.async_copy(bias_hbm.at[idxs[b]], bias_b[b], bss[b])

    fire(0, 0)
    for c in range(N_CHUNKS):
        b = c % 2
        if c + 1 < N_CHUNKS:
            fire(c + 1, 1 - b)
        pltpu.make_async_copy(emb_hbm.at[idxs[b]], embs[b], ess[b]).wait()
        pltpu.make_async_copy(bias_hbm.at[idxs[b]], bias_b[b], bss[b]).wait()
        if c >= 2:
            pltpu.make_async_copy(
                outs[b], out_hbm.at[pl.ds(0, CHUNK)], oss[b]).wait()

        def group_body(g, _, b=b):
            rbase = iota26 + g * (16 * FIELDS)
            rows = [rbase + f for f in range(FIELDS)]

            def k_body(k, acc):
                cols = jnp.full((16,), k, jnp.int32)
                s = [zerof, zerof, zerof, zerof]
                q = [zerof, zerof, zerof, zerof]
                for f in range(FIELDS):
                    v = plsc.load_gather(embs[b], [rows[f], cols])
                    s[f % 4] = s[f % 4] + v
                    q[f % 4] = q[f % 4] + v * v
                st = (s[0] + s[1]) + (s[2] + s[3])
                qt = (q[0] + q[1]) + (q[2] + q[3])
                return acc + (st * st - qt)

            pair = lax.fori_loop(0, K, k_body, zerof)
            ba = [zerof, zerof]
            for f in range(FIELDS):
                ba[f % 2] = ba[f % 2] + plsc.load_gather(bias_b[b], [rows[f]])
            t = w0vec + (ba[0] + ba[1]) + 0.5 * pair
            outs[b][pl.ds(g * 16, 16)] = 5.5 / (1.0 + jnp.exp(-t))
            return 0

        lax.fori_loop(0, CHUNK // 16, group_body, 0)

        out_off = wid * SAMPLES_PER_W + c * CHUNK
        pltpu.async_copy(outs[b], out_hbm.at[pl.ds(out_off, CHUNK)], oss[b])

    for b in range(2):
        pltpu.make_async_copy(
            outs[b], out_hbm.at[pl.ds(0, CHUNK)], oss[b]).wait()


def _sc_mesh():
    return plsc.VectorSubcoreMesh(core_axis_name="c", subcore_axis_name="s")


@jax.jit
def _fm_call(X, emb, bias, w0):
    xflat = X.reshape(BATCH * FIELDS)
    w0b = jnp.broadcast_to(w0, (16,))
    tail = emb[N_TCHUNKS * TCOLS:, :].reshape(TAIL * K)

    table = pl.kernel(
        _transpose_body,
        out_type=jax.ShapeDtypeStruct((N_VOCAB * K,), jnp.float32),
        mesh=_sc_mesh(),
        scratch_types=[
            pltpu.VMEM((16, TCOLS), jnp.float32),
            pltpu.VMEM((16, TCOLS), jnp.float32),
            pltpu.VMEM((TCOLS * K,), jnp.float32),
            pltpu.VMEM((TCOLS * K,), jnp.float32),
            pltpu.SemaphoreType.DMA,
            pltpu.SemaphoreType.DMA,
            pltpu.SemaphoreType.DMA,
            pltpu.SemaphoreType.DMA,
        ],
        compiler_params=pltpu.CompilerParams(
            needs_layout_passes=False, use_tc_tiling_on_sc=True),
    )(emb.T, tail)

    return pl.kernel(
        _fm_body,
        out_type=jax.ShapeDtypeStruct((BATCH,), jnp.float32),
        mesh=_sc_mesh(),
        scratch_types=[
            pltpu.VMEM((CHUNK * FIELDS,), jnp.int32),
            pltpu.VMEM((CHUNK * FIELDS,), jnp.int32),
            pltpu.VMEM((CHUNK * FIELDS, K), jnp.float32),
            pltpu.VMEM((CHUNK * FIELDS, K), jnp.float32),
            pltpu.VMEM((CHUNK * FIELDS,), jnp.float32),
            pltpu.VMEM((CHUNK * FIELDS,), jnp.float32),
            pltpu.VMEM((CHUNK,), jnp.float32),
            pltpu.VMEM((CHUNK,), jnp.float32),
            pltpu.VMEM((16,), jnp.float32),
            pltpu.SemaphoreType.DMA,
            pltpu.SemaphoreType.DMA,
            pltpu.SemaphoreType.DMA,
            pltpu.SemaphoreType.DMA,
            pltpu.SemaphoreType.DMA,
            pltpu.SemaphoreType.DMA,
        ],
        compiler_params=pltpu.CompilerParams(
            needs_layout_passes=False, use_tc_tiling_on_sc=False),
    )(xflat, table.reshape(N_VOCAB, K), bias.T.reshape(N_VOCAB), w0b)


def kernel(X, embeddings, bias, w0):
    return _fm_call(X.astype(jnp.int32), embeddings,
                    bias.astype(jnp.float32), w0.astype(jnp.float32))

# --- scband reference (transcript-rebuilt; emitter-appended) ---
"""Pipeline reference for scband-fmmodel-14886356648580 (READ-ONLY COPY).

The authoritative reference and input builder live on the scoring server;
editing this copy changes nothing except your own understanding.
"""

import jax, jax.numpy as jnp
import numpy as np

N_VOCAB = 1000000
K = 16
BATCH = 16384
FIELDS = 26

def _trunc_normal(key, shape, std=0.01):
    # mimic torch normal_().fmod_(2).mul_(std): wrap values into (-2, 2) then scale
    x = jax.random.normal(key, shape, dtype=jnp.float32)
    x = jnp.fmod(x, 2.0) * std
    return x

def setup_inputs(seed: int = 0) -> dict:
    key = jax.random.key(seed)
    k1, k2, k3 = jax.random.split(key, 3)
    X = jax.random.randint(k1, (BATCH, FIELDS), 0, N_VOCAB, dtype=jnp.int64)
    embeddings = _trunc_normal(k2, (N_VOCAB, K), std=0.01)
    bias = _trunc_normal(k3, (N_VOCAB, 1), std=0.01)
    w0 = jnp.zeros((1,), dtype=jnp.float32)
    return {"X": X, "embeddings": embeddings, "bias": bias, "w0": w0}

def reference(X, embeddings, bias, w0):
    emb = jnp.take(embeddings, X, axis=0)            # [B, F, K]
    pow_of_sum = jnp.sum(emb, axis=1) ** 2           # [B, K]
    sum_of_pow = jnp.sum(emb ** 2, axis=1)           # [B, K]
    pairwise = jnp.sum(pow_of_sum - sum_of_pow, axis=1) * 0.5  # [B]
    b = jnp.take(bias, X, axis=0)                    # [B, F, 1]
    b = jnp.sum(jnp.squeeze(b, axis=-1), axis=1)     # [B]
    out = jax.nn.sigmoid(w0 + b + pairwise) * 5.5    # [B]
    return out

if __name__ == "__main__":
    import jax
    _d = setup_inputs()
    print(jax.jit(kernel)(*tuple(_d.values())))

</pallas_src>

<mosaic_0001>
#map = affine_map<(d0, d1) -> (0)>
#map1 = affine_map<(d0, d1) -> (0, 0)>
module attributes {stable_mosaic.version = 14 : i64} {
  func.func @_fm_body(%arg0: i32, %arg1: i32, %arg2: memref<425984xi32, #tpu.memory_space<hbm>>, %arg3: memref<1000000x16xf32, #tpu.memory_space<hbm>>, %arg4: memref<1000000xf32, #tpu.memory_space<hbm>>, %arg5: memref<16xf32, #tpu.memory_space<hbm>>, %arg6: memref<16384xf32, #tpu.memory_space<hbm>>, %arg7: memref<3328xi32, #tpu.memory_space<vmem>>, %arg8: memref<3328xi32, #tpu.memory_space<vmem>>, %arg9: memref<3328x16xf32, #tpu.memory_space<vmem>>, %arg10: memref<3328x16xf32, #tpu.memory_space<vmem>>, %arg11: memref<3328xf32, #tpu.memory_space<vmem>>, %arg12: memref<3328xf32, #tpu.memory_space<vmem>>, %arg13: memref<128xf32, #tpu.memory_space<vmem>>, %arg14: memref<128xf32, #tpu.memory_space<vmem>>, %arg15: memref<16xf32, #tpu.memory_space<vmem>>, %arg16: memref<!tpu.dma_semaphore, #tpu.memory_space<semaphore_mem>>, %arg17: memref<!tpu.dma_semaphore, #tpu.memory_space<semaphore_mem>>, %arg18: memref<!tpu.dma_semaphore, #tpu.memory_space<semaphore_mem>>, %arg19: memref<!tpu.dma_semaphore, #tpu.memory_space<semaphore_mem>>, %arg20: memref<!tpu.dma_semaphore, #tpu.memory_space<semaphore_mem>>, %arg21: memref<!tpu.dma_semaphore, #tpu.memory_space<semaphore_mem>>) attributes {dimension_semantics = [#tpu.dimension_semantics<core_parallel>, #tpu.dimension_semantics<subcore_parallel>], iteration_bounds = array<i64: 2, 16>, scalar_prefetch = 0 : i64, scratch_operands = 15 : i64, tpu.core_type = #tpu.core_type<sc_vector_subcore>, window_params = [{transform_indices = #map}, {transform_indices = #map1}, {transform_indices = #map}, {transform_indices = #map}, {transform_indices = #map}]} {
    %mul3A = arith.constant 2 : i32
    %mul3A_0 = arith.muli %arg1, %mul3A : i32
    %add3A = arith.addi %mul3A_0, %arg0 : i32
    "tpu.region"() ({
      %run_scoped3A = tpu.sem_alloc : memref<!tpu.dma_semaphore, #tpu.memory_space<semaphore_mem>>
      tpu.enqueue_dma source(%arg5 : memref<16xf32, #tpu.memory_space<hbm>>) target(%arg15 : memref<16xf32, #tpu.memory_space<vmem>>) target_semaphore(%run_scoped3A : memref<!tpu.dma_semaphore, #tpu.memory_space<semaphore_mem>>)
      tpu.wait_dma2 semaphore(%run_scoped3A : memref<!tpu.dma_semaphore, #tpu.memory_space<semaphore_mem>>) src(%arg5 : memref<16xf32, #tpu.memory_space<hbm>>) dst(%arg15 : memref<16xf32, #tpu.memory_space<vmem>>)
      tpu.yield
    }) : () -> ()
    %get3A = arith.constant 0 : index
    %get3A_1 = tpu.vector_load %arg15[%get3A] {strides = array<i32>} : memref<16xf32, #tpu.memory_space<vmem>>, vector<16xf32>,
    %iota3A = tpu.iota {dimensions = array<i32: 0>} : vector<16xi32>
    %mul3A_2 = arith.constant 26 : i32
    %mul3A_3 = vector.broadcast %mul3A_2 : i32 to vector<16xi32>
    %mul3A_4 = arith.muli %iota3A, %mul3A_3 : vector<16xi32>
    %broadcast_in_dim3A = arith.constant 0.000000e+00 : f32
    %broadcast_in_dim3A_5 = vector.broadcast %broadcast_in_dim3A : f32 to vector<16xf32>
    %mul3A_6 = arith.constant 4 : i32
    %mul3A_7 = arith.muli %add3A, %mul3A_6 : i32
    %add3A_8 = arith.constant 0 : i32
    %add3A_9 = arith.addi %mul3A_7, %add3A_8 : i32
    %mul3A_10 = arith.constant 3328 : i32
    %mul3A_11 = arith.muli %add3A_9, %mul3A_10 : i32
    "tpu.region"() ({
      %run_scoped3A = tpu.sem_alloc : memref<!tpu.dma_semaphore, #tpu.memory_space<semaphore_mem>>
      %dma_start3A_135 = tpu.memref_slice %arg2[%mul3A_11] : memref<425984xi32, #tpu.memory_space<hbm>> -> memref<3328xi32, #tpu.memory_space<hbm>>
      %dma_start3A_136 = tpu.memref_slice %arg2[%mul3A_11] : memref<425984xi32, #tpu.memory_space<hbm>> -> memref<3328xi32, #tpu.memory_space<hbm>>
      tpu.enqueue_dma source(%dma_start3A_136 : memref<3328xi32, #tpu.memory_space<hbm>>) target(%arg7 : memref<3328xi32, #tpu.memory_space<vmem>>) target_semaphore(%run_scoped3A : memref<!tpu.dma_semaphore, #tpu.memory_space<semaphore_mem>>)
      %dma_wait3A_137 = tpu.memref_slice %arg2[%mul3A_11] : memref<425984xi32, #tpu.memory_space<hbm>> -> memref<3328xi32, #tpu.memory_space<hbm>>
      %dma_wait3A_138 = tpu.memref_slice %arg2[%mul3A_11] : memref<425984xi32, #tpu.memory_space<hbm>> -> memref<3328xi32, #tpu.memory_space<hbm>>
      tpu.wait_dma2 semaphore(%run_scoped3A : memref<!tpu.dma_semaphore, #tpu.memory_space<semaphore_mem>>) src(%dma_wait3A_138 : memref<3328xi32, #tpu.memory_space<hbm>>) dst(%arg7 : memref<3328xi32, #tpu.memory_space<vmem>>)
      tpu.yield
    }) : () -> ()
    %dma_start3A = arith.constant 0 : i32
    %dma_start3A_12 = arith.constant 0 : i32
    %dma_start3A_13 = tpu.memref_slice %arg3[%dma_start3A, %dma_start3A_12] : memref<1000000x16xf32, #tpu.memory_space<hbm>> -> memref<1000000x16xf32, #tpu.memory_space<hbm>>
    tpu.enqueue_indirect_dma source(%dma_start3A_13 : memref<1000000x16xf32, #tpu.memory_space<hbm>>) target(%arg9 : memref<3328x16xf32, #tpu.memory_space<vmem>>) offsets(%arg7 : memref<3328xi32, #tpu.memory_space<vmem>>) semaphore(%arg16 : memref<!tpu.dma_semaphore, #tpu.memory_space<semaphore_mem>>)
    %dma_start3A_14 = arith.constant 0 : i32
    %dma_start3A_15 = tpu.memref_slice %arg4[%dma_start3A_14] : memref<1000000xf32, #tpu.memory_space<hbm>> -> memref<1000000xf32, #tpu.memory_space<hbm>>
    tpu.enqueue_indirect_dma source(%dma_start3A_15 : memref<1000000xf32, #tpu.memory_space<hbm>>) target(%arg11 : memref<3328xf32, #tpu.memory_space<vmem>>) offsets(%arg7 : memref<3328xi32, #tpu.memory_space<vmem>>) semaphore(%arg18 : memref<!tpu.dma_semaphore, #tpu.memory_space<semaphore_mem>>)
    %mul3A_16 = arith.constant 4 : i32
    %mul3A_17 = arith.muli %add3A, %mul3A_16 : i32
    %add3A_18 = arith.constant 1 : i32
    %add3A_19 = arith.addi %mul3A_17, %add3A_18 : i32
    %mul3A_20 = arith.constant 3328 : i32
    %mul3A_21 = arith.muli %add3A_19, %mul3A_20 : i32
    "tpu.region"() ({
      %run_scoped3A = tpu.sem_alloc : memref<!tpu.dma_semaphore, #tpu.memory_space<semaphore_mem>>
      %dma_start3A_135 = tpu.memref_slice %arg2[%mul3A_21] : memref<425984xi32, #tpu.memory_space<hbm>> -> memref<3328xi32, #tpu.memory_space<hbm>>
      %dma_start3A_136 = tpu.memref_slice %arg2[%mul3A_21] : memref<425984xi32, #tpu.memory_space<hbm>> -> memref<3328xi32, #tpu.memory_space<hbm>>
      tpu.enqueue_dma source(%dma_start3A_136 : memref<3328xi32, #tpu.memory_space<hbm>>) target(%arg8 : memref<3328xi32, #tpu.memory_space<vmem>>) target_semaphore(%run_scoped3A : memref<!tpu.dma_semaphore, #tpu.memory_space<semaphore_mem>>)
      %dma_wait3A_137 = tpu.memref_slice %arg2[%mul3A_21] : memref<425984xi32, #tpu.memory_space<hbm>> -> memref<3328xi32, #tpu.memory_space<hbm>>
      %dma_wait3A_138 = tpu.memref_slice %arg2[%mul3A_21] : memref<425984xi32, #tpu.memory_space<hbm>> -> memref<3328xi32, #tpu.memory_space<hbm>>
      tpu.wait_dma2 semaphore(%run_scoped3A : memref<!tpu.dma_semaphore, #tpu.memory_space<semaphore_mem>>) src(%dma_wait3A_138 : memref<3328xi32, #tpu.memory_space<hbm>>) dst(%arg8 : memref<3328xi32, #tpu.memory_space<vmem>>)
      tpu.yield
    }) : () -> ()
    %dma_start3A_22 = arith.constant 0 : i32
    %dma_start3A_23 = arith.constant 0 : i32
    %dma_start3A_24 = tpu.memref_slice %arg3[%dma_start3A_22, %dma_start3A_23] : memref<1000000x16xf32, #tpu.memory_space<hbm>> -> memref<1000000x16xf32, #tpu.memory_space<hbm>>
    tpu.enqueue_indirect_dma source(%dma_start3A_24 : memref<1000000x16xf32, #tpu.memory_space<hbm>>) target(%arg10 : memref<3328x16xf32, #tpu.memory_space<vmem>>) offsets(%arg8 : memref<3328xi32, #tpu.memory_space<vmem>>) semaphore(%arg17 : memref<!tpu.dma_semaphore, #tpu.memory_space<semaphore_mem>>)
    %dma_start3A_25 = arith.constant 0 : i32
    %dma_start3A_26 = tpu.memref_slice %arg4[%dma_start3A_25] : memref<1000000xf32, #tpu.memory_space<hbm>> -> memref<1000000xf32, #tpu.memory_space<hbm>>
    tpu.enqueue_indirect_dma source(%dma_start3A_26 : memref<1000000xf32, #tpu.memory_space<hbm>>) target(%arg12 : memref<3328xf32, #tpu.memory_space<vmem>>) offsets(%arg8 : memref<3328xi32, #tpu.memory_space<vmem>>) semaphore(%arg19 : memref<!tpu.dma_semaphore, #tpu.memory_space<semaphore_mem>>)
    %dma_wait3A = arith.constant 0 : i32
    %dma_wait3A_27 = arith.constant 0 : i32
    %dma_wait3A_28 = tpu.memref_slice %arg3[%dma_wait3A, %dma_wait3A_27] : memref<1000000x16xf32, #tpu.memory_space<hbm>> -> memref<1000000x16xf32, #tpu.memory_space<hbm>>
    tpu.wait_indirect_dma semaphore(%arg16 : memref<!tpu.dma_semaphore, #tpu.memory_space<semaphore_mem>>) src(%dma_wait3A_28 : memref<1000000x16xf32, #tpu.memory_space<hbm>>) dst(%arg9 : memref<3328x16xf32, #tpu.memory_space<vmem>>)
    %dma_wait3A_29 = arith.constant 0 : i32
    %dma_wait3A_30 = tpu.memref_slice %arg4[%dma_wait3A_29] : memref<1000000xf32, #tpu.memory_space<hbm>> -> memref<1000000xf32, #tpu.memory_space<hbm>>
    tpu.wait_indirect_dma semaphore(%arg18 : memref<!tpu.dma_semaphore, #tpu.memory_space<semaphore_mem>>) src(%dma_wait3A_30 : memref<1000000xf32, #tpu.memory_space<hbm>>) dst(%arg11 : memref<3328xf32, #tpu.memory_space<vmem>>)
    %scan3A = arith.constant 0 : i32
    %scan3A_31 = arith.constant 0 : i32
    %scan3A_32 = arith.constant 8 : i32
    %scan3A_33 = arith.addi %scan3A_31, %scan3A_32 : i32
    %scan3A_34 = arith.constant 1 : i32
    %scan3A_35 = scf.for %scan3A_135 = %scan3A_31 to %scan3A_33 step %scan3A_34 iter_args(%scan3A_136 = %scan3A) -> (i32)  : i32 {
      %mul3A_137 = arith.constant 416 : i32
      %mul3A_138 = arith.muli %scan3A_135, %mul3A_137 : i32
      %add3A_139 = vector.broadcast %mul3A_138 : i32 to vector<16xi32>
      %add3A_140 = arith.addi %mul3A_4, %add3A_139 : vector<16xi32>
      %add3A_141 = arith.constant 0 : i32
      %add3A_142 = vector.broadcast %add3A_141 : i32 to vector<16xi32>
      %add3A_143 = arith.addi %add3A_140, %add3A_142 : vector<16xi32>
      %add3A_144 = arith.constant 1 : i32
      %add3A_145 = vector.broadcast %add3A_144 : i32 to vector<16xi32>
      %add3A_146 = arith.addi %add3A_140, %add3A_145 : vector<16xi32>
      %add3A_147 = arith.constant 2 : i32
      %add3A_148 = vector.broadcast %add3A_147 : i32 to vector<16xi32>
      %add3A_149 = arith.addi %add3A_140, %add3A_148 : vector<16xi32>
      %add3A_150 = arith.constant 3 : i32
      %add3A_151 = vector.broadcast %add3A_150 : i32 to vector<16xi32>
      %add3A_152 = arith.addi %add3A_140, %add3A_151 : vector<16xi32>
      %add3A_153 = arith.constant 4 : i32
      %add3A_154 = vector.broadcast %add3A_153 : i32 to vector<16xi32>
      %add3A_155 = arith.addi %add3A_140, %add3A_154 : vector<16xi32>
      %add3A_156 = arith.constant 5 : i32
      %add3A_157 = vector.broadcast %add3A_156 : i32 to vector<16xi32>
      %add3A_158 = arith.addi %add3A_140, %add3A_157 : vector<16xi32>
      %add3A_159 = arith.constant 6 : i32
      %add3A_160 = vector.broadcast %add3A_159 : i32 to vector<16xi32>
      %add3A_161 = arith.addi %add3A_140, %add3A_160 : vector<16xi32>
      %add3A_162 = arith.constant 7 : i32
      %add3A_163 = vector.broadcast %add3A_162 : i32 to vector<16xi32>
      %add3A_164 = arith.addi %add3A_140, %add3A_163 : vector<16xi32>
      %add3A_165 = arith.constant 8 : i32
      %add3A_166 = vector.broadcast %add3A_165 : i32 to vector<16xi32>
      %add3A_167 = arith.addi %add3A_140, %add3A_166 : vector<16xi32>
      %add3A_168 = arith.constant 9 : i32
      %add3A_169 = vector.broadcast %add3A_168 : i32 to vector<16xi32>
      %add3A_170 = arith.addi %add3A_140, %add3A_169 : vector<16xi32>
      %add3A_171 = arith.constant 10 : i32
      %add3A_172 = vector.broadcast %add3A_171 : i32 to vector<16xi32>
      %add3A_173 = arith.addi %add3A_140, %add3A_172 : vector<16xi32>
      %add3A_174 = arith.constant 11 : i32
      %add3A_175 = vector.broadcast %add3A_174 : i32 to vector<16xi32>
      %add3A_176 = arith.addi %add3A_140, %add3A_175 : vector<16xi32>
      %add3A_177 = arith.constant 12 : i32
      %add3A_178 = vector.broadcast %add3A_177 : i32 to vector<16xi32>
      %add3A_179 = arith.addi %add3A_140, %add3A_178 : vector<16xi32>
      %add3A_180 = arith.constant 13 : i32
      %add3A_181 = vector.broadcast %add3A_180 : i32 to vector<16xi32>
      %add3A_182 = arith.addi %add3A_140, %add3A_181 : vector<16xi32>
      %add3A_183 = arith.constant 14 : i32
      %add3A_184 = vector.broadcast %add3A_183 : i32 to vector<16xi32>
      %add3A_185 = arith.addi %add3A_140, %add3A_184 : vector<16xi32>
      %add3A_186 = arith.constant 15 : i32
      %add3A_187 = vector.broadcast %add3A_186 : i32 to vector<16xi32>
      %add3A_188 = arith.addi %add3A_140, %add3A_187 : vector<16xi32>
      %add3A_189 = arith.constant 16 : i32
      %add3A_190 = vector.broadcast %add3A_189 : i32 to vector<16xi32>
      %add3A_191 = arith.addi %add3A_140, %add3A_190 : vector<16xi32>
      %add3A_192 = arith.constant 17 : i32
      %add3A_193 = vector.broadcast %add3A_192 : i32 to vector<16xi32>
      %add3A_194 = arith.addi %add3A_140, %add3A_193 : vector<16xi32>
      %add3A_195 = arith.constant 18 : i32
      %add3A_196 = vector.broadcast %add3A_195 : i32 to vector<16xi32>
      %add3A_197 = arith.addi %add3A_140, %add3A_196 : vector<16xi32>
      %add3A_198 = arith.constant 19 : i32
      %add3A_199 = vector.broadcast %add3A_198 : i32 to vector<16xi32>
      %add3A_200 = arith.addi %add3A_140, %add3A_199 : vector<16xi32>
      %add3A_201 = arith.constant 20 : i32
      %add3A_202 = vector.broadcast %add3A_201 : i32 to vector<16xi32>
      %add3A_203 = arith.addi %add3A_140, %add3A_202 : vector<16xi32>
      %add3A_204 = arith.constant 21 : i32
      %add3A_205 = vector.broadcast %add3A_204 : i32 to vector<16xi32>
      %add3A_206 = arith.addi %add3A_140, %add3A_205 : vector<16xi32>
      %add3A_207 = arith.constant 22 : i32
      %add3A_208 = vector.broadcast %add3A_207 : i32 to vector<16xi32>
      %add3A_209 = arith.addi %add3A_140, %add3A_208 : vector<16xi32>
      %add3A_210 = arith.constant 23 : i32
      %add3A_211 = vector.broadcast %add3A_210 : i32 to vector<16xi32>
      %add3A_212 = arith.addi %add3A_140, %add3A_211 : vector<16xi32>
      %add3A_213 = arith.constant 24 : i32
      %add3A_214 = vector.broadcast %add3A_213 : i32 to vector<16xi32>
      %add3A_215 = arith.addi %add3A_140, %add3A_214 : vector<16xi32>
      %add3A_216 = arith.constant 25 : i32
      %add3A_217 = vector.broadcast %add3A_216 : i32 to vector<16xi32>
      %add3A_218 = arith.addi %add3A_140, %add3A_217 : vector<16xi32>
      %scan3A_219 = arith.constant 0 : i32
      %scan3A_220 = arith.constant 16 : i32
      %scan3A_221 = arith.addi %scan3A_219, %scan3A_220 : i32
      %scan3A_222 = arith.constant 1 : i32
      %scan3A_223 = scf.for %scan3A_293 = %scan3A_219 to %scan3A_221 step %scan3A_222 iter_args(%scan3A_294 = %broadcast_in_dim3A_5) -> (vector<16xf32>)  : i32 {
        %broadcast_in_dim3A_295 = vector.broadcast %scan3A_293 : i32 to vector<16xi32>
        %gather3A_296 = tpu.vector_load_idx %arg9[%add3A_143, %broadcast_in_dim3A_295] : memref<3328x16xf32, #tpu.memory_space<vmem>>[vector<16xi32>, vector<16xi32>], vector<16xf32>,
        %add3A_297 = arith.addf %broadcast_in_dim3A_5, %gather3A_296 : vector<16xf32>
        %mul3A_298 = arith.mulf %gather3A_296, %gather3A_296 : vector<16xf32>
        %add3A_299 = arith.addf %broadcast_in_dim3A_5, %mul3A_298 : vector<16xf32>
        %gather3A_300 = tpu.vector_load_idx %arg9[%add3A_146, %broadcast_in_dim3A_295] : memref<3328x16xf32, #tpu.memory_space<vmem>>[vector<16xi32>, vector<16xi32>], vector<16xf32>,
        %add3A_301 = arith.addf %broadcast_in_dim3A_5, %gather3A_300 : vector<16xf32>
        %mul3A_302 = arith.mulf %gather3A_300, %gather3A_300 : vector<16xf32>
        %add3A_303 = arith.addf %broadcast_in_dim3A_5, %mul3A_302 : vector<16xf32>
        %gather3A_304 = tpu.vector_load_idx %arg9[%add3A_149, %broadcast_in_dim3A_295] : memref<3328x16xf32, #tpu.memory_space<vmem>>[vector<16xi32>, vector<16xi32>], vector<16xf32>,
        %add3A_305 = arith.addf %broadcast_in_dim3A_5, %gather3A_304 : vector<16xf32>
        %mul3A_306 = arith.mulf %gather3A_304, %gather3A_304 : vector<16xf32>
        %add3A_307 = arith.addf %broadcast_in_dim3A_5, %mul3A_306 : vector<16xf32>
        %gather3A_308 = tpu.vector_load_idx %arg9[%add3A_152, %broadcast_in_dim3A_295] : memref<3328x16xf32, #tpu.memory_space<vmem>>[vector<16xi32>, vector<16xi32>], vector<16xf32>,
        %add3A_309 = arith.addf %broadcast_in_dim3A_5, %gather3A_308 : vector<16xf32>
        %mul3A_310 = arith.mulf %gather3A_308, %gather3A_308 : vector<16xf32>
        %add3A_311 = arith.addf %broadcast_in_dim3A_5, %mul3A_310 : vector<16xf32>
        %gather3A_312 = tpu.vector_load_idx %arg9[%add3A_155, %broadcast_in_dim3A_295] : memref<3328x16xf32, #tpu.memory_space<vmem>>[vector<16xi32>, vector<16xi32>], vector<16xf32>,
        %add3A_313 = arith.addf %add3A_297, %gather3A_312 : vector<16xf32>
        %mul3A_314 = arith.mulf %gather3A_312, %gather3A_312 : vector<16xf32>
        %add3A_315 = arith.addf %add3A_299, %mul3A_314 : vector<16xf32>
        %gather3A_316 = tpu.vector_load_idx %arg9[%add3A_158, %broadcast_in_dim3A_295] : memref<3328x16xf32, #tpu.memory_space<vmem>>[vector<16xi32>, vector<16xi32>], vector<16xf32>,
        %add3A_317 = arith.addf %add3A_301, %gather3A_316 : vector<16xf32>
        %mul3A_318 = arith.mulf %gather3A_316, %gather3A_316 : vector<16xf32>
        %add3A_319 = arith.addf %add3A_303, %mul3A_318 : vector<16xf32>
        %gather3A_320 = tpu.vector_load_idx %arg9[%add3A_161, %broadcast_in_dim3A_295] : memref<3328x16xf32, #tpu.memory_space<vmem>>[vector<16xi32>, vector<16xi32>], vector<16xf32>,
        %add3A_321 = arith.addf %add3A_305, %gather3A_320 : vector<16xf32>
        %mul3A_322 = arith.mulf %gather3A_320, %gather3A_320 : vector<16xf32>
        %add3A_323 = arith.addf %add3A_307, %mul3A_322 : vector<16xf32>
        %gather3A_324 = tpu.vector_load_idx %arg9[%add3A_164, %broadcast_in_dim3A_295] : memref<3328x16xf32, #tpu.memory_space<vmem>>[vector<16xi32>, vector<16xi32>], vector<16xf32>,
        %add3A_325 = arith.addf %add3A_309, %gather3A_324 : vector<16xf32>
        %mul3A_326 = arith.mulf %gather3A_324, %gather3A_324 : vector<16xf32>
        %add3A_327 = arith.addf %add3A_311, %mul3A_326 : vector<16xf32>
        %gather3A_328 = tpu.vector_load_idx %arg9[%add3A_167, %broadcast_in_dim3A_295] : memref<3328x16xf32, #tpu.memory_space<vmem>>[vector<16xi32>, vector<16xi32>], vector<16xf32>,
        %add3A_329 = arith.addf %add3A_313, %gather3A_328 : vector<16xf32>
        %mul3A_330 = arith.mulf %gather3A_328, %gather3A_328 : vector<16xf32>
        %add3A_331 = arith.addf %add3A_315, %mul3A_330 : vector<16xf32>
        %gather3A_332 = tpu.vector_load_idx %arg9[%add3A_170, %broadcast_in_dim3A_295] : memref<3328x16xf32, #tpu.memory_space<vmem>>[vector<16xi32>, vector<16xi32>], vector<16xf32>,
        %add3A_333 = arith.addf %add3A_317, %gather3A_332 : vector<16xf32>
        %mul3A_334 = arith.mulf %gather3A_332, %gather3A_332 : vector<16xf32>
        %add3A_335 = arith.addf %add3A_319, %mul3A_334 : vector<16xf32>
        %gather3A_336 = tpu.vector_load_idx %arg9[%add3A_173, %broadcast_in_dim3A_295] : memref<3328x16xf32, #tpu.memory_space<vmem>>[vector<16xi32>, vector<16xi32>], vector<16xf32>,
        %add3A_337 = arith.addf %add3A_321, %gather3A_336 : vector<16xf32>
        %mul3A_338 = arith.mulf %gather3A_336, %gather3A_336 : vector<16xf32>
        %add3A_339 = arith.addf %add3A_323, %mul3A_338 : vector<16xf32>
        %gather3A_340 = tpu.vector_load_idx %arg9[%add3A_176, %broadcast_in_dim3A_295] : memref<3328x16xf32, #tpu.memory_space<vmem>>[vector<16xi32>, vector<16xi32>], vector<16xf32>,
        %add3A_341 = arith.addf %add3A_325, %gather3A_340 : vector<16xf32>
        %mul3A_342 = arith.mulf %gather3A_340, %gather3A_340 : vector<16xf32>
        %add3A_343 = arith.addf %add3A_327, %mul3A_342 : vector<16xf32>
        %gather3A_344 = tpu.vector_load_idx %arg9[%add3A_179, %broadcast_in_dim3A_295] : memref<3328x16xf32, #tpu.memory_space<vmem>>[vector<16xi32>, vector<16xi32>], vector<16xf32>,
        %add3A_345 = arith.addf %add3A_329, %gather3A_344 : vector<16xf32>
        %mul3A_346 = arith.mulf %gather3A_344, %gather3A_344 : vector<16xf32>
        %add3A_347 = arith.addf %add3A_331, %mul3A_346 : vector<16xf32>
        %gather3A_348 = tpu.vector_load_idx %arg9[%add3A_182, %broadcast_in_dim3A_295] : memref<3328x16xf32, #tpu.memory_space<vmem>>[vector<16xi32>, vector<16xi32>], vector<16xf32>,
        %add3A_349 = arith.addf %add3A_333, %gather3A_348 : vector<16xf32>
        %mul3A_350 = arith.mulf %gather3A_348, %gather3A_348 : vector<16xf32>
        %add3A_351 = arith.addf %add3A_335, %mul3A_350 : vector<16xf32>
        %gather3A_352 = tpu.vector_load_idx %arg9[%add3A_185, %broadcast_in_dim3A_295] : memref<3328x16xf32, #tpu.memory_space<vmem>>[vector<16xi32>, vector<16xi32>], vector<16xf32>,
        %add3A_353 = arith.addf %add3A_337, %gather3A_352 : vector<16xf32>
        %mul3A_354 = arith.mulf %gather3A_352, %gather3A_352 : vector<16xf32>
        %add3A_355 = arith.addf %add3A_339, %mul3A_354 : vector<16xf32>
        %gather3A_356 = tpu.vector_load_idx %arg9[%add3A_188, %broadcast_in_dim3A_295] : memref<3328x16xf32, #tpu.memory_space<vmem>>[vector<16xi32>, vector<16xi32>], vector<16xf32>,
        %add3A_357 = arith.addf %add3A_341, %gather3A_356 : vector<16xf32>
        %mul3A_358 = arith.mulf %gather3A_356, %gather3A_356 : vector<16xf32>
        %add3A_359 = arith.addf %add3A_343, %mul3A_358 : vector<16xf32>
        %gather3A_360 = tpu.vector_load_idx %arg9[%add3A_191, %broadcast_in_dim3A_295] : memref<3328x16xf32, #tpu.memory_space<vmem>>[vector<16xi32>, vector<16xi32>], vector<16xf32>,
        %add3A_361 = arith.addf %add3A_345, %gather3A_360 : vector<16xf32>
        %mul3A_362 = arith.mulf %gather3A_360, %gather3A_360 : vector<16xf32>
        %add3A_363 = arith.addf %add3A_347, %mul3A_362 : vector<16xf32>
        %gather3A_364 = tpu.vector_load_idx %arg9[%add3A_194, %broadcast_in_dim3A_295] : memref<3328x16xf32, #tpu.memory_space<vmem>>[vector<16xi32>, vector<16xi32>], vector<16xf32>,
        %add3A_365 = arith.addf %add3A_349, %gather3A_364 : vector<16xf32>
        %mul3A_366 = arith.mulf %gather3A_364, %gather3A_364 : vector<16xf32>
        %add3A_367 = arith.addf %add3A_351, %mul3A_366 : vector<16xf32>
        %gather3A_368 = tpu.vector_load_idx %arg9[%add3A_197, %broadcast_in_dim3A_295] : memref<3328x16xf32, #tpu.memory_space<vmem>>[vector<16xi32>, vector<16xi32>], vector<16xf32>,
        %add3A_369 = arith.addf %add3A_353, %gather3A_368 : vector<16xf32>
        %mul3A_370 = arith.mulf %gather3A_368, %gather3A_368 : vector<16xf32>
        %add3A_371 = arith.addf %add3A_355, %mul3A_370 : vector<16xf32>
        %gather3A_372 = tpu.vector_load_idx %arg9[%add3A_200, %broadcast_in_dim3A_295] : memref<3328x16xf32, #tpu.memory_space<vmem>>[vector<16xi32>, vector<16xi32>], vector<16xf32>,
        %add3A_373 = arith.addf %add3A_357, %gather3A_372 : vector<16xf32>
        %mul3A_374 = arith.mulf %gather3A_372, %gather3A_372 : vector<16xf32>
        %add3A_375 = arith.addf %add3A_359, %mul3A_374 : vector<16xf32>
        %gather3A_376 = tpu.vector_load_idx %arg9[%add3A_203, %broadcast_in_dim3A_295] : memref<3328x16xf32, #tpu.memory_space<vmem>>[vector<16xi32>, vector<16xi32>], vector<16xf32>,
        %add3A_377 = arith.addf %add3A_361, %gather3A_376 : vector<16xf32>
        %mul3A_378 = arith.mulf %gather3A_376, %gather3A_376 : vector<16xf32>
        %add3A_379 = arith.addf %add3A_363, %mul3A_378 : vector<16xf32>
        %gather3A_380 = tpu.vector_load_idx %arg9[%add3A_206, %broadcast_in_dim3A_295] : memref<3328x16xf32, #tpu.memory_space<vmem>>[vector<16xi32>, vector<16xi32>], vector<16xf32>,
        %add3A_381 = arith.addf %add3A_365, %gather3A_380 : vector<16xf32>
        %mul3A_382 = arith.mulf %gather3A_380, %gather3A_380 : vector<16xf32>
        %add3A_383 = arith.addf %add3A_367, %mul3A_382 : vector<16xf32>
        %gather3A_384 = tpu.vector_load_idx %arg9[%add3A_209, %broadcast_in_dim3A_295] : memref<3328x16xf32, #tpu.memory_space<vmem>>[vector<16xi32>, vector<16xi32>], vector<16xf32>,
        %add3A_385 = arith.addf %add3A_369, %gather3A_384 : vector<16xf32>
        %mul3A_386 = arith.mulf %gather3A_384, %gather3A_384 : vector<16xf32>
        %add3A_387 = arith.addf %add3A_371, %mul3A_386 : vector<16xf32>
        %gather3A_388 = tpu.vector_load_idx %arg9[%add3A_212, %broadcast_in_dim3A_295] : memref<3328x16xf32, #tpu.memory_space<vmem>>[vector<16xi32>, vector<16xi32>], vector<16xf32>,
        %add3A_389 = arith.addf %add3A_373, %gather3A_388 : vector<16xf32>
        %mul3A_390 = arith.mulf %gather3A_388, %gather3A_388 : vector<16xf32>
        %add3A_391 = arith.addf %add3A_375, %mul3A_390 : vector<16xf32>
        %gather3A_392 = tpu.vector_load_idx %arg9[%add3A_215, %broadcast_in_dim3A_295] : memref<3328x16xf32, #tpu.memory_space<vmem>>[vector<16xi32>, vector<16xi32>], vector<16xf32>,
        %add3A_393 = arith.addf %add3A_377, %gather3A_392 : vector<16xf32>
        %mul3A_394 = arith.mulf %gather3A_392, %gather3A_392 : vector<16xf32>
        %add3A_395 = arith.addf %add3A_379, %mul3A_394 : vector<16xf32>
        %gather3A_396 = tpu.vector_load_idx %arg9[%add3A_218, %broadcast_in_dim3A_295] : memref<3328x16xf32, #tpu.memory_space<vmem>>[vector<16xi32>, vector<16xi32>], vector<16xf32>,
        %add3A_397 = arith.addf %add3A_381, %gather3A_396 : vector<16xf32>
        %mul3A_398 = arith.mulf %gather3A_396, %gather3A_396 : vector<16xf32>
        %add3A_399 = arith.addf %add3A_383, %mul3A_398 : vector<16xf32>
        %add3A_400 = arith.addf %add3A_393, %add3A_397 : vector<16xf32>
        %add3A_401 = arith.addf %add3A_385, %add3A_389 : vector<16xf32>
        %add3A_402 = arith.addf %add3A_400, %add3A_401 : vector<16xf32>
        %add3A_403 = arith.addf %add3A_395, %add3A_399 : vector<16xf32>
        %add3A_404 = arith.addf %add3A_387, %add3A_391 : vector<16xf32>
        %add3A_405 = arith.addf %add3A_403, %add3A_404 : vector<16xf32>
        %mul3A_406 = arith.mulf %add3A_402, %add3A_402 : vector<16xf32>
        %sub3A = arith.subf %mul3A_406, %add3A_405 : vector<16xf32>
        %add3A_407 = arith.addf %scan3A_294, %sub3A : vector<16xf32>
        scf.yield %add3A_407 : vector<16xf32>
      }
      %scan3A_224 = arith.constant 16 : i32
      %gather3A = tpu.vector_load_idx %arg11[%add3A_143] : memref<3328xf32, #tpu.memory_space<vmem>>[vector<16xi32>], vector<16xf32>,
      %add3A_225 = arith.addf %broadcast_in_dim3A_5, %gather3A : vector<16xf32>
      %gather3A_226 = tpu.vector_load_idx %arg11[%add3A_146] : memref<3328xf32, #tpu.memory_space<vmem>>[vector<16xi32>], vector<16xf32>,
      %add3A_227 = arith.addf %broadcast_in_dim3A_5, %gather3A_226 : vector<16xf32>
      %gather3A_228 = tpu.vector_load_idx %arg11[%add3A_149] : memref<3328xf32, #tpu.memory_space<vmem>>[vector<16xi32>], vector<16xf32>,
      %add3A_229 = arith.addf %add3A_225, %gather3A_228 : vector<16xf32>
      %gather3A_230 = tpu.vector_load_idx %arg11[%add3A_152] : memref<3328xf32, #tpu.memory_space<vmem>>[vector<16xi32>], vector<16xf32>,
      %add3A_231 = arith.addf %add3A_227, %gather3A_230 : vector<16xf32>
      %gather3A_232 = tpu.vector_load_idx %arg11[%add3A_155] : memref<3328xf32, #tpu.memory_space<vmem>>[vector<16xi32>], vector<16xf32>,
      %add3A_233 = arith.addf %add3A_229, %gather3A_232 : vector<16xf32>
      %gather3A_234 = tpu.vector_load_idx %arg11[%add3A_158] : memref<3328xf32, #tpu.memory_space<vmem>>[vector<16xi32>], vector<16xf32>,
      %add3A_235 = arith.addf %add3A_231, %gather3A_234 : vector<16xf32>
      %gather3A_236 = tpu.vector_load_idx %arg11[%add3A_161] : memref<3328xf32, #tpu.memory_space<vmem>>[vector<16xi32>], vector<16xf32>,
      %add3A_237 = arith.addf %add3A_233, %gather3A_236 : vector<16xf32>
      %gather3A_238 = tpu.vector_load_idx %arg11[%add3A_164] : memref<3328xf32, #tpu.memory_space<vmem>>[vector<16xi32>], vector<16xf32>,
      %add3A_239 = arith.addf %add3A_235, %gather3A_238 : vector<16xf32>
      %gather3A_240 = tpu.vector_load_idx %arg11[%add3A_167] : memref<3328xf32, #tpu.memory_space<vmem>>[vector<16xi32>], vector<16xf32>,
      %add3A_241 = arith.addf %add3A_237, %gather3A_240 : vector<16xf32>
      %gather3A_242 = tpu.vector_load_idx %arg11[%add3A_170] : memref<3328xf32, #tpu.memory_space<vmem>>[vector<16xi32>], vector<16xf32>,
      %add3A_243 = arith.addf %add3A_239, %gather3A_242 : vector<16xf32>
      %gather3A_244 = tpu.vector_load_idx %arg11[%add3A_173] : memref<3328xf32, #tpu.memory_space<vmem>>[vector<16xi32>], vector<16xf32>,
      %add3A_245 = arith.addf %add3A_241, %gather3A_244 : vector<16xf32>
      %gather3A_246 = tpu.vector_load_idx %arg11[%add3A_176] : memref<3328xf32, #tpu.memory_space<vmem>>[vector<16xi32>], vector<16xf32>,
      %add3A_247 = arith.addf %add3A_243, %gather3A_246 : vector<16xf32>
      %gather3A_248 = tpu.vector_load_idx %arg11[%add3A_179] : memref<3328xf32, #tpu.memory_space<vmem>>[vector<16xi32>], vector<16xf32>,
      %add3A_249 = arith.addf %add3A_245, %gather3A_248 : vector<16xf32>
      %gather3A_250 = tpu.vector_load_idx %arg11[%add3A_182] : memref<3328xf32, #tpu.memory_space<vmem>>[vector<16xi32>], vector<16xf32>,
      %add3A_251 = arith.addf %add3A_247, %gather3A_250 : vector<16xf32>
      %gather3A_252 = tpu.vector_load_idx %arg11[%add3A_185] : memref<3328xf32, #tpu.memory_space<vmem>>[vector<16xi32>], vector<16xf32>,
      %add3A_253 = arith.addf %add3A_249, %gather3A_252 : vector<16xf32>
      %gather3A_254 = tpu.vector_load_idx %arg11[%add3A_188] : memref<3328xf32, #tpu.memory_space<vmem>>[vector<16xi32>], vector<16xf32>,
      %add3A_255 = arith.addf %add3A_251, %gather3A_254 : vector<16xf32>
      %gather3A_256 = tpu.vector_load_idx %arg11[%add3A_191] : memref<3328xf32, #tpu.memory_space<vmem>>[vector<16xi32>], vector<16xf32>,
      %add3A_257 = arith.addf %add3A_253, %gather3A_256 : vector<16xf32>
      %gather3A_258 = tpu.vector_load_idx %arg11[%add3A_194] : memref<3328xf32, #tpu.memory_space<vmem>>[vector<16xi32>], vector<16xf32>,
      %add3A_259 = arith.addf %add3A_255, %gather3A_258 : vector<16xf32>
      %gather3A_260 = tpu.vector_load_idx %arg11[%add3A_197] : memref<3328xf32, #tpu.memory_space<vmem>>[vector<16xi32>], vector<16xf32>,
      %add3A_261 = arith.addf %add3A_257, %gather3A_260 : vector<16xf32>
      %gather3A_262 = tpu.vector_load_idx %arg11[%add3A_200] : memref<3328xf32, #tpu.memory_space<vmem>>[vector<16xi32>], vector<16xf32>,
      %add3A_263 = arith.addf %add3A_259, %gather3A_262 : vector<16xf32>
      %gather3A_264 = tpu.vector_load_idx %arg11[%add3A_203] : memref<3328xf32, #tpu.memory_space<vmem>>[vector<16xi32>], vector<16xf32>,
      %add3A_265 = arith.addf %add3A_261, %gather3A_264 : vector<16xf32>
      %gather3A_266 = tpu.vector_load_idx %arg11[%add3A_206] : memref<3328xf32, #tpu.memory_space<vmem>>[vector<16xi32>], vector<16xf32>,
      %add3A_267 = arith.addf %add3A_263, %gather3A_266 : vector<16xf32>
      %gather3A_268 = tpu.vector_load_idx %arg11[%add3A_209] : memref<3328xf32, #tpu.memory_space<vmem>>[vector<16xi32>], vector<16xf32>,
      %add3A_269 = arith.addf %add3A_265, %gather3A_268 : vector<16xf32>
      %gather3A_270 = tpu.vector_load_idx %arg11[%add3A_212] : memref<3328xf32, #tpu.memory_space<vmem>>[vector<16xi32>], vector<16xf32>,
      %add3A_271 = arith.addf %add3A_267, %gather3A_270 : vector<16xf32>
      %gather3A_272 = tpu.vector_load_idx %arg11[%add3A_215] : memref<3328xf32, #tpu.memory_space<vmem>>[vector<16xi32>], vector<16xf32>,
      %add3A_273 = arith.addf %add3A_269, %gather3A_272 : vector<16xf32>
      %gather3A_274 = tpu.vector_load_idx %arg11[%add3A_218] : memref<3328xf32, #tpu.memory_space<vmem>>[vector<16xi32>], vector<16xf32>,
      %add3A_275 = arith.addf %add3A_271, %gather3A_274 : vector<16xf32>
      %add3A_276 = arith.addf %add3A_273, %add3A_275 : vector<16xf32>
      %add3A_277 = arith.addf %get3A_1, %add3A_276 : vector<16xf32>
      %mul3A_278 = arith.constant 5.000000e-01 : f32
      %mul3A_279 = vector.broadcast %mul3A_278 : f32 to vector<16xf32>
      %mul3A_280 = arith.mulf %mul3A_279, %scan3A_223 : vector<16xf32>
      %add3A_281 = arith.addf %add3A_277, %mul3A_280 : vector<16xf32>
      %neg3A = arith.constant 0.000000e+00 : f32
      %neg3A_282 = vector.broadcast %neg3A : f32 to vector<16xf32>
      %neg3A_283 = arith.subf %neg3A_282, %add3A_281 : vector<16xf32>
      %exp3A = math.exp %neg3A_283 : vector<16xf32>
      %add3A_284 = arith.constant 1.000000e+00 : f32
      %add3A_285 = vector.broadcast %add3A_284 : f32 to vector<16xf32>
      %add3A_286 = arith.addf %add3A_285, %exp3A : vector<16xf32>
      %div3A = arith.constant 5.500000e+00 : f32
      %div3A_287 = vector.broadcast %div3A : f32 to vector<16xf32>
      %div3A_288 = arith.divf %div3A_287, %add3A_286 : vector<16xf32>
      %mul3A_289 = arith.constant 16 : i32
      %mul3A_290 = arith.muli %scan3A_135, %mul3A_289 : i32
      %swap3A = arith.index_cast %mul3A_290 : i32 to index
      %swap3A_291 = tpu.vector_load %arg13[%swap3A] {strides = array<i32>} : memref<128xf32, #tpu.memory_space<vmem>>, vector<16xf32>,
      tpu.vector_store %arg13[%swap3A], %div3A_288 {strides = array<i32>} : memref<128xf32, #tpu.memory_space<vmem>>, vector<16xf32>,
      %scan3A_292 = arith.constant 0 : i32
      scf.yield %scan3A_292 : i32
    }
    %scan3A_36 = arith.constant 8 : i32
    %mul3A_37 = arith.constant 512 : i32
    %mul3A_38 = arith.muli %add3A, %mul3A_37 : i32
    %add3A_39 = arith.constant 0 : i32
    %add3A_40 = arith.addi %mul3A_38, %add3A_39 : i32
    %dma_start3A_41 = tpu.memref_slice %arg6[%add3A_40] : memref<16384xf32, #tpu.memory_space<hbm>> -> memref<128xf32, #tpu.memory_space<hbm>>
    %dma_start3A_42 = tpu.memref_slice %arg6[%add3A_40] : memref<16384xf32, #tpu.memory_space<hbm>> -> memref<128xf32, #tpu.memory_space<hbm>>
    tpu.enqueue_dma source(%arg13 : memref<128xf32, #tpu.memory_space<vmem>>) target(%dma_start3A_42 : memref<128xf32, #tpu.memory_space<hbm>>) target_semaphore(%arg20 : memref<!tpu.dma_semaphore, #tpu.memory_space<semaphore_mem>>)
    %mul3A_43 = arith.constant 4 : i32
    %mul3A_44 = arith.muli %add3A, %mul3A_43 : i32
    %add3A_45 = arith.constant 2 : i32
    %add3A_46 = arith.addi %mul3A_44, %add3A_45 : i32
    %mul3A_47 = arith.constant 3328 : i32
    %mul3A_48 = arith.muli %add3A_46, %mul3A_47 : i32
    "tpu.region"() ({
      %run_scoped3A = tpu.sem_alloc : memref<!tpu.dma_semaphore, #tpu.memory_space<semaphore_mem>>
      %dma_start3A_135 = tpu.memref_slice %arg2[%mul3A_48] : memref<425984xi32, #tpu.memory_space<hbm>> -> memref<3328xi32, #tpu.memory_space<hbm>>
      %dma_start3A_136 = tpu.memref_slice %arg2[%mul3A_48] : memref<425984xi32, #tpu.memory_space<hbm>> -> memref<3328xi32, #tpu.memory_space<hbm>>
      tpu.enqueue_dma source(%dma_start3A_136 : memref<3328xi32, #tpu.memory_space<hbm>>) target(%arg7 : memref<3328xi32, #tpu.memory_space<vmem>>) target_semaphore(%run_scoped3A : memref<!tpu.dma_semaphore, #tpu.memory_space<semaphore_mem>>)
      %dma_wait3A_137 = tpu.memref_slice %arg2[%mul3A_48] : memref<425984xi32, #tpu.memory_space<hbm>> -> memref<3328xi32, #tpu.memory_space<hbm>>
      %dma_wait3A_138 = tpu.memref_slice %arg2[%mul3A_48] : memref<425984xi32, #tpu.memory_space<hbm>> -> memref<3328xi32, #tpu.memory_space<hbm>>
      tpu.wait_dma2 semaphore(%run_scoped3A : memref<!tpu.dma_semaphore, #tpu.memory_space<semaphore_mem>>) src(%dma_wait3A_138 : memref<3328xi32, #tpu.memory_space<hbm>>) dst(%arg7 : memref<3328xi32, #tpu.memory_space<vmem>>)
      tpu.yield
    }) : () -> ()
    %dma_start3A_49 = arith.constant 0 : i32
    %dma_start3A_50 = arith.constant 0 : i32
    %dma_start3A_51 = tpu.memref_slice %arg3[%dma_start3A_49, %dma_start3A_50] : memref<1000000x16xf32, #tpu.memory_space<hbm>> -> memref<1000000x16xf32, #tpu.memory_space<hbm>>
    tpu.enqueue_indirect_dma source(%dma_start3A_51 : memref<1000000x16xf32, #tpu.memory_space<hbm>>) target(%arg9 : memref<3328x16xf32, #tpu.memory_space<vmem>>) offsets(%arg7 : memref<3328xi32, #tpu.memory_space<vmem>>) semaphore(%arg16 : memref<!tpu.dma_semaphore, #tpu.memory_space<semaphore_mem>>)
    %dma_start3A_52 = arith.constant 0 : i32
    %dma_start3A_53 = tpu.memref_slice %arg4[%dma_start3A_52] : memref<1000000xf32, #tpu.memory_space<hbm>> -> memref<1000000xf32, #tpu.memory_space<hbm>>
    tpu.enqueue_indirect_dma source(%dma_start3A_53 : memref<1000000xf32, #tpu.memory_space<hbm>>) target(%arg11 : memref<3328xf32, #tpu.memory_space<vmem>>) offsets(%arg7 : memref<3328xi32, #tpu.memory_space<vmem>>) semaphore(%arg18 : memref<!tpu.dma_semaphore, #tpu.memory_space<semaphore_mem>>)
    %dma_wait3A_54 = arith.constant 0 : i32
    %dma_wait3A_55 = arith.constant 0 : i32
    %dma_wait3A_56 = tpu.memref_slice %arg3[%dma_wait3A_54, %dma_wait3A_55] : memref<1000000x16xf32, #tpu.memory_space<hbm>> -> memref<1000000x16xf32, #tpu.memory_space<hbm>>
    tpu.wait_indirect_dma semaphore(%arg17 : memref<!tpu.dma_semaphore, #tpu.memory_space<semaphore_mem>>) src(%dma_wait3A_56 : memref<1000000x16xf32, #tpu.memory_space<hbm>>) dst(%arg10 : memref<3328x16xf32, #tpu.memory_space<vmem>>)
    %dma_wait3A_57 = arith.constant 0 : i32
    %dma_wait3A_58 = tpu.memref_slice %arg4[%dma_wait3A_57] : memref<1000000xf32, #tpu.memory_space<hbm>> -> memref<1000000xf32, #tpu.memory_space<hbm>>
    tpu.wait_indirect_dma semaphore(%arg19 : memref<!tpu.dma_semaphore, #tpu.memory_space<semaphore_mem>>) src(%dma_wait3A_58 : memref<1000000xf32, #tpu.memory_space<hbm>>) dst(%arg12 : memref<3328xf32, #tpu.memory_space<vmem>>)
    %scan3A_59 = arith.constant 0 : i32
    %scan3A_60 = arith.constant 0 : i32
    %scan3A_61 = arith.constant 8 : i32
    %scan3A_62 = arith.addi %scan3A_60, %scan3A_61 : i32
    %scan3A_63 = arith.constant 1 : i32
    %scan3A_64 = scf.for %scan3A_135 = %scan3A_60 to %scan3A_62 step %scan3A_63 iter_args(%scan3A_136 = %scan3A_59) -> (i32)  : i32 {
      %mul3A_137 = arith.constant 416 : i32
      %mul3A_138 = arith.muli %scan3A_135, %mul3A_137 : i32
      %add3A_139 = vector.broadcast %mul3A_138 : i32 to vector<16xi32>
      %add3A_140 = arith.addi %mul3A_4, %add3A_139 : vector<16xi32>
      %add3A_141 = arith.constant 0 : i32
      %add3A_142 = vector.broadcast %add3A_141 : i32 to vector<16xi32>
      %add3A_143 = arith.addi %add3A_140, %add3A_142 : vector<16xi32>
      %add3A_144 = arith.constant 1 : i32
      %add3A_145 = vector.broadcast %add3A_144 : i32 to vector<16xi32>
      %add3A_146 = arith.addi %add3A_140, %add3A_145 : vector<16xi32>
      %add3A_147 = arith.constant 2 : i32
      %add3A_148 = vector.broadcast %add3A_147 : i32 to vector<16xi32>
      %add3A_149 = arith.addi %add3A_140, %add3A_148 : vector<16xi32>
      %add3A_150 = arith.constant 3 : i32
      %add3A_151 = vector.broadcast %add3A_150 : i32 to vector<16xi32>
      %add3A_152 = arith.addi %add3A_140, %add3A_151 : vector<16xi32>
      %add3A_153 = arith.constant 4 : i32
      %add3A_154 = vector.broadcast %add3A_153 : i32 to vector<16xi32>
      %add3A_155 = arith.addi %add3A_140, %add3A_154 : vector<16xi32>
      %add3A_156 = arith.constant 5 : i32
      %add3A_157 = vector.broadcast %add3A_156 : i32 to vector<16xi32>
      %add3A_158 = arith.addi %add3A_140, %add3A_157 : vector<16xi32>
      %add3A_159 = arith.constant 6 : i32
      %add3A_160 = vector.broadcast %add3A_159 : i32 to vector<16xi32>
      %add3A_161 = arith.addi %add3A_140, %add3A_160 : vector<16xi32>
      %add3A_162 = arith.constant 7 : i32
      %add3A_163 = vector.broadcast %add3A_162 : i32 to vector<16xi32>
      %add3A_164 = arith.addi %add3A_140, %add3A_163 : vector<16xi32>
      %add3A_165 = arith.constant 8 : i32
      %add3A_166 = vector.broadcast %add3A_165 : i32 to vector<16xi32>
      %add3A_167 = arith.addi %add3A_140, %add3A_166 : vector<16xi32>
      %add3A_168 = arith.constant 9 : i32
      %add3A_169 = vector.broadcast %add3A_168 : i32 to vector<16xi32>
      %add3A_170 = arith.addi %add3A_140, %add3A_169 : vector<16xi32>
      %add3A_171 = arith.constant 10 : i32
      %add3A_172 = vector.broadcast %add3A_171 : i32 to vector<16xi32>
      %add3A_173 = arith.addi %add3A_140, %add3A_172 : vector<16xi32>
      %add3A_174 = arith.constant 11 : i32
      %add3A_175 = vector.broadcast %add3A_174 : i32 to vector<16xi32>
      %add3A_176 = arith.addi %add3A_140, %add3A_175 : vector<16xi32>
      %add3A_177 = arith.constant 12 : i32
      %add3A_178 = vector.broadcast %add3A_177 : i32 to vector<16xi32>
      %add3A_179 = arith.addi %add3A_140, %add3A_178 : vector<16xi32>
      %add3A_180 = arith.constant 13 : i32
      %add3A_181 = vector.broadcast %add3A_180 : i32 to vector<16xi32>
      %add3A_182 = arith.addi %add3A_140, %add3A_181 : vector<16xi32>
      %add3A_183 = arith.constant 14 : i32
      %add3A_184 = vector.broadcast %add3A_183 : i32 to vector<16xi32>
      %add3A_185 = arith.addi %add3A_140, %add3A_184 : vector<16xi32>
      %add3A_186 = arith.constant 15 : i32
      %add3A_187 = vector.broadcast %add3A_186 : i32 to vector<16xi32>
      %add3A_188 = arith.addi %add3A_140, %add3A_187 : vector<16xi32>
      %add3A_189 = arith.constant 16 : i32
      %add3A_190 = vector.broadcast %add3A_189 : i32 to vector<16xi32>
      %add3A_191 = arith.addi %add3A_140, %add3A_190 : vector<16xi32>
      %add3A_192 = arith.constant 17 : i32
      %add3A_193 = vector.broadcast %add3A_192 : i32 to vector<16xi32>
      %add3A_194 = arith.addi %add3A_140, %add3A_193 : vector<16xi32>
      %add3A_195 = arith.constant 18 : i32
      %add3A_196 = vector.broadcast %add3A_195 : i32 to vector<16xi32>
      %add3A_197 = arith.addi %add3A_140, %add3A_196 : vector<16xi32>
      %add3A_198 = arith.constant 19 : i32
      %add3A_199 = vector.broadcast %add3A_198 : i32 to vector<16xi32>
      %add3A_200 = arith.addi %add3A_140, %add3A_199 : vector<16xi32>
      %add3A_201 = arith.constant 20 : i32
      %add3A_202 = vector.broadcast %add3A_201 : i32 to vector<16xi32>
      %add3A_203 = arith.addi %add3A_140, %add3A_202 : vector<16xi32>
      %add3A_204 = arith.constant 21 : i32
      %add3A_205 = vector.broadcast %add3A_204 : i32 to vector<16xi32>
      %add3A_206 = arith.addi %add3A_140, %add3A_205 : vector<16xi32>
      %add3A_207 = arith.constant 22 : i32
      %add3A_208 = vector.broadcast %add3A_207 : i32 to vector<16xi32>
      %add3A_209 = arith.addi %add3A_140, %add3A_208 : vector<16xi32>
      %add3A_210 = arith.constant 23 : i32
      %add3A_211 = vector.broadcast %add3A_210 : i32 to vector<16xi32>
      %add3A_212 = arith.addi %add3A_140, %add3A_211 : vector<16xi32>
      %add3A_213 = arith.constant 24 : i32
      %add3A_214 = vector.broadcast %add3A_213 : i32 to vector<16xi32>
      %add3A_215 = arith.addi %add3A_140, %add3A_214 : vector<16xi32>
      %add3A_216 = arith.constant 25 : i32
      %add3A_217 = vector.broadcast %add3A_216 : i32 to vector<16xi32>
      %add3A_218 = arith.addi %add3A_140, %add3A_217 : vector<16xi32>
      %scan3A_219 = arith.constant 0 : i32
      %scan3A_220 = arith.constant 16 : i32
      %scan3A_221 = arith.addi %scan3A_219, %scan3A_220 : i32
      %scan3A_222 = arith.constant 1 : i32
      %scan3A_223 = scf.for %scan3A_293 = %scan3A_219 to %scan3A_221 step %scan3A_222 iter_args(%scan3A_294 = %broadcast_in_dim3A_5) -> (vector<16xf32>)  : i32 {
        %broadcast_in_dim3A_295 = vector.broadcast %scan3A_293 : i32 to vector<16xi32>
        %gather3A_296 = tpu.vector_load_idx %arg10[%add3A_143, %broadcast_in_dim3A_295] : memref<3328x16xf32, #tpu.memory_space<vmem>>[vector<16xi32>, vector<16xi32>], vector<16xf32>,
        %add3A_297 = arith.addf %broadcast_in_dim3A_5, %gather3A_296 : vector<16xf32>
        %mul3A_298 = arith.mulf %gather3A_296, %gather3A_296 : vector<16xf32>
        %add3A_299 = arith.addf %broadcast_in_dim3A_5, %mul3A_298 : vector<16xf32>
        %gather3A_300 = tpu.vector_load_idx %arg10[%add3A_146, %broadcast_in_dim3A_295] : memref<3328x16xf32, #tpu.memory_space<vmem>>[vector<16xi32>, vector<16xi32>], vector<16xf32>,
        %add3A_301 = arith.addf %broadcast_in_dim3A_5, %gather3A_300 : vector<16xf32>
        %mul3A_302 = arith.mulf %gather3A_300, %gather3A_300 : vector<16xf32>
        %add3A_303 = arith.addf %broadcast_in_dim3A_5, %mul3A_302 : vector<16xf32>
        %gather3A_304 = tpu.vector_load_idx %arg10[%add3A_149, %broadcast_in_dim3A_295] : memref<3328x16xf32, #tpu.memory_space<vmem>>[vector<16xi32>, vector<16xi32>], vector<16xf32>,
        %add3A_305 = arith.addf %broadcast_in_dim3A_5, %gather3A_304 : vector<16xf32>
        %mul3A_306 = arith.mulf %gather3A_304, %gather3A_304 : vector<16xf32>
        %add3A_307 = arith.addf %broadcast_in_dim3A_5, %mul3A_306 : vector<16xf32>
        %gather3A_308 = tpu.vector_load_idx %arg10[%add3A_152, %broadcast_in_dim3A_295] : memref<3328x16xf32, #tpu.memory_space<vmem>>[vector<16xi32>, vector<16xi32>], vector<16xf32>,
        %add3A_309 = arith.addf %broadcast_in_dim3A_5, %gather3A_308 : vector<16xf32>
        %mul3A_310 = arith.mulf %gather3A_308, %gather3A_308 : vector<16xf32>
        %add3A_311 = arith.addf %broadcast_in_dim3A_5, %mul3A_310 : vector<16xf32>
        %gather3A_312 = tpu.vector_load_idx %arg10[%add3A_155, %broadcast_in_dim3A_295] : memref<3328x16xf32, #tpu.memory_space<vmem>>[vector<16xi32>, vector<16xi32>], vector<16xf32>,
        %add3A_313 = arith.addf %add3A_297, %gather3A_312 : vector<16xf32>
        %mul3A_314 = arith.mulf %gather3A_312, %gather3A_312 : vector<16xf32>
        %add3A_315 = arith.addf %add3A_299, %mul3A_314 : vector<16xf32>
        %gather3A_316 = tpu.vector_load_idx %arg10[%add3A_158, %broadcast_in_dim3A_295] : memref<3328x16xf32, #tpu.memory_space<vmem>>[vector<16xi32>, vector<16xi32>], vector<16xf32>,
        %add3A_317 = arith.addf %add3A_301, %gather3A_316 : vector<16xf32>
        %mul3A_318 = arith.mulf %gather3A_316, %gather3A_316 : vector<16xf32>
        %add3A_319 = arith.addf %add3A_303, %mul3A_318 : vector<16xf32>
        %gather3A_320 = tpu.vector_load_idx %arg10[%add3A_161, %broadcast_in_dim3A_295] : memref<3328x16xf32, #tpu.memory_space<vmem>>[vector<16xi32>, vector<16xi32>], vector<16xf32>,
        %add3A_321 = arith.addf %add3A_305, %gather3A_320 : vector<16xf32>
        %mul3A_322 = arith.mulf %gather3A_320, %gather3A_320 : vector<16xf32>
        %add3A_323 = arith.addf %add3A_307, %mul3A_322 : vector<16xf32>
        %gather3A_324 = tpu.vector_load_idx %arg10[%add3A_164, %broadcast_in_dim3A_295] : memref<3328x16xf32, #tpu.memory_space<vmem>>[vector<16xi32>, vector<16xi32>], vector<16xf32>,
        %add3A_325 = arith.addf %add3A_309, %gather3A_324 : vector<16xf32>
        %mul3A_326 = arith.mulf %gather3A_324, %gather3A_324 : vector<16xf32>
        %add3A_327 = arith.addf %add3A_311, %mul3A_326 : vector<16xf32>
        %gather3A_328 = tpu.vector_load_idx %arg10[%add3A_167, %broadcast_in_dim3A_295] : memref<3328x16xf32, #tpu.memory_space<vmem>>[vector<16xi32>, vector<16xi32>], vector<16xf32>,
        %add3A_329 = arith.addf %add3A_313, %gather3A_328 : vector<16xf32>
        %mul3A_330 = arith.mulf %gather3A_328, %gather3A_328 : vector<16xf32>
        %add3A_331 = arith.addf %add3A_315, %mul3A_330 : vector<16xf32>
        %gather3A_332 = tpu.vector_load_idx %arg10[%add3A_170, %broadcast_in_dim3A_295] : memref<3328x16xf32, #tpu.memory_space<vmem>>[vector<16xi32>, vector<16xi32>], vector<16xf32>,
        %add3A_333 = arith.addf %add3A_317, %gather3A_332 : vector<16xf32>
        %mul3A_334 = arith.mulf %gather3A_332, %gather3A_332 : vector<16xf32>
        %add3A_335 = arith.addf %add3A_319, %mul3A_334 : vector<16xf32>
        %gather3A_336 = tpu.vector_load_idx %arg10[%add3A_173, %broadcast_in_dim3A_295] : memref<3328x16xf32, #tpu.memory_space<vmem>>[vector<16xi32>, vector<16xi32>], vector<16xf32>,
        %add3A_337 = arith.addf %add3A_321, %gather3A_336 : vector<16xf32>
        %mul3A_338 = arith.mulf %gather3A_336, %gather3A_336 : vector<16xf32>
        %add3A_339 = arith.addf %add3A_323, %mul3A_338 : vector<16xf32>
        %gather3A_340 = tpu.vector_load_idx %arg10[%add3A_176, %broadcast_in_dim3A_295] : memref<3328x16xf32, #tpu.memory_space<vmem>>[vector<16xi32>, vector<16xi32>], vector<16xf32>,
        %add3A_341 = arith.addf %add3A_325, %gather3A_340 : vector<16xf32>
        %mul3A_342 = arith.mulf %gather3A_340, %gather3A_340 : vector<16xf32>
        %add3A_343 = arith.addf %add3A_327, %mul3A_342 : vector<16xf32>
        %gather3A_344 = tpu.vector_load_idx %arg10[%add3A_179, %broadcast_in_dim3A_295] : memref<3328x16xf32, #tpu.memory_space<vmem>>[vector<16xi32>, vector<16xi32>], vector<16xf32>,
        %add3A_345 = arith.addf %add3A_329, %gather3A_344 : vector<16xf32>
        %mul3A_346 = arith.mulf %gather3A_344, %gather3A_344 : vector<16xf32>
        %add3A_347 = arith.addf %add3A_331, %mul3A_346 : vector<16xf32>
        %gather3A_348 = tpu.vector_load_idx %arg10[%add3A_182, %broadcast_in_dim3A_295] : memref<3328x16xf32, #tpu.memory_space<vmem>>[vector<16xi32>, vector<16xi32>], vector<16xf32>,
        %add3A_349 = arith.addf %add3A_333, %gather3A_348 : vector<16xf32>
        %mul3A_350 = arith.mulf %gather3A_348, %gather3A_348 : vector<16xf32>
        %add3A_351 = arith.addf %add3A_335, %mul3A_350 : vector<16xf32>
        %gather3A_352 = tpu.vector_load_idx %arg10[%add3A_185, %broadcast_in_dim3A_295] : memref<3328x16xf32, #tpu.memory_space<vmem>>[vector<16xi32>, vector<16xi32>], vector<16xf32>,
        %add3A_353 = arith.addf %add3A_337, %gather3A_352 : vector<16xf32>
        %mul3A_354 = arith.mulf %gather3A_352, %gather3A_352 : vector<16xf32>
        %add3A_355 = arith.addf %add3A_339, %mul3A_354 : vector<16xf32>
        %gather3A_356 = tpu.vector_load_idx %arg10[%add3A_188, %broadcast_in_dim3A_295] : memref<3328x16xf32, #tpu.memory_space<vmem>>[vector<16xi32>, vector<16xi32>], vector<16xf32>,
        %add3A_357 = arith.addf %add3A_341, %gather3A_356 : vector<16xf32>
        %mul3A_358 = arith.mulf %gather3A_356, %gather3A_356 : vector<16xf32>
        %add3A_359 = arith.addf %add3A_343, %mul3A_358 : vector<16xf32>
        %gather3A_360 = tpu.vector_load_idx %arg10[%add3A_191, %broadcast_in_dim3A_295] : memref<3328x16xf32, #tpu.memory_space<vmem>>[vector<16xi32>, vector<16xi32>], vector<16xf32>,
        %add3A_361 = arith.addf %add3A_345, %gather3A_360 : vector<16xf32>
        %mul3A_362 = arith.mulf %gather3A_360, %gather3A_360 : vector<16xf32>
        %add3A_363 = arith.addf %add3A_347, %mul3A_362 : vector<16xf32>
        %gather3A_364 = tpu.vector_load_idx %arg10[%add3A_194, %broadcast_in_dim3A_295] : memref<3328x16xf32, #tpu.memory_space<vmem>>[vector<16xi32>, vector<16xi32>], vector<16xf32>,
        %add3A_365 = arith.addf %add3A_349, %gather3A_364 : vector<16xf32>
        %mul3A_366 = arith.mulf %gather3A_364, %gather3A_364 : vector<16xf32>
        %add3A_367 = arith.addf %add3A_351, %mul3A_366 : vector<16xf32>
        %gather3A_368 = tpu.vector_load_idx %arg10[%add3A_197, %broadcast_in_dim3A_295] : memref<3328x16xf32, #tpu.memory_space<vmem>>[vector<16xi32>, vector<16xi32>], vector<16xf32>,
        %add3A_369 = arith.addf %add3A_353, %gather3A_368 : vector<16xf32>
        %mul3A_370 = arith.mulf %gather3A_368, %gather3A_368 : vector<16xf32>
        %add3A_371 = arith.addf %add3A_355, %mul3A_370 : vector<16xf32>
        %gather3A_372 = tpu.vector_load_idx %arg10[%add3A_200, %broadcast_in_dim3A_295] : memref<3328x16xf32, #tpu.memory_space<vmem>>[vector<16xi32>, vector<16xi32>], vector<16xf32>,
        %add3A_373 = arith.addf %add3A_357, %gather3A_372 : vector<16xf32>
        %mul3A_374 = arith.mulf %gather3A_372, %gather3A_372 : vector<16xf32>
        %add3A_375 = arith.addf %add3A_359, %mul3A_374 : vector<16xf32>
        %gather3A_376 = tpu.vector_load_idx %arg10[%add3A_203, %broadcast_in_dim3A_295] : memref<3328x16xf32, #tpu.memory_space<vmem>>[vector<16xi32>, vector<16xi32>], vector<16xf32>,
        %add3A_377 = arith.addf %add3A_361, %gather3A_376 : vector<16xf32>
        %mul3A_378 = arith.mulf %gather3A_376, %gather3A_376 : vector<16xf32>
        %add3A_379 = arith.addf %add3A_363, %mul3A_378 : vector<16xf32>
        %gather3A_380 = tpu.vector_load_idx %arg10[%add3A_206, %broadcast_in_dim3A_295] : memref<3328x16xf32, #tpu.memory_space<vmem>>[vector<16xi32>, vector<16xi32>], vector<16xf32>,
        %add3A_381 = arith.addf %add3A_365, %gather3A_380 : vector<16xf32>
        %mul3A_382 = arith.mulf %gather3A_380, %gather3A_380 : vector<16xf32>
        %add3A_383 = arith.addf %add3A_367, %mul3A_382 : vector<16xf32>
        %gather3A_384 = tpu.vector_load_idx %arg10[%add3A_209, %broadcast_in_dim3A_295] : memref<3328x16xf32, #tpu.memory_space<vmem>>[vector<16xi32>, vector<16xi32>], vector<16xf32>,
        %add3A_385 = arith.addf %add3A_369, %gather3A_384 : vector<16xf32>
        %mul3A_386 = arith.mulf %gather3A_384, %gather3A_384 : vector<16xf32>
        %add3A_387 = arith.addf %add3A_371, %mul3A_386 : vector<16xf32>
        %gather3A_388 = tpu.vector_load_idx %arg10[%add3A_212, %broadcast_in_dim3A_295] : memref<3328x16xf32, #tpu.memory_space<vmem>>[vector<16xi32>, vector<16xi32>], vector<16xf32>,
        %add3A_389 = arith.addf %add3A_373, %gather3A_388 : vector<16xf32>
        %mul3A_390 = arith.mulf %gather3A_388, %gather3A_388 : vector<16xf32>
        %add3A_391 = arith.addf %add3A_375, %mul3A_390 : vector<16xf32>
        %gather3A_392 = tpu.vector_load_idx %arg10[%add3A_215, %broadcast_in_dim3A_295] : memref<3328x16xf32, #tpu.memory_space<vmem>>[vector<16xi32>, vector<16xi32>], vector<16xf32>,
        %add3A_393 = arith.addf %add3A_377, %gather3A_392 : vector<16xf32>
        %mul3A_394 = arith.mulf %gather3A_392, %gather3A_392 : vector<16xf32>
        %add3A_395 = arith.addf %add3A_379, %mul3A_394 : vector<16xf32>
        %gather3A_396 = tpu.vector_load_idx %arg10[%add3A_218, %broadcast_in_dim3A_295] : memref<3328x16xf32, #tpu.memory_space<vmem>>[vector<16xi32>, vector<16xi32>], vector<16xf32>,
        %add3A_397 = arith.addf %add3A_381, %gather3A_396 : vector<16xf32>
        %mul3A_398 = arith.mulf %gather3A_396, %gather3A_396 : vector<16xf32>
        %add3A_399 = arith.addf %add3A_383, %mul3A_398 : vector<16xf32>
        %add3A_400 = arith.addf %add3A_393, %add3A_397 : vector<16xf32>
        %add3A_401 = arith.addf %add3A_385, %add3A_389 : vector<16xf32>
        %add3A_402 = arith.addf %add3A_400, %add3A_401 : vector<16xf32>
        %add3A_403 = arith.addf %add3A_395, %add3A_399 : vector<16xf32>
        %add3A_404 = arith.addf %add3A_387, %add3A_391 : vector<16xf32>
        %add3A_405 = arith.addf %add3A_403, %add3A_404 : vector<16xf32>
        %mul3A_406 = arith.mulf %add3A_402, %add3A_402 : vector<16xf32>
        %sub3A = arith.subf %mul3A_406, %add3A_405 : vector<16xf32>
        %add3A_407 = arith.addf %scan3A_294, %sub3A : vector<16xf32>
        scf.yield %add3A_407 : vector<16xf32>
      }
      %scan3A_224 = arith.constant 16 : i32
      %gather3A = tpu.vector_load_idx %arg12[%add3A_143] : memref<3328xf32, #tpu.memory_space<vmem>>[vector<16xi32>], vector<16xf32>,
      %add3A_225 = arith.addf %broadcast_in_dim3A_5, %gather3A : vector<16xf32>
      %gather3A_226 = tpu.vector_load_idx %arg12[%add3A_146] : memref<3328xf32, #tpu.memory_space<vmem>>[vector<16xi32>], vector<16xf32>,
      %add3A_227 = arith.addf %broadcast_in_dim3A_5, %gather3A_226 : vector<16xf32>
      %gather3A_228 = tpu.vector_load_idx %arg12[%add3A_149] : memref<3328xf32, #tpu.memory_space<vmem>>[vector<16xi32>], vector<16xf32>,
      %add3A_229 = arith.addf %add3A_225, %gather3A_228 : vector<16xf32>
      %gather3A_230 = tpu.vector_load_idx %arg12[%add3A_152] : memref<3328xf32, #tpu.memory_space<vmem>>[vector<16xi32>], vector<16xf32>,
      %add3A_231 = arith.addf %add3A_227, %gather3A_230 : vector<16xf32>
      %gather3A_232 = tpu.vector_load_idx %arg12[%add3A_155] : memref<3328xf32, #tpu.memory_space<vmem>>[vector<16xi32>], vector<16xf32>,
      %add3A_233 = arith.addf %add3A_229, %gather3A_232 : vector<16xf32>
      %gather3A_234 = tpu.vector_load_idx %arg12[%add3A_158] : memref<3328xf32, #tpu.memory_space<vmem>>[vector<16xi32>], vector<16xf32>,
      %add3A_235 = arith.addf %add3A_231, %gather3A_234 : vector<16xf32>
      %gather3A_236 = tpu.vector_load_idx %arg12[%add3A_161] : memref<3328xf32, #tpu.memory_space<vmem>>[vector<16xi32>], vector<16xf32>,
      %add3A_237 = arith.addf %add3A_233, %gather3A_236 : vector<16xf32>
      %gather3A_238 = tpu.vector_load_idx %arg12[%add3A_164] : memref<3328xf32, #tpu.memory_space<vmem>>[vector<16xi32>], vector<16xf32>,
      %add3A_239 = arith.addf %add3A_235, %gather3A_238 : vector<16xf32>
      %gather3A_240 = tpu.vector_load_idx %arg12[%add3A_167] : memref<3328xf32, #tpu.memory_space<vmem>>[vector<16xi32>], vector<16xf32>,
      %add3A_241 = arith.addf %add3A_237, %gather3A_240 : vector<16xf32>
      %gather3A_242 = tpu.vector_load_idx %arg12[%add3A_170] : memref<3328xf32, #tpu.memory_space<vmem>>[vector<16xi32>], vector<16xf32>,
      %add3A_243 = arith.addf %add3A_239, %gather3A_242 : vector<16xf32>
      %gather3A_244 = tpu.vector_load_idx %arg12[%add3A_173] : memref<3328xf32, #tpu.memory_space<vmem>>[vector<16xi32>], vector<16xf32>,
      %add3A_245 = arith.addf %add3A_241, %gather3A_244 : vector<16xf32>
      %gather3A_246 = tpu.vector_load_idx %arg12[%add3A_176] : memref<3328xf32, #tpu.memory_space<vmem>>[vector<16xi32>], vector<16xf32>,
      %add3A_247 = arith.addf %add3A_243, %gather3A_246 : vector<16xf32>
      %gather3A_248 = tpu.vector_load_idx %arg12[%add3A_179] : memref<3328xf32, #tpu.memory_space<vmem>>[vector<16xi32>], vector<16xf32>,
      %add3A_249 = arith.addf %add3A_245, %gather3A_248 : vector<16xf32>
      %gather3A_250 = tpu.vector_load_idx %arg12[%add3A_182] : memref<3328xf32, #tpu.memory_space<vmem>>[vector<16xi32>], vector<16xf32>,
      %add3A_251 = arith.addf %add3A_247, %gather3A_250 : vector<16xf32>
      %gather3A_252 = tpu.vector_load_idx %arg12[%add3A_185] : memref<3328xf32, #tpu.memory_space<vmem>>[vector<16xi32>], vector<16xf32>,
      %add3A_253 = arith.addf %add3A_249, %gather3A_252 : vector<16xf32>
      %gather3A_254 = tpu.vector_load_idx %arg12[%add3A_188] : memref<3328xf32, #tpu.memory_space<vmem>>[vector<16xi32>], vector<16xf32>,
      %add3A_255 = arith.addf %add3A_251, %gather3A_254 : vector<16xf32>
      %gather3A_256 = tpu.vector_load_idx %arg12[%add3A_191] : memref<3328xf32, #tpu.memory_space<vmem>>[vector<16xi32>], vector<16xf32>,
      %add3A_257 = arith.addf %add3A_253, %gather3A_256 : vector<16xf32>
      %gather3A_258 = tpu.vector_load_idx %arg12[%add3A_194] : memref<3328xf32, #tpu.memory_space<vmem>>[vector<16xi32>], vector<16xf32>,
      %add3A_259 = arith.addf %add3A_255, %gather3A_258 : vector<16xf32>
      %gather3A_260 = tpu.vector_load_idx %arg12[%add3A_197] : memref<3328xf32, #tpu.memory_space<vmem>>[vector<16xi32>], vector<16xf32>,
      %add3A_261 = arith.addf %add3A_257, %gather3A_260 : vector<16xf32>
      %gather3A_262 = tpu.vector_load_idx %arg12[%add3A_200] : memref<3328xf32, #tpu.memory_space<vmem>>[vector<16xi32>], vector<16xf32>,
      %add3A_263 = arith.addf %add3A_259, %gather3A_262 : vector<16xf32>
      %gather3A_264 = tpu.vector_load_idx %arg12[%add3A_203] : memref<3328xf32, #tpu.memory_space<vmem>>[vector<16xi32>], vector<16xf32>,
      %add3A_265 = arith.addf %add3A_261, %gather3A_264 : vector<16xf32>
      %gather3A_266 = tpu.vector_load_idx %arg12[%add3A_206] : memref<3328xf32, #tpu.memory_space<vmem>>[vector<16xi32>], vector<16xf32>,
      %add3A_267 = arith.addf %add3A_263, %gather3A_266 : vector<16xf32>
      %gather3A_268 = tpu.vector_load_idx %arg12[%add3A_209] : memref<3328xf32, #tpu.memory_space<vmem>>[vector<16xi32>], vector<16xf32>,
      %add3A_269 = arith.addf %add3A_265, %gather3A_268 : vector<16xf32>
      %gather3A_270 = tpu.vector_load_idx %arg12[%add3A_212] : memref<3328xf32, #tpu.memory_space<vmem>>[vector<16xi32>], vector<16xf32>,
      %add3A_271 = arith.addf %add3A_267, %gather3A_270 : vector<16xf32>
      %gather3A_272 = tpu.vector_load_idx %arg12[%add3A_215] : memref<3328xf32, #tpu.memory_space<vmem>>[vector<16xi32>], vector<16xf32>,
      %add3A_273 = arith.addf %add3A_269, %gather3A_272 : vector<16xf32>
      %gather3A_274 = tpu.vector_load_idx %arg12[%add3A_218] : memref<3328xf32, #tpu.memory_space<vmem>>[vector<16xi32>], vector<16xf32>,
      %add3A_275 = arith.addf %add3A_271, %gather3A_274 : vector<16xf32>
      %add3A_276 = arith.addf %add3A_273, %add3A_275 : vector<16xf32>
      %add3A_277 = arith.addf %get3A_1, %add3A_276 : vector<16xf32>
      %mul3A_278 = arith.constant 5.000000e-01 : f32
      %mul3A_279 = vector.broadcast %mul3A_278 : f32 to vector<16xf32>
      %mul3A_280 = arith.mulf %mul3A_279, %scan3A_223 : vector<16xf32>
      %add3A_281 = arith.addf %add3A_277, %mul3A_280 : vector<16xf32>
      %neg3A = arith.constant 0.000000e+00 : f32
      %neg3A_282 = vector.broadcast %neg3A : f32 to vector<16xf32>
      %neg3A_283 = arith.subf %neg3A_282, %add3A_281 : vector<16xf32>
      %exp3A = math.exp %neg3A_283 : vector<16xf32>
      %add3A_284 = arith.constant 1.000000e+00 : f32
      %add3A_285 = vector.broadcast %add3A_284 : f32 to vector<16xf32>
      %add3A_286 = arith.addf %add3A_285, %exp3A : vector<16xf32>
      %div3A = arith.constant 5.500000e+00 : f32
      %div3A_287 = vector.broadcast %div3A : f32 to vector<16xf32>
      %div3A_288 = arith.divf %div3A_287, %add3A_286 : vector<16xf32>
      %mul3A_289 = arith.constant 16 : i32
      %mul3A_290 = arith.muli %scan3A_135, %mul3A_289 : i32
      %swap3A = arith.index_cast %mul3A_290 : i32 to index
      %swap3A_291 = tpu.vector_load %arg14[%swap3A] {strides = array<i32>} : memref<128xf32, #tpu.memory_space<vmem>>, vector<16xf32>,
      tpu.vector_store %arg14[%swap3A], %div3A_288 {strides = array<i32>} : memref<128xf32, #tpu.memory_space<vmem>>, vector<16xf32>,
      %scan3A_292 = arith.constant 0 : i32
      scf.yield %scan3A_292 : i32
    }
    %scan3A_65 = arith.constant 8 : i32
    %mul3A_66 = arith.constant 512 : i32
    %mul3A_67 = arith.muli %add3A, %mul3A_66 : i32
    %add3A_68 = arith.constant 128 : i32
    %add3A_69 = arith.addi %mul3A_67, %add3A_68 : i32
    %dma_start3A_70 = tpu.memref_slice %arg6[%add3A_69] : memref<16384xf32, #tpu.memory_space<hbm>> -> memref<128xf32, #tpu.memory_space<hbm>>
    %dma_start3A_71 = tpu.memref_slice %arg6[%add3A_69] : memref<16384xf32, #tpu.memory_space<hbm>> -> memref<128xf32, #tpu.memory_space<hbm>>
    tpu.enqueue_dma source(%arg14 : memref<128xf32, #tpu.memory_space<vmem>>) target(%dma_start3A_71 : memref<128xf32, #tpu.memory_space<hbm>>) target_semaphore(%arg21 : memref<!tpu.dma_semaphore, #tpu.memory_space<semaphore_mem>>)
    %mul3A_72 = arith.constant 4 : i32
    %mul3A_73 = arith.muli %add3A, %mul3A_72 : i32
    %add3A_74 = arith.constant 3 : i32
    %add3A_75 = arith.addi %mul3A_73, %add3A_74 : i32
    %mul3A_76 = arith.constant 3328 : i32
    %mul3A_77 = arith.muli %add3A_75, %mul3A_76 : i32
    "tpu.region"() ({
      %run_scoped3A = tpu.sem_alloc : memref<!tpu.dma_semaphore, #tpu.memory_space<semaphore_mem>>
      %dma_start3A_135 = tpu.memref_slice %arg2[%mul3A_77] : memref<425984xi32, #tpu.memory_space<hbm>> -> memref<3328xi32, #tpu.memory_space<hbm>>
      %dma_start3A_136 = tpu.memref_slice %arg2[%mul3A_77] : memref<425984xi32, #tpu.memory_space<hbm>> -> memref<3328xi32, #tpu.memory_space<hbm>>
      tpu.enqueue_dma source(%dma_start3A_136 : memref<3328xi32, #tpu.memory_space<hbm>>) target(%arg8 : memref<3328xi32, #tpu.memory_space<vmem>>) target_semaphore(%run_scoped3A : memref<!tpu.dma_semaphore, #tpu.memory_space<semaphore_mem>>)
      %dma_wait3A_137 = tpu.memref_slice %arg2[%mul3A_77] : memref<425984xi32, #tpu.memory_space<hbm>> -> memref<3328xi32, #tpu.memory_space<hbm>>
      %dma_wait3A_138 = tpu.memref_slice %arg2[%mul3A_77] : memref<425984xi32, #tpu.memory_space<hbm>> -> memref<3328xi32, #tpu.memory_space<hbm>>
      tpu.wait_dma2 semaphore(%run_scoped3A : memref<!tpu.dma_semaphore, #tpu.memory_space<semaphore_mem>>) src(%dma_wait3A_138 : memref<3328xi32, #tpu.memory_space<hbm>>) dst(%arg8 : memref<3328xi32, #tpu.memory_space<vmem>>)
      tpu.yield
    }) : () -> ()
    %dma_start3A_78 = arith.constant 0 : i32
    %dma_start3A_79 = arith.constant 0 : i32
    %dma_start3A_80 = tpu.memref_slice %arg3[%dma_start3A_78, %dma_start3A_79] : memref<1000000x16xf32, #tpu.memory_space<hbm>> -> memref<1000000x16xf32, #tpu.memory_space<hbm>>
    tpu.enqueue_indirect_dma source(%dma_start3A_80 : memref<1000000x16xf32, #tpu.memory_space<hbm>>) target(%arg10 : memref<3328x16xf32, #tpu.memory_space<vmem>>) offsets(%arg8 : memref<3328xi32, #tpu.memory_space<vmem>>) semaphore(%arg17 : memref<!tpu.dma_semaphore, #tpu.memory_space<semaphore_mem>>)
    %dma_start3A_81 = arith.constant 0 : i32
    %dma_start3A_82 = tpu.memref_slice %arg4[%dma_start3A_81] : memref<1000000xf32, #tpu.memory_space<hbm>> -> memref<1000000xf32, #tpu.memory_space<hbm>>
    tpu.enqueue_indirect_dma source(%dma_start3A_82 : memref<1000000xf32, #tpu.memory_space<hbm>>) target(%arg12 : memref<3328xf32, #tpu.memory_space<vmem>>) offsets(%arg8 : memref<3328xi32, #tpu.memory_space<vmem>>) semaphore(%arg19 : memref<!tpu.dma_semaphore, #tpu.memory_space<semaphore_mem>>)
    %dma_wait3A_83 = arith.constant 0 : i32
    %dma_wait3A_84 = arith.constant 0 : i32
    %dma_wait3A_85 = tpu.memref_slice %arg3[%dma_wait3A_83, %dma_wait3A_84] : memref<1000000x16xf32, #tpu.memory_space<hbm>> -> memref<1000000x16xf32, #tpu.memory_space<hbm>>
    tpu.wait_indirect_dma semaphore(%arg16 : memref<!tpu.dma_semaphore, #tpu.memory_space<semaphore_mem>>) src(%dma_wait3A_85 : memref<1000000x16xf32, #tpu.memory_space<hbm>>) dst(%arg9 : memref<3328x16xf32, #tpu.memory_space<vmem>>)
    %dma_wait3A_86 = arith.constant 0 : i32
    %dma_wait3A_87 = tpu.memref_slice %arg4[%dma_wait3A_86] : memref<1000000xf32, #tpu.memory_space<hbm>> -> memref<1000000xf32, #tpu.memory_space<hbm>>
    tpu.wait_indirect_dma semaphore(%arg18 : memref<!tpu.dma_semaphore, #tpu.memory_space<semaphore_mem>>) src(%dma_wait3A_87 : memref<1000000xf32, #tpu.memory_space<hbm>>) dst(%arg11 : memref<3328xf32, #tpu.memory_space<vmem>>)
    %dma_wait3A_88 = arith.constant 0 : i32
    %dma_wait3A_89 = tpu.memref_slice %arg6[%dma_wait3A_88] : memref<16384xf32, #tpu.memory_space<hbm>> -> memref<128xf32, #tpu.memory_space<hbm>>
    %dma_wait3A_90 = arith.constant 0 : i32
    %dma_wait3A_91 = tpu.memref_slice %arg6[%dma_wait3A_90] : memref<16384xf32, #tpu.memory_space<hbm>> -> memref<128xf32, #tpu.memory_space<hbm>>
    tpu.wait_dma2 semaphore(%arg20 : memref<!tpu.dma_semaphore, #tpu.memory_space<semaphore_mem>>) src(%arg13 : memref<128xf32, #tpu.memory_space<vmem>>) dst(%dma_wait3A_91 : memref<128xf32, #tpu.memory_space<hbm>>)
    %scan3A_92 = arith.constant 0 : i32
    %scan3A_93 = arith.constant 0 : i32
    %scan3A_94 = arith.constant 8 : i32
    %scan3A_95 = arith.addi %scan3A_93, %scan3A_94 : i32
    %scan3A_96 = arith.constant 1 : i32
    %scan3A_97 = scf.for %scan3A_135 = %scan3A_93 to %scan3A_95 step %scan3A_96 iter_args(%scan3A_136 = %scan3A_92) -> (i32)  : i32 {
      %mul3A_137 = arith.constant 416 : i32
      %mul3A_138 = arith.muli %scan3A_135, %mul3A_137 : i32
      %add3A_139 = vector.broadcast %mul3A_138 : i32 to vector<16xi32>
      %add3A_140 = arith.addi %mul3A_4, %add3A_139 : vector<16xi32>
      %add3A_141 = arith.constant 0 : i32
      %add3A_142 = vector.broadcast %add3A_141 : i32 to vector<16xi32>
      %add3A_143 = arith.addi %add3A_140, %add3A_142 : vector<16xi32>
      %add3A_144 = arith.constant 1 : i32
      %add3A_145 = vector.broadcast %add3A_144 : i32 to vector<16xi32>
      %add3A_146 = arith.addi %add3A_140, %add3A_145 : vector<16xi32>
      %add3A_147 = arith.constant 2 : i32
      %add3A_148 = vector.broadcast %add3A_147 : i32 to vector<16xi32>
      %add3A_149 = arith.addi %add3A_140, %add3A_148 : vector<16xi32>
      %add3A_150 = arith.constant 3 : i32
      %add3A_151 = vector.broadcast %add3A_150 : i32 to vector<16xi32>
      %add3A_152 = arith.addi %add3A_140, %add3A_151 : vector<16xi32>
      %add3A_153 = arith.constant 4 : i32
      %add3A_154 = vector.broadcast %add3A_153 : i32 to vector<16xi32>
      %add3A_155 = arith.addi %add3A_140, %add3A_154 : vector<16xi32>
      %add3A_156 = arith.constant 5 : i32
      %add3A_157 = vector.broadcast %add3A_156 : i32 to vector<16xi32>
      %add3A_158 = arith.addi %add3A_140, %add3A_157 : vector<16xi32>
      %add3A_159 = arith.constant 6 : i32
      %add3A_160 = vector.broadcast %add3A_159 : i32 to vector<16xi32>
      %add3A_161 = arith.addi %add3A_140, %add3A_160 : vector<16xi32>
      %add3A_162 = arith.constant 7 : i32
      %add3A_163 = vector.broadcast %add3A_162 : i32 to vector<16xi32>
      %add3A_164 = arith.addi %add3A_140, %add3A_163 : vector<16xi32>
      %add3A_165 = arith.constant 8 : i32
      %add3A_166 = vector.broadcast %add3A_165 : i32 to vector<16xi32>
      %add3A_167 = arith.addi %add3A_140, %add3A_166 : vector<16xi32>
      %add3A_168 = arith.constant 9 : i32
      %add3A_169 = vector.broadcast %add3A_168 : i32 to vector<16xi32>
      %add3A_170 = arith.addi %add3A_140, %add3A_169 : vector<16xi32>
      %add3A_171 = arith.constant 10 : i32
      %add3A_172 = vector.broadcast %add3A_171 : i32 to vector<16xi32>
      %add3A_173 = arith.addi %add3A_140, %add3A_172 : vector<16xi32>
      %add3A_174 = arith.constant 11 : i32
      %add3A_175 = vector.broadcast %add3A_174 : i32 to vector<16xi32>
      %add3A_176 = arith.addi %add3A_140, %add3A_175 : vector<16xi32>
      %add3A_177 = arith.constant 12 : i32
      %add3A_178 = vector.broadcast %add3A_177 : i32 to vector<16xi32>
      %add3A_179 = arith.addi %add3A_140, %add3A_178 : vector<16xi32>
      %add3A_180 = arith.constant 13 : i32
      %add3A_181 = vector.broadcast %add3A_180 : i32 to vector<16xi32>
      %add3A_182 = arith.addi %add3A_140, %add3A_181 : vector<16xi32>
      %add3A_183 = arith.constant 14 : i32
      %add3A_184 = vector.broadcast %add3A_183 : i32 to vector<16xi32>
      %add3A_185 = arith.addi %add3A_140, %add3A_184 : vector<16xi32>
      %add3A_186 = arith.constant 15 : i32
      %add3A_187 = vector.broadcast %add3A_186 : i32 to vector<16xi32>
      %add3A_188 = arith.addi %add3A_140, %add3A_187 : vector<16xi32>
      %add3A_189 = arith.constant 16 : i32
      %add3A_190 = vector.broadcast %add3A_189 : i32 to vector<16xi32>
      %add3A_191 = arith.addi %add3A_140, %add3A_190 : vector<16xi32>
      %add3A_192 = arith.constant 17 : i32
      %add3A_193 = vector.broadcast %add3A_192 : i32 to vector<16xi32>
      %add3A_194 = arith.addi %add3A_140, %add3A_193 : vector<16xi32>
      %add3A_195 = arith.constant 18 : i32
      %add3A_196 = vector.broadcast %add3A_195 : i32 to vector<16xi32>
      %add3A_197 = arith.addi %add3A_140, %add3A_196 : vector<16xi32>
      %add3A_198 = arith.constant 19 : i32
      %add3A_199 = vector.broadcast %add3A_198 : i32 to vector<16xi32>
      %add3A_200 = arith.addi %add3A_140, %add3A_199 : vector<16xi32>
      %add3A_201 = arith.constant 20 : i32
      %add3A_202 = vector.broadcast %add3A_201 : i32 to vector<16xi32>
      %add3A_203 = arith.addi %add3A_140, %add3A_202 : vector<16xi32>
      %add3A_204 = arith.constant 21 : i32
      %add3A_205 = vector.broadcast %add3A_204 : i32 to vector<16xi32>
      %add3A_206 = arith.addi %add3A_140, %add3A_205 : vector<16xi32>
      %add3A_207 = arith.constant 22 : i32
      %add3A_208 = vector.broadcast %add3A_207 : i32 to vector<16xi32>
      %add3A_209 = arith.addi %add3A_140, %add3A_208 : vector<16xi32>
      %add3A_210 = arith.constant 23 : i32
      %add3A_211 = vector.broadcast %add3A_210 : i32 to vector<16xi32>
      %add3A_212 = arith.addi %add3A_140, %add3A_211 : vector<16xi32>
      %add3A_213 = arith.constant 24 : i32
      %add3A_214 = vector.broadcast %add3A_213 : i32 to vector<16xi32>
      %add3A_215 = arith.addi %add3A_140, %add3A_214 : vector<16xi32>
      %add3A_216 = arith.constant 25 : i32
      %add3A_217 = vector.broadcast %add3A_216 : i32 to vector<16xi32>
      %add3A_218 = arith.addi %add3A_140, %add3A_217 : vector<16xi32>
      %scan3A_219 = arith.constant 0 : i32
      %scan3A_220 = arith.constant 16 : i32
      %scan3A_221 = arith.addi %scan3A_219, %scan3A_220 : i32
      %scan3A_222 = arith.constant 1 : i32
      %scan3A_223 = scf.for %scan3A_293 = %scan3A_219 to %scan3A_221 step %scan3A_222 iter_args(%scan3A_294 = %broadcast_in_dim3A_5) -> (vector<16xf32>)  : i32 {
        %broadcast_in_dim3A_295 = vector.broadcast %scan3A_293 : i32 to vector<16xi32>
        %gather3A_296 = tpu.vector_load_idx %arg9[%add3A_143, %broadcast_in_dim3A_295] : memref<3328x16xf32, #tpu.memory_space<vmem>>[vector<16xi32>, vector<16xi32>], vector<16xf32>,
        %add3A_297 = arith.addf %broadcast_in_dim3A_5, %gather3A_296 : vector<16xf32>
        %mul3A_298 = arith.mulf %gather3A_296, %gather3A_296 : vector<16xf32>
        %add3A_299 = arith.addf %broadcast_in_dim3A_5, %mul3A_298 : vector<16xf32>
        %gather3A_300 = tpu.vector_load_idx %arg9[%add3A_146, %broadcast_in_dim3A_295] : memref<3328x16xf32, #tpu.memory_space<vmem>>[vector<16xi32>, vector<16xi32>], vector<16xf32>,
        %add3A_301 = arith.addf %broadcast_in_dim3A_5, %gather3A_300 : vector<16xf32>
        %mul3A_302 = arith.mulf %gather3A_300, %gather3A_300 : vector<16xf32>
        %add3A_303 = arith.addf %broadcast_in_dim3A_5, %mul3A_302 : vector<16xf32>
        %gather3A_304 = tpu.vector_load_idx %arg9[%add3A_149, %broadcast_in_dim3A_295] : memref<3328x16xf32, #tpu.memory_space<vmem>>[vector<16xi32>, vector<16xi32>], vector<16xf32>,
        %add3A_305 = arith.addf %broadcast_in_dim3A_5, %gather3A_304 : vector<16xf32>
        %mul3A_306 = arith.mulf %gather3A_304, %gather3A_304 : vector<16xf32>
        %add3A_307 = arith.addf %broadcast_in_dim3A_5, %mul3A_306 : vector<16xf32>
        %gather3A_308 = tpu.vector_load_idx %arg9[%add3A_152, %broadcast_in_dim3A_295] : memref<3328x16xf32, #tpu.memory_space<vmem>>[vector<16xi32>, vector<16xi32>], vector<16xf32>,
        %add3A_309 = arith.addf %broadcast_in_dim3A_5, %gather3A_308 : vector<16xf32>
        %mul3A_310 = arith.mulf %gather3A_308, %gather3A_308 : vector<16xf32>
        %add3A_311 = arith.addf %broadcast_in_dim3A_5, %mul3A_310 : vector<16xf32>
        %gather3A_312 = tpu.vector_load_idx %arg9[%add3A_155, %broadcast_in_dim3A_295] : memref<3328x16xf32, #tpu.memory_space<vmem>>[vector<16xi32>, vector<16xi32>], vector<16xf32>,
        %add3A_313 = arith.addf %add3A_297, %gather3A_312 : vector<16xf32>
        %mul3A_314 = arith.mulf %gather3A_312, %gather3A_312 : vector<16xf32>
        %add3A_315 = arith.addf %add3A_299, %mul3A_314 : vector<16xf32>
        %gather3A_316 = tpu.vector_load_idx %arg9[%add3A_158, %broadcast_in_dim3A_295] : memref<3328x16xf32, #tpu.memory_space<vmem>>[vector<16xi32>, vector<16xi32>], vector<16xf32>,
        %add3A_317 = arith.addf %add3A_301, %gather3A_316 : vector<16xf32>
        %mul3A_318 = arith.mulf %gather3A_316, %gather3A_316 : vector<16xf32>
        %add3A_319 = arith.addf %add3A_303, %mul3A_318 : vector<16xf32>
        %gather3A_320 = tpu.vector_load_idx %arg9[%add3A_161, %broadcast_in_dim3A_295] : memref<3328x16xf32, #tpu.memory_space<vmem>>[vector<16xi32>, vector<16xi32>], vector<16xf32>,
        %add3A_321 = arith.addf %add3A_305, %gather3A_320 : vector<16xf32>
        %mul3A_322 = arith.mulf %gather3A_320, %gather3A_320 : vector<16xf32>
        %add3A_323 = arith.addf %add3A_307, %mul3A_322 : vector<16xf32>
        %gather3A_324 = tpu.vector_load_idx %arg9[%add3A_164, %broadcast_in_dim3A_295] : memref<3328x16xf32, #tpu.memory_space<vmem>>[vector<16xi32>, vector<16xi32>], vector<16xf32>,
        %add3A_325 = arith.addf %add3A_309, %gather3A_324 : vector<16xf32>
        %mul3A_326 = arith.mulf %gather3A_324, %gather3A_324 : vector<16xf32>
        %add3A_327 = arith.addf %add3A_311, %mul3A_326 : vector<16xf32>
        %gather3A_328 = tpu.vector_load_idx %arg9[%add3A_167, %broadcast_in_dim3A_295] : memref<3328x16xf32, #tpu.memory_space<vmem>>[vector<16xi32>, vector<16xi32>], vector<16xf32>,
        %add3A_329 = arith.addf %add3A_313, %gather3A_328 : vector<16xf32>
        %mul3A_330 = arith.mulf %gather3A_328, %gather3A_328 : vector<16xf32>
        %add3A_331 = arith.addf %add3A_315, %mul3A_330 : vector<16xf32>
        %gather3A_332 = tpu.vector_load_idx %arg9[%add3A_170, %broadcast_in_dim3A_295] : memref<3328x16xf32, #tpu.memory_space<vmem>>[vector<16xi32>, vector<16xi32>], vector<16xf32>,
        %add3A_333 = arith.addf %add3A_317, %gather3A_332 : vector<16xf32>
        %mul3A_334 = arith.mulf %gather3A_332, %gather3A_332 : vector<16xf32>
        %add3A_335 = arith.addf %add3A_319, %mul3A_334 : vector<16xf32>
        %gather3A_336 = tpu.vector_load_idx %arg9[%add3A_173, %broadcast_in_dim3A_295] : memref<3328x16xf32, #tpu.memory_space<vmem>>[vector<16xi32>, vector<16xi32>], vector<16xf32>,
        %add3A_337 = arith.addf %add3A_321, %gather3A_336 : vector<16xf32>
        %mul3A_338 = arith.mulf %gather3A_336, %gather3A_336 : vector<16xf32>
        %add3A_339 = arith.addf %add3A_323, %mul3A_338 : vector<16xf32>
        %gather3A_340 = tpu.vector_load_idx %arg9[%add3A_176, %broadcast_in_dim3A_295] : memref<3328x16xf32, #tpu.memory_space<vmem>>[vector<16xi32>, vector<16xi32>], vector<16xf32>,
        %add3A_341 = arith.addf %add3A_325, %gather3A_340 : vector<16xf32>
        %mul3A_342 = arith.mulf %gather3A_340, %gather3A_340 : vector<16xf32>
        %add3A_343 = arith.addf %add3A_327, %mul3A_342 : vector<16xf32>
        %gather3A_344 = tpu.vector_load_idx %arg9[%add3A_179, %broadcast_in_dim3A_295] : memref<3328x16xf32, #tpu.memory_space<vmem>>[vector<16xi32>, vector<16xi32>], vector<16xf32>,
        %add3A_345 = arith.addf %add3A_329, %gather3A_344 : vector<16xf32>
        %mul3A_346 = arith.mulf %gather3A_344, %gather3A_344 : vector<16xf32>
        %add3A_347 = arith.addf %add3A_331, %mul3A_346 : vector<16xf32>
        %gather3A_348 = tpu.vector_load_idx %arg9[%add3A_182, %broadcast_in_dim3A_295] : memref<3328x16xf32, #tpu.memory_space<vmem>>[vector<16xi32>, vector<16xi32>], vector<16xf32>,
        %add3A_349 = arith.addf %add3A_333, %gather3A_348 : vector<16xf32>
        %mul3A_350 = arith.mulf %gather3A_348, %gather3A_348 : vector<16xf32>
        %add3A_351 = arith.addf %add3A_335, %mul3A_350 : vector<16xf32>
        %gather3A_352 = tpu.vector_load_idx %arg9[%add3A_185, %broadcast_in_dim3A_295] : memref<3328x16xf32, #tpu.memory_space<vmem>>[vector<16xi32>, vector<16xi32>], vector<16xf32>,
        %add3A_353 = arith.addf %add3A_337, %gather3A_352 : vector<16xf32>
        %mul3A_354 = arith.mulf %gather3A_352, %gather3A_352 : vector<16xf32>
        %add3A_355 = arith.addf %add3A_339, %mul3A_354 : vector<16xf32>
        %gather3A_356 = tpu.vector_load_idx %arg9[%add3A_188, %broadcast_in_dim3A_295] : memref<3328x16xf32, #tpu.memory_space<vmem>>[vector<16xi32>, vector<16xi32>], vector<16xf32>,
        %add3A_357 = arith.addf %add3A_341, %gather3A_356 : vector<16xf32>
        %mul3A_358 = arith.mulf %gather3A_356, %gather3A_356 : vector<16xf32>
        %add3A_359 = arith.addf %add3A_343, %mul3A_358 : vector<16xf32>
        %gather3A_360 = tpu.vector_load_idx %arg9[%add3A_191, %broadcast_in_dim3A_295] : memref<3328x16xf32, #tpu.memory_space<vmem>>[vector<16xi32>, vector<16xi32>], vector<16xf32>,
        %add3A_361 = arith.addf %add3A_345, %gather3A_360 : vector<16xf32>
        %mul3A_362 = arith.mulf %gather3A_360, %gather3A_360 : vector<16xf32>
        %add3A_363 = arith.addf %add3A_347, %mul3A_362 : vector<16xf32>
        %gather3A_364 = tpu.vector_load_idx %arg9[%add3A_194, %broadcast_in_dim3A_295] : memref<3328x16xf32, #tpu.memory_space<vmem>>[vector<16xi32>, vector<16xi32>], vector<16xf32>,
        %add3A_365 = arith.addf %add3A_349, %gather3A_364 : vector<16xf32>
        %mul3A_366 = arith.mulf %gather3A_364, %gather3A_364 : vector<16xf32>
        %add3A_367 = arith.addf %add3A_351, %mul3A_366 : vector<16xf32>
        %gather3A_368 = tpu.vector_load_idx %arg9[%add3A_197, %broadcast_in_dim3A_295] : memref<3328x16xf32, #tpu.memory_space<vmem>>[vector<16xi32>, vector<16xi32>], vector<16xf32>,
        %add3A_369 = arith.addf %add3A_353, %gather3A_368 : vector<16xf32>
        %mul3A_370 = arith.mulf %gather3A_368, %gather3A_368 : vector<16xf32>
        %add3A_371 = arith.addf %add3A_355, %mul3A_370 : vector<16xf32>
        %gather3A_372 = tpu.vector_load_idx %arg9[%add3A_200, %broadcast_in_dim3A_295] : memref<3328x16xf32, #tpu.memory_space<vmem>>[vector<16xi32>, vector<16xi32>], vector<16xf32>,
        %add3A_373 = arith.addf %add3A_357, %gather3A_372 : vector<16xf32>
        %mul3A_374 = arith.mulf %gather3A_372, %gather3A_372 : vector<16xf32>
        %add3A_375 = arith.addf %add3A_359, %mul3A_374 : vector<16xf32>
        %gather3A_376 = tpu.vector_load_idx %arg9[%add3A_203, %broadcast_in_dim3A_295] : memref<3328x16xf32, #tpu.memory_space<vmem>>[vector<16xi32>, vector<16xi32>], vector<16xf32>,
        %add3A_377 = arith.addf %add3A_361, %gather3A_376 : vector<16xf32>
        %mul3A_378 = arith.mulf %gather3A_376, %gather3A_376 : vector<16xf32>
        %add3A_379 = arith.addf %add3A_363, %mul3A_378 : vector<16xf32>
        %gather3A_380 = tpu.vector_load_idx %arg9[%add3A_206, %broadcast_in_dim3A_295] : memref<3328x16xf32, #tpu.memory_space<vmem>>[vector<16xi32>, vector<16xi32>], vector<16xf32>,
        %add3A_381 = arith.addf %add3A_365, %gather3A_380 : vector<16xf32>
        %mul3A_382 = arith.mulf %gather3A_380, %gather3A_380 : vector<16xf32>
        %add3A_383 = arith.addf %add3A_367, %mul3A_382 : vector<16xf32>
        %gather3A_384 = tpu.vector_load_idx %arg9[%add3A_209, %broadcast_in_dim3A_295] : memref<3328x16xf32, #tpu.memory_space<vmem>>[vector<16xi32>, vector<16xi32>], vector<16xf32>,
        %add3A_385 = arith.addf %add3A_369, %gather3A_384 : vector<16xf32>
        %mul3A_386 = arith.mulf %gather3A_384, %gather3A_384 : vector<16xf32>
        %add3A_387 = arith.addf %add3A_371, %mul3A_386 : vector<16xf32>
        %gather3A_388 = tpu.vector_load_idx %arg9[%add3A_212, %broadcast_in_dim3A_295] : memref<3328x16xf32, #tpu.memory_space<vmem>>[vector<16xi32>, vector<16xi32>], vector<16xf32>,
        %add3A_389 = arith.addf %add3A_373, %gather3A_388 : vector<16xf32>
        %mul3A_390 = arith.mulf %gather3A_388, %gather3A_388 : vector<16xf32>
        %add3A_391 = arith.addf %add3A_375, %mul3A_390 : vector<16xf32>
        %gather3A_392 = tpu.vector_load_idx %arg9[%add3A_215, %broadcast_in_dim3A_295] : memref<3328x16xf32, #tpu.memory_space<vmem>>[vector<16xi32>, vector<16xi32>], vector<16xf32>,
        %add3A_393 = arith.addf %add3A_377, %gather3A_392 : vector<16xf32>
        %mul3A_394 = arith.mulf %gather3A_392, %gather3A_392 : vector<16xf32>
        %add3A_395 = arith.addf %add3A_379, %mul3A_394 : vector<16xf32>
        %gather3A_396 = tpu.vector_load_idx %arg9[%add3A_218, %broadcast_in_dim3A_295] : memref<3328x16xf32, #tpu.memory_space<vmem>>[vector<16xi32>, vector<16xi32>], vector<16xf32>,
        %add3A_397 = arith.addf %add3A_381, %gather3A_396 : vector<16xf32>
        %mul3A_398 = arith.mulf %gather3A_396, %gather3A_396 : vector<16xf32>
        %add3A_399 = arith.addf %add3A_383, %mul3A_398 : vector<16xf32>
        %add3A_400 = arith.addf %add3A_393, %add3A_397 : vector<16xf32>
        %add3A_401 = arith.addf %add3A_385, %add3A_389 : vector<16xf32>
        %add3A_402 = arith.addf %add3A_400, %add3A_401 : vector<16xf32>
        %add3A_403 = arith.addf %add3A_395, %add3A_399 : vector<16xf32>
        %add3A_404 = arith.addf %add3A_387, %add3A_391 : vector<16xf32>
        %add3A_405 = arith.addf %add3A_403, %add3A_404 : vector<16xf32>
        %mul3A_406 = arith.mulf %add3A_402, %add3A_402 : vector<16xf32>
        %sub3A = arith.subf %mul3A_406, %add3A_405 : vector<16xf32>
        %add3A_407 = arith.addf %scan3A_294, %sub3A : vector<16xf32>
        scf.yield %add3A_407 : vector<16xf32>
      }
      %scan3A_224 = arith.constant 16 : i32
      %gather3A = tpu.vector_load_idx %arg11[%add3A_143] : memref<3328xf32, #tpu.memory_space<vmem>>[vector<16xi32>], vector<16xf32>,
      %add3A_225 = arith.addf %broadcast_in_dim3A_5, %gather3A : vector<16xf32>
      %gather3A_226 = tpu.vector_load_idx %arg11[%add3A_146] : memref<3328xf32, #tpu.memory_space<vmem>>[vector<16xi32>], vector<16xf32>,
      %add3A_227 = arith.addf %broadcast_in_dim3A_5, %gather3A_226 : vector<16xf32>
      %gather3A_228 = tpu.vector_load_idx %arg11[%add3A_149] : memref<3328xf32, #tpu.memory_space<vmem>>[vector<16xi32>], vector<16xf32>,
      %add3A_229 = arith.addf %add3A_225, %gather3A_228 : vector<16xf32>
      %gather3A_230 = tpu.vector_load_idx %arg11[%add3A_152] : memref<3328xf32, #tpu.memory_space<vmem>>[vector<16xi32>], vector<16xf32>,
      %add3A_231 = arith.addf %add3A_227, %gather3A_230 : vector<16xf32>
      %gather3A_232 = tpu.vector_load_idx %arg11[%add3A_155] : memref<3328xf32, #tpu.memory_space<vmem>>[vector<16xi32>], vector<16xf32>,
      %add3A_233 = arith.addf %add3A_229, %gather3A_232 : vector<16xf32>
      %gather3A_234 = tpu.vector_load_idx %arg11[%add3A_158] : memref<3328xf32, #tpu.memory_space<vmem>>[vector<16xi32>], vector<16xf32>,
      %add3A_235 = arith.addf %add3A_231, %gather3A_234 : vector<16xf32>
      %gather3A_236 = tpu.vector_load_idx %arg11[%add3A_161] : memref<3328xf32, #tpu.memory_space<vmem>>[vector<16xi32>], vector<16xf32>,
      %add3A_237 = arith.addf %add3A_233, %gather3A_236 : vector<16xf32>
      %gather3A_238 = tpu.vector_load_idx %arg11[%add3A_164] : memref<3328xf32, #tpu.memory_space<vmem>>[vector<16xi32>], vector<16xf32>,
      %add3A_239 = arith.addf %add3A_235, %gather3A_238 : vector<16xf32>
      %gather3A_240 = tpu.vector_load_idx %arg11[%add3A_167] : memref<3328xf32, #tpu.memory_space<vmem>>[vector<16xi32>], vector<16xf32>,
      %add3A_241 = arith.addf %add3A_237, %gather3A_240 : vector<16xf32>
      %gather3A_242 = tpu.vector_load_idx %arg11[%add3A_170] : memref<3328xf32, #tpu.memory_space<vmem>>[vector<16xi32>], vector<16xf32>,
      %add3A_243 = arith.addf %add3A_239, %gather3A_242 : vector<16xf32>
      %gather3A_244 = tpu.vector_load_idx %arg11[%add3A_173] : memref<3328xf32, #tpu.memory_space<vmem>>[vector<16xi32>], vector<16xf32>,
      %add3A_245 = arith.addf %add3A_241, %gather3A_244 : vector<16xf32>
      %gather3A_246 = tpu.vector_load_idx %arg11[%add3A_176] : memref<3328xf32, #tpu.memory_space<vmem>>[vector<16xi32>], vector<16xf32>,
      %add3A_247 = arith.addf %add3A_243, %gather3A_246 : vector<16xf32>
      %gather3A_248 = tpu.vector_load_idx %arg11[%add3A_179] : memref<3328xf32, #tpu.memory_space<vmem>>[vector<16xi32>], vector<16xf32>,
      %add3A_249 = arith.addf %add3A_245, %gather3A_248 : vector<16xf32>
      %gather3A_250 = tpu.vector_load_idx %arg11[%add3A_182] : memref<3328xf32, #tpu.memory_space<vmem>>[vector<16xi32>], vector<16xf32>,
      %add3A_251 = arith.addf %add3A_247, %gather3A_250 : vector<16xf32>
      %gather3A_252 = tpu.vector_load_idx %arg11[%add3A_185] : memref<3328xf32, #tpu.memory_space<vmem>>[vector<16xi32>], vector<16xf32>,
      %add3A_253 = arith.addf %add3A_249, %gather3A_252 : vector<16xf32>
      %gather3A_254 = tpu.vector_load_idx %arg11[%add3A_188] : memref<3328xf32, #tpu.memory_space<vmem>>[vector<16xi32>], vector<16xf32>,
      %add3A_255 = arith.addf %add3A_251, %gather3A_254 : vector<16xf32>
      %gather3A_256 = tpu.vector_load_idx %arg11[%add3A_191] : memref<3328xf32, #tpu.memory_space<vmem>>[vector<16xi32>], vector<16xf32>,
      %add3A_257 = arith.addf %add3A_253, %gather3A_256 : vector<16xf32>
      %gather3A_258 = tpu.vector_load_idx %arg11[%add3A_194] : memref<3328xf32, #tpu.memory_space<vmem>>[vector<16xi32>], vector<16xf32>,
      %add3A_259 = arith.addf %add3A_255, %gather3A_258 : vector<16xf32>
      %gather3A_260 = tpu.vector_load_idx %arg11[%add3A_197] : memref<3328xf32, #tpu.memory_space<vmem>>[vector<16xi32>], vector<16xf32>,
      %add3A_261 = arith.addf %add3A_257, %gather3A_260 : vector<16xf32>
      %gather3A_262 = tpu.vector_load_idx %arg11[%add3A_200] : memref<3328xf32, #tpu.memory_space<vmem>>[vector<16xi32>], vector<16xf32>,
      %add3A_263 = arith.addf %add3A_259, %gather3A_262 : vector<16xf32>
      %gather3A_264 = tpu.vector_load_idx %arg11[%add3A_203] : memref<3328xf32, #tpu.memory_space<vmem>>[vector<16xi32>], vector<16xf32>,
      %add3A_265 = arith.addf %add3A_261, %gather3A_264 : vector<16xf32>
      %gather3A_266 = tpu.vector_load_idx %arg11[%add3A_206] : memref<3328xf32, #tpu.memory_space<vmem>>[vector<16xi32>], vector<16xf32>,
      %add3A_267 = arith.addf %add3A_263, %gather3A_266 : vector<16xf32>
      %gather3A_268 = tpu.vector_load_idx %arg11[%add3A_209] : memref<3328xf32, #tpu.memory_space<vmem>>[vector<16xi32>], vector<16xf32>,
      %add3A_269 = arith.addf %add3A_265, %gather3A_268 : vector<16xf32>
      %gather3A_270 = tpu.vector_load_idx %arg11[%add3A_212] : memref<3328xf32, #tpu.memory_space<vmem>>[vector<16xi32>], vector<16xf32>,
      %add3A_271 = arith.addf %add3A_267, %gather3A_270 : vector<16xf32>
      %gather3A_272 = tpu.vector_load_idx %arg11[%add3A_215] : memref<3328xf32, #tpu.memory_space<vmem>>[vector<16xi32>], vector<16xf32>,
      %add3A_273 = arith.addf %add3A_269, %gather3A_272 : vector<16xf32>
      %gather3A_274 = tpu.vector_load_idx %arg11[%add3A_218] : memref<3328xf32, #tpu.memory_space<vmem>>[vector<16xi32>], vector<16xf32>,
      %add3A_275 = arith.addf %add3A_271, %gather3A_274 : vector<16xf32>
      %add3A_276 = arith.addf %add3A_273, %add3A_275 : vector<16xf32>
      %add3A_277 = arith.addf %get3A_1, %add3A_276 : vector<16xf32>
      %mul3A_278 = arith.constant 5.000000e-01 : f32
      %mul3A_279 = vector.broadcast %mul3A_278 : f32 to vector<16xf32>
      %mul3A_280 = arith.mulf %mul3A_279, %scan3A_223 : vector<16xf32>
      %add3A_281 = arith.addf %add3A_277, %mul3A_280 : vector<16xf32>
      %neg3A = arith.constant 0.000000e+00 : f32
      %neg3A_282 = vector.broadcast %neg3A : f32 to vector<16xf32>
      %neg3A_283 = arith.subf %neg3A_282, %add3A_281 : vector<16xf32>
      %exp3A = math.exp %neg3A_283 : vector<16xf32>
      %add3A_284 = arith.constant 1.000000e+00 : f32
      %add3A_285 = vector.broadcast %add3A_284 : f32 to vector<16xf32>
      %add3A_286 = arith.addf %add3A_285, %exp3A : vector<16xf32>
      %div3A = arith.constant 5.500000e+00 : f32
      %div3A_287 = vector.broadcast %div3A : f32 to vector<16xf32>
      %div3A_288 = arith.divf %div3A_287, %add3A_286 : vector<16xf32>
      %mul3A_289 = arith.constant 16 : i32
      %mul3A_290 = arith.muli %scan3A_135, %mul3A_289 : i32
      %swap3A = arith.index_cast %mul3A_290 : i32 to index
      %swap3A_291 = tpu.vector_load %arg13[%swap3A] {strides = array<i32>} : memref<128xf32, #tpu.memory_space<vmem>>, vector<16xf32>,
      tpu.vector_store %arg13[%swap3A], %div3A_288 {strides = array<i32>} : memref<128xf32, #tpu.memory_space<vmem>>, vector<16xf32>,
      %scan3A_292 = arith.constant 0 : i32
      scf.yield %scan3A_292 : i32
    }
    %scan3A_98 = arith.constant 8 : i32
    %mul3A_99 = arith.constant 512 : i32
    %mul3A_100 = arith.muli %add3A, %mul3A_99 : i32
    %add3A_101 = arith.constant 256 : i32
    %add3A_102 = arith.addi %mul3A_100, %add3A_101 : i32
    %dma_start3A_103 = tpu.memref_slice %arg6[%add3A_102] : memref<16384xf32, #tpu.memory_space<hbm>> -> memref<128xf32, #tpu.memory_space<hbm>>
    %dma_start3A_104 = tpu.memref_slice %arg6[%add3A_102] : memref<16384xf32, #tpu.memory_space<hbm>> -> memref<128xf32, #tpu.memory_space<hbm>>
    tpu.enqueue_dma source(%arg13 : memref<128xf32, #tpu.memory_space<vmem>>) target(%dma_start3A_104 : memref<128xf32, #tpu.memory_space<hbm>>) target_semaphore(%arg20 : memref<!tpu.dma_semaphore, #tpu.memory_space<semaphore_mem>>)
    %dma_wait3A_105 = arith.constant 0 : i32
    %dma_wait3A_106 = arith.constant 0 : i32
    %dma_wait3A_107 = tpu.memref_slice %arg3[%dma_wait3A_105, %dma_wait3A_106] : memref<1000000x16xf32, #tpu.memory_space<hbm>> -> memref<1000000x16xf32, #tpu.memory_space<hbm>>
    tpu.wait_indirect_dma semaphore(%arg17 : memref<!tpu.dma_semaphore, #tpu.memory_space<semaphore_mem>>) src(%dma_wait3A_107 : memref<1000000x16xf32, #tpu.memory_space<hbm>>) dst(%arg10 : memref<3328x16xf32, #tpu.memory_space<vmem>>)
    %dma_wait3A_108 = arith.constant 0 : i32
    %dma_wait3A_109 = tpu.memref_slice %arg4[%dma_wait3A_108] : memref<1000000xf32, #tpu.memory_space<hbm>> -> memref<1000000xf32, #tpu.memory_space<hbm>>
    tpu.wait_indirect_dma semaphore(%arg19 : memref<!tpu.dma_semaphore, #tpu.memory_space<semaphore_mem>>) src(%dma_wait3A_109 : memref<1000000xf32, #tpu.memory_space<hbm>>) dst(%arg12 : memref<3328xf32, #tpu.memory_space<vmem>>)
    %dma_wait3A_110 = arith.constant 0 : i32
    %dma_wait3A_111 = tpu.memref_slice %arg6[%dma_wait3A_110] : memref<16384xf32, #tpu.memory_space<hbm>> -> memref<128xf32, #tpu.memory_space<hbm>>
    %dma_wait3A_112 = arith.constant 0 : i32
    %dma_wait3A_113 = tpu.memref_slice %arg6[%dma_wait3A_112] : memref<16384xf32, #tpu.memory_space<hbm>> -> memref<128xf32, #tpu.memory_space<hbm>>
    tpu.wait_dma2 semaphore(%arg21 : memref<!tpu.dma_semaphore, #tpu.memory_space<semaphore_mem>>) src(%arg14 : memref<128xf32, #tpu.memory_space<vmem>>) dst(%dma_wait3A_113 : memref<128xf32, #tpu.memory_space<hbm>>)
    %scan3A_114 = arith.constant 0 : i32
    %scan3A_115 = arith.constant 0 : i32
    %scan3A_116 = arith.constant 8 : i32
    %scan3A_117 = arith.addi %scan3A_115, %scan3A_116 : i32
    %scan3A_118 = arith.constant 1 : i32
    %scan3A_119 = scf.for %scan3A_135 = %scan3A_115 to %scan3A_117 step %scan3A_118 iter_args(%scan3A_136 = %scan3A_114) -> (i32)  : i32 {
      %mul3A_137 = arith.constant 416 : i32
      %mul3A_138 = arith.muli %scan3A_135, %mul3A_137 : i32
      %add3A_139 = vector.broadcast %mul3A_138 : i32 to vector<16xi32>
      %add3A_140 = arith.addi %mul3A_4, %add3A_139 : vector<16xi32>
      %add3A_141 = arith.constant 0 : i32
      %add3A_142 = vector.broadcast %add3A_141 : i32 to vector<16xi32>
      %add3A_143 = arith.addi %add3A_140, %add3A_142 : vector<16xi32>
      %add3A_144 = arith.constant 1 : i32
      %add3A_145 = vector.broadcast %add3A_144 : i32 to vector<16xi32>
      %add3A_146 = arith.addi %add3A_140, %add3A_145 : vector<16xi32>
      %add3A_147 = arith.constant 2 : i32
      %add3A_148 = vector.broadcast %add3A_147 : i32 to vector<16xi32>
      %add3A_149 = arith.addi %add3A_140, %add3A_148 : vector<16xi32>
      %add3A_150 = arith.constant 3 : i32
      %add3A_151 = vector.broadcast %add3A_150 : i32 to vector<16xi32>
      %add3A_152 = arith.addi %add3A_140, %add3A_151 : vector<16xi32>
      %add3A_153 = arith.constant 4 : i32
      %add3A_154 = vector.broadcast %add3A_153 : i32 to vector<16xi32>
      %add3A_155 = arith.addi %add3A_140, %add3A_154 : vector<16xi32>
      %add3A_156 = arith.constant 5 : i32
      %add3A_157 = vector.broadcast %add3A_156 : i32 to vector<16xi32>
      %add3A_158 = arith.addi %add3A_140, %add3A_157 : vector<16xi32>
      %add3A_159 = arith.constant 6 : i32
      %add3A_160 = vector.broadcast %add3A_159 : i32 to vector<16xi32>
      %add3A_161 = arith.addi %add3A_140, %add3A_160 : vector<16xi32>
      %add3A_162 = arith.constant 7 : i32
      %add3A_163 = vector.broadcast %add3A_162 : i32 to vector<16xi32>
      %add3A_164 = arith.addi %add3A_140, %add3A_163 : vector<16xi32>
      %add3A_165 = arith.constant 8 : i32
      %add3A_166 = vector.broadcast %add3A_165 : i32 to vector<16xi32>
      %add3A_167 = arith.addi %add3A_140, %add3A_166 : vector<16xi32>
      %add3A_168 = arith.constant 9 : i32
      %add3A_169 = vector.broadcast %add3A_168 : i32 to vector<16xi32>
      %add3A_170 = arith.addi %add3A_140, %add3A_169 : vector<16xi32>
      %add3A_171 = arith.constant 10 : i32
      %add3A_172 = vector.broadcast %add3A_171 : i32 to vector<16xi32>
      %add3A_173 = arith.addi %add3A_140, %add3A_172 : vector<16xi32>
      %add3A_174 = arith.constant 11 : i32
      %add3A_175 = vector.broadcast %add3A_174 : i32 to vector<16xi32>
      %add3A_176 = arith.addi %add3A_140, %add3A_175 : vector<16xi32>
      %add3A_177 = arith.constant 12 : i32
      %add3A_178 = vector.broadcast %add3A_177 : i32 to vector<16xi32>
      %add3A_179 = arith.addi %add3A_140, %add3A_178 : vector<16xi32>
      %add3A_180 = arith.constant 13 : i32
      %add3A_181 = vector.broadcast %add3A_180 : i32 to vector<16xi32>
      %add3A_182 = arith.addi %add3A_140, %add3A_181 : vector<16xi32>
      %add3A_183 = arith.constant 14 : i32
      %add3A_184 = vector.broadcast %add3A_183 : i32 to vector<16xi32>
      %add3A_185 = arith.addi %add3A_140, %add3A_184 : vector<16xi32>
      %add3A_186 = arith.constant 15 : i32
      %add3A_187 = vector.broadcast %add3A_186 : i32 to vector<16xi32>
      %add3A_188 = arith.addi %add3A_140, %add3A_187 : vector<16xi32>
      %add3A_189 = arith.constant 16 : i32
      %add3A_190 = vector.broadcast %add3A_189 : i32 to vector<16xi32>
      %add3A_191 = arith.addi %add3A_140, %add3A_190 : vector<16xi32>
      %add3A_192 = arith.constant 17 : i32
      %add3A_193 = vector.broadcast %add3A_192 : i32 to vector<16xi32>
      %add3A_194 = arith.addi %add3A_140, %add3A_193 : vector<16xi32>
      %add3A_195 = arith.constant 18 : i32
      %add3A_196 = vector.broadcast %add3A_195 : i32 to vector<16xi32>
      %add3A_197 = arith.addi %add3A_140, %add3A_196 : vector<16xi32>
      %add3A_198 = arith.constant 19 : i32
      %add3A_199 = vector.broadcast %add3A_198 : i32 to vector<16xi32>
      %add3A_200 = arith.addi %add3A_140, %add3A_199 : vector<16xi32>
      %add3A_201 = arith.constant 20 : i32
      %add3A_202 = vector.broadcast %add3A_201 : i32 to vector<16xi32>
      %add3A_203 = arith.addi %add3A_140, %add3A_202 : vector<16xi32>
      %add3A_204 = arith.constant 21 : i32
      %add3A_205 = vector.broadcast %add3A_204 : i32 to vector<16xi32>
      %add3A_206 = arith.addi %add3A_140, %add3A_205 : vector<16xi32>
      %add3A_207 = arith.constant 22 : i32
      %add3A_208 = vector.broadcast %add3A_207 : i32 to vector<16xi32>
      %add3A_209 = arith.addi %add3A_140, %add3A_208 : vector<16xi32>
      %add3A_210 = arith.constant 23 : i32
      %add3A_211 = vector.broadcast %add3A_210 : i32 to vector<16xi32>
      %add3A_212 = arith.addi %add3A_140, %add3A_211 : vector<16xi32>
      %add3A_213 = arith.constant 24 : i32
      %add3A_214 = vector.broadcast %add3A_213 : i32 to vector<16xi32>
      %add3A_215 = arith.addi %add3A_140, %add3A_214 : vector<16xi32>
      %add3A_216 = arith.constant 25 : i32
      %add3A_217 = vector.broadcast %add3A_216 : i32 to vector<16xi32>
      %add3A_218 = arith.addi %add3A_140, %add3A_217 : vector<16xi32>
      %scan3A_219 = arith.constant 0 : i32
      %scan3A_220 = arith.constant 16 : i32
      %scan3A_221 = arith.addi %scan3A_219, %scan3A_220 : i32
      %scan3A_222 = arith.constant 1 : i32
      %scan3A_223 = scf.for %scan3A_293 = %scan3A_219 to %scan3A_221 step %scan3A_222 iter_args(%scan3A_294 = %broadcast_in_dim3A_5) -> (vector<16xf32>)  : i32 {
        %broadcast_in_dim3A_295 = vector.broadcast %scan3A_293 : i32 to vector<16xi32>
        %gather3A_296 = tpu.vector_load_idx %arg10[%add3A_143, %broadcast_in_dim3A_295] : memref<3328x16xf32, #tpu.memory_space<vmem>>[vector<16xi32>, vector<16xi32>], vector<16xf32>,
        %add3A_297 = arith.addf %broadcast_in_dim3A_5, %gather3A_296 : vector<16xf32>
        %mul3A_298 = arith.mulf %gather3A_296, %gather3A_296 : vector<16xf32>
        %add3A_299 = arith.addf %broadcast_in_dim3A_5, %mul3A_298 : vector<16xf32>
        %gather3A_300 = tpu.vector_load_idx %arg10[%add3A_146, %broadcast_in_dim3A_295] : memref<3328x16xf32, #tpu.memory_space<vmem>>[vector<16xi32>, vector<16xi32>], vector<16xf32>,
        %add3A_301 = arith.addf %broadcast_in_dim3A_5, %gather3A_300 : vector<16xf32>
        %mul3A_302 = arith.mulf %gather3A_300, %gather3A_300 : vector<16xf32>
        %add3A_303 = arith.addf %broadcast_in_dim3A_5, %mul3A_302 : vector<16xf32>
        %gather3A_304 = tpu.vector_load_idx %arg10[%add3A_149, %broadcast_in_dim3A_295] : memref<3328x16xf32, #tpu.memory_space<vmem>>[vector<16xi32>, vector<16xi32>], vector<16xf32>,
        %add3A_305 = arith.addf %broadcast_in_dim3A_5, %gather3A_304 : vector<16xf32>
        %mul3A_306 = arith.mulf %gather3A_304, %gather3A_304 : vector<16xf32>
        %add3A_307 = arith.addf %broadcast_in_dim3A_5, %mul3A_306 : vector<16xf32>
        %gather3A_308 = tpu.vector_load_idx %arg10[%add3A_152, %broadcast_in_dim3A_295] : memref<3328x16xf32, #tpu.memory_space<vmem>>[vector<16xi32>, vector<16xi32>], vector<16xf32>,
        %add3A_309 = arith.addf %broadcast_in_dim3A_5, %gather3A_308 : vector<16xf32>
        %mul3A_310 = arith.mulf %gather3A_308, %gather3A_308 : vector<16xf32>
        %add3A_311 = arith.addf %broadcast_in_dim3A_5, %mul3A_310 : vector<16xf32>
        %gather3A_312 = tpu.vector_load_idx %arg10[%add3A_155, %broadcast_in_dim3A_295] : memref<3328x16xf32, #tpu.memory_space<vmem>>[vector<16xi32>, vector<16xi32>], vector<16xf32>,
        %add3A_313 = arith.addf %add3A_297, %gather3A_312 : vector<16xf32>
        %mul3A_314 = arith.mulf %gather3A_312, %gather3A_312 : vector<16xf32>
        %add3A_315 = arith.addf %add3A_299, %mul3A_314 : vector<16xf32>
        %gather3A_316 = tpu.vector_load_idx %arg10[%add3A_158, %broadcast_in_dim3A_295] : memref<3328x16xf32, #tpu.memory_space<vmem>>[vector<16xi32>, vector<16xi32>], vector<16xf32>,
        %add3A_317 = arith.addf %add3A_301, %gather3A_316 : vector<16xf32>
        %mul3A_318 = arith.mulf %gather3A_316, %gather3A_316 : vector<16xf32>
        %add3A_319 = arith.addf %add3A_303, %mul3A_318 : vector<16xf32>
        %gather3A_320 = tpu.vector_load_idx %arg10[%add3A_161, %broadcast_in_dim3A_295] : memref<3328x16xf32, #tpu.memory_space<vmem>>[vector<16xi32>, vector<16xi32>], vector<16xf32>,
        %add3A_321 = arith.addf %add3A_305, %gather3A_320 : vector<16xf32>
        %mul3A_322 = arith.mulf %gather3A_320, %gather3A_320 : vector<16xf32>
        %add3A_323 = arith.addf %add3A_307, %mul3A_322 : vector<16xf32>
        %gather3A_324 = tpu.vector_load_idx %arg10[%add3A_164, %broadcast_in_dim3A_295] : memref<3328x16xf32, #tpu.memory_space<vmem>>[vector<16xi32>, vector<16xi32>], vector<16xf32>,
        %add3A_325 = arith.addf %add3A_309, %gather3A_324 : vector<16xf32>
        %mul3A_326 = arith.mulf %gather3A_324, %gather3A_324 : vector<16xf32>
        %add3A_327 = arith.addf %add3A_311, %mul3A_326 : vector<16xf32>
        %gather3A_328 = tpu.vector_load_idx %arg10[%add3A_167, %broadcast_in_dim3A_295] : memref<3328x16xf32, #tpu.memory_space<vmem>>[vector<16xi32>, vector<16xi32>], vector<16xf32>,
        %add3A_329 = arith.addf %add3A_313, %gather3A_328 : vector<16xf32>
        %mul3A_330 = arith.mulf %gather3A_328, %gather3A_328 : vector<16xf32>
        %add3A_331 = arith.addf %add3A_315, %mul3A_330 : vector<16xf32>
        %gather3A_332 = tpu.vector_load_idx %arg10[%add3A_170, %broadcast_in_dim3A_295] : memref<3328x16xf32, #tpu.memory_space<vmem>>[vector<16xi32>, vector<16xi32>], vector<16xf32>,
        %add3A_333 = arith.addf %add3A_317, %gather3A_332 : vector<16xf32>
        %mul3A_334 = arith.mulf %gather3A_332, %gather3A_332 : vector<16xf32>
        %add3A_335 = arith.addf %add3A_319, %mul3A_334 : vector<16xf32>
        %gather3A_336 = tpu.vector_load_idx %arg10[%add3A_173, %broadcast_in_dim3A_295] : memref<3328x16xf32, #tpu.memory_space<vmem>>[vector<16xi32>, vector<16xi32>], vector<16xf32>,
        %add3A_337 = arith.addf %add3A_321, %gather3A_336 : vector<16xf32>
        %mul3A_338 = arith.mulf %gather3A_336, %gather3A_336 : vector<16xf32>
        %add3A_339 = arith.addf %add3A_323, %mul3A_338 : vector<16xf32>
        %gather3A_340 = tpu.vector_load_idx %arg10[%add3A_176, %broadcast_in_dim3A_295] : memref<3328x16xf32, #tpu.memory_space<vmem>>[vector<16xi32>, vector<16xi32>], vector<16xf32>,
        %add3A_341 = arith.addf %add3A_325, %gather3A_340 : vector<16xf32>
        %mul3A_342 = arith.mulf %gather3A_340, %gather3A_340 : vector<16xf32>
        %add3A_343 = arith.addf %add3A_327, %mul3A_342 : vector<16xf32>
        %gather3A_344 = tpu.vector_load_idx %arg10[%add3A_179, %broadcast_in_dim3A_295] : memref<3328x16xf32, #tpu.memory_space<vmem>>[vector<16xi32>, vector<16xi32>], vector<16xf32>,
        %add3A_345 = arith.addf %add3A_329, %gather3A_344 : vector<16xf32>
        %mul3A_346 = arith.mulf %gather3A_344, %gather3A_344 : vector<16xf32>
        %add3A_347 = arith.addf %add3A_331, %mul3A_346 : vector<16xf32>
        %gather3A_348 = tpu.vector_load_idx %arg10[%add3A_182, %broadcast_in_dim3A_295] : memref<3328x16xf32, #tpu.memory_space<vmem>>[vector<16xi32>, vector<16xi32>], vector<16xf32>,
        %add3A_349 = arith.addf %add3A_333, %gather3A_348 : vector<16xf32>
        %mul3A_350 = arith.mulf %gather3A_348, %gather3A_348 : vector<16xf32>
        %add3A_351 = arith.addf %add3A_335, %mul3A_350 : vector<16xf32>
        %gather3A_352 = tpu.vector_load_idx %arg10[%add3A_185, %broadcast_in_dim3A_295] : memref<3328x16xf32, #tpu.memory_space<vmem>>[vector<16xi32>, vector<16xi32>], vector<16xf32>,
        %add3A_353 = arith.addf %add3A_337, %gather3A_352 : vector<16xf32>
        %mul3A_354 = arith.mulf %gather3A_352, %gather3A_352 : vector<16xf32>
        %add3A_355 = arith.addf %add3A_339, %mul3A_354 : vector<16xf32>
        %gather3A_356 = tpu.vector_load_idx %arg10[%add3A_188, %broadcast_in_dim3A_295] : memref<3328x16xf32, #tpu.memory_space<vmem>>[vector<16xi32>, vector<16xi32>], vector<16xf32>,
        %add3A_357 = arith.addf %add3A_341, %gather3A_356 : vector<16xf32>
        %mul3A_358 = arith.mulf %gather3A_356, %gather3A_356 : vector<16xf32>
        %add3A_359 = arith.addf %add3A_343, %mul3A_358 : vector<16xf32>
        %gather3A_360 = tpu.vector_load_idx %arg10[%add3A_191, %broadcast_in_dim3A_295] : memref<3328x16xf32, #tpu.memory_space<vmem>>[vector<16xi32>, vector<16xi32>], vector<16xf32>,
        %add3A_361 = arith.addf %add3A_345, %gather3A_360 : vector<16xf32>
        %mul3A_362 = arith.mulf %gather3A_360, %gather3A_360 : vector<16xf32>
        %add3A_363 = arith.addf %add3A_347, %mul3A_362 : vector<16xf32>
        %gather3A_364 = tpu.vector_load_idx %arg10[%add3A_194, %broadcast_in_dim3A_295] : memref<3328x16xf32, #tpu.memory_space<vmem>>[vector<16xi32>, vector<16xi32>], vector<16xf32>,
        %add3A_365 = arith.addf %add3A_349, %gather3A_364 : vector<16xf32>
        %mul3A_366 = arith.mulf %gather3A_364, %gather3A_364 : vector<16xf32>
        %add3A_367 = arith.addf %add3A_351, %mul3A_366 : vector<16xf32>
        %gather3A_368 = tpu.vector_load_idx %arg10[%add3A_197, %broadcast_in_dim3A_295] : memref<3328x16xf32, #tpu.memory_space<vmem>>[vector<16xi32>, vector<16xi32>], vector<16xf32>,
        %add3A_369 = arith.addf %add3A_353, %gather3A_368 : vector<16xf32>
        %mul3A_370 = arith.mulf %gather3A_368, %gather3A_368 : vector<16xf32>
        %add3A_371 = arith.addf %add3A_355, %mul3A_370 : vector<16xf32>
        %gather3A_372 = tpu.vector_load_idx %arg10[%add3A_200, %broadcast_in_dim3A_295] : memref<3328x16xf32, #tpu.memory_space<vmem>>[vector<16xi32>, vector<16xi32>], vector<16xf32>,
        %add3A_373 = arith.addf %add3A_357, %gather3A_372 : vector<16xf32>
        %mul3A_374 = arith.mulf %gather3A_372, %gather3A_372 : vector<16xf32>
        %add3A_375 = arith.addf %add3A_359, %mul3A_374 : vector<16xf32>
        %gather3A_376 = tpu.vector_load_idx %arg10[%add3A_203, %broadcast_in_dim3A_295] : memref<3328x16xf32, #tpu.memory_space<vmem>>[vector<16xi32>, vector<16xi32>], vector<16xf32>,
        %add3A_377 = arith.addf %add3A_361, %gather3A_376 : vector<16xf32>
        %mul3A_378 = arith.mulf %gather3A_376, %gather3A_376 : vector<16xf32>
        %add3A_379 = arith.addf %add3A_363, %mul3A_378 : vector<16xf32>
        %gather3A_380 = tpu.vector_load_idx %arg10[%add3A_206, %broadcast_in_dim3A_295] : memref<3328x16xf32, #tpu.memory_space<vmem>>[vector<16xi32>, vector<16xi32>], vector<16xf32>,
        %add3A_381 = arith.addf %add3A_365, %gather3A_380 : vector<16xf32>
        %mul3A_382 = arith.mulf %gather3A_380, %gather3A_380 : vector<16xf32>
        %add3A_383 = arith.addf %add3A_367, %mul3A_382 : vector<16xf32>
        %gather3A_384 = tpu.vector_load_idx %arg10[%add3A_209, %broadcast_in_dim3A_295] : memref<3328x16xf32, #tpu.memory_space<vmem>>[vector<16xi32>, vector<16xi32>], vector<16xf32>,
        %add3A_385 = arith.addf %add3A_369, %gather3A_384 : vector<16xf32>
        %mul3A_386 = arith.mulf %gather3A_384, %gather3A_384 : vector<16xf32>
        %add3A_387 = arith.addf %add3A_371, %mul3A_386 : vector<16xf32>
        %gather3A_388 = tpu.vector_load_idx %arg10[%add3A_212, %broadcast_in_dim3A_295] : memref<3328x16xf32, #tpu.memory_space<vmem>>[vector<16xi32>, vector<16xi32>], vector<16xf32>,
        %add3A_389 = arith.addf %add3A_373, %gather3A_388 : vector<16xf32>
        %mul3A_390 = arith.mulf %gather3A_388, %gather3A_388 : vector<16xf32>
        %add3A_391 = arith.addf %add3A_375, %mul3A_390 : vector<16xf32>
        %gather3A_392 = tpu.vector_load_idx %arg10[%add3A_215, %broadcast_in_dim3A_295] : memref<3328x16xf32, #tpu.memory_space<vmem>>[vector<16xi32>, vector<16xi32>], vector<16xf32>,
        %add3A_393 = arith.addf %add3A_377, %gather3A_392 : vector<16xf32>
        %mul3A_394 = arith.mulf %gather3A_392, %gather3A_392 : vector<16xf32>
        %add3A_395 = arith.addf %add3A_379, %mul3A_394 : vector<16xf32>
        %gather3A_396 = tpu.vector_load_idx %arg10[%add3A_218, %broadcast_in_dim3A_295] : memref<3328x16xf32, #tpu.memory_space<vmem>>[vector<16xi32>, vector<16xi32>], vector<16xf32>,
        %add3A_397 = arith.addf %add3A_381, %gather3A_396 : vector<16xf32>
        %mul3A_398 = arith.mulf %gather3A_396, %gather3A_396 : vector<16xf32>
        %add3A_399 = arith.addf %add3A_383, %mul3A_398 : vector<16xf32>
        %add3A_400 = arith.addf %add3A_393, %add3A_397 : vector<16xf32>
        %add3A_401 = arith.addf %add3A_385, %add3A_389 : vector<16xf32>
        %add3A_402 = arith.addf %add3A_400, %add3A_401 : vector<16xf32>
        %add3A_403 = arith.addf %add3A_395, %add3A_399 : vector<16xf32>
        %add3A_404 = arith.addf %add3A_387, %add3A_391 : vector<16xf32>
        %add3A_405 = arith.addf %add3A_403, %add3A_404 : vector<16xf32>
        %mul3A_406 = arith.mulf %add3A_402, %add3A_402 : vector<16xf32>
        %sub3A = arith.subf %mul3A_406, %add3A_405 : vector<16xf32>
        %add3A_407 = arith.addf %scan3A_294, %sub3A : vector<16xf32>
        scf.yield %add3A_407 : vector<16xf32>
      }
      %scan3A_224 = arith.constant 16 : i32
      %gather3A = tpu.vector_load_idx %arg12[%add3A_143] : memref<3328xf32, #tpu.memory_space<vmem>>[vector<16xi32>], vector<16xf32>,
      %add3A_225 = arith.addf %broadcast_in_dim3A_5, %gather3A : vector<16xf32>
      %gather3A_226 = tpu.vector_load_idx %arg12[%add3A_146] : memref<3328xf32, #tpu.memory_space<vmem>>[vector<16xi32>], vector<16xf32>,
      %add3A_227 = arith.addf %broadcast_in_dim3A_5, %gather3A_226 : vector<16xf32>
      %gather3A_228 = tpu.vector_load_idx %arg12[%add3A_149] : memref<3328xf32, #tpu.memory_space<vmem>>[vector<16xi32>], vector<16xf32>,
      %add3A_229 = arith.addf %add3A_225, %gather3A_228 : vector<16xf32>
      %gather3A_230 = tpu.vector_load_idx %arg12[%add3A_152] : memref<3328xf32, #tpu.memory_space<vmem>>[vector<16xi32>], vector<16xf32>,
      %add3A_231 = arith.addf %add3A_227, %gather3A_230 : vector<16xf32>
      %gather3A_232 = tpu.vector_load_idx %arg12[%add3A_155] : memref<3328xf32, #tpu.memory_space<vmem>>[vector<16xi32>], vector<16xf32>,
      %add3A_233 = arith.addf %add3A_229, %gather3A_232 : vector<16xf32>
      %gather3A_234 = tpu.vector_load_idx %arg12[%add3A_158] : memref<3328xf32, #tpu.memory_space<vmem>>[vector<16xi32>], vector<16xf32>,
      %add3A_235 = arith.addf %add3A_231, %gather3A_234 : vector<16xf32>
      %gather3A_236 = tpu.vector_load_idx %arg12[%add3A_161] : memref<3328xf32, #tpu.memory_space<vmem>>[vector<16xi32>], vector<16xf32>,
      %add3A_237 = arith.addf %add3A_233, %gather3A_236 : vector<16xf32>
      %gather3A_238 = tpu.vector_load_idx %arg12[%add3A_164] : memref<3328xf32, #tpu.memory_space<vmem>>[vector<16xi32>], vector<16xf32>,
      %add3A_239 = arith.addf %add3A_235, %gather3A_238 : vector<16xf32>
      %gather3A_240 = tpu.vector_load_idx %arg12[%add3A_167] : memref<3328xf32, #tpu.memory_space<vmem>>[vector<16xi32>], vector<16xf32>,
      %add3A_241 = arith.addf %add3A_237, %gather3A_240 : vector<16xf32>
      %gather3A_242 = tpu.vector_load_idx %arg12[%add3A_170] : memref<3328xf32, #tpu.memory_space<vmem>>[vector<16xi32>], vector<16xf32>,
      %add3A_243 = arith.addf %add3A_239, %gather3A_242 : vector<16xf32>
      %gather3A_244 = tpu.vector_load_idx %arg12[%add3A_173] : memref<3328xf32, #tpu.memory_space<vmem>>[vector<16xi32>], vector<16xf32>,
      %add3A_245 = arith.addf %add3A_241, %gather3A_244 : vector<16xf32>
      %gather3A_246 = tpu.vector_load_idx %arg12[%add3A_176] : memref<3328xf32, #tpu.memory_space<vmem>>[vector<16xi32>], vector<16xf32>,
      %add3A_247 = arith.addf %add3A_243, %gather3A_246 : vector<16xf32>
      %gather3A_248 = tpu.vector_load_idx %arg12[%add3A_179] : memref<3328xf32, #tpu.memory_space<vmem>>[vector<16xi32>], vector<16xf32>,
      %add3A_249 = arith.addf %add3A_245, %gather3A_248 : vector<16xf32>
      %gather3A_250 = tpu.vector_load_idx %arg12[%add3A_182] : memref<3328xf32, #tpu.memory_space<vmem>>[vector<16xi32>], vector<16xf32>,
      %add3A_251 = arith.addf %add3A_247, %gather3A_250 : vector<16xf32>
      %gather3A_252 = tpu.vector_load_idx %arg12[%add3A_185] : memref<3328xf32, #tpu.memory_space<vmem>>[vector<16xi32>], vector<16xf32>,
      %add3A_253 = arith.addf %add3A_249, %gather3A_252 : vector<16xf32>
      %gather3A_254 = tpu.vector_load_idx %arg12[%add3A_188] : memref<3328xf32, #tpu.memory_space<vmem>>[vector<16xi32>], vector<16xf32>,
      %add3A_255 = arith.addf %add3A_251, %gather3A_254 : vector<16xf32>
      %gather3A_256 = tpu.vector_load_idx %arg12[%add3A_191] : memref<3328xf32, #tpu.memory_space<vmem>>[vector<16xi32>], vector<16xf32>,
      %add3A_257 = arith.addf %add3A_253, %gather3A_256 : vector<16xf32>
      %gather3A_258 = tpu.vector_load_idx %arg12[%add3A_194] : memref<3328xf32, #tpu.memory_space<vmem>>[vector<16xi32>], vector<16xf32>,
      %add3A_259 = arith.addf %add3A_255, %gather3A_258 : vector<16xf32>
      %gather3A_260 = tpu.vector_load_idx %arg12[%add3A_197] : memref<3328xf32, #tpu.memory_space<vmem>>[vector<16xi32>], vector<16xf32>,
      %add3A_261 = arith.addf %add3A_257, %gather3A_260 : vector<16xf32>
      %gather3A_262 = tpu.vector_load_idx %arg12[%add3A_200] : memref<3328xf32, #tpu.memory_space<vmem>>[vector<16xi32>], vector<16xf32>,
      %add3A_263 = arith.addf %add3A_259, %gather3A_262 : vector<16xf32>
      %gather3A_264 = tpu.vector_load_idx %arg12[%add3A_203] : memref<3328xf32, #tpu.memory_space<vmem>>[vector<16xi32>], vector<16xf32>,
      %add3A_265 = arith.addf %add3A_261, %gather3A_264 : vector<16xf32>
      %gather3A_266 = tpu.vector_load_idx %arg12[%add3A_206] : memref<3328xf32, #tpu.memory_space<vmem>>[vector<16xi32>], vector<16xf32>,
      %add3A_267 = arith.addf %add3A_263, %gather3A_266 : vector<16xf32>
      %gather3A_268 = tpu.vector_load_idx %arg12[%add3A_209] : memref<3328xf32, #tpu.memory_space<vmem>>[vector<16xi32>], vector<16xf32>,
      %add3A_269 = arith.addf %add3A_265, %gather3A_268 : vector<16xf32>
      %gather3A_270 = tpu.vector_load_idx %arg12[%add3A_212] : memref<3328xf32, #tpu.memory_space<vmem>>[vector<16xi32>], vector<16xf32>,
      %add3A_271 = arith.addf %add3A_267, %gather3A_270 : vector<16xf32>
      %gather3A_272 = tpu.vector_load_idx %arg12[%add3A_215] : memref<3328xf32, #tpu.memory_space<vmem>>[vector<16xi32>], vector<16xf32>,
      %add3A_273 = arith.addf %add3A_269, %gather3A_272 : vector<16xf32>
      %gather3A_274 = tpu.vector_load_idx %arg12[%add3A_218] : memref<3328xf32, #tpu.memory_space<vmem>>[vector<16xi32>], vector<16xf32>,
      %add3A_275 = arith.addf %add3A_271, %gather3A_274 : vector<16xf32>
      %add3A_276 = arith.addf %add3A_273, %add3A_275 : vector<16xf32>
      %add3A_277 = arith.addf %get3A_1, %add3A_276 : vector<16xf32>
      %mul3A_278 = arith.constant 5.000000e-01 : f32
      %mul3A_279 = vector.broadcast %mul3A_278 : f32 to vector<16xf32>
      %mul3A_280 = arith.mulf %mul3A_279, %scan3A_223 : vector<16xf32>
      %add3A_281 = arith.addf %add3A_277, %mul3A_280 : vector<16xf32>
      %neg3A = arith.constant 0.000000e+00 : f32
      %neg3A_282 = vector.broadcast %neg3A : f32 to vector<16xf32>
      %neg3A_283 = arith.subf %neg3A_282, %add3A_281 : vector<16xf32>
      %exp3A = math.exp %neg3A_283 : vector<16xf32>
      %add3A_284 = arith.constant 1.000000e+00 : f32
      %add3A_285 = vector.broadcast %add3A_284 : f32 to vector<16xf32>
      %add3A_286 = arith.addf %add3A_285, %exp3A : vector<16xf32>
      %div3A = arith.constant 5.500000e+00 : f32
      %div3A_287 = vector.broadcast %div3A : f32 to vector<16xf32>
      %div3A_288 = arith.divf %div3A_287, %add3A_286 : vector<16xf32>
      %mul3A_289 = arith.constant 16 : i32
      %mul3A_290 = arith.muli %scan3A_135, %mul3A_289 : i32
      %swap3A = arith.index_cast %mul3A_290 : i32 to index
      %swap3A_291 = tpu.vector_load %arg14[%swap3A] {strides = array<i32>} : memref<128xf32, #tpu.memory_space<vmem>>, vector<16xf32>,
      tpu.vector_store %arg14[%swap3A], %div3A_288 {strides = array<i32>} : memref<128xf32, #tpu.memory_space<vmem>>, vector<16xf32>,
      %scan3A_292 = arith.constant 0 : i32
      scf.yield %scan3A_292 : i32
    }
    %scan3A_120 = arith.constant 8 : i32
    %mul3A_121 = arith.constant 512 : i32
    %mul3A_122 = arith.muli %add3A, %mul3A_121 : i32
    %add3A_123 = arith.constant 384 : i32
    %add3A_124 = arith.addi %mul3A_122, %add3A_123 : i32
    %dma_start3A_125 = tpu.memref_slice %arg6[%add3A_124] : memref<16384xf32, #tpu.memory_space<hbm>> -> memref<128xf32, #tpu.memory_space<hbm>>
    %dma_start3A_126 = tpu.memref_slice %arg6[%add3A_124] : memref<16384xf32, #tpu.memory_space<hbm>> -> memref<128xf32, #tpu.memory_space<hbm>>
    tpu.enqueue_dma source(%arg14 : memref<128xf32, #tpu.memory_space<vmem>>) target(%dma_start3A_126 : memref<128xf32, #tpu.memory_space<hbm>>) target_semaphore(%arg21 : memref<!tpu.dma_semaphore, #tpu.memory_space<semaphore_mem>>)
    %dma_wait3A_127 = arith.constant 0 : i32
    %dma_wait3A_128 = tpu.memref_slice %arg6[%dma_wait3A_127] : memref<16384xf32, #tpu.memory_space<hbm>> -> memref<128xf32, #tpu.memory_space<hbm>>
    %dma_wait3A_129 = arith.constant 0 : i32
    %dma_wait3A_130 = tpu.memref_slice %arg6[%dma_wait3A_129] : memref<16384xf32, #tpu.memory_space<hbm>> -> memref<128xf32, #tpu.memory_space<hbm>>
    tpu.wait_dma2 semaphore(%arg20 : memref<!tpu.dma_semaphore, #tpu.memory_space<semaphore_mem>>) src(%arg13 : memref<128xf32, #tpu.memory_space<vmem>>) dst(%dma_wait3A_130 : memref<128xf32, #tpu.memory_space<hbm>>)
    %dma_wait3A_131 = arith.constant 0 : i32
    %dma_wait3A_132 = tpu.memref_slice %arg6[%dma_wait3A_131] : memref<16384xf32, #tpu.memory_space<hbm>> -> memref<128xf32, #tpu.memory_space<hbm>>
    %dma_wait3A_133 = arith.constant 0 : i32
    %dma_wait3A_134 = tpu.memref_slice %arg6[%dma_wait3A_133] : memref<16384xf32, #tpu.memory_space<hbm>> -> memref<128xf32, #tpu.memory_space<hbm>>
    tpu.wait_dma2 semaphore(%arg21 : memref<!tpu.dma_semaphore, #tpu.memory_space<semaphore_mem>>) src(%arg14 : memref<128xf32, #tpu.memory_space<vmem>>) dst(%dma_wait3A_134 : memref<128xf32, #tpu.memory_space<hbm>>)
    return
  }
}

#map = affine_map<(d0, d1) -> (0, 0)>
#map1 = affine_map<(d0, d1) -> (0)>
module attributes {stable_mosaic.version = 14 : i64} {
  func.func @_transpose_body(%arg0: i32, %arg1: i32, %arg2: memref<16x1000000xf32, #tpu.memory_space<hbm>>, %arg3: memref<1024xf32, #tpu.memory_space<hbm>>, %arg4: memref<16000000xf32, #tpu.memory_space<hbm>>, %arg5: memref<16x512xf32, #tpu.memory_space<vmem>>, %arg6: memref<16x512xf32, #tpu.memory_space<vmem>>, %arg7: memref<8192xf32, #tpu.memory_space<vmem>>, %arg8: memref<8192xf32, #tpu.memory_space<vmem>>, %arg9: memref<!tpu.dma_semaphore, #tpu.memory_space<semaphore_mem>>, %arg10: memref<!tpu.dma_semaphore, #tpu.memory_space<semaphore_mem>>, %arg11: memref<!tpu.dma_semaphore, #tpu.memory_space<semaphore_mem>>, %arg12: memref<!tpu.dma_semaphore, #tpu.memory_space<semaphore_mem>>) attributes {dimension_semantics = [#tpu.dimension_semantics<core_parallel>, #tpu.dimension_semantics<subcore_parallel>], iteration_bounds = array<i64: 2, 16>, scalar_prefetch = 0 : i64, scratch_operands = 8 : i64, tpu.core_type = #tpu.core_type<sc_vector_subcore>, window_params = [{transform_indices = #map}, {transform_indices = #map1}, {transform_indices = #map1}]} {
    %mul3A = arith.constant 2 : i32
    %mul3A_0 = arith.muli %arg1, %mul3A : i32
    %add3A = arith.addi %mul3A_0, %arg0 : i32
    %iota3A = tpu.iota {dimensions = array<i32: 0>} : vector<16xi32>
    %mul3A_1 = arith.constant 16 : i32
    %mul3A_2 = vector.broadcast %mul3A_1 : i32 to vector<16xi32>
    %mul3A_3 = arith.muli %iota3A, %mul3A_2 : vector<16xi32>
    %sub3A = arith.constant 1953 : i32
    %sub3A_4 = arith.subi %sub3A, %add3A : i32
    %add3A_5 = arith.constant 32 : i32
    %add3A_6 = arith.addi %sub3A_4, %add3A_5 : i32
    %sub3A_7 = arith.constant 1 : i32
    %sub3A_8 = arith.subi %add3A_6, %sub3A_7 : i32
    %jit3A = arith.constant 32 : i32
    %div3A = arith.divsi %sub3A_8, %jit3A : i32
    %sign3A = arith.constant 0 : i32
    %sign3A_9 = arith.cmpi sgt, %sub3A_8, %sign3A : i32
    %sign3A_10 = arith.extui %sign3A_9 : i1 to i32
    %sign3A_11 = arith.constant 0 : i32
    %sign3A_12 = arith.cmpi slt, %sub3A_8, %sign3A_11 : i32
    %sign3A_13 = arith.extui %sign3A_12 : i1 to i32
    %sign3A_14 = arith.subi %sign3A_10, %sign3A_13 : i32
    %sign3A_15 = arith.constant 0 : i32
    %sign3A_16 = arith.cmpi sgt, %jit3A, %sign3A_15 : i32
    %sign3A_17 = arith.extui %sign3A_16 : i1 to i32
    %sign3A_18 = arith.constant 0 : i32
    %sign3A_19 = arith.cmpi slt, %jit3A, %sign3A_18 : i32
    %sign3A_20 = arith.extui %sign3A_19 : i1 to i32
    %sign3A_21 = arith.subi %sign3A_17, %sign3A_20 : i32
    %ne3A = arith.cmpi ne, %sign3A_14, %sign3A_21 : i32
    %rem3A = arith.remsi %sub3A_8, %jit3A : i32
    %ne3A_22 = arith.constant 0 : i32
    %ne3A_23 = arith.cmpi ne, %rem3A, %ne3A_22 : i32
    %and3A = arith.andi %ne3A, %ne3A_23 : i1
    %sub3A_24 = arith.constant 1 : i32
    %sub3A_25 = arith.subi %div3A, %sub3A_24 : i32
    %select_n3A = arith.select %and3A, %sub3A_25, %div3A : i32
    %add3A_26 = arith.constant 0 : i32
    %add3A_27 = arith.addi %add3A, %add3A_26 : i32
    %mul3A_28 = arith.constant 512 : i32
    %mul3A_29 = arith.muli %add3A_27, %mul3A_28 : i32
    %multiple_of3A = tpu.assume_multiple %mul3A_29, 512 : i32
    %dma_start3A = arith.constant 0 : i32
    %dma_start3A_30 = tpu.memref_slice %arg2[%dma_start3A, %multiple_of3A] : memref<16x1000000xf32, #tpu.memory_space<hbm>> -> memref<16x512xf32, #tpu.memory_space<hbm>>
    %dma_start3A_31 = arith.constant 0 : i32
    %dma_start3A_32 = tpu.memref_slice %arg2[%dma_start3A_31, %multiple_of3A] : memref<16x1000000xf32, #tpu.memory_space<hbm>> -> memref<16x512xf32, #tpu.memory_space<hbm>>
    tpu.enqueue_dma source(%dma_start3A_32 : memref<16x512xf32, #tpu.memory_space<hbm>>) target(%arg5 : memref<16x512xf32, #tpu.memory_space<vmem>>) target_semaphore(%arg9 : memref<!tpu.dma_semaphore, #tpu.memory_space<semaphore_mem>>)
    %add3A_33 = arith.constant 32 : i32
    %add3A_34 = arith.addi %add3A, %add3A_33 : i32
    %mul3A_35 = arith.constant 512 : i32
    %mul3A_36 = arith.muli %add3A_34, %mul3A_35 : i32
    %multiple_of3A_37 = tpu.assume_multiple %mul3A_36, 512 : i32
    %dma_start3A_38 = arith.constant 0 : i32
    %dma_start3A_39 = tpu.memref_slice %arg2[%dma_start3A_38, %multiple_of3A_37] : memref<16x1000000xf32, #tpu.memory_space<hbm>> -> memref<16x512xf32, #tpu.memory_space<hbm>>
    %dma_start3A_40 = arith.constant 0 : i32
    %dma_start3A_41 = tpu.memref_slice %arg2[%dma_start3A_40, %multiple_of3A_37] : memref<16x1000000xf32, #tpu.memory_space<hbm>> -> memref<16x512xf32, #tpu.memory_space<hbm>>
    tpu.enqueue_dma source(%dma_start3A_41 : memref<16x512xf32, #tpu.memory_space<hbm>>) target(%arg6 : memref<16x512xf32, #tpu.memory_space<vmem>>) target_semaphore(%arg10 : memref<!tpu.dma_semaphore, #tpu.memory_space<semaphore_mem>>)
    %scan3A = arith.constant 0 : i32
    %scan3A_42 = arith.constant 0 : i32
    %scan3A_43 = arith.constant 31 : i32
    %scan3A_44 = arith.addi %scan3A_42, %scan3A_43 : i32
    %scan3A_45 = arith.constant 1 : i32
    %scan3A_46 = scf.for %scan3A_57 = %scan3A_42 to %scan3A_44 step %scan3A_45 iter_args(%scan3A_58 = %scan3A) -> (i32)  : i32 {
      %mul3A_59 = arith.constant 2 : i32
      %mul3A_60 = arith.muli %mul3A_59, %scan3A_57 : i32
      %add3A_61 = arith.constant 0 : i32
      %add3A_62 = arith.addi %mul3A_60, %add3A_61 : i32
      %lt3A = arith.cmpi slt, %add3A_62, %select_n3A : i32
      %convert_element_type3A_63 = arith.extui %lt3A : i1 to i32
      %cond3A_64 = arith.constant 0 : i32
      %cond3A_65 = arith.cmpi ne, %convert_element_type3A_63, %cond3A_64 : i32
      scf.if %cond3A_65 {
        %mul3A_75 = arith.constant 32 : i32
        %mul3A_76 = arith.muli %add3A_62, %mul3A_75 : i32
        %add3A_77 = arith.addi %add3A, %mul3A_76 : i32
        %mul3A_78 = arith.constant 512 : i32
        %mul3A_79 = arith.muli %add3A_77, %mul3A_78 : i32
        %multiple_of3A_80 = tpu.assume_multiple %mul3A_79, 512 : i32
        %dma_wait3A_81 = arith.constant 0 : i32
        %dma_wait3A_82 = tpu.memref_slice %arg2[%dma_wait3A_81, %multiple_of3A_80] : memref<16x1000000xf32, #tpu.memory_space<hbm>> -> memref<16x512xf32, #tpu.memory_space<hbm>>
        %dma_wait3A_83 = arith.constant 0 : i32
        %dma_wait3A_84 = tpu.memref_slice %arg2[%dma_wait3A_83, %multiple_of3A_80] : memref<16x1000000xf32, #tpu.memory_space<hbm>> -> memref<16x512xf32, #tpu.memory_space<hbm>>
        tpu.wait_dma2 semaphore(%arg9 : memref<!tpu.dma_semaphore, #tpu.memory_space<semaphore_mem>>) src(%dma_wait3A_84 : memref<16x512xf32, #tpu.memory_space<hbm>>) dst(%arg5 : memref<16x512xf32, #tpu.memory_space<vmem>>)
        %ge3A = arith.constant 2 : i32
        %ge3A_85 = arith.cmpi sge, %add3A_62, %ge3A : i32
        %convert_element_type3A_86 = arith.extui %ge3A_85 : i1 to i32
        %cond3A_87 = arith.constant 0 : i32
        %cond3A_88 = arith.cmpi ne, %convert_element_type3A_86, %cond3A_87 : i32
        scf.if %cond3A_88 {
          %dma_wait3A_106 = arith.constant 0 : i32
          %dma_wait3A_107 = tpu.memref_slice %arg4[%dma_wait3A_106] : memref<16000000xf32, #tpu.memory_space<hbm>> -> memref<8192xf32, #tpu.memory_space<hbm>>
          %dma_wait3A_108 = arith.constant 0 : i32
          %dma_wait3A_109 = tpu.memref_slice %arg4[%dma_wait3A_108] : memref<16000000xf32, #tpu.memory_space<hbm>> -> memref<8192xf32, #tpu.memory_space<hbm>>
          tpu.wait_dma2 semaphore(%arg11 : memref<!tpu.dma_semaphore, #tpu.memory_space<semaphore_mem>>) src(%arg7 : memref<8192xf32, #tpu.memory_space<vmem>>) dst(%dma_wait3A_109 : memref<8192xf32, #tpu.memory_space<hbm>>)
        } else {
        }
        %scan3A_89 = arith.constant 0 : i32
        %scan3A_90 = arith.constant 0 : i32
        %scan3A_91 = arith.constant 32 : i32
        %scan3A_92 = arith.addi %scan3A_90, %scan3A_91 : i32
        %scan3A_93 = arith.constant 1 : i32
        %scan3A_94 = scf.for %scan3A_106 = %scan3A_90 to %scan3A_92 step %scan3A_93 iter_args(%scan3A_107 = %scan3A_89) -> (i32)  : i32 {
          %mul3A_108 = arith.constant 16 : i32
          %mul3A_109 = arith.muli %scan3A_106, %mul3A_108 : i32
          %mul3A_110 = arith.constant 16 : i32
          %mul3A_111 = arith.muli %mul3A_109, %mul3A_110 : i32
          %get3A = arith.constant 0 : i32
          %get3A_112 = arith.index_cast %get3A : i32 to index
          %get3A_113 = arith.index_cast %mul3A_109 : i32 to index
          %get3A_114 = tpu.vector_load %arg5[%get3A_112, %get3A_113] {strides = array<i32>} : memref<16x512xf32, #tpu.memory_space<vmem>>, vector<16xf32>,
          %add3A_115 = arith.constant 0 : i32
          %add3A_116 = arith.addi %mul3A_111, %add3A_115 : i32
          %add3A_117 = vector.broadcast %add3A_116 : i32 to vector<16xi32>
          %add3A_118 = arith.addi %mul3A_3, %add3A_117 : vector<16xi32>
          tpu.vector_store_idx %arg7[%add3A_118], %get3A_114 : memref<8192xf32, #tpu.memory_space<vmem>>[vector<16xi32>], vector<16xf32>,
          %get3A_119 = arith.constant 1 : i32
          %get3A_120 = arith.index_cast %get3A_119 : i32 to index
          %get3A_121 = arith.index_cast %mul3A_109 : i32 to index
          %get3A_122 = tpu.vector_load %arg5[%get3A_120, %get3A_121] {strides = array<i32>} : memref<16x512xf32, #tpu.memory_space<vmem>>, vector<16xf32>,
          %add3A_123 = arith.constant 1 : i32
          %add3A_124 = arith.addi %mul3A_111, %add3A_123 : i32
          %add3A_125 = vector.broadcast %add3A_124 : i32 to vector<16xi32>
          %add3A_126 = arith.addi %mul3A_3, %add3A_125 : vector<16xi32>
          tpu.vector_store_idx %arg7[%add3A_126], %get3A_122 : memref<8192xf32, #tpu.memory_space<vmem>>[vector<16xi32>], vector<16xf32>,
          %get3A_127 = arith.constant 2 : i32
          %get3A_128 = arith.index_cast %get3A_127 : i32 to index
          %get3A_129 = arith.index_cast %mul3A_109 : i32 to index
          %get3A_130 = tpu.vector_load %arg5[%get3A_128, %get3A_129] {strides = array<i32>} : memref<16x512xf32, #tpu.memory_space<vmem>>, vector<16xf32>,
          %add3A_131 = arith.constant 2 : i32
          %add3A_132 = arith.addi %mul3A_111, %add3A_131 : i32
          %add3A_133 = vector.broadcast %add3A_132 : i32 to vector<16xi32>
          %add3A_134 = arith.addi %mul3A_3, %add3A_133 : vector<16xi32>
          tpu.vector_store_idx %arg7[%add3A_134], %get3A_130 : memref<8192xf32, #tpu.memory_space<vmem>>[vector<16xi32>], vector<16xf32>,
          %get3A_135 = arith.constant 3 : i32
          %get3A_136 = arith.index_cast %get3A_135 : i32 to index
          %get3A_137 = arith.index_cast %mul3A_109 : i32 to index
          %get3A_138 = tpu.vector_load %arg5[%get3A_136, %get3A_137] {strides = array<i32>} : memref<16x512xf32, #tpu.memory_space<vmem>>, vector<16xf32>,
          %add3A_139 = arith.constant 3 : i32
          %add3A_140 = arith.addi %mul3A_111, %add3A_139 : i32
          %add3A_141 = vector.broadcast %add3A_140 : i32 to vector<16xi32>
          %add3A_142 = arith.addi %mul3A_3, %add3A_141 : vector<16xi32>
          tpu.vector_store_idx %arg7[%add3A_142], %get3A_138 : memref<8192xf32, #tpu.memory_space<vmem>>[vector<16xi32>], vector<16xf32>,
          %get3A_143 = arith.constant 4 : i32
          %get3A_144 = arith.index_cast %get3A_143 : i32 to index
          %get3A_145 = arith.index_cast %mul3A_109 : i32 to index
          %get3A_146 = tpu.vector_load %arg5[%get3A_144, %get3A_145] {strides = array<i32>} : memref<16x512xf32, #tpu.memory_space<vmem>>, vector<16xf32>,
          %add3A_147 = arith.constant 4 : i32
          %add3A_148 = arith.addi %mul3A_111, %add3A_147 : i32
          %add3A_149 = vector.broadcast %add3A_148 : i32 to vector<16xi32>
          %add3A_150 = arith.addi %mul3A_3, %add3A_149 : vector<16xi32>
          tpu.vector_store_idx %arg7[%add3A_150], %get3A_146 : memref<8192xf32, #tpu.memory_space<vmem>>[vector<16xi32>], vector<16xf32>,
          %get3A_151 = arith.constant 5 : i32
          %get3A_152 = arith.index_cast %get3A_151 : i32 to index
          %get3A_153 = arith.index_cast %mul3A_109 : i32 to index
          %get3A_154 = tpu.vector_load %arg5[%get3A_152, %get3A_153] {strides = array<i32>} : memref<16x512xf32, #tpu.memory_space<vmem>>, vector<16xf32>,
          %add3A_155 = arith.constant 5 : i32
          %add3A_156 = arith.addi %mul3A_111, %add3A_155 : i32
          %add3A_157 = vector.broadcast %add3A_156 : i32 to vector<16xi32>
          %add3A_158 = arith.addi %mul3A_3, %add3A_157 : vector<16xi32>
          tpu.vector_store_idx %arg7[%add3A_158], %get3A_154 : memref<8192xf32, #tpu.memory_space<vmem>>[vector<16xi32>], vector<16xf32>,
          %get3A_159 = arith.constant 6 : i32
          %get3A_160 = arith.index_cast %get3A_159 : i32 to index
          %get3A_161 = arith.index_cast %mul3A_109 : i32 to index
          %get3A_162 = tpu.vector_load %arg5[%get3A_160, %get3A_161] {strides = array<i32>} : memref<16x512xf32, #tpu.memory_space<vmem>>, vector<16xf32>,
          %add3A_163 = arith.constant 6 : i32
          %add3A_164 = arith.addi %mul3A_111, %add3A_163 : i32
          %add3A_165 = vector.broadcast %add3A_164 : i32 to vector<16xi32>
          %add3A_166 = arith.addi %mul3A_3, %add3A_165 : vector<16xi32>
          tpu.vector_store_idx %arg7[%add3A_166], %get3A_162 : memref<8192xf32, #tpu.memory_space<vmem>>[vector<16xi32>], vector<16xf32>,
          %get3A_167 = arith.constant 7 : i32
          %get3A_168 = arith.index_cast %get3A_167 : i32 to index
          %get3A_169 = arith.index_cast %mul3A_109 : i32 to index
          %get3A_170 = tpu.vector_load %arg5[%get3A_168, %get3A_169] {strides = array<i32>} : memref<16x512xf32, #tpu.memory_space<vmem>>, vector<16xf32>,
          %add3A_171 = arith.constant 7 : i32
          %add3A_172 = arith.addi %mul3A_111, %add3A_171 : i32
          %add3A_173 = vector.broadcast %add3A_172 : i32 to vector<16xi32>
          %add3A_174 = arith.addi %mul3A_3, %add3A_173 : vector<16xi32>
          tpu.vector_store_idx %arg7[%add3A_174], %get3A_170 : memref<8192xf32, #tpu.memory_space<vmem>>[vector<16xi32>], vector<16xf32>,
          %get3A_175 = arith.constant 8 : i32
          %get3A_176 = arith.index_cast %get3A_175 : i32 to index
          %get3A_177 = arith.index_cast %mul3A_109 : i32 to index
          %get3A_178 = tpu.vector_load %arg5[%get3A_176, %get3A_177] {strides = array<i32>} : memref<16x512xf32, #tpu.memory_space<vmem>>, vector<16xf32>,
          %add3A_179 = arith.constant 8 : i32
          %add3A_180 = arith.addi %mul3A_111, %add3A_179 : i32
          %add3A_181 = vector.broadcast %add3A_180 : i32 to vector<16xi32>
          %add3A_182 = arith.addi %mul3A_3, %add3A_181 : vector<16xi32>
          tpu.vector_store_idx %arg7[%add3A_182], %get3A_178 : memref<8192xf32, #tpu.memory_space<vmem>>[vector<16xi32>], vector<16xf32>,
          %get3A_183 = arith.constant 9 : i32
          %get3A_184 = arith.index_cast %get3A_183 : i32 to index
          %get3A_185 = arith.index_cast %mul3A_109 : i32 to index
          %get3A_186 = tpu.vector_load %arg5[%get3A_184, %get3A_185] {strides = array<i32>} : memref<16x512xf32, #tpu.memory_space<vmem>>, vector<16xf32>,
          %add3A_187 = arith.constant 9 : i32
          %add3A_188 = arith.addi %mul3A_111, %add3A_187 : i32
          %add3A_189 = vector.broadcast %add3A_188 : i32 to vector<16xi32>
          %add3A_190 = arith.addi %mul3A_3, %add3A_189 : vector<16xi32>
          tpu.vector_store_idx %arg7[%add3A_190], %get3A_186 : memref<8192xf32, #tpu.memory_space<vmem>>[vector<16xi32>], vector<16xf32>,
          %get3A_191 = arith.constant 10 : i32
          %get3A_192 = arith.index_cast %get3A_191 : i32 to index
          %get3A_193 = arith.index_cast %mul3A_109 : i32 to index
          %get3A_194 = tpu.vector_load %arg5[%get3A_192, %get3A_193] {strides = array<i32>} : memref<16x512xf32, #tpu.memory_space<vmem>>, vector<16xf32>,
          %add3A_195 = arith.constant 10 : i32
          %add3A_196 = arith.addi %mul3A_111, %add3A_195 : i32
          %add3A_197 = vector.broadcast %add3A_196 : i32 to vector<16xi32>
          %add3A_198 = arith.addi %mul3A_3, %add3A_197 : vector<16xi32>
          tpu.vector_store_idx %arg7[%add3A_198], %get3A_194 : memref<8192xf32, #tpu.memory_space<vmem>>[vector<16xi32>], vector<16xf32>,
          %get3A_199 = arith.constant 11 : i32
          %get3A_200 = arith.index_cast %get3A_199 : i32 to index
          %get3A_201 = arith.index_cast %mul3A_109 : i32 to index
          %get3A_202 = tpu.vector_load %arg5[%get3A_200, %get3A_201] {strides = array<i32>} : memref<16x512xf32, #tpu.memory_space<vmem>>, vector<16xf32>,
          %add3A_203 = arith.constant 11 : i32
          %add3A_204 = arith.addi %mul3A_111, %add3A_203 : i32
          %add3A_205 = vector.broadcast %add3A_204 : i32 to vector<16xi32>
          %add3A_206 = arith.addi %mul3A_3, %add3A_205 : vector<16xi32>
          tpu.vector_store_idx %arg7[%add3A_206], %get3A_202 : memref<8192xf32, #tpu.memory_space<vmem>>[vector<16xi32>], vector<16xf32>,
          %get3A_207 = arith.constant 12 : i32
          %get3A_208 = arith.index_cast %get3A_207 : i32 to index
          %get3A_209 = arith.index_cast %mul3A_109 : i32 to index
          %get3A_210 = tpu.vector_load %arg5[%get3A_208, %get3A_209] {strides = array<i32>} : memref<16x512xf32, #tpu.memory_space<vmem>>, vector<16xf32>,
          %add3A_211 = arith.constant 12 : i32
          %add3A_212 = arith.addi %mul3A_111, %add3A_211 : i32
          %add3A_213 = vector.broadcast %add3A_212 : i32 to vector<16xi32>
          %add3A_214 = arith.addi %mul3A_3, %add3A_213 : vector<16xi32>
          tpu.vector_store_idx %arg7[%add3A_214], %get3A_210 : memref<8192xf32, #tpu.memory_space<vmem>>[vector<16xi32>], vector<16xf32>,
          %get3A_215 = arith.constant 13 : i32
          %get3A_216 = arith.index_cast %get3A_215 : i32 to index
          %get3A_217 = arith.index_cast %mul3A_109 : i32 to index
          %get3A_218 = tpu.vector_load %arg5[%get3A_216, %get3A_217] {strides = array<i32>} : memref<16x512xf32, #tpu.memory_space<vmem>>, vector<16xf32>,
          %add3A_219 = arith.constant 13 : i32
          %add3A_220 = arith.addi %mul3A_111, %add3A_219 : i32
          %add3A_221 = vector.broadcast %add3A_220 : i32 to vector<16xi32>
          %add3A_222 = arith.addi %mul3A_3, %add3A_221 : vector<16xi32>
          tpu.vector_store_idx %arg7[%add3A_222], %get3A_218 : memref<8192xf32, #tpu.memory_space<vmem>>[vector<16xi32>], vector<16xf32>,
          %get3A_223 = arith.constant 14 : i32
          %get3A_224 = arith.index_cast %get3A_223 : i32 to index
          %get3A_225 = arith.index_cast %mul3A_109 : i32 to index
          %get3A_226 = tpu.vector_load %arg5[%get3A_224, %get3A_225] {strides = array<i32>} : memref<16x512xf32, #tpu.memory_space<vmem>>, vector<16xf32>,
          %add3A_227 = arith.constant 14 : i32
          %add3A_228 = arith.addi %mul3A_111, %add3A_227 : i32
          %add3A_229 = vector.broadcast %add3A_228 : i32 to vector<16xi32>
          %add3A_230 = arith.addi %mul3A_3, %add3A_229 : vector<16xi32>
          tpu.vector_store_idx %arg7[%add3A_230], %get3A_226 : memref<8192xf32, #tpu.memory_space<vmem>>[vector<16xi32>], vector<16xf32>,
          %get3A_231 = arith.constant 15 : i32
          %get3A_232 = arith.index_cast %get3A_231 : i32 to index
          %get3A_233 = arith.index_cast %mul3A_109 : i32 to index
          %get3A_234 = tpu.vector_load %arg5[%get3A_232, %get3A_233] {strides = array<i32>} : memref<16x512xf32, #tpu.memory_space<vmem>>, vector<16xf32>,
          %add3A_235 = arith.constant 15 : i32
          %add3A_236 = arith.addi %mul3A_111, %add3A_235 : i32
          %add3A_237 = vector.broadcast %add3A_236 : i32 to vector<16xi32>
          %add3A_238 = arith.addi %mul3A_3, %add3A_237 : vector<16xi32>
          tpu.vector_store_idx %arg7[%add3A_238], %get3A_234 : memref<8192xf32, #tpu.memory_space<vmem>>[vector<16xi32>], vector<16xf32>,
          %scan3A_239 = arith.constant 0 : i32
          scf.yield %scan3A_239 : i32
        }
        %scan3A_95 = arith.constant 32 : i32
        %mul3A_96 = arith.constant 16 : i32
        %mul3A_97 = arith.muli %multiple_of3A_80, %mul3A_96 : i32
        %dma_start3A_98 = tpu.memref_slice %arg4[%mul3A_97] : memref<16000000xf32, #tpu.memory_space<hbm>> -> memref<8192xf32, #tpu.memory_space<hbm>>
        %dma_start3A_99 = tpu.memref_slice %arg4[%mul3A_97] : memref<16000000xf32, #tpu.memory_space<hbm>> -> memref<8192xf32, #tpu.memory_space<hbm>>
        tpu.enqueue_dma source(%arg7 : memref<8192xf32, #tpu.memory_space<vmem>>) target(%dma_start3A_99 : memref<8192xf32, #tpu.memory_space<hbm>>) target_semaphore(%arg11 : memref<!tpu.dma_semaphore, #tpu.memory_space<semaphore_mem>>)
        %add3A_100 = arith.constant 2 : i32
        %add3A_101 = arith.addi %add3A_62, %add3A_100 : i32
        %lt3A_102 = arith.cmpi slt, %add3A_101, %select_n3A : i32
        %convert_element_type3A_103 = arith.extui %lt3A_102 : i1 to i32
        %cond3A_104 = arith.constant 0 : i32
        %cond3A_105 = arith.cmpi ne, %convert_element_type3A_103, %cond3A_104 : i32
        scf.if %cond3A_105 {
          %add3A_106 = arith.constant 2 : i32
          %add3A_107 = arith.addi %add3A_62, %add3A_106 : i32
          %mul3A_108 = arith.constant 32 : i32
          %mul3A_109 = arith.muli %add3A_107, %mul3A_108 : i32
          %add3A_110 = arith.addi %add3A, %mul3A_109 : i32
          %mul3A_111 = arith.constant 512 : i32
          %mul3A_112 = arith.muli %add3A_110, %mul3A_111 : i32
          %multiple_of3A_113 = tpu.assume_multiple %mul3A_112, 512 : i32
          %dma_start3A_114 = arith.constant 0 : i32
          %dma_start3A_115 = tpu.memref_slice %arg2[%dma_start3A_114, %multiple_of3A_113] : memref<16x1000000xf32, #tpu.memory_space<hbm>> -> memref<16x512xf32, #tpu.memory_space<hbm>>
          %dma_start3A_116 = arith.constant 0 : i32
          %dma_start3A_117 = tpu.memref_slice %arg2[%dma_start3A_116, %multiple_of3A_113] : memref<16x1000000xf32, #tpu.memory_space<hbm>> -> memref<16x512xf32, #tpu.memory_space<hbm>>
          tpu.enqueue_dma source(%dma_start3A_117 : memref<16x512xf32, #tpu.memory_space<hbm>>) target(%arg5 : memref<16x512xf32, #tpu.memory_space<vmem>>) target_semaphore(%arg9 : memref<!tpu.dma_semaphore, #tpu.memory_space<semaphore_mem>>)
        } else {
        }
      } else {
      }
      %mul3A_66 = arith.constant 2 : i32
      %mul3A_67 = arith.muli %mul3A_66, %scan3A_57 : i32
      %add3A_68 = arith.constant 1 : i32
      %add3A_69 = arith.addi %mul3A_67, %add3A_68 : i32
      %lt3A_70 = arith.cmpi slt, %add3A_69, %select_n3A : i32
      %convert_element_type3A_71 = arith.extui %lt3A_70 : i1 to i32
      %cond3A_72 = arith.constant 0 : i32
      %cond3A_73 = arith.cmpi ne, %convert_element_type3A_71, %cond3A_72 : i32
      scf.if %cond3A_73 {
        %mul3A_75 = arith.constant 32 : i32
        %mul3A_76 = arith.muli %add3A_69, %mul3A_75 : i32
        %add3A_77 = arith.addi %add3A, %mul3A_76 : i32
        %mul3A_78 = arith.constant 512 : i32
        %mul3A_79 = arith.muli %add3A_77, %mul3A_78 : i32
        %multiple_of3A_80 = tpu.assume_multiple %mul3A_79, 512 : i32
        %dma_wait3A_81 = arith.constant 0 : i32
        %dma_wait3A_82 = tpu.memref_slice %arg2[%dma_wait3A_81, %multiple_of3A_80] : memref<16x1000000xf32, #tpu.memory_space<hbm>> -> memref<16x512xf32, #tpu.memory_space<hbm>>
        %dma_wait3A_83 = arith.constant 0 : i32
        %dma_wait3A_84 = tpu.memref_slice %arg2[%dma_wait3A_83, %multiple_of3A_80] : memref<16x1000000xf32, #tpu.memory_space<hbm>> -> memref<16x512xf32, #tpu.memory_space<hbm>>
        tpu.wait_dma2 semaphore(%arg10 : memref<!tpu.dma_semaphore, #tpu.memory_space<semaphore_mem>>) src(%dma_wait3A_84 : memref<16x512xf32, #tpu.memory_space<hbm>>) dst(%arg6 : memref<16x512xf32, #tpu.memory_space<vmem>>)
        %ge3A = arith.constant 2 : i32
        %ge3A_85 = arith.cmpi sge, %add3A_69, %ge3A : i32
        %convert_element_type3A_86 = arith.extui %ge3A_85 : i1 to i32
        %cond3A_87 = arith.constant 0 : i32
        %cond3A_88 = arith.cmpi ne, %convert_element_type3A_86, %cond3A_87 : i32
        scf.if %cond3A_88 {
          %dma_wait3A_106 = arith.constant 0 : i32
          %dma_wait3A_107 = tpu.memref_slice %arg4[%dma_wait3A_106] : memref<16000000xf32, #tpu.memory_space<hbm>> -> memref<8192xf32, #tpu.memory_space<hbm>>
          %dma_wait3A_108 = arith.constant 0 : i32
          %dma_wait3A_109 = tpu.memref_slice %arg4[%dma_wait3A_108] : memref<16000000xf32, #tpu.memory_space<hbm>> -> memref<8192xf32, #tpu.memory_space<hbm>>
          tpu.wait_dma2 semaphore(%arg12 : memref<!tpu.dma_semaphore, #tpu.memory_space<semaphore_mem>>) src(%arg8 : memref<8192xf32, #tpu.memory_space<vmem>>) dst(%dma_wait3A_109 : memref<8192xf32, #tpu.memory_space<hbm>>)
        } else {
        }
        %scan3A_89 = arith.constant 0 : i32
        %scan3A_90 = arith.constant 0 : i32
        %scan3A_91 = arith.constant 32 : i32
        %scan3A_92 = arith.addi %scan3A_90, %scan3A_91 : i32
        %scan3A_93 = arith.constant 1 : i32
        %scan3A_94 = scf.for %scan3A_106 = %scan3A_90 to %scan3A_92 step %scan3A_93 iter_args(%scan3A_107 = %scan3A_89) -> (i32)  : i32 {
          %mul3A_108 = arith.constant 16 : i32
          %mul3A_109 = arith.muli %scan3A_106, %mul3A_108 : i32
          %mul3A_110 = arith.constant 16 : i32
          %mul3A_111 = arith.muli %mul3A_109, %mul3A_110 : i32
          %get3A = arith.constant 0 : i32
          %get3A_112 = arith.index_cast %get3A : i32 to index
          %get3A_113 = arith.index_cast %mul3A_109 : i32 to index
          %get3A_114 = tpu.vector_load %arg6[%get3A_112, %get3A_113] {strides = array<i32>} : memref<16x512xf32, #tpu.memory_space<vmem>>, vector<16xf32>,
          %add3A_115 = arith.constant 0 : i32
          %add3A_116 = arith.addi %mul3A_111, %add3A_115 : i32
          %add3A_117 = vector.broadcast %add3A_116 : i32 to vector<16xi32>
          %add3A_118 = arith.addi %mul3A_3, %add3A_117 : vector<16xi32>
          tpu.vector_store_idx %arg8[%add3A_118], %get3A_114 : memref<8192xf32, #tpu.memory_space<vmem>>[vector<16xi32>], vector<16xf32>,
          %get3A_119 = arith.constant 1 : i32
          %get3A_120 = arith.index_cast %get3A_119 : i32 to index
          %get3A_121 = arith.index_cast %mul3A_109 : i32 to index
          %get3A_122 = tpu.vector_load %arg6[%get3A_120, %get3A_121] {strides = array<i32>} : memref<16x512xf32, #tpu.memory_space<vmem>>, vector<16xf32>,
          %add3A_123 = arith.constant 1 : i32
          %add3A_124 = arith.addi %mul3A_111, %add3A_123 : i32
          %add3A_125 = vector.broadcast %add3A_124 : i32 to vector<16xi32>
          %add3A_126 = arith.addi %mul3A_3, %add3A_125 : vector<16xi32>
          tpu.vector_store_idx %arg8[%add3A_126], %get3A_122 : memref<8192xf32, #tpu.memory_space<vmem>>[vector<16xi32>], vector<16xf32>,
          %get3A_127 = arith.constant 2 : i32
          %get3A_128 = arith.index_cast %get3A_127 : i32 to index
          %get3A_129 = arith.index_cast %mul3A_109 : i32 to index
          %get3A_130 = tpu.vector_load %arg6[%get3A_128, %get3A_129] {strides = array<i32>} : memref<16x512xf32, #tpu.memory_space<vmem>>, vector<16xf32>,
          %add3A_131 = arith.constant 2 : i32
          %add3A_132 = arith.addi %mul3A_111, %add3A_131 : i32
          %add3A_133 = vector.broadcast %add3A_132 : i32 to vector<16xi32>
          %add3A_134 = arith.addi %mul3A_3, %add3A_133 : vector<16xi32>
          tpu.vector_store_idx %arg8[%add3A_134], %get3A_130 : memref<8192xf32, #tpu.memory_space<vmem>>[vector<16xi32>], vector<16xf32>,
          %get3A_135 = arith.constant 3 : i32
          %get3A_136 = arith.index_cast %get3A_135 : i32 to index
          %get3A_137 = arith.index_cast %mul3A_109 : i32 to index
          %get3A_138 = tpu.vector_load %arg6[%get3A_136, %get3A_137] {strides = array<i32>} : memref<16x512xf32, #tpu.memory_space<vmem>>, vector<16xf32>,
          %add3A_139 = arith.constant 3 : i32
          %add3A_140 = arith.addi %mul3A_111, %add3A_139 : i32
          %add3A_141 = vector.broadcast %add3A_140 : i32 to vector<16xi32>
          %add3A_142 = arith.addi %mul3A_3, %add3A_141 : vector<16xi32>
          tpu.vector_store_idx %arg8[%add3A_142], %get3A_138 : memref<8192xf32, #tpu.memory_space<vmem>>[vector<16xi32>], vector<16xf32>,
          %get3A_143 = arith.constant 4 : i32
          %get3A_144 = arith.index_cast %get3A_143 : i32 to index
          %get3A_145 = arith.index_cast %mul3A_109 : i32 to index
          %get3A_146 = tpu.vector_load %arg6[%get3A_144, %get3A_145] {strides = array<i32>} : memref<16x512xf32, #tpu.memory_space<vmem>>, vector<16xf32>,
          %add3A_147 = arith.constant 4 : i32
          %add3A_148 = arith.addi %mul3A_111, %add3A_147 : i32
          %add3A_149 = vector.broadcast %add3A_148 : i32 to vector<16xi32>
          %add3A_150 = arith.addi %mul3A_3, %add3A_149 : vector<16xi32>
          tpu.vector_store_idx %arg8[%add3A_150], %get3A_146 : memref<8192xf32, #tpu.memory_space<vmem>>[vector<16xi32>], vector<16xf32>,
          %get3A_151 = arith.constant 5 : i32
          %get3A_152 = arith.index_cast %get3A_151 : i32 to index
          %get3A_153 = arith.index_cast %mul3A_109 : i32 to index
          %get3A_154 = tpu.vector_load %arg6[%get3A_152, %get3A_153] {strides = array<i32>} : memref<16x512xf32, #tpu.memory_space<vmem>>, vector<16xf32>,
          %add3A_155 = arith.constant 5 : i32
          %add3A_156 = arith.addi %mul3A_111, %add3A_155 : i32
          %add3A_157 = vector.broadcast %add3A_156 : i32 to vector<16xi32>
          %add3A_158 = arith.addi %mul3A_3, %add3A_157 : vector<16xi32>
          tpu.vector_store_idx %arg8[%add3A_158], %get3A_154 : memref<8192xf32, #tpu.memory_space<vmem>>[vector<16xi32>], vector<16xf32>,
          %get3A_159 = arith.constant 6 : i32
          %get3A_160 = arith.index_cast %get3A_159 : i32 to index
          %get3A_161 = arith.index_cast %mul3A_109 : i32 to index
          %get3A_162 = tpu.vector_load %arg6[%get3A_160, %get3A_161] {strides = array<i32>} : memref<16x512xf32, #tpu.memory_space<vmem>>, vector<16xf32>,
          %add3A_163 = arith.constant 6 : i32
          %add3A_164 = arith.addi %mul3A_111, %add3A_163 : i32
          %add3A_165 = vector.broadcast %add3A_164 : i32 to vector<16xi32>
          %add3A_166 = arith.addi %mul3A_3, %add3A_165 : vector<16xi32>
          tpu.vector_store_idx %arg8[%add3A_166], %get3A_162 : memref<8192xf32, #tpu.memory_space<vmem>>[vector<16xi32>], vector<16xf32>,
          %get3A_167 = arith.constant 7 : i32
          %get3A_168 = arith.index_cast %get3A_167 : i32 to index
          %get3A_169 = arith.index_cast %mul3A_109 : i32 to index
          %get3A_170 = tpu.vector_load %arg6[%get3A_168, %get3A_169] {strides = array<i32>} : memref<16x512xf32, #tpu.memory_space<vmem>>, vector<16xf32>,
          %add3A_171 = arith.constant 7 : i32
          %add3A_172 = arith.addi %mul3A_111, %add3A_171 : i32
          %add3A_173 = vector.broadcast %add3A_172 : i32 to vector<16xi32>
          %add3A_174 = arith.addi %mul3A_3, %add3A_173 : vector<16xi32>
          tpu.vector_store_idx %arg8[%add3A_174], %get3A_170 : memref<8192xf32, #tpu.memory_space<vmem>>[vector<16xi32>], vector<16xf32>,
          %get3A_175 = arith.constant 8 : i32
          %get3A_176 = arith.index_cast %get3A_175 : i32 to index
          %get3A_177 = arith.index_cast %mul3A_109 : i32 to index
          %get3A_178 = tpu.vector_load %arg6[%get3A_176, %get3A_177] {strides = array<i32>} : memref<16x512xf32, #tpu.memory_space<vmem>>, vector<16xf32>,
          %add3A_179 = arith.constant 8 : i32
          %add3A_180 = arith.addi %mul3A_111, %add3A_179 : i32
          %add3A_181 = vector.broadcast %add3A_180 : i32 to vector<16xi32>
          %add3A_182 = arith.addi %mul3A_3, %add3A_181 : vector<16xi32>
          tpu.vector_store_idx %arg8[%add3A_182], %get3A_178 : memref<8192xf32, #tpu.memory_space<vmem>>[vector<16xi32>], vector<16xf32>,
          %get3A_183 = arith.constant 9 : i32
          %get3A_184 = arith.index_cast %get3A_183 : i32 to index
          %get3A_185 = arith.index_cast %mul3A_109 : i32 to index
          %get3A_186 = tpu.vector_load %arg6[%get3A_184, %get3A_185] {strides = array<i32>} : memref<16x512xf32, #tpu.memory_space<vmem>>, vector<16xf32>,
          %add3A_187 = arith.constant 9 : i32
          %add3A_188 = arith.addi %mul3A_111, %add3A_187 : i32
          %add3A_189 = vector.broadcast %add3A_188 : i32 to vector<16xi32>
          %add3A_190 = arith.addi %mul3A_3, %add3A_189 : vector<16xi32>
          tpu.vector_store_idx %arg8[%add3A_190], %get3A_186 : memref<8192xf32, #tpu.memory_space<vmem>>[vector<16xi32>], vector<16xf32>,
          %get3A_191 = arith.constant 10 : i32
          %get3A_192 = arith.index_cast %get3A_191 : i32 to index
          %get3A_193 = arith.index_cast %mul3A_109 : i32 to index
          %get3A_194 = tpu.vector_load %arg6[%get3A_192, %get3A_193] {strides = array<i32>} : memref<16x512xf32, #tpu.memory_space<vmem>>, vector<16xf32>,
          %add3A_195 = arith.constant 10 : i32
          %add3A_196 = arith.addi %mul3A_111, %add3A_195 : i32
          %add3A_197 = vector.broadcast %add3A_196 : i32 to vector<16xi32>
          %add3A_198 = arith.addi %mul3A_3, %add3A_197 : vector<16xi32>
          tpu.vector_store_idx %arg8[%add3A_198], %get3A_194 : memref<8192xf32, #tpu.memory_space<vmem>>[vector<16xi32>], vector<16xf32>,
          %get3A_199 = arith.constant 11 : i32
          %get3A_200 = arith.index_cast %get3A_199 : i32 to index
          %get3A_201 = arith.index_cast %mul3A_109 : i32 to index
          %get3A_202 = tpu.vector_load %arg6[%get3A_200, %get3A_201] {strides = array<i32>} : memref<16x512xf32, #tpu.memory_space<vmem>>, vector<16xf32>,
          %add3A_203 = arith.constant 11 : i32
          %add3A_204 = arith.addi %mul3A_111, %add3A_203 : i32
          %add3A_205 = vector.broadcast %add3A_204 : i32 to vector<16xi32>
          %add3A_206 = arith.addi %mul3A_3, %add3A_205 : vector<16xi32>
          tpu.vector_store_idx %arg8[%add3A_206], %get3A_202 : memref<8192xf32, #tpu.memory_space<vmem>>[vector<16xi32>], vector<16xf32>,
          %get3A_207 = arith.constant 12 : i32
          %get3A_208 = arith.index_cast %get3A_207 : i32 to index
          %get3A_209 = arith.index_cast %mul3A_109 : i32 to index
          %get3A_210 = tpu.vector_load %arg6[%get3A_208, %get3A_209] {strides = array<i32>} : memref<16x512xf32, #tpu.memory_space<vmem>>, vector<16xf32>,
          %add3A_211 = arith.constant 12 : i32
          %add3A_212 = arith.addi %mul3A_111, %add3A_211 : i32
          %add3A_213 = vector.broadcast %add3A_212 : i32 to vector<16xi32>
          %add3A_214 = arith.addi %mul3A_3, %add3A_213 : vector<16xi32>
          tpu.vector_store_idx %arg8[%add3A_214], %get3A_210 : memref<8192xf32, #tpu.memory_space<vmem>>[vector<16xi32>], vector<16xf32>,
          %get3A_215 = arith.constant 13 : i32
          %get3A_216 = arith.index_cast %get3A_215 : i32 to index
          %get3A_217 = arith.index_cast %mul3A_109 : i32 to index
          %get3A_218 = tpu.vector_load %arg6[%get3A_216, %get3A_217] {strides = array<i32>} : memref<16x512xf32, #tpu.memory_space<vmem>>, vector<16xf32>,
          %add3A_219 = arith.constant 13 : i32
          %add3A_220 = arith.addi %mul3A_111, %add3A_219 : i32
          %add3A_221 = vector.broadcast %add3A_220 : i32 to vector<16xi32>
          %add3A_222 = arith.addi %mul3A_3, %add3A_221 : vector<16xi32>
          tpu.vector_store_idx %arg8[%add3A_222], %get3A_218 : memref<8192xf32, #tpu.memory_space<vmem>>[vector<16xi32>], vector<16xf32>,
          %get3A_223 = arith.constant 14 : i32
          %get3A_224 = arith.index_cast %get3A_223 : i32 to index
          %get3A_225 = arith.index_cast %mul3A_109 : i32 to index
          %get3A_226 = tpu.vector_load %arg6[%get3A_224, %get3A_225] {strides = array<i32>} : memref<16x512xf32, #tpu.memory_space<vmem>>, vector<16xf32>,
          %add3A_227 = arith.constant 14 : i32
          %add3A_228 = arith.addi %mul3A_111, %add3A_227 : i32
          %add3A_229 = vector.broadcast %add3A_228 : i32 to vector<16xi32>
          %add3A_230 = arith.addi %mul3A_3, %add3A_229 : vector<16xi32>
          tpu.vector_store_idx %arg8[%add3A_230], %get3A_226 : memref<8192xf32, #tpu.memory_space<vmem>>[vector<16xi32>], vector<16xf32>,
          %get3A_231 = arith.constant 15 : i32
          %get3A_232 = arith.index_cast %get3A_231 : i32 to index
          %get3A_233 = arith.index_cast %mul3A_109 : i32 to index
          %get3A_234 = tpu.vector_load %arg6[%get3A_232, %get3A_233] {strides = array<i32>} : memref<16x512xf32, #tpu.memory_space<vmem>>, vector<16xf32>,
          %add3A_235 = arith.constant 15 : i32
          %add3A_236 = arith.addi %mul3A_111, %add3A_235 : i32
          %add3A_237 = vector.broadcast %add3A_236 : i32 to vector<16xi32>
          %add3A_238 = arith.addi %mul3A_3, %add3A_237 : vector<16xi32>
          tpu.vector_store_idx %arg8[%add3A_238], %get3A_234 : memref<8192xf32, #tpu.memory_space<vmem>>[vector<16xi32>], vector<16xf32>,
          %scan3A_239 = arith.constant 0 : i32
          scf.yield %scan3A_239 : i32
        }
        %scan3A_95 = arith.constant 32 : i32
        %mul3A_96 = arith.constant 16 : i32
        %mul3A_97 = arith.muli %multiple_of3A_80, %mul3A_96 : i32
        %dma_start3A_98 = tpu.memref_slice %arg4[%mul3A_97] : memref<16000000xf32, #tpu.memory_space<hbm>> -> memref<8192xf32, #tpu.memory_space<hbm>>
        %dma_start3A_99 = tpu.memref_slice %arg4[%mul3A_97] : memref<16000000xf32, #tpu.memory_space<hbm>> -> memref<8192xf32, #tpu.memory_space<hbm>>
        tpu.enqueue_dma source(%arg8 : memref<8192xf32, #tpu.memory_space<vmem>>) target(%dma_start3A_99 : memref<8192xf32, #tpu.memory_space<hbm>>) target_semaphore(%arg12 : memref<!tpu.dma_semaphore, #tpu.memory_space<semaphore_mem>>)
        %add3A_100 = arith.constant 2 : i32
        %add3A_101 = arith.addi %add3A_69, %add3A_100 : i32
        %lt3A_102 = arith.cmpi slt, %add3A_101, %select_n3A : i32
        %convert_element_type3A_103 = arith.extui %lt3A_102 : i1 to i32
        %cond3A_104 = arith.constant 0 : i32
        %cond3A_105 = arith.cmpi ne, %convert_element_type3A_103, %cond3A_104 : i32
        scf.if %cond3A_105 {
          %add3A_106 = arith.constant 2 : i32
          %add3A_107 = arith.addi %add3A_69, %add3A_106 : i32
          %mul3A_108 = arith.constant 32 : i32
          %mul3A_109 = arith.muli %add3A_107, %mul3A_108 : i32
          %add3A_110 = arith.addi %add3A, %mul3A_109 : i32
          %mul3A_111 = arith.constant 512 : i32
          %mul3A_112 = arith.muli %add3A_110, %mul3A_111 : i32
          %multiple_of3A_113 = tpu.assume_multiple %mul3A_112, 512 : i32
          %dma_start3A_114 = arith.constant 0 : i32
          %dma_start3A_115 = tpu.memref_slice %arg2[%dma_start3A_114, %multiple_of3A_113] : memref<16x1000000xf32, #tpu.memory_space<hbm>> -> memref<16x512xf32, #tpu.memory_space<hbm>>
          %dma_start3A_116 = arith.constant 0 : i32
          %dma_start3A_117 = tpu.memref_slice %arg2[%dma_start3A_116, %multiple_of3A_113] : memref<16x1000000xf32, #tpu.memory_space<hbm>> -> memref<16x512xf32, #tpu.memory_space<hbm>>
          tpu.enqueue_dma source(%dma_start3A_117 : memref<16x512xf32, #tpu.memory_space<hbm>>) target(%arg6 : memref<16x512xf32, #tpu.memory_space<vmem>>) target_semaphore(%arg10 : memref<!tpu.dma_semaphore, #tpu.memory_space<semaphore_mem>>)
        } else {
        }
      } else {
      }
      %scan3A_74 = arith.constant 0 : i32
      scf.yield %scan3A_74 : i32
    }
    %scan3A_47 = arith.constant 31 : i32
    %dma_wait3A = arith.constant 0 : i32
    %dma_wait3A_48 = tpu.memref_slice %arg4[%dma_wait3A] : memref<16000000xf32, #tpu.memory_space<hbm>> -> memref<8192xf32, #tpu.memory_space<hbm>>
    %dma_wait3A_49 = arith.constant 0 : i32
    %dma_wait3A_50 = tpu.memref_slice %arg4[%dma_wait3A_49] : memref<16000000xf32, #tpu.memory_space<hbm>> -> memref<8192xf32, #tpu.memory_space<hbm>>
    tpu.wait_dma2 semaphore(%arg11 : memref<!tpu.dma_semaphore, #tpu.memory_space<semaphore_mem>>) src(%arg7 : memref<8192xf32, #tpu.memory_space<vmem>>) dst(%dma_wait3A_50 : memref<8192xf32, #tpu.memory_space<hbm>>)
    %dma_wait3A_51 = arith.constant 0 : i32
    %dma_wait3A_52 = tpu.memref_slice %arg4[%dma_wait3A_51] : memref<16000000xf32, #tpu.memory_space<hbm>> -> memref<8192xf32, #tpu.memory_space<hbm>>
    %dma_wait3A_53 = arith.constant 0 : i32
    %dma_wait3A_54 = tpu.memref_slice %arg4[%dma_wait3A_53] : memref<16000000xf32, #tpu.memory_space<hbm>> -> memref<8192xf32, #tpu.memory_space<hbm>>
    tpu.wait_dma2 semaphore(%arg12 : memref<!tpu.dma_semaphore, #tpu.memory_space<semaphore_mem>>) src(%arg8 : memref<8192xf32, #tpu.memory_space<vmem>>) dst(%dma_wait3A_54 : memref<8192xf32, #tpu.memory_space<hbm>>)
    %eq3A = arith.constant 31 : i32
    %eq3A_55 = arith.cmpi eq, %add3A, %eq3A : i32
    %convert_element_type3A = arith.extui %eq3A_55 : i1 to i32
    %cond3A = arith.constant 0 : i32
    %cond3A_56 = arith.cmpi ne, %convert_element_type3A, %cond3A : i32
    scf.if %cond3A_56 {
      "tpu.region"() ({
        %run_scoped3A = tpu.sem_alloc : memref<!tpu.dma_semaphore, #tpu.memory_space<semaphore_mem>>
        %dma_start3A_57 = arith.constant 15998976 : i32
        %dma_start3A_58 = tpu.memref_slice %arg4[%dma_start3A_57] : memref<16000000xf32, #tpu.memory_space<hbm>> -> memref<1024xf32, #tpu.memory_space<hbm>>
        tpu.enqueue_dma source(%arg3 : memref<1024xf32, #tpu.memory_space<hbm>>) target(%dma_start3A_58 : memref<1024xf32, #tpu.memory_space<hbm>>) target_semaphore(%run_scoped3A : memref<!tpu.dma_semaphore, #tpu.memory_space<semaphore_mem>>)
        %dma_wait3A_59 = arith.constant 15998976 : i32
        %dma_wait3A_60 = tpu.memref_slice %arg4[%dma_wait3A_59] : memref<16000000xf32, #tpu.memory_space<hbm>> -> memref<1024xf32, #tpu.memory_space<hbm>>
        tpu.wait_dma2 semaphore(%run_scoped3A : memref<!tpu.dma_semaphore, #tpu.memory_space<semaphore_mem>>) src(%arg3 : memref<1024xf32, #tpu.memory_space<hbm>>) dst(%dma_wait3A_60 : memref<1024xf32, #tpu.memory_space<hbm>>)
        tpu.yield
      }) : () -> ()
    } else {
    }
    return
  }
}

</mosaic_0001>

<sc_bundles>
// kernel: _fm_call.4.cloned.1.call-start
scs
__scs_entry_jumppad:
0x0: {  	(pc) =	sbr.rel $0x88, $3  }
0x1: {  	(tag) =	ssettag $0x0;
	lr =	simm.s32 $0x1  }
0x2: {  	[smem:$0x3F9D] =	sst lr;
	_ =	strace $0xD0000000  }
0x3: {  	_ = 	snop  }
0x4: {  	_ = 	snop  }
0x5: {  	_ = 	snop  }
0x6: {  	_ = 	snop  }
0x7: {  	_ = 	snop  }
__scs_overlays_trampoline_lowered:
0x8: {  	[smem:$0x3FAC] =	sst s0  }
0x9: {  	[smem:$0x3FAD] =	sst s1  }
0xa: {  	[smem:$0x3FAE] =	sst s2  }
0xb: {  	[smem:$0x3FAF] =	sst s3  }
0xc: {  	[smem:$0x3FB0] =	sst s4  }
0xd: {  	[smem:$0x3FB1] =	sst s5  }
0xe: {  	[smem:$0x3FB2] =	sst s6  }
0xf: {  	[smem:$0x3FB3] =	sst s7  }
0x10: {  	[smem:$0x3FB4] =	sst s8  }
0x11: {  	[smem:$0x3FB5] =	sst s9;
	s0 =	simm.s32 @!p0 $0x0  }
0x12: {  	s1 =	sld [smem:$0x3F9B];
	s0 =	simm.s32 @p0 $0x1  }
0x13: {  	[smem:$0x3FB6] =	sst s0;
	s0 =	simm.s32 @!p1 $0x0  }
0x14: {  	s2 =	sld [smem:$0x3F9A];
	s0 =	simm.s32 @p1 $0x1  }
0x15: {  	[smem:$0x3FB7] =	sst s0;
	s0 =	simm.s32 @!p2 $0x0  }
0x16: {  	s3 =	sld [smem:$0x3FDB];
	s0 =	simm.s32 @p2 $0x1  }
0x17: {  	s4 =	simm.s32 $0x1BF5;
	[smem:$0x3FB9] =	sst s0  }
0x18: {  	s0 =	sld [smem:$0x3F9C];
	_ =	swait.ge [sflag:s4], $0x0  }
0x19: {  	s7 =	sld [smem:$0x3F9D]  }
0x1a: {  	s8 =	sadd.s32 $0xFFFFE003, lr  }
0x1b: {  	s9 =	sadd.s32 $0xFFFFFEF7, lr;
	s5 =	simm.s32 $0xFFFFFFFF;
	p2 =	slt.u32 s8, $0xFFFFF086  }
0x1c: {  	p1 =	slt.u32 s9, $0xF7A;
	s5 =	simm.s32 @!p2 $0x0  }
0x1d: {  	s5 =	simm.s32 @p1 $0x1;
	p0 =	seq.s32 s7, s2  }
0x1e: {  	s7 =	smul.u32 @!p0 $0xF7A, s2;
	p2 =	seq.s32 @!p0 s5, $0x0  }
0x1f: {  	s9 =	smul.u32 $0xF7A, s1;
	s8 =	simm.s32 @!p0 $0x1BF5;
	p2 =	por !p2, p0  }
0x20: {  	[sflag:s8] =	ssyncset.s32 @!p0 $0xFFFFF086;
	s6 =	sadd.s32 @!p0 s3, s7;
	s7 =	simm.s32 @!p0 $0x108  }
0x21: {  	s3 =	sadd.s32 s3, s9;
	s6 =	sadd.s32 @!p0 $0x88, s6;
	s7 =	simm.s32 @p2 $0x1082  }
0x22: {  	[simem:s7], [sflag:s8] =	dma.local @!p0 [hbm:s6], $0xF7A  }
0x23: {  	s9 =	sor.u32 $0xD0000000, s2;
	s6 =	simm.s32 $0x108;
	_ =	swait.ge @!p0 [sflag:s8], $0x0  }
0x24: {  	s3 =	sadd.s32 $0x88, s3;
	s6 =	simm.s32 @!p1 $0x1082;
	[sflag:s4] =	ssyncset.s32 $0xFFFFF086  }
0x25: {  	[simem:s6], [sflag:s4] =	dma.local [hbm:s3], $0xF7A  }
0x26: {  	[smem:$0x3F9D] =	sst s1;
	(tag) =	ssettag s2;
	_ =	strace s9  }
0x27: {  	s1 =	sld [smem:$0x3FAD]  }
0x28: {  	s2 =	sld [smem:$0x3FAE]  }
0x29: {  	s4 =	sld [smem:$0x3FB0]  }
0x2a: {  	p0 =	seq.s32 s5, $0x0;
	s5 =	sld [smem:$0x3FB1]  }
0x2b: {  	s6 =	sld [smem:$0x3FB2]  }
0x2c: {  	s7 =	sld [smem:$0x3FB3]  }
0x2d: {  	s3 =	simm.s32 $0x108;
	s8 =	sld [smem:$0x3FB4]  }
0x2e: {  	s3 =	simm.s32 @!p0 $0x1082;
	s9 =	sld [smem:$0x3FB5]  }
0x2f: {  	lr =	sadd.s32 s0, s3;
	s0 =	sld [smem:$0x3FAC]  }
0x30: {  	s3 =	sld [smem:$0x3FAF]  }
0x31: {  	[smem:$0x3FB8] =	sst s10  }
0x32: {  	s10 =	sld [smem:$0x3FB6];
	_ =	sdelay $0x3  }
0x33: {  	p0 =	seq.s32 s10, $0x1;
	s10 =	sld [smem:$0x3FB8];
	_ =	sdelay $0x3  }
0x34: {  	[smem:$0x3FB8] =	sst s10  }
0x35: {  	s10 =	sld [smem:$0x3FB7];
	_ =	sdelay $0x3  }
0x36: {  	p1 =	seq.s32 s10, $0x1;
	s10 =	sld [smem:$0x3FB8];
	_ =	sdelay $0x3  }
0x37: {  	[smem:$0x3FB8] =	sst s10  }
0x38: {  	s10 =	sld [smem:$0x3FB9]  }
0x39: {  	_ = 	snop;
	(pc) =	sbr.ind lr, $3  }
0x3a: {  	_ = 	snop  }
0x3b: {  	_ = 	snop  }
0x3c: {  	p2 =	seq.s32 s10, $0x1;
	s10 =	sld [smem:$0x3FB8]  }
0x3d: {  	_ =	shalt  }
0x3e: {  	_ =	shalt  }
0x3f: {  	_ =	shalt  }
0x40: {  	_ =	shalt  }
0x41: {  	_ =	shalt  }
0x42: {  	_ =	shalt  }
0x43: {  	_ =	shalt  }
0x44: {  	_ =	shalt  }
0x45: {  	_ =	shalt  }
0x46: {  	_ =	shalt  }
0x47: {  	_ =	shalt  }
0x48: {  	_ =	shalt  }
0x49: {  	_ =	shalt  }
0x4a: {  	_ =	shalt  }
0x4b: {  	_ =	shalt  }
0x4c: {  	_ =	shalt  }
0x4d: {  	_ =	shalt  }
0x4e: {  	_ =	shalt  }
0x4f: {  	_ =	shalt  }
0x50: {  	_ =	shalt  }
0x51: {  	_ =	shalt  }
0x52: {  	_ =	shalt  }
0x53: {  	_ =	shalt  }
0x54: {  	_ =	shalt  }
0x55: {  	_ =	shalt  }
0x56: {  	_ =	shalt  }
0x57: {  	_ =	shalt  }
0x58: {  	_ =	shalt  }
0x59: {  	_ =	shalt  }
0x5a: {  	_ =	shalt  }
0x5b: {  	_ =	shalt  }
0x5c: {  	_ =	shalt  }
0x5d: {  	_ =	shalt  }
0x5e: {  	_ =	shalt  }
0x5f: {  	_ =	shalt  }
0x60: {  	_ =	shalt  }
0x61: {  	_ =	shalt  }
0x62: {  	_ =	shalt  }
0x63: {  	_ =	shalt  }
0x64: {  	_ =	shalt  }
0x65: {  	_ =	shalt  }
0x66: {  	_ =	shalt  }
0x67: {  	_ =	shalt  }
0x68: {  	_ =	shalt  }
0x69: {  	_ =	shalt  }
0x6a: {  	_ =	shalt  }
0x6b: {  	_ =	shalt  }
0x6c: {  	_ =	shalt  }
0x6d: {  	_ =	shalt  }
0x6e: {  	_ =	shalt  }
0x6f: {  	_ =	shalt  }
0x70: {  	_ =	shalt  }
0x71: {  	_ =	shalt  }
0x72: {  	_ =	shalt  }
0x73: {  	_ =	shalt  }
0x74: {  	_ =	shalt  }
0x75: {  	_ =	shalt  }
0x76: {  	_ =	shalt  }
0x77: {  	_ =	shalt  }
0x78: {  	_ =	shalt  }
0x79: {  	_ =	shalt  }
0x7a: {  	_ =	shalt  }
0x7b: {  	_ =	shalt  }
0x7c: {  	_ =	shalt  }
0x7d: {  	_ =	shalt  }
0x7e: {  	_ =	shalt  }
0x7f: {  	_ =	shalt  }
0x80: {  	_ =	shalt  }
0x81: {  	_ =	shalt  }
0x82: {  	_ =	shalt  }
0x83: {  	_ =	shalt  }
0x84: {  	_ =	shalt  }
0x85: {  	_ =	shalt  }
0x86: {  	_ =	shalt  }
0x87: {  	_ =	shalt  }
.Lfunc_end0:
.L_simem_size_0:
called_computation_lowered:
.L_overlay_start_0:
0x88: {  	s2 =	sld [smem:$0x3FD9]  }
0x89: {  	s3 =	sld [smem:$0x3FFE];
	_ =	sdelay $0x1  }
0x8a: {  	s1 =	srdreg.scid  }
0x8b: {  	s0 =	sand.u32 $0x1, s1  }
0x8c: {  	s17 =	sshll.u32 s0, $0xA;
	s2 =	sadd.s32 s3, s2  }
0x8d: {  	s2 =	sadd.s32 s2, s17  }
0x8e: {  	[smem:$0x3FC4] =	sst s2  }
0x8f: {  	_ = 	snop  }
0x90: {  	s2 =	sld [smem:$0x3FC8]  }
0x91: {  	s18 =	sld [smem:$0x3FD0];
	(tm) =	ssettm $0x1  }
0x92: {  	s4 =	sld [smem:$0x3FFB];
	_ =	sdelay $0x3  }
0x93: {  	_ =	strace s4  }
0x94: {  	s4 =	sld [smem:$0x3FFC];
	_ =	sdelay $0x3  }
0x95: {  	_ =	strace s4  }
0x96: {  	s4 =	sld [smem:$0x3FFD];
	_ =	sdelay $0x3  }
0x97: {  	_ =	strace s4  }
0x98: {  	_ =	strace $0x8FFFFFFF  }
0x99: {  	s19 =	sld [smem:$0x3FDB];
	_ =	sdelay $0x1  }
0x9a: {  	s5 =	simm.s32 $_scs_section_size  }
0x9b: {  	s6 =	simm.s32 $_size__tile_overlayer_lowered;
	s7 =	simm.s32 $_tile_overlayer_lowered  }
0x9c: {  	s22 =	simm.s32 $0x1BFF;
	s21 =	sshll.u32 s7, $0x1;
	s4 =	sadd.s32 s5, s19  }
0x9d: {  	s8 =	simm.s32 $0x0;
	s20 =	sshll.u32 s6, $0x1;
	s6 =	sadd.s32 s21, s4  }
0x9e: {  	[timem:s8], [sflag:s22] =	dma.local [hbm:s6], s20  }
0x9f: {  	_ =	swait.ge [sflag:s22], s20  }
0xa0: {  	s5 =	ssub.s32 $0x0, s20;
	[sflag:s22] =	ssyncset.done $0x0  }
0xa1: {  	[sflag:s22] =	ssyncadd.s32 s5;
	_ =	sdelay $0x1  }
0xa2: {  	s23 =	simm.s32 $0x1B8B  }
0xa3: {  	_ =	swait.ge [sflag:s23], $0x1  }
0xa4: {  	[sflag:s23] =	ssyncset.done $0x0  }
0xa5: {  	s25 =	simm.s32 $0x1B8E;
	s24 =	sld [smem:$0x3FFE];
	[sflag:s23] =	ssyncadd.s32 $0xFFFFFFFF  }
0xa6: {  	s26 =	simm.s32 $execute0_lowered;
	[smem:$0x3FD2] =	sst s25  }
0xa7: {  	s6 =	sshll.u32 s26, $0x1;
	_ =	strace $0x80000046;
	[dreg:$0x1] =	wrdreg $0xFFFFFFFF  }
0xa8: {  	s28 =	simm.s32 $_size_execute0_lowered;
	s4 =	sadd.s32 s4, s6;
	[dreg:$0x0] =	wrdreg $0x0  }
0xa9: {  	s6 =	sshll.u32 s28, $0x1;
	[dreg:$0x2] =	wrdreg s4  }
0xaa: {  	[dreg:$0x3] =	wrdreg s6  }
0xab: {  	[dreg:$0x4] =	wrdreg $0xC0  }
0xac: {  	_ =	task [dreg:s8], $0x5FFFF  }
0xad: {  	[dreg:$0x1] =	wrdreg $0xFFFFFFFF  }
0xae: {  	[dreg:$0x0] =	wrdreg $0x60  }
0xaf: {  	[dreg:$0x2] =	wrdreg s2  }
0xb0: {  	[dreg:$0x3] =	wrdreg s18  }
0xb1: {  	[dreg:$0x4] =	wrdreg s24  }
0xb2: {  	[dreg:$0x5] =	wrdreg $0x9  }
0xb3: {  	_ =	task.clear_ibuf [dreg:s8], $0x6FFFF;
	_ =	strace $0x90000046  }
0xb4: {  	s29 =	simm.s32 $0x9;
	_ =	strace $0x80000048  }
0xb5: {  	_ =	swait.ge [sflag:s29], $0x1  }
0xb6: {  	[sflag:s29] =	ssyncadd.s32 $0xFFFFFFFF  }
0xb7: {  	_ =	strace $0x90000048  }
0xb8: {  	_ =	sfence  }
0xb9: {  	s30 =	sld [smem:$0x0];
	_ =	sdelay $0x2  }
0xba: {  	s31 =	sshll.u32 s1, $0xD;
	s1 =	sshrl.u32 s1, $0x2  }
0xbb: {  	s3 =	sand.u32 $0x4000, s31;
	s1 =	sadd.s32 s1, s30  }
0xbc: {  	s0 =	sor.u32 s3, s0;
	s1 =	sshll.u32 s1, $0x11  }
0xbd: {  	s0 =	sor.u32 s1, s0  }
0xbe: {  	s0 =	sadd.s32 $0x8F2B, s0  }
0xbf: {  	[sflag:s0] =	ssyncadd.remote.s32 $0x1  }
0xc0: {  	_ =	sfence.sel $0xFFFF  }
0xc1: {  	[dreg:$0x0] =	wrdreg $0xFFFFFFFF;
	(pc) =	sbr.abs _section_cstart, $3  }
0xc2: {  	[dreg:$0x1] =	wrdreg $0xFFFFFFFF  }
0xc3: {  	_ =	task.clear_ibuf [dreg:s8], $0x2FFFF;
	_ =	strace $0x9FFFFFFF  }
0xc4: {  	(tm) =	ssettm $0x7FFFFFFF  }
0xc5: {  	_ =	shalt  }
tec
execute0_lowered:
.L_overlay_start_1:
0x0: {  	(tag) =	ssettag $0x1  }
0x1: {  	s5 =	rddreg [dreg:$0x0]  }
0x2: {  	s2 =	rddreg [dreg:$0x1]  }
0x3: {  	s1 =	srdreg.scid;
	s0 =	stileid.u32  }
0x4: {  	s8 =	rddreg [dreg:$0x2];
	s3 =	simm.s32 $0x0;
	s12 =	simm.s32 $0x2000  }
0x5: {  	s13 =	simm.s32 $0x1;
	s14 =	simm.s32 $0x4000;
	s15 =	simm.s32 $0x2  }
0x6: {  	s16 =	simm.s32 $0x6000;
	s18 =	simm.s32 $0x4;
	s19 =	simm.s32 $0x0  }
0x7: {  	s4 =	sand.u32 $0x1, s1;
	s6 =	sshll.u32 s0, $0x1;
	s1 =	rddreg [dreg:$0x3]  }
0x8: {  	[smem:$0x7FF] =	sst s3;
	s17 =	sor.u32 s4, s6;
	s4 =	ssub.s32 $0x2, s4  }
0x9: {  	_ =	strace $0x80000047;
	s6 =	sshll.u32 s17, $0xA;
	s31 =	sshrl.u32 s4, $0x1  }
.Ltmp0:
0xa: {  	s9 =	ssub.s32 $0x7C0, s17;
	s10 =	sshll.u32 s17, $0x9;
	(pc) =	sbr.rel .LBB2_1-.Ltmp0, $4  }
0xb: {  	p0 =	sne.s32 s17, $0x1F;
	s17 =	simm.s32 $0x3;
	s7 =	sadd.s32 s6, s8  }
0xc: {  	s11 =	ssub.s32 s4, s31;
	s4 =	sshrl.u32 s9, $0x5;
	s5 =	sadd.s32 s5, s10  }
0xd: {  	v0 =	vlaneseq.u32;
	s8 =	sadd.s32 $0x1E8C00, s8;
	s10 =	simm.s32 $0x1000;
	s6 =	sadd.s32 $0x4000, s5  }
0xe: {  	v0 =	vmul.u32 $0x10, v0;
	s7 =	sadd.s32 $0x800, s7;
	s9 =	smax.u32 s11, $0x1;
	s11 =	simm.s32 $0x7A1400  }
.LBB2_9:
0xf: {  	_ =	swait.ge [sflag:s17], $0x2000  }
0x10: {  	[sflag:s17] =	ssyncset.done $0x0  }
0x11: {  	[sflag:s17] =	ssyncadd.s32 $0xFFFFE000  }
0x12: {  	_ =	swait.ge [sflag:s18], $0x2000  }
0x13: {  	s20 =	sshll.u32 @!p0 s0, $0x6;
	s19 =	sadd.s32 $0x1, s19;
	[sflag:s18] =	ssyncset.done $0x0  }
0x14: {  	s20 =	sor.u32 @!p0 $0x1C05, s20;
	p1 =	sne.s32 s19, s9;
	[sflag:s18] =	ssyncadd.s32 $0xFFFFE000  }
0x15: {  	[hbm:s8], [sflag:s20] =	dma.local @!p0 [hbm:s2], $0x80  }
.Ltmp1:
0x16: {  	_ = 	snop;
	(pc) =	sbr.rel @!p1 .LBB2_10-.Ltmp1, $4  }
0x17: {  	s20 =	simm.s32 @!p0 $0x5  }
0x18: {  	_ =	swait.ge @!p0 [sflag:s20], $0x80  }
0x19: {  	[sflag:s20] =	ssyncset.done @!p0 $0x0  }
0x1a: {  	[sflag:s20] =	ssyncadd.s32 @!p0 $0xFFFFFF80  }
.LBB2_1:
.Ltmp2:
0x1b: {  	(pc) =	sbr.rel .LBB2_2-.Ltmp2, $4  }
0x1c: {  	_ = 	snop  }
0x1d: {  	[tilespmem:s3], [sflag:$0x1] =	stream.strided.gather [hbm4b:s5+s10], $0x2000, s11, s10, $0x38;
	[tilespmem:$0x8000] =	vst v63  }
0x1e: {  	s20 =	simm.s32 $0x0  }
0x1f: {  	[tilespmem:s12], [sflag:$0x2] =	stream.strided.gather [hbm4b:s6+s10], $0x2000, s11, s10, $0x38;
	[tilespmem:$0x8000] =	vst v63  }
.LBB2_8:
0x20: {  	s20 =	sadd.s32 $0x1, s20  }
0x21: {  	p1 =	sne.s32 s20, $0x1F  }
.Ltmp3:
0x22: {  	_ = 	snop;
	(pc) =	sbr.rel @!p1 .LBB2_9-.Ltmp3, $1  }
0x23: {  	_ =	sdelay $0x3  }
.LBB2_2:
0x24: {  	_ =	swait.ge [sflag:s13], $0x2000  }
0x25: {  	p1 =	seq.s32 s20, $0x0;
	[sflag:s13] =	ssyncset.done $0x0  }
0x26: {  	s21 =	simm.s32 @!p1 $0x3;
	[sflag:s13] =	ssyncadd.s32 $0xFFFFE000  }
0x27: {  	s22 =	simm.s32 $0x0;
	_ =	swait.ge @!p1 [sflag:s21], $0x2000  }
0x28: {  	s23 =	sand.u32 $0x70, s22;
	s24 =	sand.u32 $0xC00, s22;
	[sflag:s21] =	ssyncset.done @!p1 $0x0  }
0x29: {  	s31 =	simm.s32 $0x0;
	s26 =	sor.u32 s23, s24;
	[sflag:s21] =	ssyncadd.s32 @!p1 $0xFFFFE000  }
0x2a: {  	v2 =	vor.u32 s31, v0;
	v1 =	vld [tilespmem:s26+$0x0];
	_ =	sdelay $0x4  }
0x2b: {  	s24 =	simm.s32 $0x1;
	[tilespmem:v2+s14+$0x0] =	vst.idx.msk $0xffff, v1  }
0x2c: {  	v2 =	vor.u32 s24, v0;
	v1 =	vld [tilespmem:s26+$0x80];
	_ =	sdelay $0x4  }
0x2d: {  	s25 =	simm.s32 $0x2;
	[tilespmem:v2+s14+$0x0] =	vst.idx.msk $0xffff, v1  }
0x2e: {  	v2 =	vor.u32 s25, v0;
	v1 =	vld [tilespmem:s26+$0x100];
	_ =	sdelay $0x4  }
0x2f: {  	s30 =	simm.s32 $0x3;
	[tilespmem:v2+s14+$0x0] =	vst.idx.msk $0xffff, v1  }
0x30: {  	v2 =	vor.u32 s30, v0;
	v1 =	vld [tilespmem:s26+$0x180];
	_ =	sdelay $0x4  }
0x31: {  	s31 =	simm.s32 $0x4;
	[tilespmem:v2+s14+$0x0] =	vst.idx.msk $0xffff, v1  }
0x32: {  	v2 =	vor.u32 s31, v0;
	v1 =	vld [tilespmem:s26+$0x200];
	_ =	sdelay $0x4  }
0x33: {  	s23 =	simm.s32 $0x5;
	[tilespmem:v2+s14+$0x0] =	vst.idx.msk $0xffff, v1  }
0x34: {  	v2 =	vor.u32 s23, v0;
	v1 =	vld [tilespmem:s26+$0x280];
	_ =	sdelay $0x4  }
0x35: {  	s24 =	simm.s32 $0x6;
	[tilespmem:v2+s14+$0x0] =	vst.idx.msk $0xffff, v1  }
0x36: {  	v2 =	vor.u32 s24, v0;
	v1 =	vld [tilespmem:s26+$0x300];
	_ =	sdelay $0x3  }
0x37: {  	s25 =	sor.u32 s22, s22  }
0x38: {  	s21 =	sor.u32 $0x380, s25;
	s30 =	simm.s32 $0x7;
	[tilespmem:v2+s14+$0x0] =	vst.idx.msk $0xffff, v1  }
0x39: {  	v2 =	vor.u32 s30, v0;
	v1 =	vld [tilespmem:s21+$0x0];
	_ =	sdelay $0x4  }
0x3a: {  	s31 =	simm.s32 $0x8;
	[tilespmem:v2+s14+$0x0] =	vst.idx.msk $0xffff, v1  }
0x3b: {  	v2 =	vor.u32 s31, v0;
	v1 =	vld [tilespmem:s26+$0x1000];
	_ =	sdelay $0x4  }
0x3c: {  	s22 =	simm.s32 $0x9;
	[tilespmem:v2+s14+$0x0] =	vst.idx.msk $0xffff, v1  }
0x3d: {  	v2 =	vor.u32 s22, v0;
	v1 =	vld [tilespmem:s26+$0x1080];
	_ =	sdelay $0x4  }
0x3e: {  	s23 =	simm.s32 $0xA;
	[tilespmem:v2+s14+$0x0] =	vst.idx.msk $0xffff, v1  }
0x3f: {  	v2 =	vor.u32 s23, v0;
	v1 =	vld [tilespmem:s26+$0x1100];
	_ =	sdelay $0x4  }
0x40: {  	s24 =	simm.s32 $0xB;
	[tilespmem:v2+s14+$0x0] =	vst.idx.msk $0xffff, v1  }
0x41: {  	v2 =	vor.u32 s24, v0;
	v1 =	vld [tilespmem:s26+$0x1180];
	_ =	sdelay $0x4  }
0x42: {  	s25 =	simm.s32 $0xC;
	[tilespmem:v2+s14+$0x0] =	vst.idx.msk $0xffff, v1  }
0x43: {  	v2 =	vor.u32 s25, v0;
	v1 =	vld [tilespmem:s26+$0x1200];
	_ =	sdelay $0x4  }
0x44: {  	s30 =	simm.s32 $0xD;
	[tilespmem:v2+s14+$0x0] =	vst.idx.msk $0xffff, v1  }
0x45: {  	v2 =	vor.u32 s30, v0;
	v1 =	vld [tilespmem:s26+$0x1280];
	_ =	sdelay $0x4  }
0x46: {  	s31 =	simm.s32 $0xE;
	[tilespmem:v2+s14+$0x0] =	vst.idx.msk $0xffff, v1  }
0x47: {  	v2 =	vor.u32 s31, v0;
	v1 =	vld [tilespmem:s26+$0x1300];
	_ =	sdelay $0x4  }
0x48: {  	s28 =	simm.s32 $0xF;
	[tilespmem:v2+s14+$0x0] =	vst.idx.msk $0xffff, v1  }
0x49: {  	v2 =	vor.u32 s28, v0;
	v1 =	vld [tilespmem:s26+$0x1380];
	_ =	sdelay $0x1  }
0x4a: {  	s21 =	sshll.u32 s20, $0x1;
	s22 =	sshll.u32 s20, $0x10  }
0x4b: {  	s23 =	simm.s32 $0x10F;
	s24 =	simm.s32 $0x80;
	s25 =	simm.s32 $0x10  }
0x4c: {  	s29 =	sand.u32 $0xC00, s24;
	s28 =	sand.u32 $0x70, s25;
	s26 =	simm.s32 $0x20F  }
.LBB2_3:
0x4d: {  	p2 =	sne.s32 s26, $0x1F0F;
	s30 =	sadd.s32 $0xFFFFFFF1, s23;
	s28 =	sor.u32 s28, s29;
	[tilespmem:v2+s14+$0x0] =	vst.idx.msk $0xffff, v1  }
0x4e: {  	v1 =	vld [tilespmem:s28+$0x0];
	v2 =	vor.u32 s30, v0;
	_ =	sdelay $0x4  }
0x4f: {  	s29 =	sadd.s32 $0xFFFFFFF2, s23;
	[tilespmem:v2+s14+$0x0] =	vst.idx.msk $0xffff, v1  }
0x50: {  	v2 =	vor.u32 s29, v0;
	v1 =	vld [tilespmem:s28+$0x80];
	_ =	sdelay $0x4  }
0x51: {  	s29 =	sadd.s32 $0xFFFFFFF3, s23;
	[tilespmem:v2+s14+$0x0] =	vst.idx.msk $0xffff, v1  }
0x52: {  	v2 =	vor.u32 s29, v0;
	v1 =	vld [tilespmem:s28+$0x100];
	_ =	sdelay $0x4  }
0x53: {  	s29 =	sadd.s32 $0xFFFFFFF4, s23;
	[tilespmem:v2+s14+$0x0] =	vst.idx.msk $0xffff, v1  }
0x54: {  	v2 =	vor.u32 s29, v0;
	v1 =	vld [tilespmem:s28+$0x180];
	_ =	sdelay $0x4  }
0x55: {  	s29 =	sadd.s32 $0xFFFFFFF5, s23;
	[tilespmem:v2+s14+$0x0] =	vst.idx.msk $0xffff, v1  }
0x56: {  	v2 =	vor.u32 s29, v0;
	v1 =	vld [tilespmem:s28+$0x200];
	_ =	sdelay $0x4  }
0x57: {  	s29 =	sadd.s32 $0xFFFFFFF6, s23;
	[tilespmem:v2+s14+$0x0] =	vst.idx.msk $0xffff, v1  }
0x58: {  	v2 =	vor.u32 s29, v0;
	v1 =	vld [tilespmem:s28+$0x280];
	_ =	sdelay $0x4  }
0x59: {  	s29 =	sadd.s32 $0xFFFFFFF7, s23;
	[tilespmem:v2+s14+$0x0] =	vst.idx.msk $0xffff, v1  }
0x5a: {  	v2 =	vor.u32 s29, v0;
	v1 =	vld [tilespmem:s28+$0x300];
	_ =	sdelay $0x3  }
0x5b: {  	s29 =	sor.u32 s24, s25  }
0x5c: {  	s30 =	sadd.s32 $0xFFFFFFF8, s23;
	s29 =	sor.u32 $0x380, s29;
	[tilespmem:v2+s14+$0x0] =	vst.idx.msk $0xffff, v1  }
0x5d: {  	v2 =	vor.u32 s30, v0;
	v1 =	vld [tilespmem:s29+$0x0];
	_ =	sdelay $0x4  }
0x5e: {  	s29 =	sadd.s32 $0xFFFFFFF9, s23;
	[tilespmem:v2+s14+$0x0] =	vst.idx.msk $0xffff, v1  }
0x5f: {  	v2 =	vor.u32 s29, v0;
	v1 =	vld [tilespmem:s28+$0x1000];
	_ =	sdelay $0x4  }
0x60: {  	s29 =	sadd.s32 $0xFFFFFFFA, s23;
	[tilespmem:v2+s14+$0x0] =	vst.idx.msk $0xffff, v1  }
0x61: {  	v2 =	vor.u32 s29, v0;
	v1 =	vld [tilespmem:s28+$0x1080];
	_ =	sdelay $0x4  }
0x62: {  	s29 =	sadd.s32 $0xFFFFFFFB, s23;
	[tilespmem:v2+s14+$0x0] =	vst.idx.msk $0xffff, v1  }
0x63: {  	v2 =	vor.u32 s29, v0;
	v1 =	vld [tilespmem:s28+$0x1100];
	_ =	sdelay $0x4  }
0x64: {  	s29 =	sadd.s32 $0xFFFFFFFC, s23;
	[tilespmem:v2+s14+$0x0] =	vst.idx.msk $0xffff, v1  }
0x65: {  	v2 =	vor.u32 s29, v0;
	v1 =	vld [tilespmem:s28+$0x1180];
	_ =	sdelay $0x4  }
0x66: {  	s29 =	sadd.s32 $0xFFFFFFFD, s23;
	[tilespmem:v2+s14+$0x0] =	vst.idx.msk $0xffff, v1  }
0x67: {  	v2 =	vor.u32 s29, v0;
	v1 =	vld [tilespmem:s28+$0x1200];
	_ =	sdelay $0x4  }
0x68: {  	s29 =	sadd.s32 $0xFFFFFFFE, s23;
	[tilespmem:v2+s14+$0x0] =	vst.idx.msk $0xffff, v1  }
0x69: {  	v2 =	vor.u32 s29, v0;
	v1 =	vld [tilespmem:s28+$0x1280];
	_ =	sdelay $0x4  }
0x6a: {  	s29 =	sadd.s32 $0xFFFFFFFF, s23;
	[tilespmem:v2+s14+$0x0] =	vst.idx.msk $0xffff, v1  }
0x6b: {  	v2 =	vor.u32 s29, v0;
	v1 =	vld [tilespmem:s28+$0x1300];
	_ =	sdelay $0x4  }
0x6c: {  	[tilespmem:v2+s14+$0x0] =	vst.idx.msk $0xffff, v1  }
.Ltmp4:
0x6d: {  	v2 =	vor.u32 s23, v0;
	s23 =	smov.u32 s26;
	v1 =	vld [tilespmem:s28+$0x1380];
	(pc) =	sbr.rel @p2 .LBB2_3-.Ltmp4, $3  }
0x6e: {  	_ =	sdelay $0x1  }
0x6f: {  	s24 =	sadd.s32 $0x80, s24;
	s25 =	sadd.s32 $0x10, s25  }
0x70: {  	s29 =	sand.u32 $0xC00, s24;
	s26 =	sadd.s32 $0x100, s26;
	s28 =	sand.u32 $0x70, s25  }
0x71: {  	_ =	sdelay $0x3  }
0x72: {  	s30 =	sadd.s32 $0xFFFFFFF1, s23;
	s26 =	sor.u32 s28, s29;
	[tilespmem:v2+s14+$0x0] =	vst.idx.msk $0xffff, v1  }
0x73: {  	v1 =	vld [tilespmem:s26+$0x0];
	v2 =	vor.u32 s30, v0;
	_ =	sdelay $0x4  }
0x74: {  	s29 =	sadd.s32 $0xFFFFFFF2, s23;
	[tilespmem:v2+s14+$0x0] =	vst.idx.msk $0xffff, v1  }
0x75: {  	v2 =	vor.u32 s29, v0;
	v1 =	vld [tilespmem:s26+$0x80];
	_ =	sdelay $0x4  }
0x76: {  	s30 =	sadd.s32 $0xFFFFFFF3, s23;
	[tilespmem:v2+s14+$0x0] =	vst.idx.msk $0xffff, v1  }
0x77: {  	v2 =	vor.u32 s30, v0;
	v1 =	vld [tilespmem:s26+$0x100];
	_ =	sdelay $0x4  }
0x78: {  	s31 =	sadd.s32 $0xFFFFFFF4, s23;
	[tilespmem:v2+s14+$0x0] =	vst.idx.msk $0xffff, v1  }
0x79: {  	v2 =	vor.u32 s31, v0;
	v1 =	vld [tilespmem:s26+$0x180];
	_ =	sdelay $0x4  }
0x7a: {  	s29 =	sadd.s32 $0xFFFFFFF5, s23;
	[tilespmem:v2+s14+$0x0] =	vst.idx.msk $0xffff, v1  }
0x7b: {  	v2 =	vor.u32 s29, v0;
	v1 =	vld [tilespmem:s26+$0x200];
	_ =	sdelay $0x4  }
0x7c: {  	s30 =	sadd.s32 $0xFFFFFFF6, s23;
	[tilespmem:v2+s14+$0x0] =	vst.idx.msk $0xffff, v1  }
0x7d: {  	v2 =	vor.u32 s30, v0;
	v1 =	vld [tilespmem:s26+$0x280];
	_ =	sdelay $0x4  }
0x7e: {  	s31 =	sadd.s32 $0xFFFFFFF7, s23;
	[tilespmem:v2+s14+$0x0] =	vst.idx.msk $0xffff, v1  }
0x7f: {  	v2 =	vor.u32 s31, v0;
	v1 =	vld [tilespmem:s26+$0x300];
	_ =	sdelay $0x3  }
0x80: {  	s24 =	sor.u32 s24, s25  }
0x81: {  	s24 =	sor.u32 $0x380, s24;
	s29 =	sadd.s32 $0xFFFFFFF8, s23;
	[tilespmem:v2+s14+$0x0] =	vst.idx.msk $0xffff, v1  }
0x82: {  	v2 =	vor.u32 s29, v0;
	v1 =	vld [tilespmem:s24+$0x0];
	_ =	sdelay $0x4  }
0x83: {  	s30 =	sadd.s32 $0xFFFFFFF9, s23;
	[tilespmem:v2+s14+$0x0] =	vst.idx.msk $0xffff, v1  }
0x84: {  	v2 =	vor.u32 s30, v0;
	v1 =	vld [tilespmem:s26+$0x1000];
	_ =	sdelay $0x4  }
0x85: {  	s31 =	sadd.s32 $0xFFFFFFFA, s23;
	[tilespmem:v2+s14+$0x0] =	vst.idx.msk $0xffff, v1  }
0x86: {  	v2 =	vor.u32 s31, v0;
	v1 =	vld [tilespmem:s26+$0x1080];
	_ =	sdelay $0x4  }
0x87: {  	s25 =	sadd.s32 $0xFFFFFFFB, s23;
	[tilespmem:v2+s14+$0x0] =	vst.idx.msk $0xffff, v1  }
0x88: {  	v2 =	vor.u32 s25, v0;
	v1 =	vld [tilespmem:s26+$0x1100];
	_ =	sdelay $0x4  }
0x89: {  	s28 =	sadd.s32 $0xFFFFFFFC, s23;
	[tilespmem:v2+s14+$0x0] =	vst.idx.msk $0xffff, v1  }
0x8a: {  	v2 =	vor.u32 s28, v0;
	v1 =	vld [tilespmem:s26+$0x1180];
	_ =	sdelay $0x4  }
0x8b: {  	s29 =	sadd.s32 $0xFFFFFFFD, s23;
	[tilespmem:v2+s14+$0x0] =	vst.idx.msk $0xffff, v1  }
0x8c: {  	v2 =	vor.u32 s29, v0;
	v1 =	vld [tilespmem:s26+$0x1200];
	_ =	sdelay $0x4  }
0x8d: {  	s30 =	sadd.s32 $0xFFFFFFFE, s23;
	[tilespmem:v2+s14+$0x0] =	vst.idx.msk $0xffff, v1  }
0x8e: {  	v2 =	vor.u32 s30, v0;
	v1 =	vld [tilespmem:s26+$0x1280];
	_ =	sdelay $0x4  }
0x8f: {  	s31 =	sadd.s32 $0xFFFFFFFF, s23;
	[tilespmem:v2+s14+$0x0] =	vst.idx.msk $0xffff, v1  }
0x90: {  	v2 =	vor.u32 s31, v0;
	v1 =	vld [tilespmem:s26+$0x1300];
	_ =	sdelay $0x4  }
0x91: {  	[tilespmem:v2+s14+$0x0] =	vst.idx.msk $0xffff, v1  }
0x92: {  	v2 =	vor.u32 s23, v0;
	v1 =	vld [tilespmem:s26+$0x1380];
	_ =	sdelay $0x4  }
0x93: {  	s22 =	sadd.s32 s22, s7;
	[tilespmem:v2+s14+$0x0] =	vst.idx.msk $0xffff, v1  }
0x94: {  	[hbm4b:s22+s3] =	stream.linear.scatter [tilespmem:s14], [sflag:$0x3], $0x2000, $0x38;
	[tilespmem:$0x8000] =	vst v63  }
0x95: {  	s22 =	sadd.s32 $0x2, s21  }
0x96: {  	p2 =	sge.u32 s22, s4  }
0x97: {  	s22 =	sshll.u32 @!p2 s22, $0xE;
	s23 =	simm.s32 @!p2 $0x1000  }
0x98: {  	s24 =	simm.s32 @!p2 $0x7A1400;
	s25 =	simm.s32 @!p2 $0x0;
	s22 =	sadd.s32 @!p2 s22, s5  }
0x99: {  	[tilespmem:s25], [sflag:$0x1] =	stream.strided.gather @!p2 [hbm4b:s22+s23], $0x2000, s24, s23, $0x38;
	[tilespmem:$0x8000] =	vst v63  }
0x9a: {  	s22 =	sor.u32 $0x1, s21  }
0x9b: {  	p2 =	sge.u32 s22, s4  }
.Ltmp5:
0x9c: {  	_ = 	snop;
	(pc) =	sbr.rel @p2 .LBB2_8-.Ltmp5, $1  }
0x9d: {  	_ =	sdelay $0x3  }
0x9e: {  	_ =	swait.ge [sflag:s15], $0x2000  }
0x9f: {  	[sflag:s15] =	ssyncset.done $0x0  }
0xa0: {  	s23 =	simm.s32 @!p1 $0x4;
	[sflag:s15] =	ssyncadd.s32 $0xFFFFE000  }
0xa1: {  	s24 =	simm.s32 $0x0;
	_ =	swait.ge @!p1 [sflag:s23], $0x2000  }
0xa2: {  	s25 =	sand.u32 $0x70, s24;
	s26 =	sand.u32 $0xC00, s24;
	[sflag:s23] =	ssyncset.done @!p1 $0x0  }
0xa3: {  	s31 =	simm.s32 $0x0;
	s26 =	sor.u32 s25, s26;
	[sflag:s23] =	ssyncadd.s32 @!p1 $0xFFFFE000  }
0xa4: {  	v2 =	vor.u32 s31, v0;
	v1 =	vld [tilespmem:s26+$0x2000];
	_ =	sdelay $0x4  }
0xa5: {  	s30 =	simm.s32 $0x1;
	[tilespmem:v2+s16+$0x0] =	vst.idx.msk $0xffff, v1  }
0xa6: {  	v2 =	vor.u32 s30, v0;
	v1 =	vld [tilespmem:s26+$0x2080];
	_ =	sdelay $0x4  }
0xa7: {  	s31 =	simm.s32 $0x2;
	[tilespmem:v2+s16+$0x0] =	vst.idx.msk $0xffff, v1  }
0xa8: {  	v2 =	vor.u32 s31, v0;
	v1 =	vld [tilespmem:s26+$0x2100];
	_ =	sdelay $0x4  }
0xa9: {  	s25 =	simm.s32 $0x3;
	[tilespmem:v2+s16+$0x0] =	vst.idx.msk $0xffff, v1  }
0xaa: {  	v2 =	vor.u32 s25, v0;
	v1 =	vld [tilespmem:s26+$0x2180];
	_ =	sdelay $0x4  }
0xab: {  	s30 =	simm.s32 $0x4;
	[tilespmem:v2+s16+$0x0] =	vst.idx.msk $0xffff, v1  }
0xac: {  	v2 =	vor.u32 s30, v0;
	v1 =	vld [tilespmem:s26+$0x2200];
	_ =	sdelay $0x4  }
0xad: {  	s31 =	simm.s32 $0x5;
	[tilespmem:v2+s16+$0x0] =	vst.idx.msk $0xffff, v1  }
0xae: {  	v2 =	vor.u32 s31, v0;
	v1 =	vld [tilespmem:s26+$0x2280];
	_ =	sdelay $0x4  }
0xaf: {  	s25 =	simm.s32 $0x6;
	[tilespmem:v2+s16+$0x0] =	vst.idx.msk $0xffff, v1  }
0xb0: {  	v2 =	vor.u32 s25, v0;
	v1 =	vld [tilespmem:s26+$0x2300];
	_ =	sdelay $0x3  }
0xb1: {  	s30 =	sor.u32 s24, s24  }
0xb2: {  	s23 =	sor.u32 $0x380, s30;
	s31 =	simm.s32 $0x7;
	[tilespmem:v2+s16+$0x0] =	vst.idx.msk $0xffff, v1  }
0xb3: {  	v2 =	vor.u32 s31, v0;
	v1 =	vld [tilespmem:s23+$0x2000];
	_ =	sdelay $0x4  }
0xb4: {  	s25 =	simm.s32 $0x8;
	[tilespmem:v2+s16+$0x0] =	vst.idx.msk $0xffff, v1  }
0xb5: {  	v2 =	vor.u32 s25, v0;
	v1 =	vld [tilespmem:s26+$0x3000];
	_ =	sdelay $0x4  }
0xb6: {  	s30 =	simm.s32 $0x9;
	[tilespmem:v2+s16+$0x0] =	vst.idx.msk $0xffff, v1  }
0xb7: {  	v2 =	vor.u32 s30, v0;
	v1 =	vld [tilespmem:s26+$0x3080];
	_ =	sdelay $0x4  }
0xb8: {  	s31 =	simm.s32 $0xA;
	[tilespmem:v2+s16+$0x0] =	vst.idx.msk $0xffff, v1  }
0xb9: {  	v2 =	vor.u32 s31, v0;
	v1 =	vld [tilespmem:s26+$0x3100];
	_ =	sdelay $0x4  }
0xba: {  	s24 =	simm.s32 $0xB;
	[tilespmem:v2+s16+$0x0] =	vst.idx.msk $0xffff, v1  }
0xbb: {  	v2 =	vor.u32 s24, v0;
	v1 =	vld [tilespmem:s26+$0x3180];
	_ =	sdelay $0x4  }
0xbc: {  	s25 =	simm.s32 $0xC;
	[tilespmem:v2+s16+$0x0] =	vst.idx.msk $0xffff, v1  }
0xbd: {  	v2 =	vor.u32 s25, v0;
	v1 =	vld [tilespmem:s26+$0x3200];
	_ =	sdelay $0x4  }
0xbe: {  	s30 =	simm.s32 $0xD;
	[tilespmem:v2+s16+$0x0] =	vst.idx.msk $0xffff, v1  }
0xbf: {  	v2 =	vor.u32 s30, v0;
	v1 =	vld [tilespmem:s26+$0x3280];
	_ =	sdelay $0x4  }
0xc0: {  	s31 =	simm.s32 $0xE;
	[tilespmem:v2+s16+$0x0] =	vst.idx.msk $0xffff, v1  }
0xc1: {  	v2 =	vor.u32 s31, v0;
	v1 =	vld [tilespmem:s26+$0x3300];
	_ =	sdelay $0x4  }
0xc2: {  	s28 =	simm.s32 $0xF;
	[tilespmem:v2+s16+$0x0] =	vst.idx.msk $0xffff, v1  }
0xc3: {  	v2 =	vor.u32 s28, v0;
	v1 =	vld [tilespmem:s26+$0x3380];
	_ =	sdelay $0x1  }
0xc4: {  	s22 =	sshll.u32 s22, $0xF  }
0xc5: {  	s23 =	simm.s32 $0x10F;
	s24 =	simm.s32 $0x80;
	s25 =	simm.s32 $0x10  }
0xc6: {  	s29 =	sand.u32 $0xC00, s24;
	s28 =	sand.u32 $0x70, s25;
	s26 =	simm.s32 $0x20F  }
.LBB2_6:
0xc7: {  	p1 =	sne.s32 s26, $0x1F0F;
	s30 =	sadd.s32 $0xFFFFFFF1, s23;
	s28 =	sor.u32 s28, s29;
	[tilespmem:v2+s16+$0x0] =	vst.idx.msk $0xffff, v1  }
0xc8: {  	v1 =	vld [tilespmem:s28+$0x2000];
	v2 =	vor.u32 s30, v0;
	_ =	sdelay $0x4  }
0xc9: {  	s29 =	sadd.s32 $0xFFFFFFF2, s23;
	[tilespmem:v2+s16+$0x0] =	vst.idx.msk $0xffff, v1  }
0xca: {  	v2 =	vor.u32 s29, v0;
	v1 =	vld [tilespmem:s28+$0x2080];
	_ =	sdelay $0x4  }
0xcb: {  	s29 =	sadd.s32 $0xFFFFFFF3, s23;
	[tilespmem:v2+s16+$0x0] =	vst.idx.msk $0xffff, v1  }
0xcc: {  	v2 =	vor.u32 s29, v0;
	v1 =	vld [tilespmem:s28+$0x2100];
	_ =	sdelay $0x4  }
0xcd: {  	s29 =	sadd.s32 $0xFFFFFFF4, s23;
	[tilespmem:v2+s16+$0x0] =	vst.idx.msk $0xffff, v1  }
0xce: {  	v2 =	vor.u32 s29, v0;
	v1 =	vld [tilespmem:s28+$0x2180];
	_ =	sdelay $0x4  }
0xcf: {  	s29 =	sadd.s32 $0xFFFFFFF5, s23;
	[tilespmem:v2+s16+$0x0] =	vst.idx.msk $0xffff, v1  }
0xd0: {  	v2 =	vor.u32 s29, v0;
	v1 =	vld [tilespmem:s28+$0x2200];
	_ =	sdelay $0x4  }
0xd1: {  	s29 =	sadd.s32 $0xFFFFFFF6, s23;
	[tilespmem:v2+s16+$0x0] =	vst.idx.msk $0xffff, v1  }
0xd2: {  	v2 =	vor.u32 s29, v0;
	v1 =	vld [tilespmem:s28+$0x2280];
	_ =	sdelay $0x4  }
0xd3: {  	s29 =	sadd.s32 $0xFFFFFFF7, s23;
	[tilespmem:v2+s16+$0x0] =	vst.idx.msk $0xffff, v1  }
0xd4: {  	v2 =	vor.u32 s29, v0;
	v1 =	vld [tilespmem:s28+$0x2300];
	_ =	sdelay $0x3  }
0xd5: {  	s29 =	sor.u32 s24, s25  }
0xd6: {  	s30 =	sadd.s32 $0xFFFFFFF8, s23;
	s29 =	sor.u32 $0x380, s29;
	[tilespmem:v2+s16+$0x0] =	vst.idx.msk $0xffff, v1  }
0xd7: {  	v2 =	vor.u32 s30, v0;
	v1 =	vld [tilespmem:s29+$0x2000];
	_ =	sdelay $0x4  }
0xd8: {  	s29 =	sadd.s32 $0xFFFFFFF9, s23;
	[tilespmem:v2+s16+$0x0] =	vst.idx.msk $0xffff, v1  }
0xd9: {  	v2 =	vor.u32 s29, v0;
	v1 =	vld [tilespmem:s28+$0x3000];
	_ =	sdelay $0x4  }
0xda: {  	s29 =	sadd.s32 $0xFFFFFFFA, s23;
	[tilespmem:v2+s16+$0x0] =	vst.idx.msk $0xffff, v1  }
0xdb: {  	v2 =	vor.u32 s29, v0;
	v1 =	vld [tilespmem:s28+$0x3080];
	_ =	sdelay $0x4  }
0xdc: {  	s29 =	sadd.s32 $0xFFFFFFFB, s23;
	[tilespmem:v2+s16+$0x0] =	vst.idx.msk $0xffff, v1  }
0xdd: {  	v2 =	vor.u32 s29, v0;
	v1 =	vld [tilespmem:s28+$0x3100];
	_ =	sdelay $0x4  }
0xde: {  	s29 =	sadd.s32 $0xFFFFFFFC, s23;
	[tilespmem:v2+s16+$0x0] =	vst.idx.msk $0xffff, v1  }
0xdf: {  	v2 =	vor.u32 s29, v0;
	v1 =	vld [tilespmem:s28+$0x3180];
	_ =	sdelay $0x4  }
0xe0: {  	s29 =	sadd.s32 $0xFFFFFFFD, s23;
	[tilespmem:v2+s16+$0x0] =	vst.idx.msk $0xffff, v1  }
0xe1: {  	v2 =	vor.u32 s29, v0;
	v1 =	vld [tilespmem:s28+$0x3200];
	_ =	sdelay $0x4  }
0xe2: {  	s29 =	sadd.s32 $0xFFFFFFFE, s23;
	[tilespmem:v2+s16+$0x0] =	vst.idx.msk $0xffff, v1  }
0xe3: {  	v2 =	vor.u32 s29, v0;
	v1 =	vld [tilespmem:s28+$0x3280];
	_ =	sdelay $0x4  }
0xe4: {  	s29 =	sadd.s32 $0xFFFFFFFF, s23;
	[tilespmem:v2+s16+$0x0] =	vst.idx.msk $0xffff, v1  }
0xe5: {  	v2 =	vor.u32 s29, v0;
	v1 =	vld [tilespmem:s28+$0x3300];
	_ =	sdelay $0x4  }
0xe6: {  	[tilespmem:v2+s16+$0x0] =	vst.idx.msk $0xffff, v1  }
.Ltmp6:
0xe7: {  	v2 =	vor.u32 s23, v0;
	s23 =	smov.u32 s26;
	v1 =	vld [tilespmem:s28+$0x3380];
	(pc) =	sbr.rel @p1 .LBB2_6-.Ltmp6, $3  }
0xe8: {  	_ =	sdelay $0x1  }
0xe9: {  	s24 =	sadd.s32 $0x80, s24;
	s25 =	sadd.s32 $0x10, s25  }
0xea: {  	s29 =	sand.u32 $0xC00, s24;
	s26 =	sadd.s32 $0x100, s26;
	s28 =	sand.u32 $0x70, s25  }
0xeb: {  	_ =	sdelay $0x3  }
0xec: {  	s30 =	sadd.s32 $0xFFFFFFF1, s23;
	s26 =	sor.u32 s28, s29;
	[tilespmem:v2+s16+$0x0] =	vst.idx.msk $0xffff, v1  }
0xed: {  	v1 =	vld [tilespmem:s26+$0x2000];
	v2 =	vor.u32 s30, v0;
	_ =	sdelay $0x4  }
0xee: {  	s29 =	sadd.s32 $0xFFFFFFF2, s23;
	[tilespmem:v2+s16+$0x0] =	vst.idx.msk $0xffff, v1  }
0xef: {  	v2 =	vor.u32 s29, v0;
	v1 =	vld [tilespmem:s26+$0x2080];
	_ =	sdelay $0x4  }
0xf0: {  	s30 =	sadd.s32 $0xFFFFFFF3, s23;
	[tilespmem:v2+s16+$0x0] =	vst.idx.msk $0xffff, v1  }
0xf1: {  	v2 =	vor.u32 s30, v0;
	v1 =	vld [tilespmem:s26+$0x2100];
	_ =	sdelay $0x4  }
0xf2: {  	s31 =	sadd.s32 $0xFFFFFFF4, s23;
	[tilespmem:v2+s16+$0x0] =	vst.idx.msk $0xffff, v1  }
0xf3: {  	v2 =	vor.u32 s31, v0;
	v1 =	vld [tilespmem:s26+$0x2180];
	_ =	sdelay $0x4  }
0xf4: {  	s29 =	sadd.s32 $0xFFFFFFF5, s23;
	[tilespmem:v2+s16+$0x0] =	vst.idx.msk $0xffff, v1  }
0xf5: {  	v2 =	vor.u32 s29, v0;
	v1 =	vld [tilespmem:s26+$0x2200];
	_ =	sdelay $0x4  }
0xf6: {  	s30 =	sadd.s32 $0xFFFFFFF6, s23;
	[tilespmem:v2+s16+$0x0] =	vst.idx.msk $0xffff, v1  }
0xf7: {  	v2 =	vor.u32 s30, v0;
	v1 =	vld [tilespmem:s26+$0x2280];
	_ =	sdelay $0x4  }
0xf8: {  	s31 =	sadd.s32 $0xFFFFFFF7, s23;
	[tilespmem:v2+s16+$0x0] =	vst.idx.msk $0xffff, v1  }
0xf9: {  	v2 =	vor.u32 s31, v0;
	v1 =	vld [tilespmem:s26+$0x2300];
	_ =	sdelay $0x3  }
0xfa: {  	s24 =	sor.u32 s24, s25  }
0xfb: {  	s24 =	sor.u32 $0x380, s24;
	s29 =	sadd.s32 $0xFFFFFFF8, s23;
	[tilespmem:v2+s16+$0x0] =	vst.idx.msk $0xffff, v1  }
0xfc: {  	v2 =	vor.u32 s29, v0;
	v1 =	vld [tilespmem:s24+$0x2000];
	_ =	sdelay $0x4  }
0xfd: {  	s30 =	sadd.s32 $0xFFFFFFF9, s23;
	[tilespmem:v2+s16+$0x0] =	vst.idx.msk $0xffff, v1  }
0xfe: {  	v2 =	vor.u32 s30, v0;
	v1 =	vld [tilespmem:s26+$0x3000];
	_ =	sdelay $0x4  }
0xff: {  	s31 =	sadd.s32 $0xFFFFFFFA, s23;
	[tilespmem:v2+s16+$0x0] =	vst.idx.msk $0xffff, v1  }
0x100: {  	v2 =	vor.u32 s31, v0;
	v1 =	vld [tilespmem:s26+$0x3080];
	_ =	sdelay $0x4  }
0x101: {  	s25 =	sadd.s32 $0xFFFFFFFB, s23;
	[tilespmem:v2+s16+$0x0] =	vst.idx.msk $0xffff, v1  }
0x102: {  	v2 =	vor.u32 s25, v0;
	v1 =	vld [tilespmem:s26+$0x3100];
	_ =	sdelay $0x4  }
0x103: {  	s28 =	sadd.s32 $0xFFFFFFFC, s23;
	[tilespmem:v2+s16+$0x0] =	vst.idx.msk $0xffff, v1  }
0x104: {  	v2 =	vor.u32 s28, v0;
	v1 =	vld [tilespmem:s26+$0x3180];
	_ =	sdelay $0x4  }
0x105: {  	s29 =	sadd.s32 $0xFFFFFFFD, s23;
	[tilespmem:v2+s16+$0x0] =	vst.idx.msk $0xffff, v1  }
0x106: {  	v2 =	vor.u32 s29, v0;
	v1 =	vld [tilespmem:s26+$0x3200];
	_ =	sdelay $0x4  }
0x107: {  	s30 =	sadd.s32 $0xFFFFFFFE, s23;
	[tilespmem:v2+s16+$0x0] =	vst.idx.msk $0xffff, v1  }
0x108: {  	v2 =	vor.u32 s30, v0;
	v1 =	vld [tilespmem:s26+$0x3280];
	_ =	sdelay $0x4  }
0x109: {  	s31 =	sadd.s32 $0xFFFFFFFF, s23;
	[tilespmem:v2+s16+$0x0] =	vst.idx.msk $0xffff, v1  }
0x10a: {  	v2 =	vor.u32 s31, v0;
	v1 =	vld [tilespmem:s26+$0x3300];
	_ =	sdelay $0x4  }
0x10b: {  	[tilespmem:v2+s16+$0x0] =	vst.idx.msk $0xffff, v1  }
0x10c: {  	v2 =	vor.u32 s23, v0;
	v1 =	vld [tilespmem:s26+$0x3380];
	_ =	sdelay $0x1  }
0x10d: {  	s21 =	sadd.s32 $0x3, s21  }
0x10e: {  	p1 =	sge.u32 s21, s4  }
.Ltmp7:
0x10f: {  	s21 =	sshll.u32 @!p1 s21, $0xE;
	(pc) =	sbr.rel .LBB2_8-.Ltmp7, $4  }
0x110: {  	s22 =	sadd.s32 s22, s7;
	s21 =	sadd.s32 @!p1 s21, s5;
	[tilespmem:v2+s16+$0x0] =	vst.idx.msk $0xffff, v1  }
0x111: {  	[hbm4b:s22+s3] =	stream.linear.scatter [tilespmem:s16], [sflag:$0x4], $0x2000, $0x38;
	[tilespmem:$0x8000] =	vst v63  }
0x112: {  	s24 =	simm.s32 @!p1 $0x2000;
	s23 =	simm.s32 @!p1 $0x7A1400;
	s22 =	simm.s32 @!p1 $0x1000  }
0x113: {  	[tilespmem:s24], [sflag:$0x2] =	stream.strided.gather @!p1 [hbm4b:s21+s22], $0x2000, s23, s22, $0x38;
	[tilespmem:$0x8000] =	vst v63  }
.LBB2_10:
0x114: {  	_ =	sfence.sel $0x180000  }
0x115: {  	[bflag:$0x0] =	sbarrier.arrive $0xFFFF  }
0x116: {  	p0 =	sne.s32 s0, $0x0;
	_ =	strace $0x90000047  }
0x117: {  	s0 =	sadd.s32 @!p0 $0x100000, s1;
	[bflag:$0x2] =	sbarrier.arrive $0xFFFF  }
0x118: {  	[sflag:s0] =	ssyncadd.tile.s32 @!p0 $0x1;
	_ =	shalt  }
.Lfunc_end2:
_tile_overlayer_lowered:
.L_overlay_start_2:
0x119: {  	(tag) =	ssettag $0x2  }
0x11a: {  	s0 =	rddreg [dreg:$0x0];
	s2 =	stileid.u32  }
0x11b: {  	s1 =	rddreg [dreg:$0x1];
	p0 =	sne.s32 s2, $0x0  }
0x11c: {  	s3 =	rddreg [dreg:$0x2];
	[bflag:$0x3] =	sbarrier.arrive $0xFFFF;
	s2 =	simm.s32 @!p0 $0x1C05  }
0x11d: {  	[timem:s3], [sflag:s2] =	dma.local @!p0 [hbm:s0], s1  }
0x11e: {  	s0 =	simm.s32 @!p0 $0x5  }
0x11f: {  	_ =	swait.ge @!p0 [sflag:s0], s1  }
0x120: {  	s1 =	ssub.s32 @!p0 $0x0, s1;
	[sflag:s0] =	ssyncset.done @!p0 $0x0  }
0x121: {  	[sflag:s0] =	ssyncadd.s32 @!p0 s1  }
0x122: {  	[bflag:$0x3] =	sbarrier.arrive $0xFFFF  }
0x123: {  	_ =	shalt  }

// kernel: _fm_call.7.cloned.1.call-start
scs
__scs_entry_jumppad:
0x0: {  	(pc) =	sbr.rel $0x88, $3  }
0x1: {  	(tag) =	ssettag $0x0;
	lr =	simm.s32 $0x1  }
0x2: {  	[smem:$0x3F9D] =	sst lr;
	_ =	strace $0xD0000000  }
0x3: {  	_ = 	snop  }
0x4: {  	_ = 	snop  }
0x5: {  	_ = 	snop  }
0x6: {  	_ = 	snop  }
0x7: {  	_ = 	snop  }
__scs_overlays_trampoline_lowered:
0x8: {  	[smem:$0x3FAC] =	sst s0  }
0x9: {  	[smem:$0x3FAD] =	sst s1  }
0xa: {  	[smem:$0x3FAE] =	sst s2  }
0xb: {  	[smem:$0x3FAF] =	sst s3  }
0xc: {  	[smem:$0x3FB0] =	sst s4  }
0xd: {  	[smem:$0x3FB1] =	sst s5  }
0xe: {  	[smem:$0x3FB2] =	sst s6  }
0xf: {  	[smem:$0x3FB3] =	sst s7  }
0x10: {  	[smem:$0x3FB4] =	sst s8  }
0x11: {  	[smem:$0x3FB5] =	sst s9;
	s0 =	simm.s32 @!p0 $0x0  }
0x12: {  	s1 =	sld [smem:$0x3F9B];
	s0 =	simm.s32 @p0 $0x1  }
0x13: {  	[smem:$0x3FB6] =	sst s0;
	s0 =	simm.s32 @!p1 $0x0  }
0x14: {  	s2 =	sld [smem:$0x3F9A];
	s0 =	simm.s32 @p1 $0x1  }
0x15: {  	[smem:$0x3FB7] =	sst s0;
	s0 =	simm.s32 @!p2 $0x0  }
0x16: {  	s3 =	sld [smem:$0x3FDB];
	s0 =	simm.s32 @p2 $0x1  }
0x17: {  	s4 =	simm.s32 $0x1BF5;
	[smem:$0x3FB9] =	sst s0  }
0x18: {  	s0 =	sld [smem:$0x3F9C];
	_ =	swait.ge [sflag:s4], $0x0  }
0x19: {  	s7 =	sld [smem:$0x3F9D]  }
0x1a: {  	s8 =	sadd.s32 $0xFFFFE003, lr  }
0x1b: {  	s9 =	sadd.s32 $0xFFFFFEF7, lr;
	s5 =	simm.s32 $0xFFFFFFFF;
	p2 =	slt.u32 s8, $0xFFFFF086  }
0x1c: {  	p1 =	slt.u32 s9, $0xF7A;
	s5 =	simm.s32 @!p2 $0x0  }
0x1d: {  	s5 =	simm.s32 @p1 $0x1;
	p0 =	seq.s32 s7, s2  }
0x1e: {  	s7 =	smul.u32 @!p0 $0xF7A, s2;
	p2 =	seq.s32 @!p0 s5, $0x0  }
0x1f: {  	s9 =	smul.u32 $0xF7A, s1;
	s8 =	simm.s32 @!p0 $0x1BF5;
	p2 =	por !p2, p0  }
0x20: {  	[sflag:s8] =	ssyncset.s32 @!p0 $0xFFFFF086;
	s6 =	sadd.s32 @!p0 s3, s7;
	s7 =	simm.s32 @!p0 $0x108  }
0x21: {  	s3 =	sadd.s32 s3, s9;
	s6 =	sadd.s32 @!p0 $0x88, s6;
	s7 =	simm.s32 @p2 $0x1082  }
0x22: {  	[simem:s7], [sflag:s8] =	dma.local @!p0 [hbm:s6], $0xF7A  }
0x23: {  	s9 =	sor.u32 $0xD0000000, s2;
	s6 =	simm.s32 $0x108;
	_ =	swait.ge @!p0 [sflag:s8], $0x0  }
0x24: {  	s3 =	sadd.s32 $0x88, s3;
	s6 =	simm.s32 @!p1 $0x1082;
	[sflag:s4] =	ssyncset.s32 $0xFFFFF086  }
0x25: {  	[simem:s6], [sflag:s4] =	dma.local [hbm:s3], $0xF7A  }
0x26: {  	[smem:$0x3F9D] =	sst s1;
	(tag) =	ssettag s2;
	_ =	strace s9  }
0x27: {  	s1 =	sld [smem:$0x3FAD]  }
0x28: {  	s2 =	sld [smem:$0x3FAE]  }
0x29: {  	s4 =	sld [smem:$0x3FB0]  }
0x2a: {  	p0 =	seq.s32 s5, $0x0;
	s5 =	sld [smem:$0x3FB1]  }
0x2b: {  	s6 =	sld [smem:$0x3FB2]  }
0x2c: {  	s7 =	sld [smem:$0x3FB3]  }
0x2d: {  	s3 =	simm.s32 $0x108;
	s8 =	sld [smem:$0x3FB4]  }
0x2e: {  	s3 =	simm.s32 @!p0 $0x1082;
	s9 =	sld [smem:$0x3FB5]  }
0x2f: {  	lr =	sadd.s32 s0, s3;
	s0 =	sld [smem:$0x3FAC]  }
0x30: {  	s3 =	sld [smem:$0x3FAF]  }
0x31: {  	[smem:$0x3FB8] =	sst s10  }
0x32: {  	s10 =	sld [smem:$0x3FB6];
	_ =	sdelay $0x3  }
0x33: {  	p0 =	seq.s32 s10, $0x1;
	s10 =	sld [smem:$0x3FB8];
	_ =	sdelay $0x3  }
0x34: {  	[smem:$0x3FB8] =	sst s10  }
0x35: {  	s10 =	sld [smem:$0x3FB7];
	_ =	sdelay $0x3  }
0x36: {  	p1 =	seq.s32 s10, $0x1;
	s10 =	sld [smem:$0x3FB8];
	_ =	sdelay $0x3  }
0x37: {  	[smem:$0x3FB8] =	sst s10  }
0x38: {  	s10 =	sld [smem:$0x3FB9]  }
0x39: {  	_ = 	snop;
	(pc) =	sbr.ind lr, $3  }
0x3a: {  	_ = 	snop  }
0x3b: {  	_ = 	snop  }
0x3c: {  	p2 =	seq.s32 s10, $0x1;
	s10 =	sld [smem:$0x3FB8]  }
0x3d: {  	_ =	shalt  }
0x3e: {  	_ =	shalt  }
0x3f: {  	_ =	shalt  }
0x40: {  	_ =	shalt  }
0x41: {  	_ =	shalt  }
0x42: {  	_ =	shalt  }
0x43: {  	_ =	shalt  }
0x44: {  	_ =	shalt  }
0x45: {  	_ =	shalt  }
0x46: {  	_ =	shalt  }
0x47: {  	_ =	shalt  }
0x48: {  	_ =	shalt  }
0x49: {  	_ =	shalt  }
0x4a: {  	_ =	shalt  }
0x4b: {  	_ =	shalt  }
0x4c: {  	_ =	shalt  }
0x4d: {  	_ =	shalt  }
0x4e: {  	_ =	shalt  }
0x4f: {  	_ =	shalt  }
0x50: {  	_ =	shalt  }
0x51: {  	_ =	shalt  }
0x52: {  	_ =	shalt  }
0x53: {  	_ =	shalt  }
0x54: {  	_ =	shalt  }
0x55: {  	_ =	shalt  }
0x56: {  	_ =	shalt  }
0x57: {  	_ =	shalt  }
0x58: {  	_ =	shalt  }
0x59: {  	_ =	shalt  }
0x5a: {  	_ =	shalt  }
0x5b: {  	_ =	shalt  }
0x5c: {  	_ =	shalt  }
0x5d: {  	_ =	shalt  }
0x5e: {  	_ =	shalt  }
0x5f: {  	_ =	shalt  }
0x60: {  	_ =	shalt  }
0x61: {  	_ =	shalt  }
0x62: {  	_ =	shalt  }
0x63: {  	_ =	shalt  }
0x64: {  	_ =	shalt  }
0x65: {  	_ =	shalt  }
0x66: {  	_ =	shalt  }
0x67: {  	_ =	shalt  }
0x68: {  	_ =	shalt  }
0x69: {  	_ =	shalt  }
0x6a: {  	_ =	shalt  }
0x6b: {  	_ =	shalt  }
0x6c: {  	_ =	shalt  }
0x6d: {  	_ =	shalt  }
0x6e: {  	_ =	shalt  }
0x6f: {  	_ =	shalt  }
0x70: {  	_ =	shalt  }
0x71: {  	_ =	shalt  }
0x72: {  	_ =	shalt  }
0x73: {  	_ =	shalt  }
0x74: {  	_ =	shalt  }
0x75: {  	_ =	shalt  }
0x76: {  	_ =	shalt  }
0x77: {  	_ =	shalt  }
0x78: {  	_ =	shalt  }
0x79: {  	_ =	shalt  }
0x7a: {  	_ =	shalt  }
0x7b: {  	_ =	shalt  }
0x7c: {  	_ =	shalt  }
0x7d: {  	_ =	shalt  }
0x7e: {  	_ =	shalt  }
0x7f: {  	_ =	shalt  }
0x80: {  	_ =	shalt  }
0x81: {  	_ =	shalt  }
0x82: {  	_ =	shalt  }
0x83: {  	_ =	shalt  }
0x84: {  	_ =	shalt  }
0x85: {  	_ =	shalt  }
0x86: {  	_ =	shalt  }
0x87: {  	_ =	shalt  }
.Lfunc_end0:
.L_simem_size_0:
called_computation.1_lowered:
.L_overlay_start_0:
0x88: {  	s2 =	sld [smem:$0x3FD9]  }
0x89: {  	s3 =	sld [smem:$0x3FFE];
	_ =	sdelay $0x1  }
0x8a: {  	s1 =	srdreg.scid  }
0x8b: {  	s0 =	sand.u32 $0x1, s1  }
0x8c: {  	s17 =	sshll.u32 s0, $0xA;
	s2 =	sadd.s32 s3, s2  }
0x8d: {  	s2 =	sadd.s32 s2, s17  }
0x8e: {  	[smem:$0x3FC4] =	sst s2  }
0x8f: {  	_ = 	snop  }
0x90: {  	s2 =	sld [smem:$0x3FD0];
	(tm) =	ssettm $0x1  }
0x91: {  	s18 =	sld [smem:$0x3FFB];
	_ =	sdelay $0x3  }
0x92: {  	_ =	strace s18  }
0x93: {  	s3 =	sld [smem:$0x3FFC];
	_ =	sdelay $0x3  }
0x94: {  	_ =	strace s3  }
0x95: {  	s3 =	sld [smem:$0x3FFD];
	_ =	sdelay $0x3  }
0x96: {  	_ =	strace s3  }
0x97: {  	_ =	strace $0x8FFFFFFF  }
0x98: {  	s19 =	sld [smem:$0x3FDB];
	_ =	sdelay $0x1  }
0x99: {  	s4 =	simm.s32 $_scs_section_size  }
0x9a: {  	s5 =	simm.s32 $_size__tile_overlayer_lowered;
	s6 =	simm.s32 $_tile_overlayer_lowered  }
0x9b: {  	s22 =	simm.s32 $0x1BFF;
	s21 =	sshll.u32 s6, $0x1;
	s3 =	sadd.s32 s4, s19  }
0x9c: {  	s7 =	simm.s32 $0x0;
	s20 =	sshll.u32 s5, $0x1;
	s5 =	sadd.s32 s21, s3  }
0x9d: {  	[timem:s7], [sflag:s22] =	dma.local [hbm:s5], s20  }
0x9e: {  	_ =	swait.ge [sflag:s22], s20  }
0x9f: {  	s4 =	ssub.s32 $0x0, s20;
	[sflag:s22] =	ssyncset.done $0x0  }
0xa0: {  	[sflag:s22] =	ssyncadd.s32 s4;
	_ =	sdelay $0x1  }
0xa1: {  	s23 =	simm.s32 $0x1B8B  }
0xa2: {  	_ =	swait.ge [sflag:s23], $0x1  }
0xa3: {  	[sflag:s23] =	ssyncset.done $0x0  }
0xa4: {  	s25 =	simm.s32 $0x1B8E;
	s24 =	sld [smem:$0x3FFE];
	[sflag:s23] =	ssyncadd.s32 $0xFFFFFFFF  }
0xa5: {  	s26 =	simm.s32 $execute0_lowered;
	[smem:$0x3FD2] =	sst s25  }
0xa6: {  	s5 =	sshll.u32 s26, $0x1;
	_ =	strace $0x80000049;
	[dreg:$0x1] =	wrdreg $0xFFFFFFFF  }
0xa7: {  	s28 =	simm.s32 $_size_execute0_lowered;
	s3 =	sadd.s32 s3, s5;
	[dreg:$0x0] =	wrdreg $0x0  }
0xa8: {  	s5 =	sshll.u32 s28, $0x1;
	[dreg:$0x2] =	wrdreg s3  }
0xa9: {  	[dreg:$0x3] =	wrdreg s5  }
0xaa: {  	[dreg:$0x4] =	wrdreg $0xC0  }
0xab: {  	_ =	task [dreg:s7], $0x5FFFF  }
0xac: {  	[dreg:$0x1] =	wrdreg $0xFFFFFFFF  }
0xad: {  	[dreg:$0x0] =	wrdreg $0x60  }
0xae: {  	[dreg:$0x2] =	wrdreg s24  }
0xaf: {  	[dreg:$0x3] =	wrdreg s2  }
0xb0: {  	[dreg:$0x4] =	wrdreg $0x9  }
0xb1: {  	_ =	task.clear_ibuf [dreg:s7], $0x5FFFF;
	_ =	strace $0x90000049  }
0xb2: {  	s29 =	simm.s32 $0x9;
	_ =	strace $0x8000004B  }
0xb3: {  	_ =	swait.ge [sflag:s29], $0x1  }
0xb4: {  	[sflag:s29] =	ssyncadd.s32 $0xFFFFFFFF  }
0xb5: {  	_ =	strace $0x9000004B  }
0xb6: {  	_ =	sfence  }
0xb7: {  	s30 =	sld [smem:$0x0];
	_ =	sdelay $0x2  }
0xb8: {  	s31 =	sshll.u32 s1, $0xD;
	s1 =	sshrl.u32 s1, $0x2  }
0xb9: {  	s3 =	sand.u32 $0x4000, s31;
	s1 =	sadd.s32 s1, s30  }
0xba: {  	s0 =	sor.u32 s3, s0;
	s1 =	sshll.u32 s1, $0x11  }
0xbb: {  	s0 =	sor.u32 s1, s0  }
0xbc: {  	s0 =	sadd.s32 $0x8F2B, s0  }
0xbd: {  	[sflag:s0] =	ssyncadd.remote.s32 $0x1  }
0xbe: {  	_ =	sfence.sel $0xFFFF  }
0xbf: {  	[dreg:$0x0] =	wrdreg $0xFFFFFFFF;
	(pc) =	sbr.abs _section_cstart, $3  }
0xc0: {  	[dreg:$0x1] =	wrdreg $0xFFFFFFFF  }
0xc1: {  	_ =	task.clear_ibuf [dreg:s7], $0x2FFFF;
	_ =	strace $0x9FFFFFFF  }
0xc2: {  	(tm) =	ssettm $0x7FFFFFFF  }
0xc3: {  	_ =	shalt  }
tec
execute0_lowered:
.L_overlay_start_1:
0x0: {  	(tag) =	ssettag $0x1  }
0x1: {  	v0 =	vlaneseq.u32  }
0x2: {  	v1 =	vmul.u32 $0x1A, v0;
	_ =	sdelay $0x1  }
0x3: {  	s0 =	rddreg [dreg:$0x0];
	s2 =	simm.s32 $0x0;
	v2 =	vor.u32 $0x1, v1  }
0x4: {  	[smem:$0x7FF] =	sst s2;
	v31 =	vadd.s32 $0x2, v1;
	[tilespmem:$0x1FDE0] =	vst v2  }
0x5: {  	s1 =	rddreg [dreg:$0x1];
	v32 =	vadd.s32 $0x3, v1;
	_ =	strace $0x8000004A;
	[tilespmem:$0x1FDF0] =	vst v31  }
0x6: {  	v33 =	vadd.s32 $0x4, v1;
	[tilespmem:$0x1FE00] =	vst v32  }
0x7: {  	v34 =	vadd.s32 $0x5, v1;
	[tilespmem:$0x1FE10] =	vst v33  }
0x8: {  	v35 =	vadd.s32 $0x6, v1;
	[tilespmem:$0x1FE20] =	vst v34  }
0x9: {  	v36 =	vadd.s32 $0x7, v1;
	[tilespmem:$0x1FE30] =	vst v35  }
0xa: {  	v37 =	vadd.s32 $0x8, v1;
	[tilespmem:$0x1FE40] =	vst v36  }
0xb: {  	v38 =	vadd.s32 $0x9, v1;
	[tilespmem:$0x1FE50] =	vst v37  }
0xc: {  	v39 =	vadd.s32 $0xA, v1;
	[tilespmem:$0x1FE60] =	vst v38  }
0xd: {  	v40 =	vadd.s32 $0xB, v1;
	[tilespmem:$0x1FE70] =	vst v39  }
0xe: {  	v41 =	vadd.s32 $0xC, v1;
	[tilespmem:$0x1FE80] =	vst v40  }
0xf: {  	v42 =	vadd.s32 $0xD, v1;
	[tilespmem:$0x1FE90] =	vst v41  }
0x10: {  	v43 =	vadd.s32 $0xE, v1;
	[tilespmem:$0x1FEA0] =	vst v42  }
0x11: {  	v44 =	vadd.s32 $0xF, v1;
	[tilespmem:$0x1FEB0] =	vst v43  }
0x12: {  	v45 =	vadd.s32 $0x10, v1;
	[tilespmem:$0x1FEC0] =	vst v44  }
0x13: {  	v46 =	vadd.s32 $0x11, v1;
	[tilespmem:$0x1FED0] =	vst v45  }
0x14: {  	v47 =	vadd.s32 $0x12, v1;
	[tilespmem:$0x1FEE0] =	vst v46  }
0x15: {  	v48 =	vadd.s32 $0x13, v1;
	[tilespmem:$0x1FEF0] =	vst v47  }
0x16: {  	v49 =	vadd.s32 $0x14, v1;
	[tilespmem:$0x1FF00] =	vst v48  }
0x17: {  	v50 =	vadd.s32 $0x15, v1;
	[tilespmem:$0x1FF10] =	vst v49  }
0x18: {  	s3 =	srdreg.scid;
	s5 =	stileid.u32;
	v51 =	vadd.s32 $0x16, v1;
	[tilespmem:$0x1FF20] =	vst v50  }
0x19: {  	s16 =	simm.s32 $0x7;
	s17 =	simm.s32 $0xD00;
	s18 =	simm.s32 $0x1A00;
	v52 =	vadd.s32 $0x17, v1;
	[tilespmem:$0x1FF30] =	vst v51  }
0x1a: {  	s19 =	simm.s32 $0x1BA00;
	s20 =	simm.s32 $0xEA00;
	s21 =	simm.s32 $0x1C700;
	v54 =	vadd.s32 $0x18, v1;
	[tilespmem:$0x1FF40] =	vst v52  }
0x1b: {  	s22 =	simm.s32 $0x1;
	s23 =	simm.s32 $0x3;
	s28 =	simm.s32 $0x1D480;
	v0 =	vand.u32 $0x3, v0;
	[tilespmem:$0x1FF50] =	vst v54  }
0x1c: {  	v56 =	vimm.s32 $0x60402;
	s29 =	simm.s32 $0x5;
	s30 =	simm.s32 $0x6;
	s31 =	simm.s32 $0x0;
	v53 =	vmul.u32 $0x2, v0;
	v55 =	vadd.s32 $0x19, v1;
	[tilespmem:$0x1FF60] =	vst v1  }
0x1d: {  	v58 =	vimm.s32 $0x1070503;
	s4 =	sand.u32 $0x1, s3;
	s24 =	sshll.u32 s5, $0x1;
	s7 =	sadd.s32 $0x1E9000, s0;
	v0 =	vunpack.c.0.s8.s32 v56;
	[tilespmem:$0x1FF70] =	vst v55  }
0x1e: {  	s3 =	sadd.s32 $0x800, s0;
	s5 =	sadd.s32 $0x214A00, s0;
	s8 =	sor.u32 s4, s24;
	[tilespmem:$0x1FF80] =	vst v53  }
0x1f: {  	v62 =	vimm.s32 $0x5030107;
	s6 =	ssub.s32 $0x2, s4;
	s4 =	sadd.s32 $0x1F6000, s0;
	s9 =	smul.u32 $0x3400, s8;
	v57 =	vor.u32 $0x1, v53;
	[tilespmem:$0x1FFA0] =	vst v0;
	v0 =	vunpack.c.0.s8.s32 v58  }
0x20: {  	v59 =	vimm.s32 $0x2000604;
	v63 =	vunpack.c.0.s8.s32 v62;
	s10 =	sshrl.u32 s6, $0x1;
	s11 =	smul.u32 $0x680, s8;
	s8 =	sshll.u32 s8, $0x6;
	[tilespmem:$0x1FF90] =	vst v57  }
0x21: {  	v60 =	vimm.s32 $0x3010705;
	s24 =	simm.s32 $0x1D400;
	s25 =	ssub.s32 s6, s10;
	s8 =	sadd.s32 s1, s8;
	[tilespmem:$0x1FFB0] =	vst v0;
	v0 =	vunpack.c.0.s8.s32 v59  }
0x22: {  	v61 =	vimm.s32 $0x4020006;
	s9 =	sshrl.u32 s9, $0x3;
	s6 =	sadd.s32 s7, s11;
	s10 =	sadd.s32 $0x10, s8;
	v1 =	vunpack.c.0.s8.s32 v60;
	[tilespmem:$0x1FFF0] =	vst v63  }
0x23: {  	s12 =	sadd.s32 $0x20, s8;
	s13 =	sadd.s32 $0x30, s8;
	s26 =	sadd.s32 s7, s9;
	[tilespmem:$0x1FFC0] =	vst v0;
	v0 =	vunpack.c.0.s8.s32 v61  }
0x24: {  	s14 =	smax.u32 s25, $0x1;
	s25 =	simm.s32 $0x2;
	s7 =	sadd.s32 $0x1A0, s26;
	[tilespmem:$0x1FFD0] =	vst v1  }
0x25: {  	s9 =	sadd.s32 $0x340, s26;
	s11 =	sadd.s32 $0x4E0, s26;
	s26 =	simm.s32 $0x4;
	[tilespmem:$0x1FFE0] =	vst v0  }
.LBB2_1:
0x26: {  	s0 =	simm.s32 $0x1D500  }
0x27: {  	[tilespmem:s0], [sflag:$0x7] =	stream.linear.gather [hbm4b:s5+s2], $0x10, $0x38;
	[tilespmem:$0x1D510] =	vst v63  }
0x28: {  	_ =	swait.ge [sflag:s16], $0x10  }
0x29: {  	[sflag:s16] =	ssyncset.done $0x0  }
0x2a: {  	[sflag:s16] =	ssyncadd.s32 $0xFFFFFFF0  }
0x2b: {  	v0 =	vld [tilespmem:$0x1D500];
	_ =	sdelay $0x3  }
0x2c: {  	[tilespmem:s2], [sflag:$0x7] =	stream.linear.gather [hbm4b:s6+s2], $0xD00, $0x38;
	[tilespmem:$0x1D510] =	vst v63  }
0x2d: {  	[tilespmem:$0x1FDD0] =	vst v0  }
0x2e: {  	_ =	swait.ge [sflag:s16], $0xD00  }
0x2f: {  	[sflag:s16] =	ssyncset.done $0x0  }
0x30: {  	[sflag:s16] =	ssyncadd.s32 $0xFFFFF300  }
0x31: {  	[tilespmem:s18], [sflag:$0x1] =	stream.indirect.gather [hbm4b:s3+s17], $0x10, s2, s17, $0xb8;
	[tilespmem:$0x1D510] =	vst v63  }
0x32: {  	_ = 	snop  }
0x33: {  	[tilespmem:s19], [sflag:$0x3] =	stream.indirect.gather [hbm4b:s4+s17], $0x1, s2, s17, $0xb8;
	[tilespmem:$0x1D510] =	vst v63  }
0x34: {  	_ = 	snop  }
0x35: {  	[tilespmem:s17], [sflag:$0x7] =	stream.linear.gather [hbm4b:s7+s2], $0xD00, $0x38;
	[tilespmem:$0x1D510] =	vst v63  }
0x36: {  	_ =	swait.ge [sflag:s16], $0xD00  }
0x37: {  	[sflag:s16] =	ssyncset.done $0x0  }
0x38: {  	[sflag:s16] =	ssyncadd.s32 $0xFFFFF300  }
0x39: {  	[tilespmem:s20], [sflag:$0x2] =	stream.indirect.gather [hbm4b:s3+s17], $0x10, s17, s17, $0xb8;
	[tilespmem:$0x1D510] =	vst v63  }
0x3a: {  	_ = 	snop  }
0x3b: {  	[tilespmem:s21], [sflag:$0x4] =	stream.indirect.gather [hbm4b:s4+s17], $0x1, s17, s17, $0xb8;
	[tilespmem:$0x1D510] =	vst v63  }
0x3c: {  	_ =	swait.ge [sflag:s22], $0xD000  }
0x3d: {  	[sflag:s22] =	ssyncset.done $0x0  }
0x3e: {  	[sflag:s22] =	ssyncadd.s32 $0xFFFF3000  }
0x3f: {  	_ =	swait.ge [sflag:s23], $0xD00  }
0x40: {  	[sflag:s23] =	ssyncset.done $0x0  }
0x41: {  	s0 =	simm.s32 $0x0;
	[sflag:s23] =	ssyncadd.s32 $0xFFFFF300  }
.LBB2_2:
0x42: {  	v0 =	vld [tilespmem:$0x1FF60];
	_ =	sdelay $0x2  }
0x43: {  	s1 =	smul.u32 $0x1A0, s0;
	_ =	sdelay $0x1  }
0x44: {  	v61 =	vadd.s32 s1, v0;
	v0 =	vld [tilespmem:$0x1FDE0];
	_ =	sdelay $0x4  }
0x45: {  	v60 =	vadd.s32 s1, v0;
	v0 =	vld [tilespmem:$0x1FDF0];
	_ =	sdelay $0x4  }
0x46: {  	v59 =	vadd.s32 s1, v0;
	v0 =	vld [tilespmem:$0x1FE00];
	_ =	sdelay $0x4  }
0x47: {  	v2 =	vadd.s32 s1, v0;
	v0 =	vld [tilespmem:$0x1FE10];
	_ =	sdelay $0x4  }
0x48: {  	v3 =	vadd.s32 s1, v0;
	v0 =	vld [tilespmem:$0x1FE20];
	_ =	sdelay $0x4  }
0x49: {  	v4 =	vadd.s32 s1, v0;
	v0 =	vld [tilespmem:$0x1FE30];
	_ =	sdelay $0x4  }
0x4a: {  	v24 =	vadd.s32 s1, v0;
	v0 =	vld [tilespmem:$0x1FE40];
	_ =	sdelay $0x4  }
0x4b: {  	v5 =	vadd.s32 s1, v0;
	v0 =	vld [tilespmem:$0x1FE50];
	_ =	sdelay $0x4  }
0x4c: {  	v6 =	vadd.s32 s1, v0;
	v0 =	vld [tilespmem:$0x1FE60];
	_ =	sdelay $0x4  }
0x4d: {  	v7 =	vadd.s32 s1, v0;
	v0 =	vld [tilespmem:$0x1FE70];
	_ =	sdelay $0x4  }
0x4e: {  	v8 =	vadd.s32 s1, v0;
	v0 =	vld [tilespmem:$0x1FE80];
	_ =	sdelay $0x4  }
0x4f: {  	v9 =	vadd.s32 s1, v0;
	v0 =	vld [tilespmem:$0x1FE90];
	_ =	sdelay $0x4  }
0x50: {  	v10 =	vadd.s32 s1, v0;
	v0 =	vld [tilespmem:$0x1FEA0];
	_ =	sdelay $0x4  }
0x51: {  	v11 =	vadd.s32 s1, v0;
	v0 =	vld [tilespmem:$0x1FEB0];
	_ =	sdelay $0x4  }
0x52: {  	v12 =	vadd.s32 s1, v0;
	v0 =	vld [tilespmem:$0x1FEC0];
	_ =	sdelay $0x4  }
0x53: {  	v13 =	vadd.s32 s1, v0;
	v0 =	vld [tilespmem:$0x1FED0];
	_ =	sdelay $0x4  }
0x54: {  	v14 =	vadd.s32 s1, v0;
	v0 =	vld [tilespmem:$0x1FEE0];
	_ =	sdelay $0x4  }
0x55: {  	v15 =	vadd.s32 s1, v0;
	v0 =	vld [tilespmem:$0x1FEF0];
	_ =	sdelay $0x4  }
0x56: {  	v16 =	vadd.s32 s1, v0;
	v0 =	vld [tilespmem:$0x1FF00];
	_ =	sdelay $0x4  }
0x57: {  	v17 =	vadd.s32 s1, v0;
	v0 =	vld [tilespmem:$0x1FF10];
	_ =	sdelay $0x4  }
0x58: {  	v18 =	vadd.s32 s1, v0;
	v0 =	vld [tilespmem:$0x1FF20];
	_ =	sdelay $0x4  }
0x59: {  	v19 =	vadd.s32 s1, v0;
	v0 =	vld [tilespmem:$0x1FF30];
	_ =	sdelay $0x2  }
0x5a: {  	s15 =	simm.s32 $0x0  }
0x5b: {  	v25 =	vmov s15  }
0x5c: {  	v26 =	vand.u32 $0x8, v25;
	v62 =	vshll.u32 v61, $0x4;
	v20 =	vadd.s32 s1, v0;
	v0 =	vld [tilespmem:$0x1FF40]  }
0x5d: {  	v34 =	vand.u32 $0x7, v25;
	v32 =	vor.u32 v62, v26;
	v1 =	vshll.u32 v59, $0x4  }
0x5e: {  	v35 =	vor.u32 v34, v32;
	v30 =	vor.u32 v1, v26;
	[tilespmem:$0x1FC60] =	vst v2;
	v2 =	vshll.u32 v2, $0x4  }
0x5f: {  	v30 =	vor.u32 v34, v30;
	v31 =	vor.u32 v2, v26;
	[tilespmem:$0x1FC70] =	vst v3  }
0x60: {  	v63 =	vshll.u32 v60, $0x4;
	v31 =	vor.u32 v34, v31;
	[tilespmem:$0x1FC80] =	vst v4  }
0x61: {  	v33 =	vor.u32 v63, v26;
	[tilespmem:$0x1FCD0] =	vst v8;
	v8 =	vshll.u32 v8, $0x4;
	v21 =	vadd.s32 s1, v0;
	v0 =	vld [tilespmem:$0x1FF50]  }
0x62: {  	v37 =	vor.u32 v34, v33;
	v3 =	vshll.u32 v3, $0x4;
	[tilespmem:$0x1FC90] =	vst v24;
	v58 =	vor.u32 v8, v26  }
0x63: {  	v44 =	vld.idx.msk [tilespmem:v35+s18+$0x0], $0xffff;
	v56 =	vor.u32 v3, v26;
	v4 =	vshll.u32 v4, $0x4;
	[tilespmem:$0x1FCA0] =	vst v5;
	v55 =	vor.u32 v34, v58  }
0x64: {  	v41 =	vld.idx.msk [tilespmem:v30+s18+$0x0], $0xffff;
	v38 =	vor.u32 v34, v56;
	v57 =	vor.u32 v4, v26;
	v5 =	vshll.u32 v5, $0x4;
	[tilespmem:$0x1FCB0] =	vst v6  }
0x65: {  	v43 =	vld.idx.msk [tilespmem:v31+s18+$0x0], $0xffff;
	v40 =	vor.u32 v34, v57;
	v29 =	vor.u32 v5, v26;
	v6 =	vshll.u32 v6, $0x4;
	[tilespmem:$0x1FCC0] =	vst v7  }
0x66: {  	v30 =	vor.u32 v6, v26;
	v7 =	vshll.u32 v7, $0x4;
	[tilespmem:$0x1FCE0] =	vst v9;
	v22 =	vadd.s32 s1, v0;
	v0 =	vld [tilespmem:$0x1FF70]  }
0x67: {  	v29 =	vor.u32 v34, v29;
	v51 =	vor.u32 v34, v30;
	v31 =	vor.u32 v7, v26;
	[tilespmem:$0x1FCF0] =	vst v10  }
0x68: {  	v50 =	vor.u32 v34, v31;
	v9 =	vshll.u32 v9, $0x4;
	v35 =	vld.idx.msk [tilespmem:v55+s18+$0x0], $0xffff;
	v55 =	vimm.f32 $0.0e+00;
	[tilespmem:$0x1FD00] =	vst v11  }
0x69: {  	v10 =	vshll.u32 v10, $0x4;
	v11 =	vshll.u32 v11, $0x4;
	[tilespmem:$0x1FD10] =	vst v12;
	v12 =	vshll.u32 v12, $0x4  }
0x6a: {  	v47 =	vor.u32 v10, v26;
	v46 =	vor.u32 v11, v26;
	v56 =	vor.u32 v12, v26;
	[tilespmem:$0x1FD20] =	vst v13  }
0x6b: {  	v13 =	vshll.u32 v13, $0x4;
	[tilespmem:$0x1FD30] =	vst v14;
	v23 =	vadd.s32 s1, v0;
	v0 =	vshll.u32 v24, $0x4  }
0x6c: {  	v27 =	vor.u32 v13, v26;
	v14 =	vshll.u32 v14, $0x4;
	[tilespmem:$0x1FD40] =	vst v15;
	v28 =	vor.u32 v0, v26  }
0x6d: {  	v15 =	vshll.u32 v15, $0x4;
	[tilespmem:$0x1FD50] =	vst v16;
	v16 =	vshll.u32 v16, $0x4;
	v28 =	vor.u32 v34, v28  }
0x6e: {  	v57 =	vor.u32 v14, v26;
	v36 =	vor.u32 v15, v26;
	v49 =	vor.u32 v16, v26;
	[tilespmem:$0x1FD60] =	vst v17  }
0x6f: {  	v45 =	vld.idx.msk [tilespmem:v37+s18+$0x0], $0xffff;
	v37 =	vor.u32 v34, v49;
	v17 =	vshll.u32 v17, $0x4;
	[tilespmem:$0x1FD70] =	vst v18;
	v18 =	vshll.u32 v18, $0x4  }
0x70: {  	v49 =	vor.u32 v34, v27;
	v53 =	vor.u32 v17, v26;
	v54 =	vor.u32 v18, v26;
	[tilespmem:$0x1FD80] =	vst v19  }
0x71: {  	v33 =	vld.idx.msk [tilespmem:v29+s18+$0x0], $0xffff;
	v30 =	vor.u32 v34, v54;
	v19 =	vshll.u32 v19, $0x4;
	[tilespmem:$0x1FD90] =	vst v20;
	v20 =	vshll.u32 v20, $0x4  }
0x72: {  	v25 =	vor.u32 v20, v26;
	[tilespmem:$0x1FDA0] =	vst v21;
	v21 =	vshll.u32 v21, $0x4;
	v32 =	vld.idx.msk [tilespmem:v28+s18+$0x0], $0xffff;
	v28 =	vor.u32 v9, v26  }
0x73: {  	v29 =	vor.u32 v34, v25;
	v39 =	vor.u32 v21, v26;
	[tilespmem:$0x1FDB0] =	vst v22;
	v52 =	vor.u32 v34, v28  }
0x74: {  	v22 =	vshll.u32 v22, $0x4;
	v24 =	vor.u32 v19, v26;
	[tilespmem:$0x1FDC0] =	vst v23;
	v23 =	vshll.u32 v23, $0x4  }
0x75: {  	v42 =	vor.u32 v22, v26;
	v31 =	vor.u32 v34, v24;
	v48 =	vor.u32 v23, v26  }
0x76: {  	v25 =	vor.u32 v34, v48;
	v48 =	vor.u32 v34, v56;
	v28 =	vor.u32 v34, v39;
	v39 =	vld.idx.msk [tilespmem:v38+s18+$0x0], $0xffff  }
0x77: {  	s1 =	simm.s32 $0x1;
	v26 =	vor.u32 v34, v42;
	v42 =	vld.idx.msk [tilespmem:v40+s18+$0x0], $0xffff;
	v40 =	vor.u32 v34, v57;
	v38 =	vor.u32 v34, v53  }
.LBB2_3:
0x78: {  	p0 =	sne.s32 s1, $0xF;
	v24 =	vmul.f32 v41, v41;
	v27 =	vmul.f32 v43, v43;
	v52 =	vld.idx.msk [tilespmem:v52+s18+$0x0], $0xffff;
	v47 =	vor.u32 v34, v47  }
0x79: {  	v53 =	vmul.f32 v32, v32;
	v54 =	vmul.f32 v33, v33;
	v46 =	vor.u32 v34, v46;
	v51 =	vld.idx.msk [tilespmem:v51+s18+$0x0], $0xffff  }
0x7a: {  	v56 =	vmul.f32 v44, v44;
	v34 =	vor.u32 v34, v36;
	v57 =	vmul.f32 v45, v45;
	v50 =	vld.idx.msk [tilespmem:v50+s18+$0x0], $0xffff  }
0x7b: {  	v36 =	vadd.f32 $0.0e+00, v41;
	v41 =	vadd.f32 $0.0e+00, v43;
	v43 =	vmul.f32 v39, v39;
	v48 =	vld.idx.msk [tilespmem:v48+s18+$0x0], $0xffff  }
0x7c: {  	v44 =	vadd.f32 $0.0e+00, v44;
	v45 =	vadd.f32 $0.0e+00, v45;
	v58 =	vmul.f32 v42, v42;
	v49 =	vld.idx.msk [tilespmem:v49+s18+$0x0], $0xffff  }
0x7d: {  	v24 =	vadd.f32 v53, v24;
	v27 =	vadd.f32 v54, v27;
	v53 =	vmul.f32 v35, v35;
	v47 =	vld.idx.msk [tilespmem:v47+s18+$0x0], $0xffff  }
0x7e: {  	v43 =	vadd.f32 v43, v56;
	v54 =	vadd.f32 v58, v57;
	v56 =	vmul.f32 v52, v52;
	v46 =	vld.idx.msk [tilespmem:v46+s18+$0x0], $0xffff  }
0x7f: {  	v32 =	vadd.f32 v32, v36;
	v33 =	vadd.f32 v33, v41;
	v36 =	vmul.f32 v51, v51;
	v37 =	vld.idx.msk [tilespmem:v37+s18+$0x0], $0xffff  }
0x80: {  	v39 =	vadd.f32 v39, v44;
	v41 =	vadd.f32 v42, v45;
	v42 =	vmul.f32 v50, v50;
	v38 =	vld.idx.msk [tilespmem:v38+s18+$0x0], $0xffff  }
0x81: {  	v24 =	vadd.f32 v53, v24;
	v27 =	vadd.f32 v56, v27;
	v44 =	vmul.f32 v48, v48;
	v40 =	vld.idx.msk [tilespmem:v40+s18+$0x0], $0xffff  }
0x82: {  	v36 =	vadd.f32 v36, v43;
	v42 =	vadd.f32 v42, v54;
	v43 =	vmul.f32 v49, v49;
	v34 =	vld.idx.msk [tilespmem:v34+s18+$0x0], $0xffff  }
0x83: {  	v32 =	vadd.f32 v35, v32;
	v33 =	vadd.f32 v52, v33;
	v35 =	vmul.f32 v47, v47;
	v29 =	vld.idx.msk [tilespmem:v29+s18+$0x0], $0xffff  }
0x84: {  	v39 =	vadd.f32 v51, v39;
	v41 =	vadd.f32 v50, v41;
	v45 =	vmul.f32 v46, v46;
	v28 =	vld.idx.msk [tilespmem:v28+s18+$0x0], $0xffff  }
0x85: {  	v24 =	vadd.f32 v44, v24;
	v27 =	vadd.f32 v43, v27;
	v43 =	vmul.f32 v37, v37;
	v30 =	vld.idx.msk [tilespmem:v30+s18+$0x0], $0xffff  }
0x86: {  	v35 =	vadd.f32 v35, v36;
	v36 =	vadd.f32 v45, v42;
	v42 =	vmul.f32 v38, v38;
	v31 =	vld.idx.msk [tilespmem:v31+s18+$0x0], $0xffff  }
0x87: {  	v32 =	vadd.f32 v48, v32;
	v33 =	vadd.f32 v49, v33;
	v44 =	vmul.f32 v40, v40  }
0x88: {  	v39 =	vadd.f32 v47, v39;
	v41 =	vadd.f32 v46, v41;
	v45 =	vmul.f32 v34, v34  }
0x89: {  	v24 =	vadd.f32 v43, v24;
	v27 =	vadd.f32 v42, v27;
	v42 =	vmul.f32 v29, v29;
	v26 =	vld.idx.msk [tilespmem:v26+s18+$0x0], $0xffff  }
0x8a: {  	v35 =	vadd.f32 v44, v35;
	v36 =	vadd.f32 v45, v36;
	v43 =	vmul.f32 v28, v28;
	v25 =	vld.idx.msk [tilespmem:v25+s18+$0x0], $0xffff  }
0x8b: {  	v32 =	vadd.f32 v37, v32;
	v33 =	vadd.f32 v38, v33;
	v37 =	vmul.f32 v30, v30  }
0x8c: {  	v38 =	vadd.f32 v40, v39;
	v39 =	vadd.f32 v34, v41;
	v40 =	vmul.f32 v31, v31  }
0x8d: {  	v41 =	vmov s1;
	v24 =	vadd.f32 v42, v24;
	v27 =	vadd.f32 v43, v27  }
0x8e: {  	v34 =	vand.u32 $0x7, v41;
	v35 =	vadd.f32 v37, v35;
	v36 =	vadd.f32 v40, v36  }
0x8f: {  	v30 =	vadd.f32 v30, v38;
	v31 =	vadd.f32 v31, v39;
	v37 =	vmul.f32 v26, v26  }
0x90: {  	v29 =	vadd.f32 v29, v32;
	v28 =	vadd.f32 v28, v33;
	v32 =	vmul.f32 v25, v25  }
0x91: {  	v38 =	vand.u32 $0x8, v41;
	v26 =	vadd.f32 v26, v30;
	v25 =	vadd.f32 v25, v31  }
0x92: {  	v30 =	vor.u32 v20, v38;
	v31 =	vadd.f32 v37, v35;
	v32 =	vadd.f32 v32, v36  }
0x93: {  	v35 =	vor.u32 v21, v38;
	v25 =	vadd.f32 v25, v26;
	v26 =	vadd.f32 v28, v29  }
0x94: {  	v40 =	vor.u32 v23, v38;
	v24 =	vadd.f32 v27, v24;
	v37 =	vor.u32 v22, v38  }
0x95: {  	v27 =	vor.u32 v16, v38;
	v25 =	vadd.f32 v25, v26;
	v26 =	vadd.f32 v32, v31  }
0x96: {  	v49 =	vor.u32 v18, v38;
	v53 =	vor.u32 v19, v38;
	v31 =	vor.u32 v17, v38  }
0x97: {  	v28 =	vor.u32 v0, v38;
	v24 =	vadd.f32 v26, v24;
	v25 =	vmul.f32 v25, v25  }
0x98: {  	v48 =	vor.u32 v12, v38;
	v26 =	vor.u32 v34, v28;
	v28 =	vor.u32 v5, v38  }
0x99: {  	v29 =	vor.u32 v1, v38;
	v28 =	vor.u32 v34, v28;
	v24 =	vsub.f32 v25, v24  }
0x9a: {  	v54 =	vor.u32 v13, v38;
	v25 =	vor.u32 v34, v29;
	v29 =	vor.u32 v2, v38  }
0x9b: {  	v32 =	vor.u32 v62, v38;
	v29 =	vor.u32 v34, v29;
	v55 =	vadd.f32 v24, v55  }
0x9c: {  	v56 =	vor.u32 v14, v38;
	v24 =	vor.u32 v34, v32;
	v32 =	vor.u32 v63, v38  }
0x9d: {  	v33 =	vor.u32 v3, v38;
	v36 =	vor.u32 v15, v38;
	v39 =	vor.u32 v34, v32;
	v32 =	vld.idx.msk [tilespmem:v26+s18+$0x0], $0xffff  }
0x9e: {  	v42 =	vor.u32 v34, v33;
	v26 =	vor.u32 v4, v38;
	v33 =	vld.idx.msk [tilespmem:v28+s18+$0x0], $0xffff;
	v28 =	vor.u32 v8, v38  }
0x9f: {  	v47 =	vor.u32 v10, v38;
	v57 =	vor.u32 v34, v26;
	v41 =	vld.idx.msk [tilespmem:v25+s18+$0x0], $0xffff;
	v25 =	vor.u32 v9, v38  }
0xa0: {  	v46 =	vor.u32 v11, v38;
	v26 =	vor.u32 v6, v38;
	v58 =	vor.u32 v34, v28;
	v43 =	vld.idx.msk [tilespmem:v29+s18+$0x0], $0xffff  }
.Ltmp0:
0xa1: {  	v52 =	vor.u32 v34, v25;
	v29 =	vor.u32 v34, v30;
	v44 =	vld.idx.msk [tilespmem:v24+s18+$0x0], $0xffff;
	v24 =	vor.u32 v7, v38;
	(pc) =	sbr.rel @p0 .LBB2_3-.Ltmp0, $4  }
0xa2: {  	v51 =	vor.u32 v34, v26;
	v28 =	vor.u32 v34, v35;
	v26 =	vor.u32 v34, v37;
	v45 =	vld.idx.msk [tilespmem:v39+s18+$0x0], $0xffff  }
0xa3: {  	v37 =	vor.u32 v34, v27;
	v25 =	vor.u32 v34, v40;
	v50 =	vor.u32 v34, v24;
	v39 =	vld.idx.msk [tilespmem:v42+s18+$0x0], $0xffff  }
0xa4: {  	v48 =	vor.u32 v34, v48;
	v30 =	vor.u32 v34, v49;
	v38 =	vor.u32 v34, v31;
	v42 =	vld.idx.msk [tilespmem:v57+s18+$0x0], $0xffff  }
0xa5: {  	s1 =	sadd.s32 $0x1, s1;
	v49 =	vor.u32 v34, v54;
	v40 =	vor.u32 v34, v56;
	v31 =	vor.u32 v34, v53;
	v35 =	vld.idx.msk [tilespmem:v58+s18+$0x0], $0xffff  }
0xa6: {  	_ =	sdelay $0x3  }
0xa7: {  	v4 =	vld.idx.msk [tilespmem:v52+s18+$0x0], $0xffff  }
0xa8: {  	v8 =	vld.idx.msk [tilespmem:v51+s18+$0x0], $0xffff  }
0xa9: {  	v24 =	vld.idx.msk [tilespmem:v50+s18+$0x0], $0xffff  }
0xaa: {  	v12 =	vld.idx.msk [tilespmem:v48+s18+$0x0], $0xffff  }
0xab: {  	v15 =	vld.idx.msk [tilespmem:v49+s18+$0x0], $0xffff  }
0xac: {  	v37 =	vld.idx.msk [tilespmem:v37+s18+$0x0], $0xffff  }
0xad: {  	v5 =	vor.u32 v34, v47;
	v47 =	vld.idx.msk [tilespmem:v29+s18+$0x0], $0xffff  }
0xae: {  	v51 =	vld.idx.msk [tilespmem:v28+s18+$0x0], $0xffff  }
0xaf: {  	v52 =	vld.idx.msk [tilespmem:v30+s18+$0x0], $0xffff  }
0xb0: {  	v54 =	vld.idx.msk [tilespmem:v31+s18+$0x0], $0xffff  }
0xb1: {  	v28 =	vld [tilespmem:$0x1FFB0]  }
0xb2: {  	v29 =	vld [tilespmem:$0x1FFC0]  }
0xb3: {  	v13 =	vadd.f32 $0.0e+00, v44;
	v30 =	vld [tilespmem:$0x1FFD0]  }
0xb4: {  	v3 =	vmul.f32 v33, v33;
	v11 =	vadd.f32 $0.0e+00, v43;
	v31 =	vld [tilespmem:$0x1FFE0]  }
0xb5: {  	v23 =	vor.u32 v34, v46;
	v7 =	vmul.f32 v39, v39;
	v13 =	vadd.f32 v39, v13;
	v39 =	vld.idx.msk [tilespmem:v38+s18+$0x0], $0xffff  }
0xb6: {  	v10 =	vor.u32 v34, v36;
	v14 =	vadd.f32 $0.0e+00, v45;
	v11 =	vadd.f32 v33, v11;
	v33 =	vld [tilespmem:$0x1FC70]  }
0xb7: {  	v38 =	vld [tilespmem:$0x1FC90]  }
0xb8: {  	v6 =	vmul.f32 v44, v44;
	v21 =	vmul.f32 v42, v42;
	v14 =	vadd.f32 v42, v14;
	v42 =	vld.idx.msk [tilespmem:v40+s18+$0x0], $0xffff  }
0xb9: {  	v0 =	vmul.f32 v41, v41;
	v5 =	vld.idx.msk [tilespmem:v5+s18+$0x0], $0xffff  }
0xba: {  	v1 =	vmul.f32 v43, v43;
	v2 =	vmul.f32 v32, v32;
	v22 =	vadd.f32 v7, v6;
	v6 =	vld.idx.msk [tilespmem:v23+s18+$0x0], $0xffff  }
0xbb: {  	v27 =	vadd.f32 $0.0e+00, v41;
	v10 =	vld.idx.msk [tilespmem:v10+s18+$0x0], $0xffff  }
0xbc: {  	v9 =	vmul.f32 v45, v45;
	v0 =	vadd.f32 v2, v0;
	v1 =	vadd.f32 v3, v1;
	v23 =	vld [tilespmem:$0x1FF80]  }
0xbd: {  	v16 =	vmul.f32 v35, v35;
	v19 =	vmul.f32 v24, v24;
	v7 =	vadd.f32 v24, v14;
	v24 =	vld [tilespmem:$0x1FF90]  }
0xbe: {  	v2 =	vadd.f32 v21, v9;
	v9 =	vadd.f32 v32, v27;
	v17 =	vmul.f32 v4, v4;
	v27 =	vld [tilespmem:$0x1FFA0]  }
0xbf: {  	v41 =	vmul.f32 v12, v12;
	v21 =	vld [tilespmem:$0x1FC60];
	v0 =	vadd.f32 v16, v0  }
0xc0: {  	v43 =	vmul.f32 v15, v15;
	v1 =	vadd.f32 v17, v1;
	v9 =	vadd.f32 v35, v9;
	v35 =	vld [tilespmem:$0x1FC80]  }
0xc1: {  	v46 =	vmul.f32 v37, v37;
	v0 =	vadd.f32 v41, v0;
	v41 =	vld [tilespmem:$0x1FCA0]  }
0xc2: {  	v57 =	vand.u32 $0x1FF8, v61;
	v1 =	vadd.f32 v43, v1;
	v43 =	vld [tilespmem:$0x1FCB0]  }
0xc3: {  	v60 =	vand.u32 $0x1FF8, v60;
	v18 =	vmul.f32 v8, v8;
	v0 =	vadd.f32 v46, v0;
	v46 =	vld [tilespmem:$0x1FCC0]  }
0xc4: {  	v62 =	vand.u32 $0x1FF8, v59;
	v8 =	vadd.f32 v8, v13;
	v58 =	vor.u32 v23, v57;
	v57 =	vld [tilespmem:$0x1FD20]  }
0xc5: {  	v3 =	vadd.f32 v18, v22;
	v44 =	vmul.f32 v5, v5;
	v14 =	vor.u32 v24, v60;
	v60 =	vld [tilespmem:$0x1FD30]  }
0xc6: {  	v5 =	vadd.f32 v5, v8;
	v16 =	vor.u32 v27, v62;
	v17 =	vand.u32 $0x1FF8, v21;
	v62 =	vld [tilespmem:$0x1FD40]  }
0xc7: {  	v9 =	vadd.f32 v12, v9;
	v22 =	vor.u32 v28, v17;
	v17 =	vand.u32 $0x1FF8, v33;
	v33 =	vld [tilespmem:$0x1FD50]  }
0xc8: {  	v56 =	vmul.f32 v47, v47;
	v49 =	vmul.f32 v42, v42;
	v5 =	vadd.f32 v42, v5;
	v42 =	vld.idx.msk [tilespmem:v26+s18+$0x0], $0xffff  }
0xc9: {  	v2 =	vadd.f32 v19, v2;
	v45 =	vmul.f32 v6, v6;
	v53 =	vadd.f32 v37, v9;
	v26 =	vld [tilespmem:$0x1FFF0]  }
0xca: {  	v6 =	vadd.f32 v6, v7;
	v34 =	vor.u32 v29, v17;
	v17 =	vand.u32 $0x1FF8, v35;
	v35 =	vld [tilespmem:$0x1FD60]  }
0xcb: {  	v50 =	vmul.f32 v10, v10;
	v2 =	vadd.f32 v45, v2;
	v8 =	vadd.f32 v47, v53;
	v47 =	vld [tilespmem:$0x1FCD0]  }
0xcc: {  	v6 =	vadd.f32 v10, v6;
	v37 =	vor.u32 v30, v17;
	v17 =	vand.u32 $0x1FF8, v38;
	v38 =	vld [tilespmem:$0x1FD70]  }
0xcd: {  	v2 =	vadd.f32 v50, v2;
	v50 =	vld [tilespmem:$0x1FCF0]  }
0xce: {  	v4 =	vadd.f32 v4, v11;
	v20 =	vmul.f32 v54, v54;
	v6 =	vadd.f32 v54, v6;
	v54 =	vld [tilespmem:$0x1FD10]  }
0xcf: {  	v40 =	vor.u32 v31, v17;
	v17 =	vand.u32 $0x1FF8, v41;
	v41 =	vld [tilespmem:$0x1FD80]  }
0xd0: {  	v4 =	vadd.f32 v15, v4;
	v10 =	vld.idx.msk [tilespmem:v58+s19+$0x0], $0xffff  }
0xd1: {  	v36 =	vld.idx.msk [tilespmem:v14+s19+$0x0], $0xffff  }
0xd2: {  	v48 =	vmul.f32 v39, v39;
	v4 =	vadd.f32 v39, v4;
	v39 =	vld.idx.msk [tilespmem:v16+s19+$0x0], $0xffff  }
0xd3: {  	v3 =	vadd.f32 v44, v3;
	v44 =	vld.idx.msk [tilespmem:v22+s19+$0x0], $0xffff  }
0xd4: {  	v2 =	vadd.f32 v20, v2;
	v20 =	vld [tilespmem:$0x1FCE0]  }
0xd5: {  	v18 =	vand.u32 $0x1FF8, v43;
	v22 =	vld [tilespmem:$0x1FD00]  }
0xd6: {  	v45 =	vor.u32 v23, v18;
	v18 =	vand.u32 $0x1FF8, v46;
	v15 =	vld.idx.msk [tilespmem:v34+s19+$0x0], $0xffff  }
0xd7: {  	v61 =	vmul.f32 v51, v51;
	v1 =	vadd.f32 v48, v1;
	v18 =	vor.u32 v24, v18;
	v34 =	vld.idx.msk [tilespmem:v25+s18+$0x0], $0xffff  }
0xd8: {  	v63 =	vmul.f32 v52, v52;
	v4 =	vadd.f32 v51, v4;
	v17 =	vor.u32 v26, v17;
	v14 =	vld.idx.msk [tilespmem:v37+s19+$0x0], $0xffff  }
0xd9: {  	v0 =	vadd.f32 v56, v0;
	v1 =	vadd.f32 v61, v1;
	v19 =	vand.u32 $0x1FF8, v47;
	v47 =	vld [tilespmem:$0x1FDA0]  }
0xda: {  	v3 =	vadd.f32 v49, v3;
	v19 =	vor.u32 v27, v19;
	v48 =	vld.idx.msk [tilespmem:v40+s19+$0x0], $0xffff;
	v10 =	vadd.f32 $0.0e+00, v10  }
0xdb: {  	v5 =	vadd.f32 v52, v5;
	v7 =	vadd.f32 $0.0e+00, v36;
	v51 =	vld.idx.msk [tilespmem:v45+s19+$0x0], $0xffff;
	v20 =	vand.u32 $0x1FF8, v20  }
0xdc: {  	v22 =	vand.u32 $0x1FF8, v22;
	v53 =	vld.idx.msk [tilespmem:v18+s19+$0x0], $0xffff;
	v9 =	vadd.f32 v39, v10;
	v49 =	vor.u32 v28, v20  }
0xdd: {  	v18 =	vand.u32 $0x1FF8, v57;
	v20 =	vand.u32 $0x1FF8, v50;
	v17 =	vld.idx.msk [tilespmem:v17+s19+$0x0], $0xffff;
	v52 =	vor.u32 v30, v22  }
0xde: {  	v7 =	vadd.f32 v44, v7;
	v59 =	vor.u32 v26, v18;
	v44 =	vld [tilespmem:$0x1FD90];
	v9 =	vadd.f32 v15, v9  }
0xdf: {  	v3 =	vadd.f32 v63, v3;
	v21 =	vmul.f32 v42, v42;
	v20 =	vor.u32 v29, v20;
	v56 =	vld.idx.msk [tilespmem:v19+s19+$0x0], $0xffff  }
0xe0: {  	v5 =	vadd.f32 v42, v5;
	v15 =	vand.u32 $0x1FF8, v54;
	v9 =	vadd.f32 v48, v9;
	v48 =	vld [tilespmem:$0x1FDB0]  }
0xe1: {  	v18 =	vand.u32 $0x1FF8, v60;
	v7 =	vadd.f32 v14, v7;
	v15 =	vor.u32 v31, v15;
	v58 =	vld.idx.msk [tilespmem:v49+s19+$0x0], $0xffff  }
0xe2: {  	v3 =	vadd.f32 v21, v3;
	v18 =	vor.u32 v23, v18;
	v19 =	vand.u32 $0x1FF8, v62;
	v63 =	vld.idx.msk [tilespmem:v52+s19+$0x0], $0xffff  }
0xe3: {  	v32 =	vor.u32 v24, v19;
	v19 =	vand.u32 $0x1FF8, v33;
	v7 =	vadd.f32 v17, v7;
	v39 =	vld.idx.msk [tilespmem:v59+s19+$0x0], $0xffff  }
0xe4: {  	v19 =	vor.u32 v27, v19;
	v61 =	vld.idx.msk [tilespmem:v20+s19+$0x0], $0xffff;
	v9 =	vadd.f32 v51, v9;
	v20 =	vand.u32 $0x1FF8, v35  }
0xe5: {  	v49 =	vld [tilespmem:$0x1FDC0];
	v7 =	vadd.f32 v53, v7;
	v37 =	vor.u32 v28, v20;
	v20 =	vand.u32 $0x1FF8, v38  }
0xe6: {  	v9 =	vadd.f32 v56, v9;
	v36 =	vld.idx.msk [tilespmem:v15+s19+$0x0], $0xffff;
	v40 =	vor.u32 v29, v20;
	v20 =	vand.u32 $0x1FF8, v41  }
0xe7: {  	v42 =	vld.idx.msk [tilespmem:v18+s19+$0x0], $0xffff;
	v43 =	vor.u32 v30, v20;
	v20 =	vand.u32 $0x1FF8, v44;
	v7 =	vadd.f32 v58, v7  }
0xe8: {  	v45 =	vld.idx.msk [tilespmem:v32+s19+$0x0], $0xffff;
	v21 =	vand.u32 $0x1FF8, v48;
	v46 =	vor.u32 v31, v20;
	v20 =	vand.u32 $0x1FF8, v47  }
0xe9: {  	v19 =	vld.idx.msk [tilespmem:v19+s19+$0x0], $0xffff;
	v9 =	vadd.f32 v61, v9;
	v20 =	vor.u32 v26, v20;
	v7 =	vadd.f32 v63, v7  }
0xea: {  	v4 =	vadd.f32 v4, v8;
	v21 =	vor.u32 v23, v21;
	v22 =	vand.u32 $0x1FF8, v49;
	v15 =	vld.idx.msk [tilespmem:v37+s19+$0x0], $0xffff  }
0xeb: {  	v51 =	vor.u32 v24, v22;
	v9 =	vadd.f32 v36, v9;
	v50 =	vld.idx.msk [tilespmem:v40+s19+$0x0], $0xffff;
	v7 =	vadd.f32 v39, v7  }
0xec: {  	v0 =	vadd.f32 v1, v0;
	v6 =	vadd.f32 v34, v6;
	v13 =	vmul.f32 v34, v34;
	v52 =	vld.idx.msk [tilespmem:v43+s19+$0x0], $0xffff  }
0xed: {  	v9 =	vadd.f32 v42, v9;
	v53 =	vld.idx.msk [tilespmem:v46+s19+$0x0], $0xffff;
	v7 =	vadd.f32 v45, v7  }
0xee: {  	v2 =	vadd.f32 v13, v2;
	v5 =	vadd.f32 v6, v5;
	v54 =	vld.idx.msk [tilespmem:v20+s19+$0x0], $0xffff  }
0xef: {  	v57 =	vld.idx.msk [tilespmem:v21+s19+$0x0], $0xffff;
	v56 =	vadd.f32 v19, v9;
	v7 =	vadd.f32 v15, v7  }
0xf0: {  	v4 =	vadd.f32 v5, v4;
	v2 =	vadd.f32 v2, v3;
	v58 =	vld.idx.msk [tilespmem:v51+s19+$0x0], $0xffff  }
0xf1: {  	v59 =	vadd.f32 v50, v56;
	v6 =	vadd.f32 v52, v7  }
0xf2: {  	v0 =	vadd.f32 v2, v0;
	v60 =	vmul.f32 v4, v4  }
0xf3: {  	v61 =	vadd.f32 v53, v59;
	v1 =	vadd.f32 v54, v6  }
0xf4: {  	v0 =	vsub.f32 v60, v0;
	v63 =	vld [tilespmem:$0x1FDD0]  }
0xf5: {  	v62 =	vadd.f32 v57, v61;
	v1 =	vadd.f32 v58, v1;
	_ =	sdelay $0x1  }
0xf6: {  	v0 =	vadd.f32 v0, v55;
	v1 =	vadd.f32 v1, v62;
	_ =	sdelay $0x1  }
0xf7: {  	v0 =	vmul.f32 $5.000000000e-01, v0;
	v1 =	vadd.f32 v1, v63;
	_ =	sdelay $0x1  }
0xf8: {  	v0 =	vadd.f32 v1, v0;
	_ =	sdelay $0x1  }
0xf9: {  	v0 =	vsub.f32 $0.0e+00, v0;
	_ =	sdelay $0x1  }
0xfa: {  	v0 =	vmul.f32 $1.442695020e+00, v0;
	_ =	sdelay $0x1  }
0xfb: {  	(erf) = vpow2.f32 v0;
	_ =	sdelay $0x8  }
0xfc: {  	v0 =	vpop (erf)  }
0xfd: {  	v0 =	vadd.f32 $1.000000000e+00, v0;
	_ =	sdelay $0x1  }
0xfe: {  	(erf) = vrcp.f32 v0;
	_ =	sdelay $0x5  }
0xff: {  	s1 =	sshll.u32 s0, $0x4;
	s0 =	sadd.s32 $0x1, s0  }
0x100: {  	p0 =	sne.s32 s0, $0x8  }
.Ltmp1:
0x101: {  	_ = 	snop;
	(pc) =	sbr.rel @p0 .LBB2_2-.Ltmp1, $4  }
0x102: {  	v0 =	vpop (erf)  }
0x103: {  	v0 =	vmul.f32 $5.500000000e+00, v0  }
0x104: {  	s1 =	sand.u32 $0x3FFFFFF0, s1  }
0x105: {  	[tilespmem:s1+$0x1D400] =	vst v0  }
0x106: {  	s0 =	simm.s32 $0x0  }
0x107: {  	[hbm4b:s8+s0] =	stream.linear.scatter [tilespmem:s24], [sflag:$0x5], $0x80, $0x38;
	[tilespmem:$0x1D510] =	vst v63  }
0x108: {  	_ = 	snop  }
0x109: {  	[tilespmem:s0], [sflag:$0x7] =	stream.linear.gather [hbm4b:s9+s0], $0xD00, $0x38;
	[tilespmem:$0x1D510] =	vst v63  }
0x10a: {  	_ =	swait.ge [sflag:s16], $0xD00  }
0x10b: {  	[sflag:s16] =	ssyncset.done $0x0  }
0x10c: {  	[sflag:s16] =	ssyncadd.s32 $0xFFFFF300  }
0x10d: {  	[tilespmem:s18], [sflag:$0x1] =	stream.indirect.gather [hbm4b:s3+s17], $0x10, s0, s17, $0xb8;
	[tilespmem:$0x1D510] =	vst v63  }
0x10e: {  	_ = 	snop  }
0x10f: {  	[tilespmem:s19], [sflag:$0x3] =	stream.indirect.gather [hbm4b:s4+s17], $0x1, s0, s17, $0xb8;
	[tilespmem:$0x1D510] =	vst v63  }
0x110: {  	_ =	swait.ge [sflag:s25], $0xD000  }
0x111: {  	[sflag:s25] =	ssyncset.done $0x0  }
0x112: {  	[sflag:s25] =	ssyncadd.s32 $0xFFFF3000  }
0x113: {  	_ =	swait.ge [sflag:s26], $0xD00  }
0x114: {  	[sflag:s26] =	ssyncset.done $0x0  }
0x115: {  	s1 =	simm.s32 $0x0;
	[sflag:s26] =	ssyncadd.s32 $0xFFFFF300  }
.LBB2_6:
0x116: {  	v0 =	vld [tilespmem:$0x1FF60];
	_ =	sdelay $0x2  }
0x117: {  	s15 =	smul.u32 $0x1A0, s1;
	_ =	sdelay $0x1  }
0x118: {  	v61 =	vadd.s32 s15, v0;
	v0 =	vld [tilespmem:$0x1FDE0];
	_ =	sdelay $0x4  }
0x119: {  	v60 =	vadd.s32 s15, v0;
	v0 =	vld [tilespmem:$0x1FDF0];
	_ =	sdelay $0x4  }
0x11a: {  	v59 =	vadd.s32 s15, v0;
	v0 =	vld [tilespmem:$0x1FE00];
	_ =	sdelay $0x4  }
0x11b: {  	v3 =	vadd.s32 s15, v0;
	v0 =	vld [tilespmem:$0x1FE10];
	_ =	sdelay $0x4  }
0x11c: {  	v4 =	vadd.s32 s15, v0;
	v0 =	vld [tilespmem:$0x1FE20];
	_ =	sdelay $0x4  }
0x11d: {  	v25 =	vadd.s32 s15, v0;
	v0 =	vld [tilespmem:$0x1FE30];
	_ =	sdelay $0x4  }
0x11e: {  	v5 =	vadd.s32 s15, v0;
	v0 =	vld [tilespmem:$0x1FE40];
	_ =	sdelay $0x4  }
0x11f: {  	v6 =	vadd.s32 s15, v0;
	v0 =	vld [tilespmem:$0x1FE50];
	_ =	sdelay $0x4  }
0x120: {  	v7 =	vadd.s32 s15, v0;
	v0 =	vld [tilespmem:$0x1FE60];
	_ =	sdelay $0x4  }
0x121: {  	v8 =	vadd.s32 s15, v0;
	v0 =	vld [tilespmem:$0x1FE70];
	_ =	sdelay $0x4  }
0x122: {  	v9 =	vadd.s32 s15, v0;
	v0 =	vld [tilespmem:$0x1FE80];
	_ =	sdelay $0x4  }
0x123: {  	v10 =	vadd.s32 s15, v0;
	v0 =	vld [tilespmem:$0x1FE90];
	_ =	sdelay $0x4  }
0x124: {  	v11 =	vadd.s32 s15, v0;
	v0 =	vld [tilespmem:$0x1FEA0];
	_ =	sdelay $0x4  }
0x125: {  	v12 =	vadd.s32 s15, v0;
	v0 =	vld [tilespmem:$0x1FEB0];
	_ =	sdelay $0x4  }
0x126: {  	v13 =	vadd.s32 s15, v0;
	v0 =	vld [tilespmem:$0x1FEC0];
	_ =	sdelay $0x4  }
0x127: {  	v14 =	vadd.s32 s15, v0;
	v0 =	vld [tilespmem:$0x1FED0];
	_ =	sdelay $0x4  }
0x128: {  	v15 =	vadd.s32 s15, v0;
	v0 =	vld [tilespmem:$0x1FEE0];
	_ =	sdelay $0x4  }
0x129: {  	v16 =	vadd.s32 s15, v0;
	v0 =	vld [tilespmem:$0x1FEF0];
	_ =	sdelay $0x4  }
0x12a: {  	v17 =	vadd.s32 s15, v0;
	v0 =	vld [tilespmem:$0x1FF00];
	_ =	sdelay $0x4  }
0x12b: {  	v18 =	vadd.s32 s15, v0;
	v0 =	vld [tilespmem:$0x1FF10];
	_ =	sdelay $0x4  }
0x12c: {  	v19 =	vadd.s32 s15, v0;
	v0 =	vld [tilespmem:$0x1FF20];
	_ =	sdelay $0x3  }
0x12d: {  	[tilespmem:$0x1FAF0] =	vst v3  }
0x12e: {  	[tilespmem:$0x1FB00] =	vst v4;
	v24 =	vadd.s32 s15, v0;
	v0 =	vld [tilespmem:$0x1FF30]  }
0x12f: {  	[tilespmem:$0x1FB20] =	vst v5  }
0x130: {  	[tilespmem:$0x1FB30] =	vst v6  }
0x131: {  	[tilespmem:$0x1FB40] =	vst v7  }
0x132: {  	[tilespmem:$0x1FB50] =	vst v8  }
0x133: {  	[tilespmem:$0x1FB60] =	vst v9;
	v20 =	vadd.s32 s15, v0;
	v0 =	vld [tilespmem:$0x1FF40]  }
0x134: {  	[tilespmem:$0x1FB70] =	vst v10  }
0x135: {  	[tilespmem:$0x1FB80] =	vst v11  }
0x136: {  	[tilespmem:$0x1FB90] =	vst v12  }
0x137: {  	[tilespmem:$0x1FBA0] =	vst v13  }
0x138: {  	[tilespmem:$0x1FBB0] =	vst v14;
	v21 =	vadd.s32 s15, v0;
	v0 =	vld [tilespmem:$0x1FF50]  }
0x139: {  	v62 =	vshll.u32 v61, $0x4;
	v1 =	vshll.u32 v60, $0x4;
	v2 =	vshll.u32 v59, $0x4;
	[tilespmem:$0x1FBC0] =	vst v15  }
0x13a: {  	v3 =	vshll.u32 v3, $0x4;
	v4 =	vshll.u32 v4, $0x4;
	v5 =	vshll.u32 v5, $0x4;
	[tilespmem:$0x1FBD0] =	vst v16  }
0x13b: {  	v6 =	vshll.u32 v6, $0x4;
	v7 =	vshll.u32 v7, $0x4;
	v8 =	vshll.u32 v8, $0x4;
	[tilespmem:$0x1FBE0] =	vst v17  }
0x13c: {  	v9 =	vshll.u32 v9, $0x4;
	v10 =	vshll.u32 v10, $0x4;
	v11 =	vshll.u32 v11, $0x4;
	[tilespmem:$0x1FBF0] =	vst v18  }
0x13d: {  	v12 =	vshll.u32 v12, $0x4;
	v13 =	vshll.u32 v13, $0x4;
	[tilespmem:$0x1FC00] =	vst v19;
	v22 =	vadd.s32 s15, v0;
	v0 =	vld [tilespmem:$0x1FF70]  }
0x13e: {  	v14 =	vshll.u32 v14, $0x4;
	v15 =	vshll.u32 v15, $0x4;
	v16 =	vshll.u32 v16, $0x4;
	[tilespmem:$0x1FC10] =	vst v24  }
0x13f: {  	v17 =	vshll.u32 v17, $0x4;
	v63 =	vshll.u32 v24, $0x4;
	v24 =	vmov s0;
	[tilespmem:$0x1FC20] =	vst v20  }
0x140: {  	v18 =	vshll.u32 v18, $0x4;
	v19 =	vshll.u32 v19, $0x4;
	v34 =	vand.u32 $0x7, v24;
	[tilespmem:$0x1FC30] =	vst v21  }
0x141: {  	v20 =	vshll.u32 v20, $0x4;
	v21 =	vshll.u32 v21, $0x4;
	[tilespmem:$0x1FC40] =	vst v22;
	v22 =	vshll.u32 v22, $0x4  }
0x142: {  	[tilespmem:$0x1FB10] =	vst v25;
	v23 =	vadd.s32 s15, v0;
	v0 =	vshll.u32 v25, $0x4;
	v25 =	vand.u32 $0x8, v24  }
0x143: {  	[tilespmem:$0x1FC50] =	vst v23;
	v23 =	vshll.u32 v23, $0x4;
	v24 =	vor.u32 v20, v25;
	v26 =	vor.u32 v5, v25  }
0x144: {  	v27 =	vor.u32 v6, v25;
	v28 =	vor.u32 v2, v25;
	v29 =	vor.u32 v3, v25  }
0x145: {  	v30 =	vor.u32 v62, v25;
	v31 =	vor.u32 v1, v25;
	v32 =	vor.u32 v4, v25  }
0x146: {  	v58 =	vor.u32 v0, v25;
	v33 =	vor.u32 v9, v25;
	v26 =	vor.u32 v34, v26  }
0x147: {  	v37 =	vor.u32 v21, v25;
	v39 =	vor.u32 v22, v25;
	v27 =	vor.u32 v34, v27  }
0x148: {  	v48 =	vor.u32 v17, v25;
	v49 =	vor.u32 v18, v25;
	v28 =	vor.u32 v34, v28  }
0x149: {  	v54 =	vor.u32 v19, v25;
	v53 =	vor.u32 v63, v25;
	v29 =	vor.u32 v34, v29  }
0x14a: {  	v55 =	vor.u32 v14, v25;
	v56 =	vor.u32 v15, v25;
	v30 =	vor.u32 v34, v30  }
0x14b: {  	v36 =	vor.u32 v16, v25;
	v31 =	vor.u32 v34, v31;
	v35 =	vor.u32 v34, v32;
	v32 =	vld.idx.msk [tilespmem:v26+s20+$0x0], $0xffff  }
0x14c: {  	v47 =	vor.u32 v11, v25;
	v46 =	vor.u32 v12, v25;
	v40 =	vor.u32 v34, v33;
	v33 =	vld.idx.msk [tilespmem:v27+s20+$0x0], $0xffff  }
0x14d: {  	v38 =	vor.u32 v34, v58;
	v42 =	vor.u32 v23, v25;
	v27 =	vor.u32 v13, v25;
	v41 =	vld.idx.msk [tilespmem:v28+s20+$0x0], $0xffff  }
0x14e: {  	v26 =	vor.u32 v10, v25;
	v43 =	vld.idx.msk [tilespmem:v29+s20+$0x0], $0xffff;
	v28 =	vor.u32 v7, v25;
	v25 =	vor.u32 v8, v25  }
0x14f: {  	v44 =	vld.idx.msk [tilespmem:v30+s20+$0x0], $0xffff;
	v29 =	vor.u32 v34, v24;
	v30 =	vor.u32 v34, v54;
	v52 =	vor.u32 v34, v26  }
0x150: {  	v45 =	vld.idx.msk [tilespmem:v31+s20+$0x0], $0xffff;
	v31 =	vor.u32 v34, v53;
	v54 =	vimm.f32 $0.0e+00;
	v51 =	vor.u32 v34, v28  }
0x151: {  	v28 =	vor.u32 v34, v37;
	v26 =	vor.u32 v34, v39;
	v50 =	vor.u32 v34, v25;
	v39 =	vld.idx.msk [tilespmem:v35+s20+$0x0], $0xffff  }
0x152: {  	v37 =	vor.u32 v34, v48;
	v25 =	vor.u32 v34, v42;
	v48 =	vor.u32 v34, v27;
	v42 =	vld.idx.msk [tilespmem:v38+s20+$0x0], $0xffff  }
0x153: {  	s15 =	simm.s32 $0x1;
	v38 =	vor.u32 v34, v49;
	v49 =	vor.u32 v34, v55;
	v35 =	vld.idx.msk [tilespmem:v40+s20+$0x0], $0xffff;
	v40 =	vor.u32 v34, v56  }
.LBB2_7:
0x154: {  	p0 =	sne.s32 s15, $0xF;
	v24 =	vmul.f32 v41, v41;
	v27 =	vmul.f32 v43, v43;
	v52 =	vld.idx.msk [tilespmem:v52+s20+$0x0], $0xffff;
	v47 =	vor.u32 v34, v47  }
0x155: {  	v53 =	vmul.f32 v32, v32;
	v55 =	vmul.f32 v33, v33;
	v46 =	vor.u32 v34, v46;
	v51 =	vld.idx.msk [tilespmem:v51+s20+$0x0], $0xffff  }
0x156: {  	v56 =	vmul.f32 v44, v44;
	v34 =	vor.u32 v34, v36;
	v57 =	vmul.f32 v45, v45;
	v50 =	vld.idx.msk [tilespmem:v50+s20+$0x0], $0xffff  }
0x157: {  	v36 =	vadd.f32 $0.0e+00, v41;
	v41 =	vadd.f32 $0.0e+00, v43;
	v43 =	vmul.f32 v39, v39;
	v48 =	vld.idx.msk [tilespmem:v48+s20+$0x0], $0xffff  }
0x158: {  	v44 =	vadd.f32 $0.0e+00, v44;
	v45 =	vadd.f32 $0.0e+00, v45;
	v58 =	vmul.f32 v42, v42;
	v49 =	vld.idx.msk [tilespmem:v49+s20+$0x0], $0xffff  }
0x159: {  	v24 =	vadd.f32 v53, v24;
	v27 =	vadd.f32 v55, v27;
	v53 =	vmul.f32 v35, v35;
	v47 =	vld.idx.msk [tilespmem:v47+s20+$0x0], $0xffff  }
0x15a: {  	v43 =	vadd.f32 v43, v56;
	v55 =	vadd.f32 v58, v57;
	v56 =	vmul.f32 v52, v52;
	v46 =	vld.idx.msk [tilespmem:v46+s20+$0x0], $0xffff  }
0x15b: {  	v32 =	vadd.f32 v32, v36;
	v33 =	vadd.f32 v33, v41;
	v36 =	vmul.f32 v51, v51;
	v37 =	vld.idx.msk [tilespmem:v37+s20+$0x0], $0xffff  }
0x15c: {  	v39 =	vadd.f32 v39, v44;
	v41 =	vadd.f32 v42, v45;
	v42 =	vmul.f32 v50, v50;
	v38 =	vld.idx.msk [tilespmem:v38+s20+$0x0], $0xffff  }
0x15d: {  	v24 =	vadd.f32 v53, v24;
	v27 =	vadd.f32 v56, v27;
	v44 =	vmul.f32 v48, v48;
	v40 =	vld.idx.msk [tilespmem:v40+s20+$0x0], $0xffff  }
0x15e: {  	v36 =	vadd.f32 v36, v43;
	v42 =	vadd.f32 v42, v55;
	v43 =	vmul.f32 v49, v49;
	v34 =	vld.idx.msk [tilespmem:v34+s20+$0x0], $0xffff  }
0x15f: {  	v32 =	vadd.f32 v35, v32;
	v33 =	vadd.f32 v52, v33;
	v35 =	vmul.f32 v47, v47;
	v29 =	vld.idx.msk [tilespmem:v29+s20+$0x0], $0xffff  }
0x160: {  	v39 =	vadd.f32 v51, v39;
	v41 =	vadd.f32 v50, v41;
	v45 =	vmul.f32 v46, v46;
	v28 =	vld.idx.msk [tilespmem:v28+s20+$0x0], $0xffff  }
0x161: {  	v24 =	vadd.f32 v44, v24;
	v27 =	vadd.f32 v43, v27;
	v43 =	vmul.f32 v37, v37;
	v30 =	vld.idx.msk [tilespmem:v30+s20+$0x0], $0xffff  }
0x162: {  	v35 =	vadd.f32 v35, v36;
	v36 =	vadd.f32 v45, v42;
	v42 =	vmul.f32 v38, v38;
	v31 =	vld.idx.msk [tilespmem:v31+s20+$0x0], $0xffff  }
0x163: {  	v32 =	vadd.f32 v48, v32;
	v33 =	vadd.f32 v49, v33;
	v44 =	vmul.f32 v40, v40  }
0x164: {  	v39 =	vadd.f32 v47, v39;
	v41 =	vadd.f32 v46, v41;
	v45 =	vmul.f32 v34, v34  }
0x165: {  	v24 =	vadd.f32 v43, v24;
	v27 =	vadd.f32 v42, v27;
	v42 =	vmul.f32 v29, v29;
	v26 =	vld.idx.msk [tilespmem:v26+s20+$0x0], $0xffff  }
0x166: {  	v35 =	vadd.f32 v44, v35;
	v36 =	vadd.f32 v45, v36;
	v43 =	vmul.f32 v28, v28;
	v25 =	vld.idx.msk [tilespmem:v25+s20+$0x0], $0xffff  }
0x167: {  	v32 =	vadd.f32 v37, v32;
	v33 =	vadd.f32 v38, v33;
	v37 =	vmul.f32 v30, v30  }
0x168: {  	v38 =	vadd.f32 v40, v39;
	v39 =	vadd.f32 v34, v41;
	v40 =	vmul.f32 v31, v31  }
0x169: {  	v41 =	vmov s15;
	v24 =	vadd.f32 v42, v24;
	v27 =	vadd.f32 v43, v27  }
0x16a: {  	v34 =	vand.u32 $0x7, v41;
	v35 =	vadd.f32 v37, v35;
	v36 =	vadd.f32 v40, v36  }
0x16b: {  	v30 =	vadd.f32 v30, v38;
	v31 =	vadd.f32 v31, v39;
	v37 =	vmul.f32 v26, v26  }
0x16c: {  	v29 =	vadd.f32 v29, v32;
	v28 =	vadd.f32 v28, v33;
	v32 =	vmul.f32 v25, v25  }
0x16d: {  	v38 =	vand.u32 $0x8, v41;
	v26 =	vadd.f32 v26, v30;
	v25 =	vadd.f32 v25, v31  }
0x16e: {  	v30 =	vor.u32 v20, v38;
	v31 =	vadd.f32 v37, v35;
	v32 =	vadd.f32 v32, v36  }
0x16f: {  	v35 =	vor.u32 v21, v38;
	v25 =	vadd.f32 v25, v26;
	v26 =	vadd.f32 v28, v29  }
0x170: {  	v40 =	vor.u32 v23, v38;
	v24 =	vadd.f32 v27, v24;
	v37 =	vor.u32 v22, v38  }
0x171: {  	v27 =	vor.u32 v17, v38;
	v25 =	vadd.f32 v25, v26;
	v26 =	vadd.f32 v32, v31  }
0x172: {  	v49 =	vor.u32 v19, v38;
	v53 =	vor.u32 v63, v38;
	v31 =	vor.u32 v18, v38  }
0x173: {  	v28 =	vor.u32 v5, v38;
	v24 =	vadd.f32 v26, v24;
	v25 =	vmul.f32 v25, v25  }
0x174: {  	v48 =	vor.u32 v13, v38;
	v26 =	vor.u32 v34, v28;
	v28 =	vor.u32 v6, v38  }
0x175: {  	v29 =	vor.u32 v2, v38;
	v28 =	vor.u32 v34, v28;
	v24 =	vsub.f32 v25, v24  }
0x176: {  	v55 =	vor.u32 v14, v38;
	v25 =	vor.u32 v34, v29;
	v29 =	vor.u32 v3, v38  }
0x177: {  	v32 =	vor.u32 v62, v38;
	v29 =	vor.u32 v34, v29;
	v54 =	vadd.f32 v24, v54  }
0x178: {  	v56 =	vor.u32 v15, v38;
	v24 =	vor.u32 v34, v32;
	v32 =	vor.u32 v1, v38  }
0x179: {  	v33 =	vor.u32 v4, v38;
	v36 =	vor.u32 v16, v38;
	v39 =	vor.u32 v34, v32;
	v32 =	vld.idx.msk [tilespmem:v26+s20+$0x0], $0xffff  }
0x17a: {  	v42 =	vor.u32 v34, v33;
	v26 =	vor.u32 v0, v38;
	v33 =	vld.idx.msk [tilespmem:v28+s20+$0x0], $0xffff;
	v28 =	vor.u32 v9, v38  }
0x17b: {  	v47 =	vor.u32 v11, v38;
	v57 =	vor.u32 v34, v26;
	v41 =	vld.idx.msk [tilespmem:v25+s20+$0x0], $0xffff;
	v25 =	vor.u32 v10, v38  }
0x17c: {  	v46 =	vor.u32 v12, v38;
	v26 =	vor.u32 v7, v38;
	v58 =	vor.u32 v34, v28;
	v43 =	vld.idx.msk [tilespmem:v29+s20+$0x0], $0xffff  }
.Ltmp2:
0x17d: {  	v52 =	vor.u32 v34, v25;
	v29 =	vor.u32 v34, v30;
	v44 =	vld.idx.msk [tilespmem:v24+s20+$0x0], $0xffff;
	v24 =	vor.u32 v8, v38;
	(pc) =	sbr.rel @p0 .LBB2_7-.Ltmp2, $4  }
0x17e: {  	v51 =	vor.u32 v34, v26;
	v28 =	vor.u32 v34, v35;
	v26 =	vor.u32 v34, v37;
	v45 =	vld.idx.msk [tilespmem:v39+s20+$0x0], $0xffff  }
0x17f: {  	v37 =	vor.u32 v34, v27;
	v25 =	vor.u32 v34, v40;
	v50 =	vor.u32 v34, v24;
	v39 =	vld.idx.msk [tilespmem:v42+s20+$0x0], $0xffff  }
0x180: {  	v48 =	vor.u32 v34, v48;
	v30 =	vor.u32 v34, v49;
	v38 =	vor.u32 v34, v31;
	v42 =	vld.idx.msk [tilespmem:v57+s20+$0x0], $0xffff  }
0x181: {  	s15 =	sadd.s32 $0x1, s15;
	v49 =	vor.u32 v34, v55;
	v40 =	vor.u32 v34, v56;
	v31 =	vor.u32 v34, v53;
	v35 =	vld.idx.msk [tilespmem:v58+s20+$0x0], $0xffff  }
0x182: {  	_ =	sdelay $0x3  }
0x183: {  	v4 =	vld.idx.msk [tilespmem:v52+s20+$0x0], $0xffff  }
0x184: {  	v8 =	vld.idx.msk [tilespmem:v51+s20+$0x0], $0xffff  }
0x185: {  	v24 =	vld.idx.msk [tilespmem:v50+s20+$0x0], $0xffff  }
0x186: {  	v12 =	vld.idx.msk [tilespmem:v48+s20+$0x0], $0xffff  }
0x187: {  	v15 =	vld.idx.msk [tilespmem:v49+s20+$0x0], $0xffff  }
0x188: {  	v37 =	vld.idx.msk [tilespmem:v37+s20+$0x0], $0xffff  }
0x189: {  	v5 =	vor.u32 v34, v47;
	v47 =	vld.idx.msk [tilespmem:v29+s20+$0x0], $0xffff  }
0x18a: {  	v51 =	vld.idx.msk [tilespmem:v28+s20+$0x0], $0xffff  }
0x18b: {  	v52 =	vld.idx.msk [tilespmem:v30+s20+$0x0], $0xffff  }
0x18c: {  	v55 =	vld.idx.msk [tilespmem:v31+s20+$0x0], $0xffff  }
0x18d: {  	v28 =	vld [tilespmem:$0x1FFB0]  }
0x18e: {  	v29 =	vld [tilespmem:$0x1FFC0]  }
0x18f: {  	v13 =	vadd.f32 $0.0e+00, v44;
	v30 =	vld [tilespmem:$0x1FFD0]  }
0x190: {  	v3 =	vmul.f32 v33, v33;
	v11 =	vadd.f32 $0.0e+00, v43;
	v31 =	vld [tilespmem:$0x1FFE0]  }
0x191: {  	v23 =	vor.u32 v34, v46;
	v7 =	vmul.f32 v39, v39;
	v13 =	vadd.f32 v39, v13;
	v39 =	vld.idx.msk [tilespmem:v38+s20+$0x0], $0xffff  }
0x192: {  	v10 =	vor.u32 v34, v36;
	v14 =	vadd.f32 $0.0e+00, v45;
	v11 =	vadd.f32 v33, v11;
	v33 =	vld [tilespmem:$0x1FB00]  }
0x193: {  	v38 =	vld [tilespmem:$0x1FB20]  }
0x194: {  	v6 =	vmul.f32 v44, v44;
	v21 =	vmul.f32 v42, v42;
	v14 =	vadd.f32 v42, v14;
	v42 =	vld.idx.msk [tilespmem:v40+s20+$0x0], $0xffff  }
0x195: {  	v0 =	vmul.f32 v41, v41;
	v5 =	vld.idx.msk [tilespmem:v5+s20+$0x0], $0xffff  }
0x196: {  	v1 =	vmul.f32 v43, v43;
	v2 =	vmul.f32 v32, v32;
	v22 =	vadd.f32 v7, v6;
	v6 =	vld.idx.msk [tilespmem:v23+s20+$0x0], $0xffff  }
0x197: {  	v27 =	vadd.f32 $0.0e+00, v41;
	v10 =	vld.idx.msk [tilespmem:v10+s20+$0x0], $0xffff  }
0x198: {  	v9 =	vmul.f32 v45, v45;
	v0 =	vadd.f32 v2, v0;
	v1 =	vadd.f32 v3, v1;
	v23 =	vld [tilespmem:$0x1FF80]  }
0x199: {  	v16 =	vmul.f32 v35, v35;
	v19 =	vmul.f32 v24, v24;
	v7 =	vadd.f32 v24, v14;
	v24 =	vld [tilespmem:$0x1FF90]  }
0x19a: {  	v2 =	vadd.f32 v21, v9;
	v9 =	vadd.f32 v32, v27;
	v17 =	vmul.f32 v4, v4;
	v27 =	vld [tilespmem:$0x1FFA0]  }
0x19b: {  	v41 =	vmul.f32 v12, v12;
	v21 =	vld [tilespmem:$0x1FAF0];
	v0 =	vadd.f32 v16, v0  }
0x19c: {  	v43 =	vmul.f32 v15, v15;
	v1 =	vadd.f32 v17, v1;
	v9 =	vadd.f32 v35, v9;
	v35 =	vld [tilespmem:$0x1FB10]  }
0x19d: {  	v46 =	vmul.f32 v37, v37;
	v0 =	vadd.f32 v41, v0;
	v41 =	vld [tilespmem:$0x1FB30]  }
0x19e: {  	v57 =	vand.u32 $0x1FF8, v61;
	v1 =	vadd.f32 v43, v1;
	v43 =	vld [tilespmem:$0x1FB40]  }
0x19f: {  	v60 =	vand.u32 $0x1FF8, v60;
	v18 =	vmul.f32 v8, v8;
	v0 =	vadd.f32 v46, v0;
	v46 =	vld [tilespmem:$0x1FB50]  }
0x1a0: {  	v62 =	vand.u32 $0x1FF8, v59;
	v8 =	vadd.f32 v8, v13;
	v58 =	vor.u32 v23, v57;
	v57 =	vld [tilespmem:$0x1FBB0]  }
0x1a1: {  	v3 =	vadd.f32 v18, v22;
	v44 =	vmul.f32 v5, v5;
	v14 =	vor.u32 v24, v60;
	v60 =	vld [tilespmem:$0x1FBC0]  }
0x1a2: {  	v5 =	vadd.f32 v5, v8;
	v16 =	vor.u32 v27, v62;
	v17 =	vand.u32 $0x1FF8, v21;
	v62 =	vld [tilespmem:$0x1FBD0]  }
0x1a3: {  	v9 =	vadd.f32 v12, v9;
	v22 =	vor.u32 v28, v17;
	v17 =	vand.u32 $0x1FF8, v33;
	v33 =	vld [tilespmem:$0x1FBE0]  }
0x1a4: {  	v56 =	vmul.f32 v47, v47;
	v49 =	vmul.f32 v42, v42;
	v5 =	vadd.f32 v42, v5;
	v42 =	vld.idx.msk [tilespmem:v26+s20+$0x0], $0xffff  }
0x1a5: {  	v2 =	vadd.f32 v19, v2;
	v45 =	vmul.f32 v6, v6;
	v53 =	vadd.f32 v37, v9;
	v26 =	vld [tilespmem:$0x1FFF0]  }
0x1a6: {  	v6 =	vadd.f32 v6, v7;
	v34 =	vor.u32 v29, v17;
	v17 =	vand.u32 $0x1FF8, v35;
	v35 =	vld [tilespmem:$0x1FBF0]  }
0x1a7: {  	v50 =	vmul.f32 v10, v10;
	v2 =	vadd.f32 v45, v2;
	v8 =	vadd.f32 v47, v53;
	v47 =	vld [tilespmem:$0x1FB60]  }
0x1a8: {  	v6 =	vadd.f32 v10, v6;
	v37 =	vor.u32 v30, v17;
	v17 =	vand.u32 $0x1FF8, v38;
	v38 =	vld [tilespmem:$0x1FC00]  }
0x1a9: {  	v2 =	vadd.f32 v50, v2;
	v50 =	vld [tilespmem:$0x1FB80]  }
0x1aa: {  	v4 =	vadd.f32 v4, v11;
	v20 =	vmul.f32 v55, v55;
	v6 =	vadd.f32 v55, v6;
	v55 =	vld [tilespmem:$0x1FBA0]  }
0x1ab: {  	v40 =	vor.u32 v31, v17;
	v17 =	vand.u32 $0x1FF8, v41;
	v41 =	vld [tilespmem:$0x1FC10]  }
0x1ac: {  	v4 =	vadd.f32 v15, v4;
	v10 =	vld.idx.msk [tilespmem:v58+s21+$0x0], $0xffff  }
0x1ad: {  	v36 =	vld.idx.msk [tilespmem:v14+s21+$0x0], $0xffff  }
0x1ae: {  	v48 =	vmul.f32 v39, v39;
	v4 =	vadd.f32 v39, v4;
	v39 =	vld.idx.msk [tilespmem:v16+s21+$0x0], $0xffff  }
0x1af: {  	v3 =	vadd.f32 v44, v3;
	v44 =	vld.idx.msk [tilespmem:v22+s21+$0x0], $0xffff  }
0x1b0: {  	v2 =	vadd.f32 v20, v2;
	v20 =	vld [tilespmem:$0x1FB70]  }
0x1b1: {  	v18 =	vand.u32 $0x1FF8, v43;
	v22 =	vld [tilespmem:$0x1FB90]  }
0x1b2: {  	v45 =	vor.u32 v23, v18;
	v18 =	vand.u32 $0x1FF8, v46;
	v15 =	vld.idx.msk [tilespmem:v34+s21+$0x0], $0xffff  }
0x1b3: {  	v61 =	vmul.f32 v51, v51;
	v1 =	vadd.f32 v48, v1;
	v18 =	vor.u32 v24, v18;
	v34 =	vld.idx.msk [tilespmem:v25+s20+$0x0], $0xffff  }
0x1b4: {  	v63 =	vmul.f32 v52, v52;
	v4 =	vadd.f32 v51, v4;
	v17 =	vor.u32 v26, v17;
	v14 =	vld.idx.msk [tilespmem:v37+s21+$0x0], $0xffff  }
0x1b5: {  	v0 =	vadd.f32 v56, v0;
	v1 =	vadd.f32 v61, v1;
	v19 =	vand.u32 $0x1FF8, v47;
	v47 =	vld [tilespmem:$0x1FC30]  }
0x1b6: {  	v3 =	vadd.f32 v49, v3;
	v19 =	vor.u32 v27, v19;
	v48 =	vld.idx.msk [tilespmem:v40+s21+$0x0], $0xffff;
	v10 =	vadd.f32 $0.0e+00, v10  }
0x1b7: {  	v5 =	vadd.f32 v52, v5;
	v7 =	vadd.f32 $0.0e+00, v36;
	v51 =	vld.idx.msk [tilespmem:v45+s21+$0x0], $0xffff;
	v20 =	vand.u32 $0x1FF8, v20  }
0x1b8: {  	v22 =	vand.u32 $0x1FF8, v22;
	v53 =	vld.idx.msk [tilespmem:v18+s21+$0x0], $0xffff;
	v9 =	vadd.f32 v39, v10;
	v49 =	vor.u32 v28, v20  }
0x1b9: {  	v18 =	vand.u32 $0x1FF8, v57;
	v20 =	vand.u32 $0x1FF8, v50;
	v17 =	vld.idx.msk [tilespmem:v17+s21+$0x0], $0xffff;
	v52 =	vor.u32 v30, v22  }
0x1ba: {  	v7 =	vadd.f32 v44, v7;
	v59 =	vor.u32 v26, v18;
	v44 =	vld [tilespmem:$0x1FC20];
	v9 =	vadd.f32 v15, v9  }
0x1bb: {  	v3 =	vadd.f32 v63, v3;
	v21 =	vmul.f32 v42, v42;
	v20 =	vor.u32 v29, v20;
	v56 =	vld.idx.msk [tilespmem:v19+s21+$0x0], $0xffff  }
0x1bc: {  	v5 =	vadd.f32 v42, v5;
	v15 =	vand.u32 $0x1FF8, v55;
	v9 =	vadd.f32 v48, v9;
	v48 =	vld [tilespmem:$0x1FC40]  }
0x1bd: {  	v18 =	vand.u32 $0x1FF8, v60;
	v7 =	vadd.f32 v14, v7;
	v15 =	vor.u32 v31, v15;
	v58 =	vld.idx.msk [tilespmem:v49+s21+$0x0], $0xffff  }
0x1be: {  	v3 =	vadd.f32 v21, v3;
	v18 =	vor.u32 v23, v18;
	v19 =	vand.u32 $0x1FF8, v62;
	v63 =	vld.idx.msk [tilespmem:v52+s21+$0x0], $0xffff  }
0x1bf: {  	v32 =	vor.u32 v24, v19;
	v19 =	vand.u32 $0x1FF8, v33;
	v7 =	vadd.f32 v17, v7;
	v39 =	vld.idx.msk [tilespmem:v59+s21+$0x0], $0xffff  }
0x1c0: {  	v19 =	vor.u32 v27, v19;
	v61 =	vld.idx.msk [tilespmem:v20+s21+$0x0], $0xffff;
	v9 =	vadd.f32 v51, v9;
	v20 =	vand.u32 $0x1FF8, v35  }
0x1c1: {  	v49 =	vld [tilespmem:$0x1FC50];
	v7 =	vadd.f32 v53, v7;
	v37 =	vor.u32 v28, v20;
	v20 =	vand.u32 $0x1FF8, v38  }
0x1c2: {  	v9 =	vadd.f32 v56, v9;
	v36 =	vld.idx.msk [tilespmem:v15+s21+$0x0], $0xffff;
	v40 =	vor.u32 v29, v20;
	v20 =	vand.u32 $0x1FF8, v41  }
0x1c3: {  	v42 =	vld.idx.msk [tilespmem:v18+s21+$0x0], $0xffff;
	v43 =	vor.u32 v30, v20;
	v20 =	vand.u32 $0x1FF8, v44;
	v7 =	vadd.f32 v58, v7  }
0x1c4: {  	v45 =	vld.idx.msk [tilespmem:v32+s21+$0x0], $0xffff;
	v21 =	vand.u32 $0x1FF8, v48;
	v46 =	vor.u32 v31, v20;
	v20 =	vand.u32 $0x1FF8, v47  }
0x1c5: {  	v19 =	vld.idx.msk [tilespmem:v19+s21+$0x0], $0xffff;
	v9 =	vadd.f32 v61, v9;
	v20 =	vor.u32 v26, v20;
	v7 =	vadd.f32 v63, v7  }
0x1c6: {  	v4 =	vadd.f32 v4, v8;
	v21 =	vor.u32 v23, v21;
	v22 =	vand.u32 $0x1FF8, v49;
	v15 =	vld.idx.msk [tilespmem:v37+s21+$0x0], $0xffff  }
0x1c7: {  	v51 =	vor.u32 v24, v22;
	v9 =	vadd.f32 v36, v9;
	v50 =	vld.idx.msk [tilespmem:v40+s21+$0x0], $0xffff;
	v7 =	vadd.f32 v39, v7  }
0x1c8: {  	v0 =	vadd.f32 v1, v0;
	v6 =	vadd.f32 v34, v6;
	v13 =	vmul.f32 v34, v34;
	v52 =	vld.idx.msk [tilespmem:v43+s21+$0x0], $0xffff  }
0x1c9: {  	v9 =	vadd.f32 v42, v9;
	v53 =	vld.idx.msk [tilespmem:v46+s21+$0x0], $0xffff;
	v7 =	vadd.f32 v45, v7  }
0x1ca: {  	v2 =	vadd.f32 v13, v2;
	v5 =	vadd.f32 v6, v5;
	v55 =	vld.idx.msk [tilespmem:v20+s21+$0x0], $0xffff  }
0x1cb: {  	v57 =	vld.idx.msk [tilespmem:v21+s21+$0x0], $0xffff;
	v56 =	vadd.f32 v19, v9;
	v7 =	vadd.f32 v15, v7  }
0x1cc: {  	v4 =	vadd.f32 v5, v4;
	v2 =	vadd.f32 v2, v3;
	v58 =	vld.idx.msk [tilespmem:v51+s21+$0x0], $0xffff  }
0x1cd: {  	v59 =	vadd.f32 v50, v56;
	v6 =	vadd.f32 v52, v7  }
0x1ce: {  	v0 =	vadd.f32 v2, v0;
	v60 =	vmul.f32 v4, v4  }
0x1cf: {  	v61 =	vadd.f32 v53, v59;
	v1 =	vadd.f32 v55, v6  }
0x1d0: {  	v0 =	vsub.f32 v60, v0;
	v63 =	vld [tilespmem:$0x1FDD0]  }
0x1d1: {  	v62 =	vadd.f32 v57, v61;
	v1 =	vadd.f32 v58, v1;
	_ =	sdelay $0x1  }
0x1d2: {  	v0 =	vadd.f32 v0, v54;
	v1 =	vadd.f32 v1, v62;
	_ =	sdelay $0x1  }
0x1d3: {  	v0 =	vmul.f32 $5.000000000e-01, v0;
	v1 =	vadd.f32 v1, v63;
	_ =	sdelay $0x1  }
0x1d4: {  	v0 =	vadd.f32 v1, v0;
	_ =	sdelay $0x1  }
0x1d5: {  	v0 =	vsub.f32 $0.0e+00, v0;
	_ =	sdelay $0x1  }
0x1d6: {  	v0 =	vmul.f32 $1.442695020e+00, v0;
	_ =	sdelay $0x1  }
0x1d7: {  	(erf) = vpow2.f32 v0;
	_ =	sdelay $0x8  }
0x1d8: {  	v0 =	vpop (erf)  }
0x1d9: {  	v0 =	vadd.f32 $1.000000000e+00, v0;
	_ =	sdelay $0x1  }
0x1da: {  	(erf) = vrcp.f32 v0;
	_ =	sdelay $0x5  }
0x1db: {  	s15 =	sshll.u32 s1, $0x4;
	s1 =	sadd.s32 $0x1, s1  }
0x1dc: {  	p0 =	sne.s32 s1, $0x8  }
.Ltmp3:
0x1dd: {  	_ = 	snop;
	(pc) =	sbr.rel @p0 .LBB2_6-.Ltmp3, $4  }
0x1de: {  	v0 =	vpop (erf)  }
0x1df: {  	v0 =	vmul.f32 $5.500000000e+00, v0  }
0x1e0: {  	s15 =	sand.u32 $0x3FFFFFF0, s15  }
0x1e1: {  	[tilespmem:s15+$0x1D480] =	vst v0  }
0x1e2: {  	s0 =	simm.s32 $0x0  }
0x1e3: {  	[hbm4b:s10+s0] =	stream.linear.scatter [tilespmem:s28], [sflag:$0x6], $0x80, $0x38;
	[tilespmem:$0x1D510] =	vst v63  }
0x1e4: {  	_ = 	snop  }
0x1e5: {  	[tilespmem:s17], [sflag:$0x7] =	stream.linear.gather [hbm4b:s11+s0], $0xD00, $0x38;
	[tilespmem:$0x1D510] =	vst v63  }
0x1e6: {  	_ =	swait.ge [sflag:s16], $0xD00  }
0x1e7: {  	[sflag:s16] =	ssyncset.done $0x0  }
0x1e8: {  	[sflag:s16] =	ssyncadd.s32 $0xFFFFF300  }
0x1e9: {  	[tilespmem:s20], [sflag:$0x2] =	stream.indirect.gather [hbm4b:s3+s17], $0x10, s17, s17, $0xb8;
	[tilespmem:$0x1D510] =	vst v63  }
0x1ea: {  	_ = 	snop  }
0x1eb: {  	[tilespmem:s21], [sflag:$0x4] =	stream.indirect.gather [hbm4b:s4+s17], $0x1, s17, s17, $0xb8;
	[tilespmem:$0x1D510] =	vst v63  }
0x1ec: {  	_ =	swait.ge [sflag:s22], $0xD000  }
0x1ed: {  	[sflag:s22] =	ssyncset.done $0x0  }
0x1ee: {  	[sflag:s22] =	ssyncadd.s32 $0xFFFF3000  }
0x1ef: {  	_ =	swait.ge [sflag:s23], $0xD00  }
0x1f0: {  	[sflag:s23] =	ssyncset.done $0x0  }
0x1f1: {  	[sflag:s23] =	ssyncadd.s32 $0xFFFFF300  }
0x1f2: {  	_ =	swait.ge [sflag:s29], $0x80  }
0x1f3: {  	[sflag:s29] =	ssyncset.done $0x0  }
0x1f4: {  	s1 =	simm.s32 $0x0;
	[sflag:s29] =	ssyncadd.s32 $0xFFFFFF80  }
.LBB2_10:
0x1f5: {  	v0 =	vld [tilespmem:$0x1FF60];
	_ =	sdelay $0x2  }
0x1f6: {  	s15 =	smul.u32 $0x1A0, s1;
	_ =	sdelay $0x1  }
0x1f7: {  	v61 =	vadd.s32 s15, v0;
	v0 =	vld [tilespmem:$0x1FDE0];
	_ =	sdelay $0x4  }
0x1f8: {  	v60 =	vadd.s32 s15, v0;
	v0 =	vld [tilespmem:$0x1FDF0];
	_ =	sdelay $0x4  }
0x1f9: {  	v59 =	vadd.s32 s15, v0;
	v0 =	vld [tilespmem:$0x1FE00];
	_ =	sdelay $0x4  }
0x1fa: {  	v3 =	vadd.s32 s15, v0;
	v0 =	vld [tilespmem:$0x1FE10];
	_ =	sdelay $0x4  }
0x1fb: {  	v4 =	vadd.s32 s15, v0;
	v0 =	vld [tilespmem:$0x1FE20];
	_ =	sdelay $0x4  }
0x1fc: {  	v25 =	vadd.s32 s15, v0;
	v0 =	vld [tilespmem:$0x1FE30];
	_ =	sdelay $0x4  }
0x1fd: {  	v5 =	vadd.s32 s15, v0;
	v0 =	vld [tilespmem:$0x1FE40];
	_ =	sdelay $0x4  }
0x1fe: {  	v6 =	vadd.s32 s15, v0;
	v0 =	vld [tilespmem:$0x1FE50];
	_ =	sdelay $0x4  }
0x1ff: {  	v7 =	vadd.s32 s15, v0;
	v0 =	vld [tilespmem:$0x1FE60];
	_ =	sdelay $0x4  }
0x200: {  	v8 =	vadd.s32 s15, v0;
	v0 =	vld [tilespmem:$0x1FE70];
	_ =	sdelay $0x4  }
0x201: {  	v9 =	vadd.s32 s15, v0;
	v0 =	vld [tilespmem:$0x1FE80];
	_ =	sdelay $0x4  }
0x202: {  	v10 =	vadd.s32 s15, v0;
	v0 =	vld [tilespmem:$0x1FE90];
	_ =	sdelay $0x4  }
0x203: {  	v11 =	vadd.s32 s15, v0;
	v0 =	vld [tilespmem:$0x1FEA0];
	_ =	sdelay $0x4  }
0x204: {  	v12 =	vadd.s32 s15, v0;
	v0 =	vld [tilespmem:$0x1FEB0];
	_ =	sdelay $0x4  }
0x205: {  	v13 =	vadd.s32 s15, v0;
	v0 =	vld [tilespmem:$0x1FEC0];
	_ =	sdelay $0x4  }
0x206: {  	v14 =	vadd.s32 s15, v0;
	v0 =	vld [tilespmem:$0x1FED0];
	_ =	sdelay $0x4  }
0x207: {  	v15 =	vadd.s32 s15, v0;
	v0 =	vld [tilespmem:$0x1FEE0];
	_ =	sdelay $0x4  }
0x208: {  	v16 =	vadd.s32 s15, v0;
	v0 =	vld [tilespmem:$0x1FEF0];
	_ =	sdelay $0x4  }
0x209: {  	v17 =	vadd.s32 s15, v0;
	v0 =	vld [tilespmem:$0x1FF00];
	_ =	sdelay $0x4  }
0x20a: {  	v18 =	vadd.s32 s15, v0;
	v0 =	vld [tilespmem:$0x1FF10];
	_ =	sdelay $0x4  }
0x20b: {  	v19 =	vadd.s32 s15, v0;
	v0 =	vld [tilespmem:$0x1FF20];
	_ =	sdelay $0x3  }
0x20c: {  	[tilespmem:$0x1F980] =	vst v3  }
0x20d: {  	[tilespmem:$0x1F990] =	vst v4;
	v24 =	vadd.s32 s15, v0;
	v0 =	vld [tilespmem:$0x1FF30]  }
0x20e: {  	[tilespmem:$0x1F9B0] =	vst v5  }
0x20f: {  	[tilespmem:$0x1F9C0] =	vst v6  }
0x210: {  	[tilespmem:$0x1F9D0] =	vst v7  }
0x211: {  	[tilespmem:$0x1F9E0] =	vst v8  }
0x212: {  	[tilespmem:$0x1F9F0] =	vst v9;
	v20 =	vadd.s32 s15, v0;
	v0 =	vld [tilespmem:$0x1FF40]  }
0x213: {  	[tilespmem:$0x1FA00] =	vst v10  }
0x214: {  	[tilespmem:$0x1FA10] =	vst v11  }
0x215: {  	[tilespmem:$0x1FA20] =	vst v12  }
0x216: {  	[tilespmem:$0x1FA30] =	vst v13  }
0x217: {  	[tilespmem:$0x1FA40] =	vst v14;
	v21 =	vadd.s32 s15, v0;
	v0 =	vld [tilespmem:$0x1FF50]  }
0x218: {  	v62 =	vshll.u32 v61, $0x4;
	v1 =	vshll.u32 v60, $0x4;
	v2 =	vshll.u32 v59, $0x4;
	[tilespmem:$0x1FA50] =	vst v15  }
0x219: {  	v3 =	vshll.u32 v3, $0x4;
	v4 =	vshll.u32 v4, $0x4;
	v5 =	vshll.u32 v5, $0x4;
	[tilespmem:$0x1FA60] =	vst v16  }
0x21a: {  	v6 =	vshll.u32 v6, $0x4;
	v7 =	vshll.u32 v7, $0x4;
	v8 =	vshll.u32 v8, $0x4;
	[tilespmem:$0x1FA70] =	vst v17  }
0x21b: {  	v9 =	vshll.u32 v9, $0x4;
	v10 =	vshll.u32 v10, $0x4;
	v11 =	vshll.u32 v11, $0x4;
	[tilespmem:$0x1FA80] =	vst v18  }
0x21c: {  	v12 =	vshll.u32 v12, $0x4;
	v13 =	vshll.u32 v13, $0x4;
	[tilespmem:$0x1FA90] =	vst v19;
	v22 =	vadd.s32 s15, v0;
	v0 =	vld [tilespmem:$0x1FF70]  }
0x21d: {  	v14 =	vshll.u32 v14, $0x4;
	v15 =	vshll.u32 v15, $0x4;
	v16 =	vshll.u32 v16, $0x4;
	[tilespmem:$0x1FAA0] =	vst v24  }
0x21e: {  	v17 =	vshll.u32 v17, $0x4;
	v63 =	vshll.u32 v24, $0x4;
	v24 =	vmov s0;
	[tilespmem:$0x1FAB0] =	vst v20  }
0x21f: {  	v18 =	vshll.u32 v18, $0x4;
	v19 =	vshll.u32 v19, $0x4;
	v34 =	vand.u32 $0x7, v24;
	[tilespmem:$0x1FAC0] =	vst v21  }
0x220: {  	v20 =	vshll.u32 v20, $0x4;
	v21 =	vshll.u32 v21, $0x4;
	[tilespmem:$0x1FAD0] =	vst v22;
	v22 =	vshll.u32 v22, $0x4  }
0x221: {  	[tilespmem:$0x1F9A0] =	vst v25;
	v23 =	vadd.s32 s15, v0;
	v0 =	vshll.u32 v25, $0x4;
	v25 =	vand.u32 $0x8, v24  }
0x222: {  	[tilespmem:$0x1FAE0] =	vst v23;
	v23 =	vshll.u32 v23, $0x4;
	v24 =	vor.u32 v20, v25;
	v26 =	vor.u32 v5, v25  }
0x223: {  	v27 =	vor.u32 v6, v25;
	v28 =	vor.u32 v2, v25;
	v29 =	vor.u32 v3, v25  }
0x224: {  	v30 =	vor.u32 v62, v25;
	v31 =	vor.u32 v1, v25;
	v32 =	vor.u32 v4, v25  }
0x225: {  	v58 =	vor.u32 v0, v25;
	v33 =	vor.u32 v9, v25;
	v26 =	vor.u32 v34, v26  }
0x226: {  	v37 =	vor.u32 v21, v25;
	v39 =	vor.u32 v22, v25;
	v27 =	vor.u32 v34, v27  }
0x227: {  	v48 =	vor.u32 v17, v25;
	v49 =	vor.u32 v18, v25;
	v28 =	vor.u32 v34, v28  }
0x228: {  	v54 =	vor.u32 v19, v25;
	v53 =	vor.u32 v63, v25;
	v29 =	vor.u32 v34, v29  }
0x229: {  	v55 =	vor.u32 v14, v25;
	v56 =	vor.u32 v15, v25;
	v30 =	vor.u32 v34, v30  }
0x22a: {  	v36 =	vor.u32 v16, v25;
	v31 =	vor.u32 v34, v31;
	v35 =	vor.u32 v34, v32;
	v32 =	vld.idx.msk [tilespmem:v26+s18+$0x0], $0xffff  }
0x22b: {  	v47 =	vor.u32 v11, v25;
	v46 =	vor.u32 v12, v25;
	v40 =	vor.u32 v34, v33;
	v33 =	vld.idx.msk [tilespmem:v27+s18+$0x0], $0xffff  }
0x22c: {  	v38 =	vor.u32 v34, v58;
	v42 =	vor.u32 v23, v25;
	v27 =	vor.u32 v13, v25;
	v41 =	vld.idx.msk [tilespmem:v28+s18+$0x0], $0xffff  }
0x22d: {  	v26 =	vor.u32 v10, v25;
	v43 =	vld.idx.msk [tilespmem:v29+s18+$0x0], $0xffff;
	v28 =	vor.u32 v7, v25;
	v25 =	vor.u32 v8, v25  }
0x22e: {  	v44 =	vld.idx.msk [tilespmem:v30+s18+$0x0], $0xffff;
	v29 =	vor.u32 v34, v24;
	v30 =	vor.u32 v34, v54;
	v52 =	vor.u32 v34, v26  }
0x22f: {  	v45 =	vld.idx.msk [tilespmem:v31+s18+$0x0], $0xffff;
	v31 =	vor.u32 v34, v53;
	v54 =	vimm.f32 $0.0e+00;
	v51 =	vor.u32 v34, v28  }
0x230: {  	v28 =	vor.u32 v34, v37;
	v26 =	vor.u32 v34, v39;
	v50 =	vor.u32 v34, v25;
	v39 =	vld.idx.msk [tilespmem:v35+s18+$0x0], $0xffff  }
0x231: {  	v37 =	vor.u32 v34, v48;
	v25 =	vor.u32 v34, v42;
	v48 =	vor.u32 v34, v27;
	v42 =	vld.idx.msk [tilespmem:v38+s18+$0x0], $0xffff  }
0x232: {  	s15 =	simm.s32 $0x1;
	v38 =	vor.u32 v34, v49;
	v49 =	vor.u32 v34, v55;
	v35 =	vld.idx.msk [tilespmem:v40+s18+$0x0], $0xffff;
	v40 =	vor.u32 v34, v56  }
.LBB2_11:
0x233: {  	p0 =	sne.s32 s15, $0xF;
	v24 =	vmul.f32 v41, v41;
	v27 =	vmul.f32 v43, v43;
	v52 =	vld.idx.msk [tilespmem:v52+s18+$0x0], $0xffff;
	v47 =	vor.u32 v34, v47  }
0x234: {  	v53 =	vmul.f32 v32, v32;
	v55 =	vmul.f32 v33, v33;
	v46 =	vor.u32 v34, v46;
	v51 =	vld.idx.msk [tilespmem:v51+s18+$0x0], $0xffff  }
0x235: {  	v56 =	vmul.f32 v44, v44;
	v34 =	vor.u32 v34, v36;
	v57 =	vmul.f32 v45, v45;
	v50 =	vld.idx.msk [tilespmem:v50+s18+$0x0], $0xffff  }
0x236: {  	v36 =	vadd.f32 $0.0e+00, v41;
	v41 =	vadd.f32 $0.0e+00, v43;
	v43 =	vmul.f32 v39, v39;
	v48 =	vld.idx.msk [tilespmem:v48+s18+$0x0], $0xffff  }
0x237: {  	v44 =	vadd.f32 $0.0e+00, v44;
	v45 =	vadd.f32 $0.0e+00, v45;
	v58 =	vmul.f32 v42, v42;
	v49 =	vld.idx.msk [tilespmem:v49+s18+$0x0], $0xffff  }
0x238: {  	v24 =	vadd.f32 v53, v24;
	v27 =	vadd.f32 v55, v27;
	v53 =	vmul.f32 v35, v35;
	v47 =	vld.idx.msk [tilespmem:v47+s18+$0x0], $0xffff  }
0x239: {  	v43 =	vadd.f32 v43, v56;
	v55 =	vadd.f32 v58, v57;
	v56 =	vmul.f32 v52, v52;
	v46 =	vld.idx.msk [tilespmem:v46+s18+$0x0], $0xffff  }
0x23a: {  	v32 =	vadd.f32 v32, v36;
	v33 =	vadd.f32 v33, v41;
	v36 =	vmul.f32 v51, v51;
	v37 =	vld.idx.msk [tilespmem:v37+s18+$0x0], $0xffff  }
0x23b: {  	v39 =	vadd.f32 v39, v44;
	v41 =	vadd.f32 v42, v45;
	v42 =	vmul.f32 v50, v50;
	v38 =	vld.idx.msk [tilespmem:v38+s18+$0x0], $0xffff  }
0x23c: {  	v24 =	vadd.f32 v53, v24;
	v27 =	vadd.f32 v56, v27;
	v44 =	vmul.f32 v48, v48;
	v40 =	vld.idx.msk [tilespmem:v40+s18+$0x0], $0xffff  }
0x23d: {  	v36 =	vadd.f32 v36, v43;
	v42 =	vadd.f32 v42, v55;
	v43 =	vmul.f32 v49, v49;
	v34 =	vld.idx.msk [tilespmem:v34+s18+$0x0], $0xffff  }
0x23e: {  	v32 =	vadd.f32 v35, v32;
	v33 =	vadd.f32 v52, v33;
	v35 =	vmul.f32 v47, v47;
	v29 =	vld.idx.msk [tilespmem:v29+s18+$0x0], $0xffff  }
0x23f: {  	v39 =	vadd.f32 v51, v39;
	v41 =	vadd.f32 v50, v41;
	v45 =	vmul.f32 v46, v46;
	v28 =	vld.idx.msk [tilespmem:v28+s18+$0x0], $0xffff  }
0x240: {  	v24 =	vadd.f32 v44, v24;
	v27 =	vadd.f32 v43, v27;
	v43 =	vmul.f32 v37, v37;
	v30 =	vld.idx.msk [tilespmem:v30+s18+$0x0], $0xffff  }
0x241: {  	v35 =	vadd.f32 v35, v36;
	v36 =	vadd.f32 v45, v42;
	v42 =	vmul.f32 v38, v38;
	v31 =	vld.idx.msk [tilespmem:v31+s18+$0x0], $0xffff  }
0x242: {  	v32 =	vadd.f32 v48, v32;
	v33 =	vadd.f32 v49, v33;
	v44 =	vmul.f32 v40, v40  }
0x243: {  	v39 =	vadd.f32 v47, v39;
	v41 =	vadd.f32 v46, v41;
	v45 =	vmul.f32 v34, v34  }
0x244: {  	v24 =	vadd.f32 v43, v24;
	v27 =	vadd.f32 v42, v27;
	v42 =	vmul.f32 v29, v29;
	v26 =	vld.idx.msk [tilespmem:v26+s18+$0x0], $0xffff  }
0x245: {  	v35 =	vadd.f32 v44, v35;
	v36 =	vadd.f32 v45, v36;
	v43 =	vmul.f32 v28, v28;
	v25 =	vld.idx.msk [tilespmem:v25+s18+$0x0], $0xffff  }
0x246: {  	v32 =	vadd.f32 v37, v32;
	v33 =	vadd.f32 v38, v33;
	v37 =	vmul.f32 v30, v30  }
0x247: {  	v38 =	vadd.f32 v40, v39;
	v39 =	vadd.f32 v34, v41;
	v40 =	vmul.f32 v31, v31  }
0x248: {  	v41 =	vmov s15;
	v24 =	vadd.f32 v42, v24;
	v27 =	vadd.f32 v43, v27  }
0x249: {  	v34 =	vand.u32 $0x7, v41;
	v35 =	vadd.f32 v37, v35;
	v36 =	vadd.f32 v40, v36  }
0x24a: {  	v30 =	vadd.f32 v30, v38;
	v31 =	vadd.f32 v31, v39;
	v37 =	vmul.f32 v26, v26  }
0x24b: {  	v29 =	vadd.f32 v29, v32;
	v28 =	vadd.f32 v28, v33;
	v32 =	vmul.f32 v25, v25  }
0x24c: {  	v38 =	vand.u32 $0x8, v41;
	v26 =	vadd.f32 v26, v30;
	v25 =	vadd.f32 v25, v31  }
0x24d: {  	v30 =	vor.u32 v20, v38;
	v31 =	vadd.f32 v37, v35;
	v32 =	vadd.f32 v32, v36  }
0x24e: {  	v35 =	vor.u32 v21, v38;
	v25 =	vadd.f32 v25, v26;
	v26 =	vadd.f32 v28, v29  }
0x24f: {  	v40 =	vor.u32 v23, v38;
	v24 =	vadd.f32 v27, v24;
	v37 =	vor.u32 v22, v38  }
0x250: {  	v27 =	vor.u32 v17, v38;
	v25 =	vadd.f32 v25, v26;
	v26 =	vadd.f32 v32, v31  }
0x251: {  	v49 =	vor.u32 v19, v38;
	v53 =	vor.u32 v63, v38;
	v31 =	vor.u32 v18, v38  }
0x252: {  	v28 =	vor.u32 v5, v38;
	v24 =	vadd.f32 v26, v24;
	v25 =	vmul.f32 v25, v25  }
0x253: {  	v48 =	vor.u32 v13, v38;
	v26 =	vor.u32 v34, v28;
	v28 =	vor.u32 v6, v38  }
0x254: {  	v29 =	vor.u32 v2, v38;
	v28 =	vor.u32 v34, v28;
	v24 =	vsub.f32 v25, v24  }
0x255: {  	v55 =	vor.u32 v14, v38;
	v25 =	vor.u32 v34, v29;
	v29 =	vor.u32 v3, v38  }
0x256: {  	v32 =	vor.u32 v62, v38;
	v29 =	vor.u32 v34, v29;
	v54 =	vadd.f32 v24, v54  }
0x257: {  	v56 =	vor.u32 v15, v38;
	v24 =	vor.u32 v34, v32;
	v32 =	vor.u32 v1, v38  }
0x258: {  	v33 =	vor.u32 v4, v38;
	v36 =	vor.u32 v16, v38;
	v39 =	vor.u32 v34, v32;
	v32 =	vld.idx.msk [tilespmem:v26+s18+$0x0], $0xffff  }
0x259: {  	v42 =	vor.u32 v34, v33;
	v26 =	vor.u32 v0, v38;
	v33 =	vld.idx.msk [tilespmem:v28+s18+$0x0], $0xffff;
	v28 =	vor.u32 v9, v38  }
0x25a: {  	v47 =	vor.u32 v11, v38;
	v57 =	vor.u32 v34, v26;
	v41 =	vld.idx.msk [tilespmem:v25+s18+$0x0], $0xffff;
	v25 =	vor.u32 v10, v38  }
0x25b: {  	v46 =	vor.u32 v12, v38;
	v26 =	vor.u32 v7, v38;
	v58 =	vor.u32 v34, v28;
	v43 =	vld.idx.msk [tilespmem:v29+s18+$0x0], $0xffff  }
.Ltmp4:
0x25c: {  	v52 =	vor.u32 v34, v25;
	v29 =	vor.u32 v34, v30;
	v44 =	vld.idx.msk [tilespmem:v24+s18+$0x0], $0xffff;
	v24 =	vor.u32 v8, v38;
	(pc) =	sbr.rel @p0 .LBB2_11-.Ltmp4, $4  }
0x25d: {  	v51 =	vor.u32 v34, v26;
	v28 =	vor.u32 v34, v35;
	v26 =	vor.u32 v34, v37;
	v45 =	vld.idx.msk [tilespmem:v39+s18+$0x0], $0xffff  }
0x25e: {  	v37 =	vor.u32 v34, v27;
	v25 =	vor.u32 v34, v40;
	v50 =	vor.u32 v34, v24;
	v39 =	vld.idx.msk [tilespmem:v42+s18+$0x0], $0xffff  }
0x25f: {  	v48 =	vor.u32 v34, v48;
	v30 =	vor.u32 v34, v49;
	v38 =	vor.u32 v34, v31;
	v42 =	vld.idx.msk [tilespmem:v57+s18+$0x0], $0xffff  }
0x260: {  	s15 =	sadd.s32 $0x1, s15;
	v49 =	vor.u32 v34, v55;
	v40 =	vor.u32 v34, v56;
	v31 =	vor.u32 v34, v53;
	v35 =	vld.idx.msk [tilespmem:v58+s18+$0x0], $0xffff  }
0x261: {  	_ =	sdelay $0x3  }
0x262: {  	v4 =	vld.idx.msk [tilespmem:v52+s18+$0x0], $0xffff  }
0x263: {  	v8 =	vld.idx.msk [tilespmem:v51+s18+$0x0], $0xffff  }
0x264: {  	v24 =	vld.idx.msk [tilespmem:v50+s18+$0x0], $0xffff  }
0x265: {  	v12 =	vld.idx.msk [tilespmem:v48+s18+$0x0], $0xffff  }
0x266: {  	v15 =	vld.idx.msk [tilespmem:v49+s18+$0x0], $0xffff  }
0x267: {  	v37 =	vld.idx.msk [tilespmem:v37+s18+$0x0], $0xffff  }
0x268: {  	v5 =	vor.u32 v34, v47;
	v47 =	vld.idx.msk [tilespmem:v29+s18+$0x0], $0xffff  }
0x269: {  	v51 =	vld.idx.msk [tilespmem:v28+s18+$0x0], $0xffff  }
0x26a: {  	v52 =	vld.idx.msk [tilespmem:v30+s18+$0x0], $0xffff  }
0x26b: {  	v55 =	vld.idx.msk [tilespmem:v31+s18+$0x0], $0xffff  }
0x26c: {  	v28 =	vld [tilespmem:$0x1FFB0]  }
0x26d: {  	v29 =	vld [tilespmem:$0x1FFC0]  }
0x26e: {  	v13 =	vadd.f32 $0.0e+00, v44;
	v30 =	vld [tilespmem:$0x1FFD0]  }
0x26f: {  	v3 =	vmul.f32 v33, v33;
	v11 =	vadd.f32 $0.0e+00, v43;
	v31 =	vld [tilespmem:$0x1FFE0]  }
0x270: {  	v23 =	vor.u32 v34, v46;
	v7 =	vmul.f32 v39, v39;
	v13 =	vadd.f32 v39, v13;
	v39 =	vld.idx.msk [tilespmem:v38+s18+$0x0], $0xffff  }
0x271: {  	v10 =	vor.u32 v34, v36;
	v14 =	vadd.f32 $0.0e+00, v45;
	v11 =	vadd.f32 v33, v11;
	v33 =	vld [tilespmem:$0x1F990]  }
0x272: {  	v38 =	vld [tilespmem:$0x1F9B0]  }
0x273: {  	v6 =	vmul.f32 v44, v44;
	v21 =	vmul.f32 v42, v42;
	v14 =	vadd.f32 v42, v14;
	v42 =	vld.idx.msk [tilespmem:v40+s18+$0x0], $0xffff  }
0x274: {  	v0 =	vmul.f32 v41, v41;
	v5 =	vld.idx.msk [tilespmem:v5+s18+$0x0], $0xffff  }
0x275: {  	v1 =	vmul.f32 v43, v43;
	v2 =	vmul.f32 v32, v32;
	v22 =	vadd.f32 v7, v6;
	v6 =	vld.idx.msk [tilespmem:v23+s18+$0x0], $0xffff  }
0x276: {  	v27 =	vadd.f32 $0.0e+00, v41;
	v10 =	vld.idx.msk [tilespmem:v10+s18+$0x0], $0xffff  }
0x277: {  	v9 =	vmul.f32 v45, v45;
	v0 =	vadd.f32 v2, v0;
	v1 =	vadd.f32 v3, v1;
	v23 =	vld [tilespmem:$0x1FF80]  }
0x278: {  	v16 =	vmul.f32 v35, v35;
	v19 =	vmul.f32 v24, v24;
	v7 =	vadd.f32 v24, v14;
	v24 =	vld [tilespmem:$0x1FF90]  }
0x279: {  	v2 =	vadd.f32 v21, v9;
	v9 =	vadd.f32 v32, v27;
	v17 =	vmul.f32 v4, v4;
	v27 =	vld [tilespmem:$0x1FFA0]  }
0x27a: {  	v41 =	vmul.f32 v12, v12;
	v21 =	vld [tilespmem:$0x1F980];
	v0 =	vadd.f32 v16, v0  }
0x27b: {  	v43 =	vmul.f32 v15, v15;
	v1 =	vadd.f32 v17, v1;
	v9 =	vadd.f32 v35, v9;
	v35 =	vld [tilespmem:$0x1F9A0]  }
0x27c: {  	v46 =	vmul.f32 v37, v37;
	v0 =	vadd.f32 v41, v0;
	v41 =	vld [tilespmem:$0x1F9C0]  }
0x27d: {  	v57 =	vand.u32 $0x1FF8, v61;
	v1 =	vadd.f32 v43, v1;
	v43 =	vld [tilespmem:$0x1F9D0]  }
0x27e: {  	v60 =	vand.u32 $0x1FF8, v60;
	v18 =	vmul.f32 v8, v8;
	v0 =	vadd.f32 v46, v0;
	v46 =	vld [tilespmem:$0x1F9E0]  }
0x27f: {  	v62 =	vand.u32 $0x1FF8, v59;
	v8 =	vadd.f32 v8, v13;
	v58 =	vor.u32 v23, v57;
	v57 =	vld [tilespmem:$0x1FA40]  }
0x280: {  	v3 =	vadd.f32 v18, v22;
	v44 =	vmul.f32 v5, v5;
	v14 =	vor.u32 v24, v60;
	v60 =	vld [tilespmem:$0x1FA50]  }
0x281: {  	v5 =	vadd.f32 v5, v8;
	v16 =	vor.u32 v27, v62;
	v17 =	vand.u32 $0x1FF8, v21;
	v62 =	vld [tilespmem:$0x1FA60]  }
0x282: {  	v9 =	vadd.f32 v12, v9;
	v22 =	vor.u32 v28, v17;
	v17 =	vand.u32 $0x1FF8, v33;
	v33 =	vld [tilespmem:$0x1FA70]  }
0x283: {  	v56 =	vmul.f32 v47, v47;
	v49 =	vmul.f32 v42, v42;
	v5 =	vadd.f32 v42, v5;
	v42 =	vld.idx.msk [tilespmem:v26+s18+$0x0], $0xffff  }
0x284: {  	v2 =	vadd.f32 v19, v2;
	v45 =	vmul.f32 v6, v6;
	v53 =	vadd.f32 v37, v9;
	v26 =	vld [tilespmem:$0x1FFF0]  }
0x285: {  	v6 =	vadd.f32 v6, v7;
	v34 =	vor.u32 v29, v17;
	v17 =	vand.u32 $0x1FF8, v35;
	v35 =	vld [tilespmem:$0x1FA80]  }
0x286: {  	v50 =	vmul.f32 v10, v10;
	v2 =	vadd.f32 v45, v2;
	v8 =	vadd.f32 v47, v53;
	v47 =	vld [tilespmem:$0x1F9F0]  }
0x287: {  	v6 =	vadd.f32 v10, v6;
	v37 =	vor.u32 v30, v17;
	v17 =	vand.u32 $0x1FF8, v38;
	v38 =	vld [tilespmem:$0x1FA90]  }
0x288: {  	v2 =	vadd.f32 v50, v2;
	v50 =	vld [tilespmem:$0x1FA10]  }
0x289: {  	v4 =	vadd.f32 v4, v11;
	v20 =	vmul.f32 v55, v55;
	v6 =	vadd.f32 v55, v6;
	v55 =	vld [tilespmem:$0x1FA30]  }
0x28a: {  	v40 =	vor.u32 v31, v17;
	v17 =	vand.u32 $0x1FF8, v41;
	v41 =	vld [tilespmem:$0x1FAA0]  }
0x28b: {  	v4 =	vadd.f32 v15, v4;
	v10 =	vld.idx.msk [tilespmem:v58+s19+$0x0], $0xffff  }
0x28c: {  	v36 =	vld.idx.msk [tilespmem:v14+s19+$0x0], $0xffff  }
0x28d: {  	v48 =	vmul.f32 v39, v39;
	v4 =	vadd.f32 v39, v4;
	v39 =	vld.idx.msk [tilespmem:v16+s19+$0x0], $0xffff  }
0x28e: {  	v3 =	vadd.f32 v44, v3;
	v44 =	vld.idx.msk [tilespmem:v22+s19+$0x0], $0xffff  }
0x28f: {  	v2 =	vadd.f32 v20, v2;
	v20 =	vld [tilespmem:$0x1FA00]  }
0x290: {  	v18 =	vand.u32 $0x1FF8, v43;
	v22 =	vld [tilespmem:$0x1FA20]  }
0x291: {  	v45 =	vor.u32 v23, v18;
	v18 =	vand.u32 $0x1FF8, v46;
	v15 =	vld.idx.msk [tilespmem:v34+s19+$0x0], $0xffff  }
0x292: {  	v61 =	vmul.f32 v51, v51;
	v1 =	vadd.f32 v48, v1;
	v18 =	vor.u32 v24, v18;
	v34 =	vld.idx.msk [tilespmem:v25+s18+$0x0], $0xffff  }
0x293: {  	v63 =	vmul.f32 v52, v52;
	v4 =	vadd.f32 v51, v4;
	v17 =	vor.u32 v26, v17;
	v14 =	vld.idx.msk [tilespmem:v37+s19+$0x0], $0xffff  }
0x294: {  	v0 =	vadd.f32 v56, v0;
	v1 =	vadd.f32 v61, v1;
	v19 =	vand.u32 $0x1FF8, v47;
	v47 =	vld [tilespmem:$0x1FAC0]  }
0x295: {  	v3 =	vadd.f32 v49, v3;
	v19 =	vor.u32 v27, v19;
	v48 =	vld.idx.msk [tilespmem:v40+s19+$0x0], $0xffff;
	v10 =	vadd.f32 $0.0e+00, v10  }
0x296: {  	v5 =	vadd.f32 v52, v5;
	v7 =	vadd.f32 $0.0e+00, v36;
	v51 =	vld.idx.msk [tilespmem:v45+s19+$0x0], $0xffff;
	v20 =	vand.u32 $0x1FF8, v20  }
0x297: {  	v22 =	vand.u32 $0x1FF8, v22;
	v53 =	vld.idx.msk [tilespmem:v18+s19+$0x0], $0xffff;
	v9 =	vadd.f32 v39, v10;
	v49 =	vor.u32 v28, v20  }
0x298: {  	v18 =	vand.u32 $0x1FF8, v57;
	v20 =	vand.u32 $0x1FF8, v50;
	v17 =	vld.idx.msk [tilespmem:v17+s19+$0x0], $0xffff;
	v52 =	vor.u32 v30, v22  }
0x299: {  	v7 =	vadd.f32 v44, v7;
	v59 =	vor.u32 v26, v18;
	v44 =	vld [tilespmem:$0x1FAB0];
	v9 =	vadd.f32 v15, v9  }
0x29a: {  	v3 =	vadd.f32 v63, v3;
	v21 =	vmul.f32 v42, v42;
	v20 =	vor.u32 v29, v20;
	v56 =	vld.idx.msk [tilespmem:v19+s19+$0x0], $0xffff  }
0x29b: {  	v5 =	vadd.f32 v42, v5;
	v15 =	vand.u32 $0x1FF8, v55;
	v9 =	vadd.f32 v48, v9;
	v48 =	vld [tilespmem:$0x1FAD0]  }
0x29c: {  	v18 =	vand.u32 $0x1FF8, v60;
	v7 =	vadd.f32 v14, v7;
	v15 =	vor.u32 v31, v15;
	v58 =	vld.idx.msk [tilespmem:v49+s19+$0x0], $0xffff  }
0x29d: {  	v3 =	vadd.f32 v21, v3;
	v18 =	vor.u32 v23, v18;
	v19 =	vand.u32 $0x1FF8, v62;
	v63 =	vld.idx.msk [tilespmem:v52+s19+$0x0], $0xffff  }
0x29e: {  	v32 =	vor.u32 v24, v19;
	v19 =	vand.u32 $0x1FF8, v33;
	v7 =	vadd.f32 v17, v7;
	v39 =	vld.idx.msk [tilespmem:v59+s19+$0x0], $0xffff  }
0x29f: {  	v19 =	vor.u32 v27, v19;
	v61 =	vld.idx.msk [tilespmem:v20+s19+$0x0], $0xffff;
	v9 =	vadd.f32 v51, v9;
	v20 =	vand.u32 $0x1FF8, v35  }
0x2a0: {  	v49 =	vld [tilespmem:$0x1FAE0];
	v7 =	vadd.f32 v53, v7;
	v37 =	vor.u32 v28, v20;
	v20 =	vand.u32 $0x1FF8, v38  }
0x2a1: {  	v9 =	vadd.f32 v56, v9;
	v36 =	vld.idx.msk [tilespmem:v15+s19+$0x0], $0xffff;
	v40 =	vor.u32 v29, v20;
	v20 =	vand.u32 $0x1FF8, v41  }
0x2a2: {  	v42 =	vld.idx.msk [tilespmem:v18+s19+$0x0], $0xffff;
	v43 =	vor.u32 v30, v20;
	v20 =	vand.u32 $0x1FF8, v44;
	v7 =	vadd.f32 v58, v7  }
0x2a3: {  	v45 =	vld.idx.msk [tilespmem:v32+s19+$0x0], $0xffff;
	v21 =	vand.u32 $0x1FF8, v48;
	v46 =	vor.u32 v31, v20;
	v20 =	vand.u32 $0x1FF8, v47  }
0x2a4: {  	v19 =	vld.idx.msk [tilespmem:v19+s19+$0x0], $0xffff;
	v9 =	vadd.f32 v61, v9;
	v20 =	vor.u32 v26, v20;
	v7 =	vadd.f32 v63, v7  }
0x2a5: {  	v4 =	vadd.f32 v4, v8;
	v21 =	vor.u32 v23, v21;
	v22 =	vand.u32 $0x1FF8, v49;
	v15 =	vld.idx.msk [tilespmem:v37+s19+$0x0], $0xffff  }
0x2a6: {  	v51 =	vor.u32 v24, v22;
	v9 =	vadd.f32 v36, v9;
	v50 =	vld.idx.msk [tilespmem:v40+s19+$0x0], $0xffff;
	v7 =	vadd.f32 v39, v7  }
0x2a7: {  	v0 =	vadd.f32 v1, v0;
	v6 =	vadd.f32 v34, v6;
	v13 =	vmul.f32 v34, v34;
	v52 =	vld.idx.msk [tilespmem:v43+s19+$0x0], $0xffff  }
0x2a8: {  	v9 =	vadd.f32 v42, v9;
	v53 =	vld.idx.msk [tilespmem:v46+s19+$0x0], $0xffff;
	v7 =	vadd.f32 v45, v7  }
0x2a9: {  	v2 =	vadd.f32 v13, v2;
	v5 =	vadd.f32 v6, v5;
	v55 =	vld.idx.msk [tilespmem:v20+s19+$0x0], $0xffff  }
0x2aa: {  	v57 =	vld.idx.msk [tilespmem:v21+s19+$0x0], $0xffff;
	v56 =	vadd.f32 v19, v9;
	v7 =	vadd.f32 v15, v7  }
0x2ab: {  	v4 =	vadd.f32 v5, v4;
	v2 =	vadd.f32 v2, v3;
	v58 =	vld.idx.msk [tilespmem:v51+s19+$0x0], $0xffff  }
0x2ac: {  	v59 =	vadd.f32 v50, v56;
	v6 =	vadd.f32 v52, v7  }
0x2ad: {  	v0 =	vadd.f32 v2, v0;
	v60 =	vmul.f32 v4, v4  }
0x2ae: {  	v61 =	vadd.f32 v53, v59;
	v1 =	vadd.f32 v55, v6  }
0x2af: {  	v0 =	vsub.f32 v60, v0;
	v63 =	vld [tilespmem:$0x1FDD0]  }
0x2b0: {  	v62 =	vadd.f32 v57, v61;
	v1 =	vadd.f32 v58, v1;
	_ =	sdelay $0x1  }
0x2b1: {  	v0 =	vadd.f32 v0, v54;
	v1 =	vadd.f32 v1, v62;
	_ =	sdelay $0x1  }
0x2b2: {  	v0 =	vmul.f32 $5.000000000e-01, v0;
	v1 =	vadd.f32 v1, v63;
	_ =	sdelay $0x1  }
0x2b3: {  	v0 =	vadd.f32 v1, v0;
	_ =	sdelay $0x1  }
0x2b4: {  	v0 =	vsub.f32 $0.0e+00, v0;
	_ =	sdelay $0x1  }
0x2b5: {  	v0 =	vmul.f32 $1.442695020e+00, v0;
	_ =	sdelay $0x1  }
0x2b6: {  	(erf) = vpow2.f32 v0;
	_ =	sdelay $0x8  }
0x2b7: {  	v0 =	vpop (erf)  }
0x2b8: {  	v0 =	vadd.f32 $1.000000000e+00, v0;
	_ =	sdelay $0x1  }
0x2b9: {  	(erf) = vrcp.f32 v0;
	_ =	sdelay $0x5  }
0x2ba: {  	s15 =	sshll.u32 s1, $0x4;
	s1 =	sadd.s32 $0x1, s1  }
0x2bb: {  	p0 =	sne.s32 s1, $0x8  }
.Ltmp5:
0x2bc: {  	_ = 	snop;
	(pc) =	sbr.rel @p0 .LBB2_10-.Ltmp5, $4  }
0x2bd: {  	v0 =	vpop (erf)  }
0x2be: {  	v0 =	vmul.f32 $5.500000000e+00, v0  }
0x2bf: {  	s15 =	sand.u32 $0x3FFFFFF0, s15  }
0x2c0: {  	[tilespmem:s15+$0x1D400] =	vst v0  }
0x2c1: {  	s0 =	simm.s32 $0x0  }
0x2c2: {  	[hbm4b:s12+s0] =	stream.linear.scatter [tilespmem:s24], [sflag:$0x5], $0x80, $0x38;
	[tilespmem:$0x1D510] =	vst v63  }
0x2c3: {  	_ =	swait.ge [sflag:s25], $0xD000  }
0x2c4: {  	[sflag:s25] =	ssyncset.done $0x0  }
0x2c5: {  	[sflag:s25] =	ssyncadd.s32 $0xFFFF3000  }
0x2c6: {  	_ =	swait.ge [sflag:s26], $0xD00  }
0x2c7: {  	[sflag:s26] =	ssyncset.done $0x0  }
0x2c8: {  	[sflag:s26] =	ssyncadd.s32 $0xFFFFF300  }
0x2c9: {  	_ =	swait.ge [sflag:s30], $0x80  }
0x2ca: {  	[sflag:s30] =	ssyncset.done $0x0  }
0x2cb: {  	s1 =	simm.s32 $0x0;
	[sflag:s30] =	ssyncadd.s32 $0xFFFFFF80  }
.LBB2_14:
0x2cc: {  	v0 =	vld [tilespmem:$0x1FF60];
	_ =	sdelay $0x2  }
0x2cd: {  	s15 =	smul.u32 $0x1A0, s1;
	_ =	sdelay $0x1  }
0x2ce: {  	v61 =	vadd.s32 s15, v0;
	v0 =	vld [tilespmem:$0x1FDE0];
	_ =	sdelay $0x4  }
0x2cf: {  	v60 =	vadd.s32 s15, v0;
	v0 =	vld [tilespmem:$0x1FDF0];
	_ =	sdelay $0x4  }
0x2d0: {  	v59 =	vadd.s32 s15, v0;
	v0 =	vld [tilespmem:$0x1FE00];
	_ =	sdelay $0x4  }
0x2d1: {  	v3 =	vadd.s32 s15, v0;
	v0 =	vld [tilespmem:$0x1FE10];
	_ =	sdelay $0x4  }
0x2d2: {  	v4 =	vadd.s32 s15, v0;
	v0 =	vld [tilespmem:$0x1FE20];
	_ =	sdelay $0x4  }
0x2d3: {  	v25 =	vadd.s32 s15, v0;
	v0 =	vld [tilespmem:$0x1FE30];
	_ =	sdelay $0x4  }
0x2d4: {  	v5 =	vadd.s32 s15, v0;
	v0 =	vld [tilespmem:$0x1FE40];
	_ =	sdelay $0x4  }
0x2d5: {  	v6 =	vadd.s32 s15, v0;
	v0 =	vld [tilespmem:$0x1FE50];
	_ =	sdelay $0x4  }
0x2d6: {  	v7 =	vadd.s32 s15, v0;
	v0 =	vld [tilespmem:$0x1FE60];
	_ =	sdelay $0x4  }
0x2d7: {  	v8 =	vadd.s32 s15, v0;
	v0 =	vld [tilespmem:$0x1FE70];
	_ =	sdelay $0x4  }
0x2d8: {  	v9 =	vadd.s32 s15, v0;
	v0 =	vld [tilespmem:$0x1FE80];
	_ =	sdelay $0x4  }
0x2d9: {  	v10 =	vadd.s32 s15, v0;
	v0 =	vld [tilespmem:$0x1FE90];
	_ =	sdelay $0x4  }
0x2da: {  	v11 =	vadd.s32 s15, v0;
	v0 =	vld [tilespmem:$0x1FEA0];
	_ =	sdelay $0x4  }
0x2db: {  	v12 =	vadd.s32 s15, v0;
	v0 =	vld [tilespmem:$0x1FEB0];
	_ =	sdelay $0x4  }
0x2dc: {  	v13 =	vadd.s32 s15, v0;
	v0 =	vld [tilespmem:$0x1FEC0];
	_ =	sdelay $0x4  }
0x2dd: {  	v14 =	vadd.s32 s15, v0;
	v0 =	vld [tilespmem:$0x1FED0];
	_ =	sdelay $0x4  }
0x2de: {  	v15 =	vadd.s32 s15, v0;
	v0 =	vld [tilespmem:$0x1FEE0];
	_ =	sdelay $0x4  }
0x2df: {  	v16 =	vadd.s32 s15, v0;
	v0 =	vld [tilespmem:$0x1FEF0];
	_ =	sdelay $0x4  }
0x2e0: {  	v17 =	vadd.s32 s15, v0;
	v0 =	vld [tilespmem:$0x1FF00];
	_ =	sdelay $0x4  }
0x2e1: {  	v18 =	vadd.s32 s15, v0;
	v0 =	vld [tilespmem:$0x1FF10];
	_ =	sdelay $0x4  }
0x2e2: {  	v19 =	vadd.s32 s15, v0;
	v0 =	vld [tilespmem:$0x1FF20];
	_ =	sdelay $0x3  }
0x2e3: {  	[tilespmem:$0x1F810] =	vst v3  }
0x2e4: {  	[tilespmem:$0x1F820] =	vst v4;
	v24 =	vadd.s32 s15, v0;
	v0 =	vld [tilespmem:$0x1FF30]  }
0x2e5: {  	[tilespmem:$0x1F840] =	vst v5  }
0x2e6: {  	[tilespmem:$0x1F850] =	vst v6  }
0x2e7: {  	[tilespmem:$0x1F860] =	vst v7  }
0x2e8: {  	[tilespmem:$0x1F870] =	vst v8  }
0x2e9: {  	[tilespmem:$0x1F880] =	vst v9;
	v20 =	vadd.s32 s15, v0;
	v0 =	vld [tilespmem:$0x1FF40]  }
0x2ea: {  	[tilespmem:$0x1F890] =	vst v10  }
0x2eb: {  	[tilespmem:$0x1F8A0] =	vst v11  }
0x2ec: {  	[tilespmem:$0x1F8B0] =	vst v12  }
0x2ed: {  	[tilespmem:$0x1F8C0] =	vst v13  }
0x2ee: {  	[tilespmem:$0x1F8D0] =	vst v14;
	v21 =	vadd.s32 s15, v0;
	v0 =	vld [tilespmem:$0x1FF50]  }
0x2ef: {  	v62 =	vshll.u32 v61, $0x4;
	v1 =	vshll.u32 v60, $0x4;
	v2 =	vshll.u32 v59, $0x4;
	[tilespmem:$0x1F8E0] =	vst v15  }
0x2f0: {  	v3 =	vshll.u32 v3, $0x4;
	v4 =	vshll.u32 v4, $0x4;
	v5 =	vshll.u32 v5, $0x4;
	[tilespmem:$0x1F8F0] =	vst v16  }
0x2f1: {  	v6 =	vshll.u32 v6, $0x4;
	v7 =	vshll.u32 v7, $0x4;
	v8 =	vshll.u32 v8, $0x4;
	[tilespmem:$0x1F900] =	vst v17  }
0x2f2: {  	v9 =	vshll.u32 v9, $0x4;
	v10 =	vshll.u32 v10, $0x4;
	v11 =	vshll.u32 v11, $0x4;
	[tilespmem:$0x1F910] =	vst v18  }
0x2f3: {  	v12 =	vshll.u32 v12, $0x4;
	v13 =	vshll.u32 v13, $0x4;
	[tilespmem:$0x1F920] =	vst v19;
	v22 =	vadd.s32 s15, v0;
	v0 =	vld [tilespmem:$0x1FF70]  }
0x2f4: {  	v14 =	vshll.u32 v14, $0x4;
	v15 =	vshll.u32 v15, $0x4;
	v16 =	vshll.u32 v16, $0x4;
	[tilespmem:$0x1F930] =	vst v24  }
0x2f5: {  	v17 =	vshll.u32 v17, $0x4;
	v63 =	vshll.u32 v24, $0x4;
	v24 =	vmov s0;
	[tilespmem:$0x1F940] =	vst v20  }
0x2f6: {  	v18 =	vshll.u32 v18, $0x4;
	v19 =	vshll.u32 v19, $0x4;
	v34 =	vand.u32 $0x7, v24;
	[tilespmem:$0x1F950] =	vst v21  }
0x2f7: {  	v20 =	vshll.u32 v20, $0x4;
	v21 =	vshll.u32 v21, $0x4;
	[tilespmem:$0x1F960] =	vst v22;
	v22 =	vshll.u32 v22, $0x4  }
0x2f8: {  	[tilespmem:$0x1F830] =	vst v25;
	v23 =	vadd.s32 s15, v0;
	v0 =	vshll.u32 v25, $0x4;
	v25 =	vand.u32 $0x8, v24  }
0x2f9: {  	[tilespmem:$0x1F970] =	vst v23;
	v23 =	vshll.u32 v23, $0x4;
	v24 =	vor.u32 v20, v25;
	v26 =	vor.u32 v5, v25  }
0x2fa: {  	v27 =	vor.u32 v6, v25;
	v28 =	vor.u32 v2, v25;
	v29 =	vor.u32 v3, v25  }
0x2fb: {  	v30 =	vor.u32 v62, v25;
	v31 =	vor.u32 v1, v25;
	v32 =	vor.u32 v4, v25  }
0x2fc: {  	v58 =	vor.u32 v0, v25;
	v33 =	vor.u32 v9, v25;
	v26 =	vor.u32 v34, v26  }
0x2fd: {  	v37 =	vor.u32 v21, v25;
	v39 =	vor.u32 v22, v25;
	v27 =	vor.u32 v34, v27  }
0x2fe: {  	v48 =	vor.u32 v17, v25;
	v49 =	vor.u32 v18, v25;
	v28 =	vor.u32 v34, v28  }
0x2ff: {  	v54 =	vor.u32 v19, v25;
	v53 =	vor.u32 v63, v25;
	v29 =	vor.u32 v34, v29  }
0x300: {  	v55 =	vor.u32 v14, v25;
	v56 =	vor.u32 v15, v25;
	v30 =	vor.u32 v34, v30  }
0x301: {  	v36 =	vor.u32 v16, v25;
	v31 =	vor.u32 v34, v31;
	v35 =	vor.u32 v34, v32;
	v32 =	vld.idx.msk [tilespmem:v26+s20+$0x0], $0xffff  }
0x302: {  	v47 =	vor.u32 v11, v25;
	v46 =	vor.u32 v12, v25;
	v40 =	vor.u32 v34, v33;
	v33 =	vld.idx.msk [tilespmem:v27+s20+$0x0], $0xffff  }
0x303: {  	v38 =	vor.u32 v34, v58;
	v42 =	vor.u32 v23, v25;
	v27 =	vor.u32 v13, v25;
	v41 =	vld.idx.msk [tilespmem:v28+s20+$0x0], $0xffff  }
0x304: {  	v26 =	vor.u32 v10, v25;
	v43 =	vld.idx.msk [tilespmem:v29+s20+$0x0], $0xffff;
	v28 =	vor.u32 v7, v25;
	v25 =	vor.u32 v8, v25  }
0x305: {  	v44 =	vld.idx.msk [tilespmem:v30+s20+$0x0], $0xffff;
	v29 =	vor.u32 v34, v24;
	v30 =	vor.u32 v34, v54;
	v52 =	vor.u32 v34, v26  }
0x306: {  	v45 =	vld.idx.msk [tilespmem:v31+s20+$0x0], $0xffff;
	v31 =	vor.u32 v34, v53;
	v54 =	vimm.f32 $0.0e+00;
	v51 =	vor.u32 v34, v28  }
0x307: {  	v28 =	vor.u32 v34, v37;
	v26 =	vor.u32 v34, v39;
	v50 =	vor.u32 v34, v25;
	v39 =	vld.idx.msk [tilespmem:v35+s20+$0x0], $0xffff  }
0x308: {  	v37 =	vor.u32 v34, v48;
	v25 =	vor.u32 v34, v42;
	v48 =	vor.u32 v34, v27;
	v42 =	vld.idx.msk [tilespmem:v38+s20+$0x0], $0xffff  }
0x309: {  	s15 =	simm.s32 $0x1;
	v38 =	vor.u32 v34, v49;
	v49 =	vor.u32 v34, v55;
	v35 =	vld.idx.msk [tilespmem:v40+s20+$0x0], $0xffff;
	v40 =	vor.u32 v34, v56  }
.LBB2_15:
0x30a: {  	p0 =	sne.s32 s15, $0xF;
	v24 =	vmul.f32 v41, v41;
	v27 =	vmul.f32 v43, v43;
	v52 =	vld.idx.msk [tilespmem:v52+s20+$0x0], $0xffff;
	v47 =	vor.u32 v34, v47  }
0x30b: {  	v53 =	vmul.f32 v32, v32;
	v55 =	vmul.f32 v33, v33;
	v46 =	vor.u32 v34, v46;
	v51 =	vld.idx.msk [tilespmem:v51+s20+$0x0], $0xffff  }
0x30c: {  	v56 =	vmul.f32 v44, v44;
	v34 =	vor.u32 v34, v36;
	v57 =	vmul.f32 v45, v45;
	v50 =	vld.idx.msk [tilespmem:v50+s20+$0x0], $0xffff  }
0x30d: {  	v36 =	vadd.f32 $0.0e+00, v41;
	v41 =	vadd.f32 $0.0e+00, v43;
	v43 =	vmul.f32 v39, v39;
	v48 =	vld.idx.msk [tilespmem:v48+s20+$0x0], $0xffff  }
0x30e: {  	v44 =	vadd.f32 $0.0e+00, v44;
	v45 =	vadd.f32 $0.0e+00, v45;
	v58 =	vmul.f32 v42, v42;
	v49 =	vld.idx.msk [tilespmem:v49+s20+$0x0], $0xffff  }
0x30f: {  	v24 =	vadd.f32 v53, v24;
	v27 =	vadd.f32 v55, v27;
	v53 =	vmul.f32 v35, v35;
	v47 =	vld.idx.msk [tilespmem:v47+s20+$0x0], $0xffff  }
0x310: {  	v43 =	vadd.f32 v43, v56;
	v55 =	vadd.f32 v58, v57;
	v56 =	vmul.f32 v52, v52;
	v46 =	vld.idx.msk [tilespmem:v46+s20+$0x0], $0xffff  }
0x311: {  	v32 =	vadd.f32 v32, v36;
	v33 =	vadd.f32 v33, v41;
	v36 =	vmul.f32 v51, v51;
	v37 =	vld.idx.msk [tilespmem:v37+s20+$0x0], $0xffff  }
0x312: {  	v39 =	vadd.f32 v39, v44;
	v41 =	vadd.f32 v42, v45;
	v42 =	vmul.f32 v50, v50;
	v38 =	vld.idx.msk [tilespmem:v38+s20+$0x0], $0xffff  }
0x313: {  	v24 =	vadd.f32 v53, v24;
	v27 =	vadd.f32 v56, v27;
	v44 =	vmul.f32 v48, v48;
	v40 =	vld.idx.msk [tilespmem:v40+s20+$0x0], $0xffff  }
0x314: {  	v36 =	vadd.f32 v36, v43;
	v42 =	vadd.f32 v42, v55;
	v43 =	vmul.f32 v49, v49;
	v34 =	vld.idx.msk [tilespmem:v34+s20+$0x0], $0xffff  }
0x315: {  	v32 =	vadd.f32 v35, v32;
	v33 =	vadd.f32 v52, v33;
	v35 =	vmul.f32 v47, v47;
	v29 =	vld.idx.msk [tilespmem:v29+s20+$0x0], $0xffff  }
0x316: {  	v39 =	vadd.f32 v51, v39;
	v41 =	vadd.f32 v50, v41;
	v45 =	vmul.f32 v46, v46;
	v28 =	vld.idx.msk [tilespmem:v28+s20+$0x0], $0xffff  }
0x317: {  	v24 =	vadd.f32 v44, v24;
	v27 =	vadd.f32 v43, v27;
	v43 =	vmul.f32 v37, v37;
	v30 =	vld.idx.msk [tilespmem:v30+s20+$0x0], $0xffff  }
0x318: {  	v35 =	vadd.f32 v35, v36;
	v36 =	vadd.f32 v45, v42;
	v42 =	vmul.f32 v38, v38;
	v31 =	vld.idx.msk [tilespmem:v31+s20+$0x0], $0xffff  }
0x319: {  	v32 =	vadd.f32 v48, v32;
	v33 =	vadd.f32 v49, v33;
	v44 =	vmul.f32 v40, v40  }
0x31a: {  	v39 =	vadd.f32 v47, v39;
	v41 =	vadd.f32 v46, v41;
	v45 =	vmul.f32 v34, v34  }
0x31b: {  	v24 =	vadd.f32 v43, v24;
	v27 =	vadd.f32 v42, v27;
	v42 =	vmul.f32 v29, v29;
	v26 =	vld.idx.msk [tilespmem:v26+s20+$0x0], $0xffff  }
0x31c: {  	v35 =	vadd.f32 v44, v35;
	v36 =	vadd.f32 v45, v36;
	v43 =	vmul.f32 v28, v28;
	v25 =	vld.idx.msk [tilespmem:v25+s20+$0x0], $0xffff  }
0x31d: {  	v32 =	vadd.f32 v37, v32;
	v33 =	vadd.f32 v38, v33;
	v37 =	vmul.f32 v30, v30  }
0x31e: {  	v38 =	vadd.f32 v40, v39;
	v39 =	vadd.f32 v34, v41;
	v40 =	vmul.f32 v31, v31  }
0x31f: {  	v41 =	vmov s15;
	v24 =	vadd.f32 v42, v24;
	v27 =	vadd.f32 v43, v27  }
0x320: {  	v34 =	vand.u32 $0x7, v41;
	v35 =	vadd.f32 v37, v35;
	v36 =	vadd.f32 v40, v36  }
0x321: {  	v30 =	vadd.f32 v30, v38;
	v31 =	vadd.f32 v31, v39;
	v37 =	vmul.f32 v26, v26  }
0x322: {  	v29 =	vadd.f32 v29, v32;
	v28 =	vadd.f32 v28, v33;
	v32 =	vmul.f32 v25, v25  }
0x323: {  	v38 =	vand.u32 $0x8, v41;
	v26 =	vadd.f32 v26, v30;
	v25 =	vadd.f32 v25, v31  }
0x324: {  	v30 =	vor.u32 v20, v38;
	v31 =	vadd.f32 v37, v35;
	v32 =	vadd.f32 v32, v36  }
0x325: {  	v35 =	vor.u32 v21, v38;
	v25 =	vadd.f32 v25, v26;
	v26 =	vadd.f32 v28, v29  }
0x326: {  	v40 =	vor.u32 v23, v38;
	v24 =	vadd.f32 v27, v24;
	v37 =	vor.u32 v22, v38  }
0x327: {  	v27 =	vor.u32 v17, v38;
	v25 =	vadd.f32 v25, v26;
	v26 =	vadd.f32 v32, v31  }
0x328: {  	v49 =	vor.u32 v19, v38;
	v53 =	vor.u32 v63, v38;
	v31 =	vor.u32 v18, v38  }
0x329: {  	v28 =	vor.u32 v5, v38;
	v24 =	vadd.f32 v26, v24;
	v25 =	vmul.f32 v25, v25  }
0x32a: {  	v48 =	vor.u32 v13, v38;
	v26 =	vor.u32 v34, v28;
	v28 =	vor.u32 v6, v38  }
0x32b: {  	v29 =	vor.u32 v2, v38;
	v28 =	vor.u32 v34, v28;
	v24 =	vsub.f32 v25, v24  }
0x32c: {  	v55 =	vor.u32 v14, v38;
	v25 =	vor.u32 v34, v29;
	v29 =	vor.u32 v3, v38  }
0x32d: {  	v32 =	vor.u32 v62, v38;
	v29 =	vor.u32 v34, v29;
	v54 =	vadd.f32 v24, v54  }
0x32e: {  	v56 =	vor.u32 v15, v38;
	v24 =	vor.u32 v34, v32;
	v32 =	vor.u32 v1, v38  }
0x32f: {  	v33 =	vor.u32 v4, v38;
	v36 =	vor.u32 v16, v38;
	v39 =	vor.u32 v34, v32;
	v32 =	vld.idx.msk [tilespmem:v26+s20+$0x0], $0xffff  }
0x330: {  	v42 =	vor.u32 v34, v33;
	v26 =	vor.u32 v0, v38;
	v33 =	vld.idx.msk [tilespmem:v28+s20+$0x0], $0xffff;
	v28 =	vor.u32 v9, v38  }
0x331: {  	v47 =	vor.u32 v11, v38;
	v57 =	vor.u32 v34, v26;
	v41 =	vld.idx.msk [tilespmem:v25+s20+$0x0], $0xffff;
	v25 =	vor.u32 v10, v38  }
0x332: {  	v46 =	vor.u32 v12, v38;
	v26 =	vor.u32 v7, v38;
	v58 =	vor.u32 v34, v28;
	v43 =	vld.idx.msk [tilespmem:v29+s20+$0x0], $0xffff  }
.Ltmp6:
0x333: {  	v52 =	vor.u32 v34, v25;
	v29 =	vor.u32 v34, v30;
	v44 =	vld.idx.msk [tilespmem:v24+s20+$0x0], $0xffff;
	v24 =	vor.u32 v8, v38;
	(pc) =	sbr.rel @p0 .LBB2_15-.Ltmp6, $4  }
0x334: {  	v51 =	vor.u32 v34, v26;
	v28 =	vor.u32 v34, v35;
	v26 =	vor.u32 v34, v37;
	v45 =	vld.idx.msk [tilespmem:v39+s20+$0x0], $0xffff  }
0x335: {  	v37 =	vor.u32 v34, v27;
	v25 =	vor.u32 v34, v40;
	v50 =	vor.u32 v34, v24;
	v39 =	vld.idx.msk [tilespmem:v42+s20+$0x0], $0xffff  }
0x336: {  	v48 =	vor.u32 v34, v48;
	v30 =	vor.u32 v34, v49;
	v38 =	vor.u32 v34, v31;
	v42 =	vld.idx.msk [tilespmem:v57+s20+$0x0], $0xffff  }
0x337: {  	s15 =	sadd.s32 $0x1, s15;
	v49 =	vor.u32 v34, v55;
	v40 =	vor.u32 v34, v56;
	v31 =	vor.u32 v34, v53;
	v35 =	vld.idx.msk [tilespmem:v58+s20+$0x0], $0xffff  }
0x338: {  	_ =	sdelay $0x3  }
0x339: {  	v4 =	vld.idx.msk [tilespmem:v52+s20+$0x0], $0xffff  }
0x33a: {  	v8 =	vld.idx.msk [tilespmem:v51+s20+$0x0], $0xffff  }
0x33b: {  	v24 =	vld.idx.msk [tilespmem:v50+s20+$0x0], $0xffff  }
0x33c: {  	v12 =	vld.idx.msk [tilespmem:v48+s20+$0x0], $0xffff  }
0x33d: {  	v15 =	vld.idx.msk [tilespmem:v49+s20+$0x0], $0xffff  }
0x33e: {  	v37 =	vld.idx.msk [tilespmem:v37+s20+$0x0], $0xffff  }
0x33f: {  	v5 =	vor.u32 v34, v47;
	v47 =	vld.idx.msk [tilespmem:v29+s20+$0x0], $0xffff  }
0x340: {  	v51 =	vld.idx.msk [tilespmem:v28+s20+$0x0], $0xffff  }
0x341: {  	v52 =	vld.idx.msk [tilespmem:v30+s20+$0x0], $0xffff  }
0x342: {  	v55 =	vld.idx.msk [tilespmem:v31+s20+$0x0], $0xffff  }
0x343: {  	v28 =	vld [tilespmem:$0x1FFB0]  }
0x344: {  	v29 =	vld [tilespmem:$0x1FFC0]  }
0x345: {  	v13 =	vadd.f32 $0.0e+00, v44;
	v30 =	vld [tilespmem:$0x1FFD0]  }
0x346: {  	v3 =	vmul.f32 v33, v33;
	v11 =	vadd.f32 $0.0e+00, v43;
	v31 =	vld [tilespmem:$0x1FFE0]  }
0x347: {  	v23 =	vor.u32 v34, v46;
	v7 =	vmul.f32 v39, v39;
	v13 =	vadd.f32 v39, v13;
	v39 =	vld.idx.msk [tilespmem:v38+s20+$0x0], $0xffff  }
0x348: {  	v10 =	vor.u32 v34, v36;
	v14 =	vadd.f32 $0.0e+00, v45;
	v11 =	vadd.f32 v33, v11;
	v33 =	vld [tilespmem:$0x1F820]  }
0x349: {  	v38 =	vld [tilespmem:$0x1F840]  }
0x34a: {  	v6 =	vmul.f32 v44, v44;
	v21 =	vmul.f32 v42, v42;
	v14 =	vadd.f32 v42, v14;
	v42 =	vld.idx.msk [tilespmem:v40+s20+$0x0], $0xffff  }
0x34b: {  	v0 =	vmul.f32 v41, v41;
	v5 =	vld.idx.msk [tilespmem:v5+s20+$0x0], $0xffff  }
0x34c: {  	v1 =	vmul.f32 v43, v43;
	v2 =	vmul.f32 v32, v32;
	v22 =	vadd.f32 v7, v6;
	v6 =	vld.idx.msk [tilespmem:v23+s20+$0x0], $0xffff  }
0x34d: {  	v27 =	vadd.f32 $0.0e+00, v41;
	v10 =	vld.idx.msk [tilespmem:v10+s20+$0x0], $0xffff  }
0x34e: {  	v9 =	vmul.f32 v45, v45;
	v0 =	vadd.f32 v2, v0;
	v1 =	vadd.f32 v3, v1;
	v23 =	vld [tilespmem:$0x1FF80]  }
0x34f: {  	v16 =	vmul.f32 v35, v35;
	v19 =	vmul.f32 v24, v24;
	v7 =	vadd.f32 v24, v14;
	v24 =	vld [tilespmem:$0x1FF90]  }
0x350: {  	v2 =	vadd.f32 v21, v9;
	v9 =	vadd.f32 v32, v27;
	v17 =	vmul.f32 v4, v4;
	v27 =	vld [tilespmem:$0x1FFA0]  }
0x351: {  	v41 =	vmul.f32 v12, v12;
	v21 =	vld [tilespmem:$0x1F810];
	v0 =	vadd.f32 v16, v0  }
0x352: {  	v43 =	vmul.f32 v15, v15;
	v1 =	vadd.f32 v17, v1;
	v9 =	vadd.f32 v35, v9;
	v35 =	vld [tilespmem:$0x1F830]  }
0x353: {  	v46 =	vmul.f32 v37, v37;
	v0 =	vadd.f32 v41, v0;
	v41 =	vld [tilespmem:$0x1F850]  }
0x354: {  	v57 =	vand.u32 $0x1FF8, v61;
	v1 =	vadd.f32 v43, v1;
	v43 =	vld [tilespmem:$0x1F860]  }
0x355: {  	v60 =	vand.u32 $0x1FF8, v60;
	v18 =	vmul.f32 v8, v8;
	v0 =	vadd.f32 v46, v0;
	v46 =	vld [tilespmem:$0x1F870]  }
0x356: {  	v62 =	vand.u32 $0x1FF8, v59;
	v8 =	vadd.f32 v8, v13;
	v58 =	vor.u32 v23, v57;
	v57 =	vld [tilespmem:$0x1F8D0]  }
0x357: {  	v3 =	vadd.f32 v18, v22;
	v44 =	vmul.f32 v5, v5;
	v14 =	vor.u32 v24, v60;
	v60 =	vld [tilespmem:$0x1F8E0]  }
0x358: {  	v5 =	vadd.f32 v5, v8;
	v16 =	vor.u32 v27, v62;
	v17 =	vand.u32 $0x1FF8, v21;
	v62 =	vld [tilespmem:$0x1F8F0]  }
0x359: {  	v9 =	vadd.f32 v12, v9;
	v22 =	vor.u32 v28, v17;
	v17 =	vand.u32 $0x1FF8, v33;
	v33 =	vld [tilespmem:$0x1F900]  }
0x35a: {  	v56 =	vmul.f32 v47, v47;
	v49 =	vmul.f32 v42, v42;
	v5 =	vadd.f32 v42, v5;
	v42 =	vld.idx.msk [tilespmem:v26+s20+$0x0], $0xffff  }
0x35b: {  	v2 =	vadd.f32 v19, v2;
	v45 =	vmul.f32 v6, v6;
	v53 =	vadd.f32 v37, v9;
	v26 =	vld [tilespmem:$0x1FFF0]  }
0x35c: {  	v6 =	vadd.f32 v6, v7;
	v34 =	vor.u32 v29, v17;
	v17 =	vand.u32 $0x1FF8, v35;
	v35 =	vld [tilespmem:$0x1F910]  }
0x35d: {  	v50 =	vmul.f32 v10, v10;
	v2 =	vadd.f32 v45, v2;
	v8 =	vadd.f32 v47, v53;
	v47 =	vld [tilespmem:$0x1F880]  }
0x35e: {  	v6 =	vadd.f32 v10, v6;
	v37 =	vor.u32 v30, v17;
	v17 =	vand.u32 $0x1FF8, v38;
	v38 =	vld [tilespmem:$0x1F920]  }
0x35f: {  	v2 =	vadd.f32 v50, v2;
	v50 =	vld [tilespmem:$0x1F8A0]  }
0x360: {  	v4 =	vadd.f32 v4, v11;
	v20 =	vmul.f32 v55, v55;
	v6 =	vadd.f32 v55, v6;
	v55 =	vld [tilespmem:$0x1F8C0]  }
0x361: {  	v40 =	vor.u32 v31, v17;
	v17 =	vand.u32 $0x1FF8, v41;
	v41 =	vld [tilespmem:$0x1F930]  }
0x362: {  	v4 =	vadd.f32 v15, v4;
	v10 =	vld.idx.msk [tilespmem:v58+s21+$0x0], $0xffff  }
0x363: {  	v36 =	vld.idx.msk [tilespmem:v14+s21+$0x0], $0xffff  }
0x364: {  	v48 =	vmul.f32 v39, v39;
	v4 =	vadd.f32 v39, v4;
	v39 =	vld.idx.msk [tilespmem:v16+s21+$0x0], $0xffff  }
0x365: {  	v3 =	vadd.f32 v44, v3;
	v44 =	vld.idx.msk [tilespmem:v22+s21+$0x0], $0xffff  }
0x366: {  	v2 =	vadd.f32 v20, v2;
	v20 =	vld [tilespmem:$0x1F890]  }
0x367: {  	v18 =	vand.u32 $0x1FF8, v43;
	v22 =	vld [tilespmem:$0x1F8B0]  }
0x368: {  	v45 =	vor.u32 v23, v18;
	v18 =	vand.u32 $0x1FF8, v46;
	v15 =	vld.idx.msk [tilespmem:v34+s21+$0x0], $0xffff  }
0x369: {  	v61 =	vmul.f32 v51, v51;
	v1 =	vadd.f32 v48, v1;
	v18 =	vor.u32 v24, v18;
	v34 =	vld.idx.msk [tilespmem:v25+s20+$0x0], $0xffff  }
0x36a: {  	v63 =	vmul.f32 v52, v52;
	v4 =	vadd.f32 v51, v4;
	v17 =	vor.u32 v26, v17;
	v14 =	vld.idx.msk [tilespmem:v37+s21+$0x0], $0xffff  }
0x36b: {  	v0 =	vadd.f32 v56, v0;
	v1 =	vadd.f32 v61, v1;
	v19 =	vand.u32 $0x1FF8, v47;
	v47 =	vld [tilespmem:$0x1F950]  }
0x36c: {  	v3 =	vadd.f32 v49, v3;
	v19 =	vor.u32 v27, v19;
	v48 =	vld.idx.msk [tilespmem:v40+s21+$0x0], $0xffff;
	v10 =	vadd.f32 $0.0e+00, v10  }
0x36d: {  	v5 =	vadd.f32 v52, v5;
	v7 =	vadd.f32 $0.0e+00, v36;
	v51 =	vld.idx.msk [tilespmem:v45+s21+$0x0], $0xffff;
	v20 =	vand.u32 $0x1FF8, v20  }
0x36e: {  	v22 =	vand.u32 $0x1FF8, v22;
	v53 =	vld.idx.msk [tilespmem:v18+s21+$0x0], $0xffff;
	v9 =	vadd.f32 v39, v10;
	v49 =	vor.u32 v28, v20  }
0x36f: {  	v18 =	vand.u32 $0x1FF8, v57;
	v20 =	vand.u32 $0x1FF8, v50;
	v17 =	vld.idx.msk [tilespmem:v17+s21+$0x0], $0xffff;
	v52 =	vor.u32 v30, v22  }
0x370: {  	v7 =	vadd.f32 v44, v7;
	v59 =	vor.u32 v26, v18;
	v44 =	vld [tilespmem:$0x1F940];
	v9 =	vadd.f32 v15, v9  }
0x371: {  	v3 =	vadd.f32 v63, v3;
	v21 =	vmul.f32 v42, v42;
	v20 =	vor.u32 v29, v20;
	v56 =	vld.idx.msk [tilespmem:v19+s21+$0x0], $0xffff  }
0x372: {  	v5 =	vadd.f32 v42, v5;
	v15 =	vand.u32 $0x1FF8, v55;
	v9 =	vadd.f32 v48, v9;
	v48 =	vld [tilespmem:$0x1F960]  }
0x373: {  	v18 =	vand.u32 $0x1FF8, v60;
	v7 =	vadd.f32 v14, v7;
	v15 =	vor.u32 v31, v15;
	v58 =	vld.idx.msk [tilespmem:v49+s21+$0x0], $0xffff  }
0x374: {  	v3 =	vadd.f32 v21, v3;
	v18 =	vor.u32 v23, v18;
	v19 =	vand.u32 $0x1FF8, v62;
	v63 =	vld.idx.msk [tilespmem:v52+s21+$0x0], $0xffff  }
0x375: {  	v32 =	vor.u32 v24, v19;
	v19 =	vand.u32 $0x1FF8, v33;
	v7 =	vadd.f32 v17, v7;
	v39 =	vld.idx.msk [tilespmem:v59+s21+$0x0], $0xffff  }
0x376: {  	v19 =	vor.u32 v27, v19;
	v61 =	vld.idx.msk [tilespmem:v20+s21+$0x0], $0xffff;
	v9 =	vadd.f32 v51, v9;
	v20 =	vand.u32 $0x1FF8, v35  }
0x377: {  	v49 =	vld [tilespmem:$0x1F970];
	v7 =	vadd.f32 v53, v7;
	v37 =	vor.u32 v28, v20;
	v20 =	vand.u32 $0x1FF8, v38  }
0x378: {  	v9 =	vadd.f32 v56, v9;
	v36 =	vld.idx.msk [tilespmem:v15+s21+$0x0], $0xffff;
	v40 =	vor.u32 v29, v20;
	v20 =	vand.u32 $0x1FF8, v41  }
0x379: {  	v42 =	vld.idx.msk [tilespmem:v18+s21+$0x0], $0xffff;
	v43 =	vor.u32 v30, v20;
	v20 =	vand.u32 $0x1FF8, v44;
	v7 =	vadd.f32 v58, v7  }
0x37a: {  	v45 =	vld.idx.msk [tilespmem:v32+s21+$0x0], $0xffff;
	v21 =	vand.u32 $0x1FF8, v48;
	v46 =	vor.u32 v31, v20;
	v20 =	vand.u32 $0x1FF8, v47  }
0x37b: {  	v19 =	vld.idx.msk [tilespmem:v19+s21+$0x0], $0xffff;
	v9 =	vadd.f32 v61, v9;
	v20 =	vor.u32 v26, v20;
	v7 =	vadd.f32 v63, v7  }
0x37c: {  	v4 =	vadd.f32 v4, v8;
	v21 =	vor.u32 v23, v21;
	v22 =	vand.u32 $0x1FF8, v49;
	v15 =	vld.idx.msk [tilespmem:v37+s21+$0x0], $0xffff  }
0x37d: {  	v51 =	vor.u32 v24, v22;
	v9 =	vadd.f32 v36, v9;
	v50 =	vld.idx.msk [tilespmem:v40+s21+$0x0], $0xffff;
	v7 =	vadd.f32 v39, v7  }
0x37e: {  	v0 =	vadd.f32 v1, v0;
	v6 =	vadd.f32 v34, v6;
	v13 =	vmul.f32 v34, v34;
	v52 =	vld.idx.msk [tilespmem:v43+s21+$0x0], $0xffff  }
0x37f: {  	v9 =	vadd.f32 v42, v9;
	v53 =	vld.idx.msk [tilespmem:v46+s21+$0x0], $0xffff;
	v7 =	vadd.f32 v45, v7  }
0x380: {  	v2 =	vadd.f32 v13, v2;
	v5 =	vadd.f32 v6, v5;
	v55 =	vld.idx.msk [tilespmem:v20+s21+$0x0], $0xffff  }
0x381: {  	v57 =	vld.idx.msk [tilespmem:v21+s21+$0x0], $0xffff;
	v56 =	vadd.f32 v19, v9;
	v7 =	vadd.f32 v15, v7  }
0x382: {  	v4 =	vadd.f32 v5, v4;
	v2 =	vadd.f32 v2, v3;
	v58 =	vld.idx.msk [tilespmem:v51+s21+$0x0], $0xffff  }
0x383: {  	v59 =	vadd.f32 v50, v56;
	v6 =	vadd.f32 v52, v7  }
0x384: {  	v0 =	vadd.f32 v2, v0;
	v60 =	vmul.f32 v4, v4  }
0x385: {  	v61 =	vadd.f32 v53, v59;
	v1 =	vadd.f32 v55, v6  }
0x386: {  	v0 =	vsub.f32 v60, v0;
	v63 =	vld [tilespmem:$0x1FDD0]  }
0x387: {  	v62 =	vadd.f32 v57, v61;
	v1 =	vadd.f32 v58, v1;
	_ =	sdelay $0x1  }
0x388: {  	v0 =	vadd.f32 v0, v54;
	v1 =	vadd.f32 v1, v62;
	_ =	sdelay $0x1  }
0x389: {  	v0 =	vmul.f32 $5.000000000e-01, v0;
	v1 =	vadd.f32 v1, v63;
	_ =	sdelay $0x1  }
0x38a: {  	v0 =	vadd.f32 v1, v0;
	_ =	sdelay $0x1  }
0x38b: {  	v0 =	vsub.f32 $0.0e+00, v0;
	_ =	sdelay $0x1  }
0x38c: {  	v0 =	vmul.f32 $1.442695020e+00, v0;
	_ =	sdelay $0x1  }
0x38d: {  	(erf) = vpow2.f32 v0;
	_ =	sdelay $0x8  }
0x38e: {  	v0 =	vpop (erf)  }
0x38f: {  	v0 =	vadd.f32 $1.000000000e+00, v0;
	_ =	sdelay $0x1  }
0x390: {  	(erf) = vrcp.f32 v0;
	_ =	sdelay $0x5  }
0x391: {  	s15 =	sshll.u32 s1, $0x4;
	s1 =	sadd.s32 $0x1, s1  }
0x392: {  	p0 =	sne.s32 s1, $0x8  }
.Ltmp7:
0x393: {  	_ = 	snop;
	(pc) =	sbr.rel @p0 .LBB2_14-.Ltmp7, $4  }
0x394: {  	v0 =	vpop (erf)  }
0x395: {  	v0 =	vmul.f32 $5.500000000e+00, v0  }
0x396: {  	s15 =	sand.u32 $0x3FFFFFF0, s15  }
0x397: {  	[tilespmem:s15+$0x1D480] =	vst v0  }
0x398: {  	[hbm4b:s13+s2] =	stream.linear.scatter [tilespmem:s28], [sflag:$0x6], $0x80, $0x38;
	[tilespmem:$0x1D510] =	vst v63  }
0x399: {  	s31 =	sadd.s32 $0x1, s31  }
0x39a: {  	_ =	swait.ge [sflag:s29], $0x80;
	p0 =	sne.s32 s31, s14  }
.Ltmp8:
0x39b: {  	[sflag:s29] =	ssyncset.done $0x0;
	(pc) =	sbr.rel @p0 .LBB2_1-.Ltmp8, $4  }
0x39c: {  	[sflag:s29] =	ssyncadd.s32 $0xFFFFFF80  }
0x39d: {  	_ =	swait.ge [sflag:s30], $0x80  }
0x39e: {  	[sflag:s30] =	ssyncset.done $0x0  }
0x39f: {  	[sflag:s30] =	ssyncadd.s32 $0xFFFFFF80  }
0x3a0: {  	_ =	sfence.sel $0x180000  }
0x3a1: {  	[bflag:$0x0] =	sbarrier.arrive $0xFFFF  }
0x3a2: {  	_ =	strace $0x9000004A  }
0x3a3: {  	s0 =	stileid.u32;
	[bflag:$0x2] =	sbarrier.arrive $0xFFFF  }
0x3a4: {  	p0 =	sne.s32 s0, $0x0;
	s0 =	rddreg [dreg:$0x2]  }
0x3a5: {  	s0 =	sadd.s32 @!p0 $0x100000, s0  }
0x3a6: {  	[sflag:s0] =	ssyncadd.tile.s32 @!p0 $0x1;
	_ =	shalt  }
.Lfunc_end2:
_tile_overlayer_lowered:
.L_overlay_start_2:
0x3a7: {  	(tag) =	ssettag $0x2  }
0x3a8: {  	s0 =	rddreg [dreg:$0x0];
	s2 =	stileid.u32  }
0x3a9: {  	s1 =	rddreg [dreg:$0x1];
	p0 =	sne.s32 s2, $0x0  }
0x3aa: {  	s3 =	rddreg [dreg:$0x2];
	[bflag:$0x3] =	sbarrier.arrive $0xFFFF;
	s2 =	simm.s32 @!p0 $0x1C07  }
0x3ab: {  	[timem:s3], [sflag:s2] =	dma.local @!p0 [hbm:s0], s1  }
0x3ac: {  	s0 =	simm.s32 @!p0 $0x7  }
0x3ad: {  	_ =	swait.ge @!p0 [sflag:s0], s1  }
0x3ae: {  	s1 =	ssub.s32 @!p0 $0x0, s1;
	[sflag:s0] =	ssyncset.done @!p0 $0x0  }
0x3af: {  	[sflag:s0] =	ssyncadd.s32 @!p0 s1  }
0x3b0: {  	[bflag:$0x3] =	sbarrier.arrive $0xFFFF  }
0x3b1: {  	_ =	shalt  }

</sc_bundles>
